<compile_context>
chip_gen: v7x
topology: tpu7x:2x2x1
jax: 0.10.2.dev20260603
libtpu: 0.0.44.dev20260713+nightly
codegen_flags: <defaults>
</compile_context>

<pallas_src>
import functools

import jax
import jax.numpy as jnp
from jax import lax
from jax.experimental import pallas as pl
from jax.experimental.pallas import tpu as pltpu
from jax.experimental.pallas import tpu_sc as plsc

B = 16384
D = 128
C = 100000
NC = 2
NS = 16
NW = NC * NS
L = 16
RPW = B // NW
CH = 128
NCHUNK = RPW // CH
NBUF = 3
HPW = 6256
HIST = NS * HPW
LPH = B // NS
LROWS = LPH // 128


def _loss_body(feature_hbm, label2d_hbm, center_hbm, out_hbm,
               lblh, lblr, fbuf, cbuf, nbuf, obuf, ones, zbuf, hist,
               semz, seml, semlr, sema, semo,
               semn0, semn1, semn2, semn3,
               semf0, semf1, semf2, semc0, semc1, semc2):
    semf = [semf0, semf1, semf2]
    semc = [semc0, semc1, semc2]
    semn = [semn0, semn1, semn2, semn3]
    c = lax.axis_index("c")
    s = lax.axis_index("s")
    wid = s * NC + c
    base = wid * RPW

    dlr = pltpu.async_copy(label2d_hbm.at[pl.ds(wid * NCHUNK, NCHUNK)],
                           lblr, semlr)
    dlh = pltpu.async_copy(label2d_hbm.at[pl.ds(s * LROWS, LROWS)],
                           lblh, seml)
    df = [None] * NCHUNK
    dc = [None] * NCHUNK
    df[0] = pltpu.async_copy(feature_hbm.at[pl.ds(base, CH)],
                             fbuf.at[0], semf[0])
    dlr.wait()
    dc[0] = pltpu.async_copy(center_hbm.at[lblr.at[0]], cbuf.at[0], semc[0])
    for k in range(1, min(NBUF, NCHUNK)):
        df[k] = pltpu.async_copy(
            feature_hbm.at[pl.ds(base + k * CH, CH)], fbuf.at[k], semf[k])
        dc[k] = pltpu.async_copy(
            center_hbm.at[lblr.at[k]], cbuf.at[k], semc[k])

    zero16 = jnp.zeros((L,), jnp.float32)
    one16 = jnp.ones((L,), jnp.float32)
    for g in range(128 // L):
        ones[pl.ds(g * L, L)] = one16

    def _zfill(i, _):
        zbuf[pl.ds(i * L, L)] = zero16
        return 0
    lax.fori_loop(0, HPW // L, _zfill, 0)

    pltpu.async_copy(zbuf, hist.at[pl.ds(s * HPW, HPW)], semz).wait()
    dlh.wait()
    plsc.subcore_barrier()
    da = [pltpu.async_copy(ones, hist.at[lblh.at[j]], sema, add=True)
          for j in range(LROWS)]
    for d in da:
        d.wait()
    plsc.subcore_barrier()

    dn = [pltpu.async_copy(hist.at[lblr.at[k]], nbuf.at[k], semn[k])
          for k in range(NCHUNK)]

    iota = lax.iota(jnp.int32, L)
    rowids = [iota + (g * L) for g in range(CH // L)]

    do = [None] * NCHUNK
    for k in range(NCHUNK):
        slot = k % NBUF
        dc[k].wait()
        df[k].wait()
        fb = fbuf.at[slot]
        cb = cbuf.at[slot]

        def _col(j, accs, fb=fb, cb=cb):
            jv = jnp.full((L,), j, jnp.int32)
            colv = (jv & ~(L - 1)) + ((iota + jv) & (L - 1))
            new = []
            for g in range(CH // L):
                gf = plsc.load_gather(fb, [rowids[g], colv])
                gc = plsc.load_gather(cb, [rowids[g], colv])
                dv = gf - gc
                new.append(accs[g] + dv * dv)
            return tuple(new)

        accs = lax.fori_loop(0, D, _col,
                             tuple(zero16 for _ in range(CH // L)))

        dn[k].wait()
        for g in range(CH // L):
            d2 = accs[g]
            n = nbuf[k, pl.ds(g * L, L)]
            yi = jnp.int32(0x5F3759DF) - lax.shift_right_logical(
                plsc.bitcast(d2, jnp.int32), 1)
            y = plsc.bitcast(yi, jnp.float32)
            for _ in range(3):
                y = y * (1.5 - 0.5 * d2 * y * y)
            dist = jnp.where(d2 > 0.0, d2 * y, 0.0)
            obuf[k, pl.ds(g * L, L)] = dist / n

        do[k] = pltpu.async_copy(obuf.at[k], out_hbm.at[pl.ds(base + k * CH, CH)],
                                 semo)

        nxt = k + NBUF
        if nxt < NCHUNK:
            df[nxt] = pltpu.async_copy(
                feature_hbm.at[pl.ds(base + nxt * CH, CH)],
                fbuf.at[slot], semf[slot])
            dc[nxt] = pltpu.async_copy(
                center_hbm.at[lblr.at[nxt]], cbuf.at[slot], semc[slot])

    for k in range(NCHUNK):
        do[k].wait()


@jax.jit
def _center_loss(feature, label, center):
    mesh = plsc.VectorSubcoreMesh(core_axis_name="c", subcore_axis_name="s",
                                  num_cores=NC, num_subcores=NS)
    run = functools.partial(
        pl.kernel,
        out_type=jax.ShapeDtypeStruct((B,), jnp.float32),
        mesh=mesh,
        compiler_params=pltpu.CompilerParams(needs_layout_passes=False),
        scratch_types=[
            pltpu.VMEM((LROWS, 128), jnp.int32),
            pltpu.VMEM((NCHUNK, 128), jnp.int32),
            pltpu.VMEM((NBUF, CH, D), jnp.float32),
            pltpu.VMEM((NBUF, CH, D), jnp.float32),
            pltpu.VMEM((NCHUNK, 128), jnp.float32),
            pltpu.VMEM((NCHUNK, CH), jnp.float32),
            pltpu.VMEM((128,), jnp.float32),
            pltpu.VMEM((HPW,), jnp.float32),
            pltpu.VMEM_SHARED((HIST,), jnp.float32),
        ] + [pltpu.SemaphoreType.DMA] * 15,
    )(_loss_body)
    label2d = label.astype(jnp.int32).reshape(B // 128, 128)
    return run(feature, label2d, center)


def kernel(feature, label, center):
    return _center_loss(feature, label, center)

# --- scband reference (transcript-rebuilt; emitter-appended) ---
"""Pipeline reference for scband-center-loss-56564719289082 (READ-ONLY COPY).

The authoritative reference and input builder live on the scoring server;
editing this copy changes nothing except your own understanding.
"""

import jax, jax.numpy as jnp
import numpy as np

CLASS_NUM = 100000
FEATURE_NUM = 128
BATCH = 16384


def setup_inputs(seed: int = 0) -> dict:
    key = jax.random.key(seed)
    k1, k2, k3 = jax.random.split(key, 3)
    feature = jax.random.normal(k1, (BATCH, FEATURE_NUM), dtype=jnp.float32)
    label = jax.random.randint(k2, (BATCH,), 0, CLASS_NUM, dtype=jnp.int64)
    center = jax.random.normal(k3, (CLASS_NUM, FEATURE_NUM), dtype=jnp.float32)
    return {"feature": feature, "label": label, "center": center}


def reference(feature, label, center):
    # c = torch.index_select(self.center, 0, label)
    c = jnp.take(center, label, axis=0)
    # _n = torch.histc(label.float(), class_num, min=0, max=class_num)
    # labels are ints in [0, class_num), bin width = 1 -> equivalent to bincount
    _n = jnp.bincount(label, length=CLASS_NUM).astype(jnp.float32)
    # n = torch.index_select(_n, 0, label)
    n = jnp.take(_n, label, axis=0)
    # d = sqrt(sum((feature - c)^2, dim=1))
    d = jnp.sum((feature - c) ** 2, axis=1) ** 0.5
    loss = d / n
    return loss

if __name__ == "__main__":
    import jax
    _d = setup_inputs()
    print(jax.jit(kernel)(*tuple(_d.values())))

</pallas_src>

<mosaic_0001>
#map = affine_map<(d0, d1) -> (0, 0)>
#map1 = affine_map<(d0, d1) -> (0)>
module attributes {stable_mosaic.version = 14 : i64} {
  func.func @_loss_body(%arg0: i32, %arg1: i32, %arg2: memref<16384x128xf32, #tpu.memory_space<hbm>>, %arg3: memref<128x128xi32, #tpu.memory_space<hbm>>, %arg4: memref<100000x128xf32, #tpu.memory_space<hbm>>, %arg5: memref<16384xf32, #tpu.memory_space<hbm>>, %arg6: memref<8x128xi32, #tpu.memory_space<vmem>>, %arg7: memref<4x128xi32, #tpu.memory_space<vmem>>, %arg8: memref<3x128x128xf32, #tpu.memory_space<vmem>>, %arg9: memref<3x128x128xf32, #tpu.memory_space<vmem>>, %arg10: memref<4x128xf32, #tpu.memory_space<vmem>>, %arg11: memref<4x128xf32, #tpu.memory_space<vmem>>, %arg12: memref<128xf32, #tpu.memory_space<vmem>>, %arg13: memref<6256xf32, #tpu.memory_space<vmem>>, %arg14: memref<100096xf32, #tpu.memory_space<vmem_shared>>, %arg15: memref<!tpu.dma_semaphore, #tpu.memory_space<semaphore_mem>>, %arg16: memref<!tpu.dma_semaphore, #tpu.memory_space<semaphore_mem>>, %arg17: memref<!tpu.dma_semaphore, #tpu.memory_space<semaphore_mem>>, %arg18: memref<!tpu.dma_semaphore, #tpu.memory_space<semaphore_mem>>, %arg19: memref<!tpu.dma_semaphore, #tpu.memory_space<semaphore_mem>>, %arg20: memref<!tpu.dma_semaphore, #tpu.memory_space<semaphore_mem>>, %arg21: memref<!tpu.dma_semaphore, #tpu.memory_space<semaphore_mem>>, %arg22: memref<!tpu.dma_semaphore, #tpu.memory_space<semaphore_mem>>, %arg23: memref<!tpu.dma_semaphore, #tpu.memory_space<semaphore_mem>>, %arg24: memref<!tpu.dma_semaphore, #tpu.memory_space<semaphore_mem>>, %arg25: memref<!tpu.dma_semaphore, #tpu.memory_space<semaphore_mem>>, %arg26: memref<!tpu.dma_semaphore, #tpu.memory_space<semaphore_mem>>, %arg27: memref<!tpu.dma_semaphore, #tpu.memory_space<semaphore_mem>>, %arg28: memref<!tpu.dma_semaphore, #tpu.memory_space<semaphore_mem>>, %arg29: memref<!tpu.dma_semaphore, #tpu.memory_space<semaphore_mem>>) attributes {dimension_semantics = [#tpu.dimension_semantics<core_parallel>, #tpu.dimension_semantics<subcore_parallel>], iteration_bounds = array<i64: 2, 16>, scalar_prefetch = 0 : i64, scratch_operands = 24 : i64, tpu.core_type = #tpu.core_type<sc_vector_subcore>, window_params = [{transform_indices = #map}, {transform_indices = #map}, {transform_indices = #map}, {transform_indices = #map1}]} {
    %mul3A = arith.constant 2 : i32
    %mul3A_0 = arith.muli %arg1, %mul3A : i32
    %add3A = arith.addi %mul3A_0, %arg0 : i32
    %mul3A_1 = arith.constant 512 : i32
    %mul3A_2 = arith.muli %add3A, %mul3A_1 : i32
    %mul3A_3 = arith.constant 4 : i32
    %mul3A_4 = arith.muli %add3A, %mul3A_3 : i32
    %dma_start3A = arith.constant 0 : i32
    %dma_start3A_5 = tpu.memref_slice %arg3[%mul3A_4, %dma_start3A] : memref<128x128xi32, #tpu.memory_space<hbm>> -> memref<4x128xi32, #tpu.memory_space<hbm>>
    %dma_start3A_6 = arith.constant 0 : i32
    %dma_start3A_7 = tpu.memref_slice %arg3[%mul3A_4, %dma_start3A_6] : memref<128x128xi32, #tpu.memory_space<hbm>> -> memref<4x128xi32, #tpu.memory_space<hbm>>
    tpu.enqueue_dma source(%dma_start3A_7 : memref<4x128xi32, #tpu.memory_space<hbm>>) target(%arg7 : memref<4x128xi32, #tpu.memory_space<vmem>>) target_semaphore(%arg17 : memref<!tpu.dma_semaphore, #tpu.memory_space<semaphore_mem>>)
    %mul3A_8 = arith.constant 8 : i32
    %mul3A_9 = arith.muli %arg1, %mul3A_8 : i32
    %dma_start3A_10 = arith.constant 0 : i32
    %dma_start3A_11 = tpu.memref_slice %arg3[%mul3A_9, %dma_start3A_10] : memref<128x128xi32, #tpu.memory_space<hbm>> -> memref<8x128xi32, #tpu.memory_space<hbm>>
    %dma_start3A_12 = arith.constant 0 : i32
    %dma_start3A_13 = tpu.memref_slice %arg3[%mul3A_9, %dma_start3A_12] : memref<128x128xi32, #tpu.memory_space<hbm>> -> memref<8x128xi32, #tpu.memory_space<hbm>>
    tpu.enqueue_dma source(%dma_start3A_13 : memref<8x128xi32, #tpu.memory_space<hbm>>) target(%arg6 : memref<8x128xi32, #tpu.memory_space<vmem>>) target_semaphore(%arg16 : memref<!tpu.dma_semaphore, #tpu.memory_space<semaphore_mem>>)
    %dma_start3A_14 = arith.constant 0 : i32
    %dma_start3A_15 = arith.constant 0 : i32
    %dma_start3A_16 = arith.constant 0 : i32
    %dma_start3A_17 = tpu.memref_slice %arg8[%dma_start3A_14, %dma_start3A_15, %dma_start3A_16] : memref<3x128x128xf32, #tpu.memory_space<vmem>> -> memref<1x128x128xf32, #tpu.memory_space<vmem>>
    %dma_start3A_18 = tpu.memref_squeeze %dma_start3A_17 : memref<1x128x128xf32, #tpu.memory_space<vmem>> -> memref<128x128xf32, #tpu.memory_space<vmem>>
    %dma_start3A_19 = arith.constant 0 : i32
    %dma_start3A_20 = tpu.memref_slice %arg2[%mul3A_2, %dma_start3A_19] : memref<16384x128xf32, #tpu.memory_space<hbm>> -> memref<128x128xf32, #tpu.memory_space<hbm>>
    %dma_start3A_21 = arith.constant 0 : i32
    %dma_start3A_22 = arith.constant 0 : i32
    %dma_start3A_23 = tpu.memref_slice %arg8[%dma_start3A_14, %dma_start3A_21, %dma_start3A_22] : memref<3x128x128xf32, #tpu.memory_space<vmem>> -> memref<1x128x128xf32, #tpu.memory_space<vmem>>
    %dma_start3A_24 = tpu.memref_squeeze %dma_start3A_23 : memref<1x128x128xf32, #tpu.memory_space<vmem>> -> memref<128x128xf32, #tpu.memory_space<vmem>>
    %dma_start3A_25 = arith.constant 0 : i32
    %dma_start3A_26 = tpu.memref_slice %arg2[%mul3A_2, %dma_start3A_25] : memref<16384x128xf32, #tpu.memory_space<hbm>> -> memref<128x128xf32, #tpu.memory_space<hbm>>
    tpu.enqueue_dma source(%dma_start3A_26 : memref<128x128xf32, #tpu.memory_space<hbm>>) target(%dma_start3A_24 : memref<128x128xf32, #tpu.memory_space<vmem>>) target_semaphore(%arg24 : memref<!tpu.dma_semaphore, #tpu.memory_space<semaphore_mem>>)
    %dma_wait3A = arith.constant 0 : i32
    %dma_wait3A_27 = tpu.memref_slice %arg3[%mul3A_4, %dma_wait3A] : memref<128x128xi32, #tpu.memory_space<hbm>> -> memref<4x128xi32, #tpu.memory_space<hbm>>
    %dma_wait3A_28 = arith.constant 0 : i32
    %dma_wait3A_29 = tpu.memref_slice %arg3[%mul3A_4, %dma_wait3A_28] : memref<128x128xi32, #tpu.memory_space<hbm>> -> memref<4x128xi32, #tpu.memory_space<hbm>>
    tpu.wait_dma2 semaphore(%arg17 : memref<!tpu.dma_semaphore, #tpu.memory_space<semaphore_mem>>) src(%dma_wait3A_29 : memref<4x128xi32, #tpu.memory_space<hbm>>) dst(%arg7 : memref<4x128xi32, #tpu.memory_space<vmem>>)
    %dma_start3A_30 = arith.constant 0 : i32
    %dma_start3A_31 = arith.constant 0 : i32
    %dma_start3A_32 = arith.constant 0 : i32
    %dma_start3A_33 = arith.constant 0 : i32
    %dma_start3A_34 = tpu.memref_slice %arg9[%dma_start3A_31, %dma_start3A_32, %dma_start3A_33] : memref<3x128x128xf32, #tpu.memory_space<vmem>> -> memref<1x128x128xf32, #tpu.memory_space<vmem>>
    %dma_start3A_35 = tpu.memref_squeeze %dma_start3A_34 : memref<1x128x128xf32, #tpu.memory_space<vmem>> -> memref<128x128xf32, #tpu.memory_space<vmem>>
    %dma_start3A_36 = arith.constant 0 : i32
    %dma_start3A_37 = tpu.memref_slice %arg7[%dma_start3A_30, %dma_start3A_36] : memref<4x128xi32, #tpu.memory_space<vmem>> -> memref<1x128xi32, #tpu.memory_space<vmem>>
    %dma_start3A_38 = tpu.memref_squeeze %dma_start3A_37 : memref<1x128xi32, #tpu.memory_space<vmem>> -> memref<128xi32, #tpu.memory_space<vmem>>
    %dma_start3A_39 = arith.constant 0 : i32
    %dma_start3A_40 = arith.constant 0 : i32
    %dma_start3A_41 = tpu.memref_slice %arg4[%dma_start3A_39, %dma_start3A_40] : memref<100000x128xf32, #tpu.memory_space<hbm>> -> memref<100000x128xf32, #tpu.memory_space<hbm>>
    tpu.enqueue_indirect_dma source(%dma_start3A_41 : memref<100000x128xf32, #tpu.memory_space<hbm>>) target(%dma_start3A_35 : memref<128x128xf32, #tpu.memory_space<vmem>>) offsets(%dma_start3A_38 : memref<128xi32, #tpu.memory_space<vmem>>) semaphore(%arg27 : memref<!tpu.dma_semaphore, #tpu.memory_space<semaphore_mem>>)
    %add3A_42 = arith.constant 128 : i32
    %add3A_43 = arith.addi %mul3A_2, %add3A_42 : i32
    %dma_start3A_44 = arith.constant 1 : i32
    %dma_start3A_45 = arith.constant 0 : i32
    %dma_start3A_46 = arith.constant 0 : i32
    %dma_start3A_47 = tpu.memref_slice %arg8[%dma_start3A_44, %dma_start3A_45, %dma_start3A_46] : memref<3x128x128xf32, #tpu.memory_space<vmem>> -> memref<1x128x128xf32, #tpu.memory_space<vmem>>
    %dma_start3A_48 = tpu.memref_squeeze %dma_start3A_47 : memref<1x128x128xf32, #tpu.memory_space<vmem>> -> memref<128x128xf32, #tpu.memory_space<vmem>>
    %dma_start3A_49 = arith.constant 0 : i32
    %dma_start3A_50 = tpu.memref_slice %arg2[%add3A_43, %dma_start3A_49] : memref<16384x128xf32, #tpu.memory_space<hbm>> -> memref<128x128xf32, #tpu.memory_space<hbm>>
    %dma_start3A_51 = arith.constant 0 : i32
    %dma_start3A_52 = arith.constant 0 : i32
    %dma_start3A_53 = tpu.memref_slice %arg8[%dma_start3A_44, %dma_start3A_51, %dma_start3A_52] : memref<3x128x128xf32, #tpu.memory_space<vmem>> -> memref<1x128x128xf32, #tpu.memory_space<vmem>>
    %dma_start3A_54 = tpu.memref_squeeze %dma_start3A_53 : memref<1x128x128xf32, #tpu.memory_space<vmem>> -> memref<128x128xf32, #tpu.memory_space<vmem>>
    %dma_start3A_55 = arith.constant 0 : i32
    %dma_start3A_56 = tpu.memref_slice %arg2[%add3A_43, %dma_start3A_55] : memref<16384x128xf32, #tpu.memory_space<hbm>> -> memref<128x128xf32, #tpu.memory_space<hbm>>
    tpu.enqueue_dma source(%dma_start3A_56 : memref<128x128xf32, #tpu.memory_space<hbm>>) target(%dma_start3A_54 : memref<128x128xf32, #tpu.memory_space<vmem>>) target_semaphore(%arg25 : memref<!tpu.dma_semaphore, #tpu.memory_space<semaphore_mem>>)
    %dma_start3A_57 = arith.constant 1 : i32
    %dma_start3A_58 = arith.constant 1 : i32
    %dma_start3A_59 = arith.constant 0 : i32
    %dma_start3A_60 = arith.constant 0 : i32
    %dma_start3A_61 = tpu.memref_slice %arg9[%dma_start3A_58, %dma_start3A_59, %dma_start3A_60] : memref<3x128x128xf32, #tpu.memory_space<vmem>> -> memref<1x128x128xf32, #tpu.memory_space<vmem>>
    %dma_start3A_62 = tpu.memref_squeeze %dma_start3A_61 : memref<1x128x128xf32, #tpu.memory_space<vmem>> -> memref<128x128xf32, #tpu.memory_space<vmem>>
    %dma_start3A_63 = arith.constant 0 : i32
    %dma_start3A_64 = tpu.memref_slice %arg7[%dma_start3A_57, %dma_start3A_63] : memref<4x128xi32, #tpu.memory_space<vmem>> -> memref<1x128xi32, #tpu.memory_space<vmem>>
    %dma_start3A_65 = tpu.memref_squeeze %dma_start3A_64 : memref<1x128xi32, #tpu.memory_space<vmem>> -> memref<128xi32, #tpu.memory_space<vmem>>
    %dma_start3A_66 = arith.constant 0 : i32
    %dma_start3A_67 = arith.constant 0 : i32
    %dma_start3A_68 = tpu.memref_slice %arg4[%dma_start3A_66, %dma_start3A_67] : memref<100000x128xf32, #tpu.memory_space<hbm>> -> memref<100000x128xf32, #tpu.memory_space<hbm>>
    tpu.enqueue_indirect_dma source(%dma_start3A_68 : memref<100000x128xf32, #tpu.memory_space<hbm>>) target(%dma_start3A_62 : memref<128x128xf32, #tpu.memory_space<vmem>>) offsets(%dma_start3A_65 : memref<128xi32, #tpu.memory_space<vmem>>) semaphore(%arg28 : memref<!tpu.dma_semaphore, #tpu.memory_space<semaphore_mem>>)
    %add3A_69 = arith.constant 256 : i32
    %add3A_70 = arith.addi %mul3A_2, %add3A_69 : i32
    %dma_start3A_71 = arith.constant 2 : i32
    %dma_start3A_72 = arith.constant 0 : i32
    %dma_start3A_73 = arith.constant 0 : i32
    %dma_start3A_74 = tpu.memref_slice %arg8[%dma_start3A_71, %dma_start3A_72, %dma_start3A_73] : memref<3x128x128xf32, #tpu.memory_space<vmem>> -> memref<1x128x128xf32, #tpu.memory_space<vmem>>
    %dma_start3A_75 = tpu.memref_squeeze %dma_start3A_74 : memref<1x128x128xf32, #tpu.memory_space<vmem>> -> memref<128x128xf32, #tpu.memory_space<vmem>>
    %dma_start3A_76 = arith.constant 0 : i32
    %dma_start3A_77 = tpu.memref_slice %arg2[%add3A_70, %dma_start3A_76] : memref<16384x128xf32, #tpu.memory_space<hbm>> -> memref<128x128xf32, #tpu.memory_space<hbm>>
    %dma_start3A_78 = arith.constant 0 : i32
    %dma_start3A_79 = arith.constant 0 : i32
    %dma_start3A_80 = tpu.memref_slice %arg8[%dma_start3A_71, %dma_start3A_78, %dma_start3A_79] : memref<3x128x128xf32, #tpu.memory_space<vmem>> -> memref<1x128x128xf32, #tpu.memory_space<vmem>>
    %dma_start3A_81 = tpu.memref_squeeze %dma_start3A_80 : memref<1x128x128xf32, #tpu.memory_space<vmem>> -> memref<128x128xf32, #tpu.memory_space<vmem>>
    %dma_start3A_82 = arith.constant 0 : i32
    %dma_start3A_83 = tpu.memref_slice %arg2[%add3A_70, %dma_start3A_82] : memref<16384x128xf32, #tpu.memory_space<hbm>> -> memref<128x128xf32, #tpu.memory_space<hbm>>
    tpu.enqueue_dma source(%dma_start3A_83 : memref<128x128xf32, #tpu.memory_space<hbm>>) target(%dma_start3A_81 : memref<128x128xf32, #tpu.memory_space<vmem>>) target_semaphore(%arg26 : memref<!tpu.dma_semaphore, #tpu.memory_space<semaphore_mem>>)
    %dma_start3A_84 = arith.constant 2 : i32
    %dma_start3A_85 = arith.constant 2 : i32
    %dma_start3A_86 = arith.constant 0 : i32
    %dma_start3A_87 = arith.constant 0 : i32
    %dma_start3A_88 = tpu.memref_slice %arg9[%dma_start3A_85, %dma_start3A_86, %dma_start3A_87] : memref<3x128x128xf32, #tpu.memory_space<vmem>> -> memref<1x128x128xf32, #tpu.memory_space<vmem>>
    %dma_start3A_89 = tpu.memref_squeeze %dma_start3A_88 : memref<1x128x128xf32, #tpu.memory_space<vmem>> -> memref<128x128xf32, #tpu.memory_space<vmem>>
    %dma_start3A_90 = arith.constant 0 : i32
    %dma_start3A_91 = tpu.memref_slice %arg7[%dma_start3A_84, %dma_start3A_90] : memref<4x128xi32, #tpu.memory_space<vmem>> -> memref<1x128xi32, #tpu.memory_space<vmem>>
    %dma_start3A_92 = tpu.memref_squeeze %dma_start3A_91 : memref<1x128xi32, #tpu.memory_space<vmem>> -> memref<128xi32, #tpu.memory_space<vmem>>
    %dma_start3A_93 = arith.constant 0 : i32
    %dma_start3A_94 = arith.constant 0 : i32
    %dma_start3A_95 = tpu.memref_slice %arg4[%dma_start3A_93, %dma_start3A_94] : memref<100000x128xf32, #tpu.memory_space<hbm>> -> memref<100000x128xf32, #tpu.memory_space<hbm>>
    tpu.enqueue_indirect_dma source(%dma_start3A_95 : memref<100000x128xf32, #tpu.memory_space<hbm>>) target(%dma_start3A_89 : memref<128x128xf32, #tpu.memory_space<vmem>>) offsets(%dma_start3A_92 : memref<128xi32, #tpu.memory_space<vmem>>) semaphore(%arg29 : memref<!tpu.dma_semaphore, #tpu.memory_space<semaphore_mem>>)
    %broadcast_in_dim3A = arith.constant 0.000000e+00 : f32
    %broadcast_in_dim3A_96 = vector.broadcast %broadcast_in_dim3A : f32 to vector<16xf32>
    %broadcast_in_dim3A_97 = arith.constant 1.000000e+00 : f32
    %broadcast_in_dim3A_98 = vector.broadcast %broadcast_in_dim3A_97 : f32 to vector<16xf32>
    %swap3A = arith.constant 0 : index
    %swap3A_99 = tpu.vector_load %arg12[%swap3A] {strides = array<i32>} : memref<128xf32, #tpu.memory_space<vmem>>, vector<16xf32>,
    tpu.vector_store %arg12[%swap3A], %broadcast_in_dim3A_98 {strides = array<i32>} : memref<128xf32, #tpu.memory_space<vmem>>, vector<16xf32>,
    %swap3A_100 = arith.constant 16 : index
    %swap3A_101 = tpu.vector_load %arg12[%swap3A_100] {strides = array<i32>} : memref<128xf32, #tpu.memory_space<vmem>>, vector<16xf32>,
    tpu.vector_store %arg12[%swap3A_100], %broadcast_in_dim3A_98 {strides = array<i32>} : memref<128xf32, #tpu.memory_space<vmem>>, vector<16xf32>,
    %swap3A_102 = arith.constant 32 : index
    %swap3A_103 = tpu.vector_load %arg12[%swap3A_102] {strides = array<i32>} : memref<128xf32, #tpu.memory_space<vmem>>, vector<16xf32>,
    tpu.vector_store %arg12[%swap3A_102], %broadcast_in_dim3A_98 {strides = array<i32>} : memref<128xf32, #tpu.memory_space<vmem>>, vector<16xf32>,
    %swap3A_104 = arith.constant 48 : index
    %swap3A_105 = tpu.vector_load %arg12[%swap3A_104] {strides = array<i32>} : memref<128xf32, #tpu.memory_space<vmem>>, vector<16xf32>,
    tpu.vector_store %arg12[%swap3A_104], %broadcast_in_dim3A_98 {strides = array<i32>} : memref<128xf32, #tpu.memory_space<vmem>>, vector<16xf32>,
    %swap3A_106 = arith.constant 64 : index
    %swap3A_107 = tpu.vector_load %arg12[%swap3A_106] {strides = array<i32>} : memref<128xf32, #tpu.memory_space<vmem>>, vector<16xf32>,
    tpu.vector_store %arg12[%swap3A_106], %broadcast_in_dim3A_98 {strides = array<i32>} : memref<128xf32, #tpu.memory_space<vmem>>, vector<16xf32>,
    %swap3A_108 = arith.constant 80 : index
    %swap3A_109 = tpu.vector_load %arg12[%swap3A_108] {strides = array<i32>} : memref<128xf32, #tpu.memory_space<vmem>>, vector<16xf32>,
    tpu.vector_store %arg12[%swap3A_108], %broadcast_in_dim3A_98 {strides = array<i32>} : memref<128xf32, #tpu.memory_space<vmem>>, vector<16xf32>,
    %swap3A_110 = arith.constant 96 : index
    %swap3A_111 = tpu.vector_load %arg12[%swap3A_110] {strides = array<i32>} : memref<128xf32, #tpu.memory_space<vmem>>, vector<16xf32>,
    tpu.vector_store %arg12[%swap3A_110], %broadcast_in_dim3A_98 {strides = array<i32>} : memref<128xf32, #tpu.memory_space<vmem>>, vector<16xf32>,
    %swap3A_112 = arith.constant 112 : index
    %swap3A_113 = tpu.vector_load %arg12[%swap3A_112] {strides = array<i32>} : memref<128xf32, #tpu.memory_space<vmem>>, vector<16xf32>,
    tpu.vector_store %arg12[%swap3A_112], %broadcast_in_dim3A_98 {strides = array<i32>} : memref<128xf32, #tpu.memory_space<vmem>>, vector<16xf32>,
    %scan3A = arith.constant 0 : i32
    %scan3A_114 = arith.constant 0 : i32
    %scan3A_115 = arith.constant 391 : i32
    %scan3A_116 = arith.addi %scan3A_114, %scan3A_115 : i32
    %scan3A_117 = arith.constant 1 : i32
    %scan3A_118 = scf.for %scan3A_2194 = %scan3A_114 to %scan3A_116 step %scan3A_117 iter_args(%scan3A_2195 = %scan3A) -> (i32)  : i32 {
      %mul3A_2196 = arith.constant 16 : i32
      %mul3A_2197 = arith.muli %scan3A_2194, %mul3A_2196 : i32
      %swap3A_2198 = arith.index_cast %mul3A_2197 : i32 to index
      %swap3A_2199 = tpu.vector_load %arg13[%swap3A_2198] {strides = array<i32>} : memref<6256xf32, #tpu.memory_space<vmem>>, vector<16xf32>,
      tpu.vector_store %arg13[%swap3A_2198], %broadcast_in_dim3A_96 {strides = array<i32>} : memref<6256xf32, #tpu.memory_space<vmem>>, vector<16xf32>,
      %scan3A_2200 = arith.constant 0 : i32
      scf.yield %scan3A_2200 : i32
    }
    %scan3A_119 = arith.constant 391 : i32
    %mul3A_120 = arith.constant 6256 : i32
    %mul3A_121 = arith.muli %arg1, %mul3A_120 : i32
    %dma_start3A_122 = tpu.memref_slice %arg14[%mul3A_121] : memref<100096xf32, #tpu.memory_space<vmem_shared>> -> memref<6256xf32, #tpu.memory_space<vmem_shared>>
    %dma_start3A_123 = tpu.memref_slice %arg14[%mul3A_121] : memref<100096xf32, #tpu.memory_space<vmem_shared>> -> memref<6256xf32, #tpu.memory_space<vmem_shared>>
    tpu.enqueue_dma source(%arg13 : memref<6256xf32, #tpu.memory_space<vmem>>) target(%dma_start3A_123 : memref<6256xf32, #tpu.memory_space<vmem_shared>>) target_semaphore(%arg15 : memref<!tpu.dma_semaphore, #tpu.memory_space<semaphore_mem>>)
    %dma_wait3A_124 = tpu.memref_slice %arg14[%mul3A_121] : memref<100096xf32, #tpu.memory_space<vmem_shared>> -> memref<6256xf32, #tpu.memory_space<vmem_shared>>
    %dma_wait3A_125 = tpu.memref_slice %arg14[%mul3A_121] : memref<100096xf32, #tpu.memory_space<vmem_shared>> -> memref<6256xf32, #tpu.memory_space<vmem_shared>>
    tpu.wait_dma2 semaphore(%arg15 : memref<!tpu.dma_semaphore, #tpu.memory_space<semaphore_mem>>) src(%arg13 : memref<6256xf32, #tpu.memory_space<vmem>>) dst(%dma_wait3A_125 : memref<6256xf32, #tpu.memory_space<vmem_shared>>)
    %dma_wait3A_126 = arith.constant 0 : i32
    %dma_wait3A_127 = tpu.memref_slice %arg3[%mul3A_9, %dma_wait3A_126] : memref<128x128xi32, #tpu.memory_space<hbm>> -> memref<8x128xi32, #tpu.memory_space<hbm>>
    %dma_wait3A_128 = arith.constant 0 : i32
    %dma_wait3A_129 = tpu.memref_slice %arg3[%mul3A_9, %dma_wait3A_128] : memref<128x128xi32, #tpu.memory_space<hbm>> -> memref<8x128xi32, #tpu.memory_space<hbm>>
    tpu.wait_dma2 semaphore(%arg16 : memref<!tpu.dma_semaphore, #tpu.memory_space<semaphore_mem>>) src(%dma_wait3A_129 : memref<8x128xi32, #tpu.memory_space<hbm>>) dst(%arg6 : memref<8x128xi32, #tpu.memory_space<vmem>>)
    %barrier3A = arith.constant 0 : index
    tpu.barrier barrier_id(%barrier3A)
    %dma_start3A_130 = arith.constant 0 : i32
    %dma_start3A_131 = arith.constant 0 : i32
    %dma_start3A_132 = tpu.memref_slice %arg6[%dma_start3A_130, %dma_start3A_131] : memref<8x128xi32, #tpu.memory_space<vmem>> -> memref<1x128xi32, #tpu.memory_space<vmem>>
    %dma_start3A_133 = tpu.memref_squeeze %dma_start3A_132 : memref<1x128xi32, #tpu.memory_space<vmem>> -> memref<128xi32, #tpu.memory_space<vmem>>
    %dma_start3A_134 = arith.constant 0 : i32
    %dma_start3A_135 = tpu.memref_slice %arg14[%dma_start3A_134] : memref<100096xf32, #tpu.memory_space<vmem_shared>> -> memref<100096xf32, #tpu.memory_space<vmem_shared>>
    tpu.enqueue_indirect_dma source(%arg12 : memref<128xf32, #tpu.memory_space<vmem>>) target(%dma_start3A_135 : memref<100096xf32, #tpu.memory_space<vmem_shared>>) offsets(%dma_start3A_133 : memref<128xi32, #tpu.memory_space<vmem>>) semaphore(%arg18 : memref<!tpu.dma_semaphore, #tpu.memory_space<semaphore_mem>>) {add = true}
    %dma_start3A_136 = arith.constant 1 : i32
    %dma_start3A_137 = arith.constant 0 : i32
    %dma_start3A_138 = tpu.memref_slice %arg6[%dma_start3A_136, %dma_start3A_137] : memref<8x128xi32, #tpu.memory_space<vmem>> -> memref<1x128xi32, #tpu.memory_space<vmem>>
    %dma_start3A_139 = tpu.memref_squeeze %dma_start3A_138 : memref<1x128xi32, #tpu.memory_space<vmem>> -> memref<128xi32, #tpu.memory_space<vmem>>
    %dma_start3A_140 = arith.constant 0 : i32
    %dma_start3A_141 = tpu.memref_slice %arg14[%dma_start3A_140] : memref<100096xf32, #tpu.memory_space<vmem_shared>> -> memref<100096xf32, #tpu.memory_space<vmem_shared>>
    tpu.enqueue_indirect_dma source(%arg12 : memref<128xf32, #tpu.memory_space<vmem>>) target(%dma_start3A_141 : memref<100096xf32, #tpu.memory_space<vmem_shared>>) offsets(%dma_start3A_139 : memref<128xi32, #tpu.memory_space<vmem>>) semaphore(%arg18 : memref<!tpu.dma_semaphore, #tpu.memory_space<semaphore_mem>>) {add = true}
    %dma_start3A_142 = arith.constant 2 : i32
    %dma_start3A_143 = arith.constant 0 : i32
    %dma_start3A_144 = tpu.memref_slice %arg6[%dma_start3A_142, %dma_start3A_143] : memref<8x128xi32, #tpu.memory_space<vmem>> -> memref<1x128xi32, #tpu.memory_space<vmem>>
    %dma_start3A_145 = tpu.memref_squeeze %dma_start3A_144 : memref<1x128xi32, #tpu.memory_space<vmem>> -> memref<128xi32, #tpu.memory_space<vmem>>
    %dma_start3A_146 = arith.constant 0 : i32
    %dma_start3A_147 = tpu.memref_slice %arg14[%dma_start3A_146] : memref<100096xf32, #tpu.memory_space<vmem_shared>> -> memref<100096xf32, #tpu.memory_space<vmem_shared>>
    tpu.enqueue_indirect_dma source(%arg12 : memref<128xf32, #tpu.memory_space<vmem>>) target(%dma_start3A_147 : memref<100096xf32, #tpu.memory_space<vmem_shared>>) offsets(%dma_start3A_145 : memref<128xi32, #tpu.memory_space<vmem>>) semaphore(%arg18 : memref<!tpu.dma_semaphore, #tpu.memory_space<semaphore_mem>>) {add = true}
    %dma_start3A_148 = arith.constant 3 : i32
    %dma_start3A_149 = arith.constant 0 : i32
    %dma_start3A_150 = tpu.memref_slice %arg6[%dma_start3A_148, %dma_start3A_149] : memref<8x128xi32, #tpu.memory_space<vmem>> -> memref<1x128xi32, #tpu.memory_space<vmem>>
    %dma_start3A_151 = tpu.memref_squeeze %dma_start3A_150 : memref<1x128xi32, #tpu.memory_space<vmem>> -> memref<128xi32, #tpu.memory_space<vmem>>
    %dma_start3A_152 = arith.constant 0 : i32
    %dma_start3A_153 = tpu.memref_slice %arg14[%dma_start3A_152] : memref<100096xf32, #tpu.memory_space<vmem_shared>> -> memref<100096xf32, #tpu.memory_space<vmem_shared>>
    tpu.enqueue_indirect_dma source(%arg12 : memref<128xf32, #tpu.memory_space<vmem>>) target(%dma_start3A_153 : memref<100096xf32, #tpu.memory_space<vmem_shared>>) offsets(%dma_start3A_151 : memref<128xi32, #tpu.memory_space<vmem>>) semaphore(%arg18 : memref<!tpu.dma_semaphore, #tpu.memory_space<semaphore_mem>>) {add = true}
    %dma_start3A_154 = arith.constant 4 : i32
    %dma_start3A_155 = arith.constant 0 : i32
    %dma_start3A_156 = tpu.memref_slice %arg6[%dma_start3A_154, %dma_start3A_155] : memref<8x128xi32, #tpu.memory_space<vmem>> -> memref<1x128xi32, #tpu.memory_space<vmem>>
    %dma_start3A_157 = tpu.memref_squeeze %dma_start3A_156 : memref<1x128xi32, #tpu.memory_space<vmem>> -> memref<128xi32, #tpu.memory_space<vmem>>
    %dma_start3A_158 = arith.constant 0 : i32
    %dma_start3A_159 = tpu.memref_slice %arg14[%dma_start3A_158] : memref<100096xf32, #tpu.memory_space<vmem_shared>> -> memref<100096xf32, #tpu.memory_space<vmem_shared>>
    tpu.enqueue_indirect_dma source(%arg12 : memref<128xf32, #tpu.memory_space<vmem>>) target(%dma_start3A_159 : memref<100096xf32, #tpu.memory_space<vmem_shared>>) offsets(%dma_start3A_157 : memref<128xi32, #tpu.memory_space<vmem>>) semaphore(%arg18 : memref<!tpu.dma_semaphore, #tpu.memory_space<semaphore_mem>>) {add = true}
    %dma_start3A_160 = arith.constant 5 : i32
    %dma_start3A_161 = arith.constant 0 : i32
    %dma_start3A_162 = tpu.memref_slice %arg6[%dma_start3A_160, %dma_start3A_161] : memref<8x128xi32, #tpu.memory_space<vmem>> -> memref<1x128xi32, #tpu.memory_space<vmem>>
    %dma_start3A_163 = tpu.memref_squeeze %dma_start3A_162 : memref<1x128xi32, #tpu.memory_space<vmem>> -> memref<128xi32, #tpu.memory_space<vmem>>
    %dma_start3A_164 = arith.constant 0 : i32
    %dma_start3A_165 = tpu.memref_slice %arg14[%dma_start3A_164] : memref<100096xf32, #tpu.memory_space<vmem_shared>> -> memref<100096xf32, #tpu.memory_space<vmem_shared>>
    tpu.enqueue_indirect_dma source(%arg12 : memref<128xf32, #tpu.memory_space<vmem>>) target(%dma_start3A_165 : memref<100096xf32, #tpu.memory_space<vmem_shared>>) offsets(%dma_start3A_163 : memref<128xi32, #tpu.memory_space<vmem>>) semaphore(%arg18 : memref<!tpu.dma_semaphore, #tpu.memory_space<semaphore_mem>>) {add = true}
    %dma_start3A_166 = arith.constant 6 : i32
    %dma_start3A_167 = arith.constant 0 : i32
    %dma_start3A_168 = tpu.memref_slice %arg6[%dma_start3A_166, %dma_start3A_167] : memref<8x128xi32, #tpu.memory_space<vmem>> -> memref<1x128xi32, #tpu.memory_space<vmem>>
    %dma_start3A_169 = tpu.memref_squeeze %dma_start3A_168 : memref<1x128xi32, #tpu.memory_space<vmem>> -> memref<128xi32, #tpu.memory_space<vmem>>
    %dma_start3A_170 = arith.constant 0 : i32
    %dma_start3A_171 = tpu.memref_slice %arg14[%dma_start3A_170] : memref<100096xf32, #tpu.memory_space<vmem_shared>> -> memref<100096xf32, #tpu.memory_space<vmem_shared>>
    tpu.enqueue_indirect_dma source(%arg12 : memref<128xf32, #tpu.memory_space<vmem>>) target(%dma_start3A_171 : memref<100096xf32, #tpu.memory_space<vmem_shared>>) offsets(%dma_start3A_169 : memref<128xi32, #tpu.memory_space<vmem>>) semaphore(%arg18 : memref<!tpu.dma_semaphore, #tpu.memory_space<semaphore_mem>>) {add = true}
    %dma_start3A_172 = arith.constant 7 : i32
    %dma_start3A_173 = arith.constant 0 : i32
    %dma_start3A_174 = tpu.memref_slice %arg6[%dma_start3A_172, %dma_start3A_173] : memref<8x128xi32, #tpu.memory_space<vmem>> -> memref<1x128xi32, #tpu.memory_space<vmem>>
    %dma_start3A_175 = tpu.memref_squeeze %dma_start3A_174 : memref<1x128xi32, #tpu.memory_space<vmem>> -> memref<128xi32, #tpu.memory_space<vmem>>
    %dma_start3A_176 = arith.constant 0 : i32
    %dma_start3A_177 = tpu.memref_slice %arg14[%dma_start3A_176] : memref<100096xf32, #tpu.memory_space<vmem_shared>> -> memref<100096xf32, #tpu.memory_space<vmem_shared>>
    tpu.enqueue_indirect_dma source(%arg12 : memref<128xf32, #tpu.memory_space<vmem>>) target(%dma_start3A_177 : memref<100096xf32, #tpu.memory_space<vmem_shared>>) offsets(%dma_start3A_175 : memref<128xi32, #tpu.memory_space<vmem>>) semaphore(%arg18 : memref<!tpu.dma_semaphore, #tpu.memory_space<semaphore_mem>>) {add = true}
    %dma_wait3A_178 = arith.constant 0 : i32
    %dma_wait3A_179 = arith.constant 0 : i32
    %dma_wait3A_180 = tpu.memref_slice %arg6[%dma_wait3A_178, %dma_wait3A_179] : memref<8x128xi32, #tpu.memory_space<vmem>> -> memref<1x128xi32, #tpu.memory_space<vmem>>
    %dma_wait3A_181 = tpu.memref_squeeze %dma_wait3A_180 : memref<1x128xi32, #tpu.memory_space<vmem>> -> memref<128xi32, #tpu.memory_space<vmem>>
    %dma_wait3A_182 = arith.constant 0 : i32
    %dma_wait3A_183 = tpu.memref_slice %arg14[%dma_wait3A_182] : memref<100096xf32, #tpu.memory_space<vmem_shared>> -> memref<100096xf32, #tpu.memory_space<vmem_shared>>
    tpu.wait_indirect_dma semaphore(%arg18 : memref<!tpu.dma_semaphore, #tpu.memory_space<semaphore_mem>>) src(%arg12 : memref<128xf32, #tpu.memory_space<vmem>>) dst(%dma_wait3A_183 : memref<100096xf32, #tpu.memory_space<vmem_shared>>)
    %dma_wait3A_184 = arith.constant 1 : i32
    %dma_wait3A_185 = arith.constant 0 : i32
    %dma_wait3A_186 = tpu.memref_slice %arg6[%dma_wait3A_184, %dma_wait3A_185] : memref<8x128xi32, #tpu.memory_space<vmem>> -> memref<1x128xi32, #tpu.memory_space<vmem>>
    %dma_wait3A_187 = tpu.memref_squeeze %dma_wait3A_186 : memref<1x128xi32, #tpu.memory_space<vmem>> -> memref<128xi32, #tpu.memory_space<vmem>>
    %dma_wait3A_188 = arith.constant 0 : i32
    %dma_wait3A_189 = tpu.memref_slice %arg14[%dma_wait3A_188] : memref<100096xf32, #tpu.memory_space<vmem_shared>> -> memref<100096xf32, #tpu.memory_space<vmem_shared>>
    tpu.wait_indirect_dma semaphore(%arg18 : memref<!tpu.dma_semaphore, #tpu.memory_space<semaphore_mem>>) src(%arg12 : memref<128xf32, #tpu.memory_space<vmem>>) dst(%dma_wait3A_189 : memref<100096xf32, #tpu.memory_space<vmem_shared>>)
    %dma_wait3A_190 = arith.constant 2 : i32
    %dma_wait3A_191 = arith.constant 0 : i32
    %dma_wait3A_192 = tpu.memref_slice %arg6[%dma_wait3A_190, %dma_wait3A_191] : memref<8x128xi32, #tpu.memory_space<vmem>> -> memref<1x128xi32, #tpu.memory_space<vmem>>
    %dma_wait3A_193 = tpu.memref_squeeze %dma_wait3A_192 : memref<1x128xi32, #tpu.memory_space<vmem>> -> memref<128xi32, #tpu.memory_space<vmem>>
    %dma_wait3A_194 = arith.constant 0 : i32
    %dma_wait3A_195 = tpu.memref_slice %arg14[%dma_wait3A_194] : memref<100096xf32, #tpu.memory_space<vmem_shared>> -> memref<100096xf32, #tpu.memory_space<vmem_shared>>
    tpu.wait_indirect_dma semaphore(%arg18 : memref<!tpu.dma_semaphore, #tpu.memory_space<semaphore_mem>>) src(%arg12 : memref<128xf32, #tpu.memory_space<vmem>>) dst(%dma_wait3A_195 : memref<100096xf32, #tpu.memory_space<vmem_shared>>)
    %dma_wait3A_196 = arith.constant 3 : i32
    %dma_wait3A_197 = arith.constant 0 : i32
    %dma_wait3A_198 = tpu.memref_slice %arg6[%dma_wait3A_196, %dma_wait3A_197] : memref<8x128xi32, #tpu.memory_space<vmem>> -> memref<1x128xi32, #tpu.memory_space<vmem>>
    %dma_wait3A_199 = tpu.memref_squeeze %dma_wait3A_198 : memref<1x128xi32, #tpu.memory_space<vmem>> -> memref<128xi32, #tpu.memory_space<vmem>>
    %dma_wait3A_200 = arith.constant 0 : i32
    %dma_wait3A_201 = tpu.memref_slice %arg14[%dma_wait3A_200] : memref<100096xf32, #tpu.memory_space<vmem_shared>> -> memref<100096xf32, #tpu.memory_space<vmem_shared>>
    tpu.wait_indirect_dma semaphore(%arg18 : memref<!tpu.dma_semaphore, #tpu.memory_space<semaphore_mem>>) src(%arg12 : memref<128xf32, #tpu.memory_space<vmem>>) dst(%dma_wait3A_201 : memref<100096xf32, #tpu.memory_space<vmem_shared>>)
    %dma_wait3A_202 = arith.constant 4 : i32
    %dma_wait3A_203 = arith.constant 0 : i32
    %dma_wait3A_204 = tpu.memref_slice %arg6[%dma_wait3A_202, %dma_wait3A_203] : memref<8x128xi32, #tpu.memory_space<vmem>> -> memref<1x128xi32, #tpu.memory_space<vmem>>
    %dma_wait3A_205 = tpu.memref_squeeze %dma_wait3A_204 : memref<1x128xi32, #tpu.memory_space<vmem>> -> memref<128xi32, #tpu.memory_space<vmem>>
    %dma_wait3A_206 = arith.constant 0 : i32
    %dma_wait3A_207 = tpu.memref_slice %arg14[%dma_wait3A_206] : memref<100096xf32, #tpu.memory_space<vmem_shared>> -> memref<100096xf32, #tpu.memory_space<vmem_shared>>
    tpu.wait_indirect_dma semaphore(%arg18 : memref<!tpu.dma_semaphore, #tpu.memory_space<semaphore_mem>>) src(%arg12 : memref<128xf32, #tpu.memory_space<vmem>>) dst(%dma_wait3A_207 : memref<100096xf32, #tpu.memory_space<vmem_shared>>)
    %dma_wait3A_208 = arith.constant 5 : i32
    %dma_wait3A_209 = arith.constant 0 : i32
    %dma_wait3A_210 = tpu.memref_slice %arg6[%dma_wait3A_208, %dma_wait3A_209] : memref<8x128xi32, #tpu.memory_space<vmem>> -> memref<1x128xi32, #tpu.memory_space<vmem>>
    %dma_wait3A_211 = tpu.memref_squeeze %dma_wait3A_210 : memref<1x128xi32, #tpu.memory_space<vmem>> -> memref<128xi32, #tpu.memory_space<vmem>>
    %dma_wait3A_212 = arith.constant 0 : i32
    %dma_wait3A_213 = tpu.memref_slice %arg14[%dma_wait3A_212] : memref<100096xf32, #tpu.memory_space<vmem_shared>> -> memref<100096xf32, #tpu.memory_space<vmem_shared>>
    tpu.wait_indirect_dma semaphore(%arg18 : memref<!tpu.dma_semaphore, #tpu.memory_space<semaphore_mem>>) src(%arg12 : memref<128xf32, #tpu.memory_space<vmem>>) dst(%dma_wait3A_213 : memref<100096xf32, #tpu.memory_space<vmem_shared>>)
    %dma_wait3A_214 = arith.constant 6 : i32
    %dma_wait3A_215 = arith.constant 0 : i32
    %dma_wait3A_216 = tpu.memref_slice %arg6[%dma_wait3A_214, %dma_wait3A_215] : memref<8x128xi32, #tpu.memory_space<vmem>> -> memref<1x128xi32, #tpu.memory_space<vmem>>
    %dma_wait3A_217 = tpu.memref_squeeze %dma_wait3A_216 : memref<1x128xi32, #tpu.memory_space<vmem>> -> memref<128xi32, #tpu.memory_space<vmem>>
    %dma_wait3A_218 = arith.constant 0 : i32
    %dma_wait3A_219 = tpu.memref_slice %arg14[%dma_wait3A_218] : memref<100096xf32, #tpu.memory_space<vmem_shared>> -> memref<100096xf32, #tpu.memory_space<vmem_shared>>
    tpu.wait_indirect_dma semaphore(%arg18 : memref<!tpu.dma_semaphore, #tpu.memory_space<semaphore_mem>>) src(%arg12 : memref<128xf32, #tpu.memory_space<vmem>>) dst(%dma_wait3A_219 : memref<100096xf32, #tpu.memory_space<vmem_shared>>)
    %dma_wait3A_220 = arith.constant 7 : i32
    %dma_wait3A_221 = arith.constant 0 : i32
    %dma_wait3A_222 = tpu.memref_slice %arg6[%dma_wait3A_220, %dma_wait3A_221] : memref<8x128xi32, #tpu.memory_space<vmem>> -> memref<1x128xi32, #tpu.memory_space<vmem>>
    %dma_wait3A_223 = tpu.memref_squeeze %dma_wait3A_222 : memref<1x128xi32, #tpu.memory_space<vmem>> -> memref<128xi32, #tpu.memory_space<vmem>>
    %dma_wait3A_224 = arith.constant 0 : i32
    %dma_wait3A_225 = tpu.memref_slice %arg14[%dma_wait3A_224] : memref<100096xf32, #tpu.memory_space<vmem_shared>> -> memref<100096xf32, #tpu.memory_space<vmem_shared>>
    tpu.wait_indirect_dma semaphore(%arg18 : memref<!tpu.dma_semaphore, #tpu.memory_space<semaphore_mem>>) src(%arg12 : memref<128xf32, #tpu.memory_space<vmem>>) dst(%dma_wait3A_225 : memref<100096xf32, #tpu.memory_space<vmem_shared>>)
    %barrier3A_226 = arith.constant 0 : index
    tpu.barrier barrier_id(%barrier3A_226)
    %dma_start3A_227 = arith.constant 0 : i32
    %dma_start3A_228 = arith.constant 0 : i32
    %dma_start3A_229 = arith.constant 0 : i32
    %dma_start3A_230 = tpu.memref_slice %arg10[%dma_start3A_228, %dma_start3A_229] : memref<4x128xf32, #tpu.memory_space<vmem>> -> memref<1x128xf32, #tpu.memory_space<vmem>>
    %dma_start3A_231 = tpu.memref_squeeze %dma_start3A_230 : memref<1x128xf32, #tpu.memory_space<vmem>> -> memref<128xf32, #tpu.memory_space<vmem>>
    %dma_start3A_232 = arith.constant 0 : i32
    %dma_start3A_233 = tpu.memref_slice %arg7[%dma_start3A_227, %dma_start3A_232] : memref<4x128xi32, #tpu.memory_space<vmem>> -> memref<1x128xi32, #tpu.memory_space<vmem>>
    %dma_start3A_234 = tpu.memref_squeeze %dma_start3A_233 : memref<1x128xi32, #tpu.memory_space<vmem>> -> memref<128xi32, #tpu.memory_space<vmem>>
    %dma_start3A_235 = arith.constant 0 : i32
    %dma_start3A_236 = tpu.memref_slice %arg14[%dma_start3A_235] : memref<100096xf32, #tpu.memory_space<vmem_shared>> -> memref<100096xf32, #tpu.memory_space<vmem_shared>>
    tpu.enqueue_indirect_dma source(%dma_start3A_236 : memref<100096xf32, #tpu.memory_space<vmem_shared>>) target(%dma_start3A_231 : memref<128xf32, #tpu.memory_space<vmem>>) offsets(%dma_start3A_234 : memref<128xi32, #tpu.memory_space<vmem>>) semaphore(%arg20 : memref<!tpu.dma_semaphore, #tpu.memory_space<semaphore_mem>>)
    %dma_start3A_237 = arith.constant 1 : i32
    %dma_start3A_238 = arith.constant 1 : i32
    %dma_start3A_239 = arith.constant 0 : i32
    %dma_start3A_240 = tpu.memref_slice %arg10[%dma_start3A_238, %dma_start3A_239] : memref<4x128xf32, #tpu.memory_space<vmem>> -> memref<1x128xf32, #tpu.memory_space<vmem>>
    %dma_start3A_241 = tpu.memref_squeeze %dma_start3A_240 : memref<1x128xf32, #tpu.memory_space<vmem>> -> memref<128xf32, #tpu.memory_space<vmem>>
    %dma_start3A_242 = arith.constant 0 : i32
    %dma_start3A_243 = tpu.memref_slice %arg7[%dma_start3A_237, %dma_start3A_242] : memref<4x128xi32, #tpu.memory_space<vmem>> -> memref<1x128xi32, #tpu.memory_space<vmem>>
    %dma_start3A_244 = tpu.memref_squeeze %dma_start3A_243 : memref<1x128xi32, #tpu.memory_space<vmem>> -> memref<128xi32, #tpu.memory_space<vmem>>
    %dma_start3A_245 = arith.constant 0 : i32
    %dma_start3A_246 = tpu.memref_slice %arg14[%dma_start3A_245] : memref<100096xf32, #tpu.memory_space<vmem_shared>> -> memref<100096xf32, #tpu.memory_space<vmem_shared>>
    tpu.enqueue_indirect_dma source(%dma_start3A_246 : memref<100096xf32, #tpu.memory_space<vmem_shared>>) target(%dma_start3A_241 : memref<128xf32, #tpu.memory_space<vmem>>) offsets(%dma_start3A_244 : memref<128xi32, #tpu.memory_space<vmem>>) semaphore(%arg21 : memref<!tpu.dma_semaphore, #tpu.memory_space<semaphore_mem>>)
    %dma_start3A_247 = arith.constant 2 : i32
    %dma_start3A_248 = arith.constant 2 : i32
    %dma_start3A_249 = arith.constant 0 : i32
    %dma_start3A_250 = tpu.memref_slice %arg10[%dma_start3A_248, %dma_start3A_249] : memref<4x128xf32, #tpu.memory_space<vmem>> -> memref<1x128xf32, #tpu.memory_space<vmem>>
    %dma_start3A_251 = tpu.memref_squeeze %dma_start3A_250 : memref<1x128xf32, #tpu.memory_space<vmem>> -> memref<128xf32, #tpu.memory_space<vmem>>
    %dma_start3A_252 = arith.constant 0 : i32
    %dma_start3A_253 = tpu.memref_slice %arg7[%dma_start3A_247, %dma_start3A_252] : memref<4x128xi32, #tpu.memory_space<vmem>> -> memref<1x128xi32, #tpu.memory_space<vmem>>
    %dma_start3A_254 = tpu.memref_squeeze %dma_start3A_253 : memref<1x128xi32, #tpu.memory_space<vmem>> -> memref<128xi32, #tpu.memory_space<vmem>>
    %dma_start3A_255 = arith.constant 0 : i32
    %dma_start3A_256 = tpu.memref_slice %arg14[%dma_start3A_255] : memref<100096xf32, #tpu.memory_space<vmem_shared>> -> memref<100096xf32, #tpu.memory_space<vmem_shared>>
    tpu.enqueue_indirect_dma source(%dma_start3A_256 : memref<100096xf32, #tpu.memory_space<vmem_shared>>) target(%dma_start3A_251 : memref<128xf32, #tpu.memory_space<vmem>>) offsets(%dma_start3A_254 : memref<128xi32, #tpu.memory_space<vmem>>) semaphore(%arg22 : memref<!tpu.dma_semaphore, #tpu.memory_space<semaphore_mem>>)
    %dma_start3A_257 = arith.constant 3 : i32
    %dma_start3A_258 = arith.constant 3 : i32
    %dma_start3A_259 = arith.constant 0 : i32
    %dma_start3A_260 = tpu.memref_slice %arg10[%dma_start3A_258, %dma_start3A_259] : memref<4x128xf32, #tpu.memory_space<vmem>> -> memref<1x128xf32, #tpu.memory_space<vmem>>
    %dma_start3A_261 = tpu.memref_squeeze %dma_start3A_260 : memref<1x128xf32, #tpu.memory_space<vmem>> -> memref<128xf32, #tpu.memory_space<vmem>>
    %dma_start3A_262 = arith.constant 0 : i32
    %dma_start3A_263 = tpu.memref_slice %arg7[%dma_start3A_257, %dma_start3A_262] : memref<4x128xi32, #tpu.memory_space<vmem>> -> memref<1x128xi32, #tpu.memory_space<vmem>>
    %dma_start3A_264 = tpu.memref_squeeze %dma_start3A_263 : memref<1x128xi32, #tpu.memory_space<vmem>> -> memref<128xi32, #tpu.memory_space<vmem>>
    %dma_start3A_265 = arith.constant 0 : i32
    %dma_start3A_266 = tpu.memref_slice %arg14[%dma_start3A_265] : memref<100096xf32, #tpu.memory_space<vmem_shared>> -> memref<100096xf32, #tpu.memory_space<vmem_shared>>
    tpu.enqueue_indirect_dma source(%dma_start3A_266 : memref<100096xf32, #tpu.memory_space<vmem_shared>>) target(%dma_start3A_261 : memref<128xf32, #tpu.memory_space<vmem>>) offsets(%dma_start3A_264 : memref<128xi32, #tpu.memory_space<vmem>>) semaphore(%arg23 : memref<!tpu.dma_semaphore, #tpu.memory_space<semaphore_mem>>)
    %iota3A = tpu.iota {dimensions = array<i32: 0>} : vector<16xi32>
    %add3A_267 = arith.constant 0 : i32
    %add3A_268 = vector.broadcast %add3A_267 : i32 to vector<16xi32>
    %add3A_269 = arith.addi %iota3A, %add3A_268 : vector<16xi32>
    %add3A_270 = arith.constant 16 : i32
    %add3A_271 = vector.broadcast %add3A_270 : i32 to vector<16xi32>
    %add3A_272 = arith.addi %iota3A, %add3A_271 : vector<16xi32>
    %add3A_273 = arith.constant 32 : i32
    %add3A_274 = vector.broadcast %add3A_273 : i32 to vector<16xi32>
    %add3A_275 = arith.addi %iota3A, %add3A_274 : vector<16xi32>
    %add3A_276 = arith.constant 48 : i32
    %add3A_277 = vector.broadcast %add3A_276 : i32 to vector<16xi32>
    %add3A_278 = arith.addi %iota3A, %add3A_277 : vector<16xi32>
    %add3A_279 = arith.constant 64 : i32
    %add3A_280 = vector.broadcast %add3A_279 : i32 to vector<16xi32>
    %add3A_281 = arith.addi %iota3A, %add3A_280 : vector<16xi32>
    %add3A_282 = arith.constant 80 : i32
    %add3A_283 = vector.broadcast %add3A_282 : i32 to vector<16xi32>
    %add3A_284 = arith.addi %iota3A, %add3A_283 : vector<16xi32>
    %add3A_285 = arith.constant 96 : i32
    %add3A_286 = vector.broadcast %add3A_285 : i32 to vector<16xi32>
    %add3A_287 = arith.addi %iota3A, %add3A_286 : vector<16xi32>
    %add3A_288 = arith.constant 112 : i32
    %add3A_289 = vector.broadcast %add3A_288 : i32 to vector<16xi32>
    %add3A_290 = arith.addi %iota3A, %add3A_289 : vector<16xi32>
    %dma_wait3A_291 = arith.constant 0 : i32
    %dma_wait3A_292 = arith.constant 0 : i32
    %dma_wait3A_293 = arith.constant 0 : i32
    %dma_wait3A_294 = arith.constant 0 : i32
    %dma_wait3A_295 = tpu.memref_slice %arg9[%dma_wait3A_292, %dma_wait3A_293, %dma_wait3A_294] : memref<3x128x128xf32, #tpu.memory_space<vmem>> -> memref<1x128x128xf32, #tpu.memory_space<vmem>>
    %dma_wait3A_296 = tpu.memref_squeeze %dma_wait3A_295 : memref<1x128x128xf32, #tpu.memory_space<vmem>> -> memref<128x128xf32, #tpu.memory_space<vmem>>
    %dma_wait3A_297 = arith.constant 0 : i32
    %dma_wait3A_298 = tpu.memref_slice %arg7[%dma_wait3A_291, %dma_wait3A_297] : memref<4x128xi32, #tpu.memory_space<vmem>> -> memref<1x128xi32, #tpu.memory_space<vmem>>
    %dma_wait3A_299 = tpu.memref_squeeze %dma_wait3A_298 : memref<1x128xi32, #tpu.memory_space<vmem>> -> memref<128xi32, #tpu.memory_space<vmem>>
    %dma_wait3A_300 = arith.constant 0 : i32
    %dma_wait3A_301 = arith.constant 0 : i32
    %dma_wait3A_302 = tpu.memref_slice %arg4[%dma_wait3A_300, %dma_wait3A_301] : memref<100000x128xf32, #tpu.memory_space<hbm>> -> memref<100000x128xf32, #tpu.memory_space<hbm>>
    tpu.wait_indirect_dma semaphore(%arg27 : memref<!tpu.dma_semaphore, #tpu.memory_space<semaphore_mem>>) src(%dma_wait3A_302 : memref<100000x128xf32, #tpu.memory_space<hbm>>) dst(%dma_wait3A_296 : memref<128x128xf32, #tpu.memory_space<vmem>>)
    %dma_wait3A_303 = arith.constant 0 : i32
    %dma_wait3A_304 = arith.constant 0 : i32
    %dma_wait3A_305 = arith.constant 0 : i32
    %dma_wait3A_306 = tpu.memref_slice %arg8[%dma_wait3A_303, %dma_wait3A_304, %dma_wait3A_305] : memref<3x128x128xf32, #tpu.memory_space<vmem>> -> memref<1x128x128xf32, #tpu.memory_space<vmem>>
    %dma_wait3A_307 = tpu.memref_squeeze %dma_wait3A_306 : memref<1x128x128xf32, #tpu.memory_space<vmem>> -> memref<128x128xf32, #tpu.memory_space<vmem>>
    %dma_wait3A_308 = arith.constant 0 : i32
    %dma_wait3A_309 = tpu.memref_slice %arg2[%mul3A_2, %dma_wait3A_308] : memref<16384x128xf32, #tpu.memory_space<hbm>> -> memref<128x128xf32, #tpu.memory_space<hbm>>
    %dma_wait3A_310 = arith.constant 0 : i32
    %dma_wait3A_311 = arith.constant 0 : i32
    %dma_wait3A_312 = tpu.memref_slice %arg8[%dma_wait3A_303, %dma_wait3A_310, %dma_wait3A_311] : memref<3x128x128xf32, #tpu.memory_space<vmem>> -> memref<1x128x128xf32, #tpu.memory_space<vmem>>
    %dma_wait3A_313 = tpu.memref_squeeze %dma_wait3A_312 : memref<1x128x128xf32, #tpu.memory_space<vmem>> -> memref<128x128xf32, #tpu.memory_space<vmem>>
    %dma_wait3A_314 = arith.constant 0 : i32
    %dma_wait3A_315 = tpu.memref_slice %arg2[%mul3A_2, %dma_wait3A_314] : memref<16384x128xf32, #tpu.memory_space<hbm>> -> memref<128x128xf32, #tpu.memory_space<hbm>>
    tpu.wait_dma2 semaphore(%arg24 : memref<!tpu.dma_semaphore, #tpu.memory_space<semaphore_mem>>) src(%dma_wait3A_315 : memref<128x128xf32, #tpu.memory_space<hbm>>) dst(%dma_wait3A_313 : memref<128x128xf32, #tpu.memory_space<vmem>>)
    %scan3A_316 = arith.constant 0 : i32
    %scan3A_317 = arith.constant 0 : i32
    %scan3A_318 = arith.constant 0 : i32
    %scan3A_319 = arith.constant 128 : i32
    %scan3A_320 = arith.addi %scan3A_318, %scan3A_319 : i32
    %scan3A_321 = arith.constant 1 : i32
    %scan3A_322:8 = scf.for %scan3A_2194 = %scan3A_318 to %scan3A_320 step %scan3A_321 iter_args(%scan3A_2195 = %broadcast_in_dim3A_96, %scan3A_2196 = %broadcast_in_dim3A_96, %scan3A_2197 = %broadcast_in_dim3A_96, %scan3A_2198 = %broadcast_in_dim3A_96, %scan3A_2199 = %broadcast_in_dim3A_96, %scan3A_2200 = %broadcast_in_dim3A_96, %scan3A_2201 = %broadcast_in_dim3A_96, %scan3A_2202 = %broadcast_in_dim3A_96) -> (vector<16xf32>, vector<16xf32>, vector<16xf32>, vector<16xf32>, vector<16xf32>, vector<16xf32>, vector<16xf32>, vector<16xf32>)  : i32 {
      %broadcast_in_dim3A_2203 = vector.broadcast %scan3A_2194 : i32 to vector<16xi32>
      %and3A = arith.constant -16 : i32
      %and3A_2204 = vector.broadcast %and3A : i32 to vector<16xi32>
      %and3A_2205 = arith.andi %broadcast_in_dim3A_2203, %and3A_2204 : vector<16xi32>
      %add3A_2206 = arith.addi %iota3A, %broadcast_in_dim3A_2203 : vector<16xi32>
      %and3A_2207 = arith.constant 15 : i32
      %and3A_2208 = vector.broadcast %and3A_2207 : i32 to vector<16xi32>
      %and3A_2209 = arith.andi %add3A_2206, %and3A_2208 : vector<16xi32>
      %add3A_2210 = arith.addi %and3A_2205, %and3A_2209 : vector<16xi32>
      %gather3A = arith.constant 0 : i32
      %gather3A_2211 = arith.constant 0 : i32
      %gather3A_2212 = tpu.memref_slice %arg8[%scan3A_316, %gather3A, %gather3A_2211] : memref<3x128x128xf32, #tpu.memory_space<vmem>> -> memref<1x128x128xf32, #tpu.memory_space<vmem>>
      %gather3A_2213 = tpu.memref_squeeze %gather3A_2212 : memref<1x128x128xf32, #tpu.memory_space<vmem>> -> memref<128x128xf32, #tpu.memory_space<vmem>>
      %gather3A_2214 = tpu.vector_load_idx %gather3A_2213[%add3A_269, %add3A_2210] : memref<128x128xf32, #tpu.memory_space<vmem>>[vector<16xi32>, vector<16xi32>], vector<16xf32>,
      %gather3A_2215 = arith.constant 0 : i32
      %gather3A_2216 = arith.constant 0 : i32
      %gather3A_2217 = tpu.memref_slice %arg9[%scan3A_317, %gather3A_2215, %gather3A_2216] : memref<3x128x128xf32, #tpu.memory_space<vmem>> -> memref<1x128x128xf32, #tpu.memory_space<vmem>>
      %gather3A_2218 = tpu.memref_squeeze %gather3A_2217 : memref<1x128x128xf32, #tpu.memory_space<vmem>> -> memref<128x128xf32, #tpu.memory_space<vmem>>
      %gather3A_2219 = tpu.vector_load_idx %gather3A_2218[%add3A_269, %add3A_2210] : memref<128x128xf32, #tpu.memory_space<vmem>>[vector<16xi32>, vector<16xi32>], vector<16xf32>,
      %sub3A_2220 = arith.subf %gather3A_2214, %gather3A_2219 : vector<16xf32>
      %mul3A_2221 = arith.mulf %sub3A_2220, %sub3A_2220 : vector<16xf32>
      %add3A_2222 = arith.addf %scan3A_2195, %mul3A_2221 : vector<16xf32>
      %gather3A_2223 = arith.constant 0 : i32
      %gather3A_2224 = arith.constant 0 : i32
      %gather3A_2225 = tpu.memref_slice %arg8[%scan3A_316, %gather3A_2223, %gather3A_2224] : memref<3x128x128xf32, #tpu.memory_space<vmem>> -> memref<1x128x128xf32, #tpu.memory_space<vmem>>
      %gather3A_2226 = tpu.memref_squeeze %gather3A_2225 : memref<1x128x128xf32, #tpu.memory_space<vmem>> -> memref<128x128xf32, #tpu.memory_space<vmem>>
      %gather3A_2227 = tpu.vector_load_idx %gather3A_2226[%add3A_272, %add3A_2210] : memref<128x128xf32, #tpu.memory_space<vmem>>[vector<16xi32>, vector<16xi32>], vector<16xf32>,
      %gather3A_2228 = arith.constant 0 : i32
      %gather3A_2229 = arith.constant 0 : i32
      %gather3A_2230 = tpu.memref_slice %arg9[%scan3A_317, %gather3A_2228, %gather3A_2229] : memref<3x128x128xf32, #tpu.memory_space<vmem>> -> memref<1x128x128xf32, #tpu.memory_space<vmem>>
      %gather3A_2231 = tpu.memref_squeeze %gather3A_2230 : memref<1x128x128xf32, #tpu.memory_space<vmem>> -> memref<128x128xf32, #tpu.memory_space<vmem>>
      %gather3A_2232 = tpu.vector_load_idx %gather3A_2231[%add3A_272, %add3A_2210] : memref<128x128xf32, #tpu.memory_space<vmem>>[vector<16xi32>, vector<16xi32>], vector<16xf32>,
      %sub3A_2233 = arith.subf %gather3A_2227, %gather3A_2232 : vector<16xf32>
      %mul3A_2234 = arith.mulf %sub3A_2233, %sub3A_2233 : vector<16xf32>
      %add3A_2235 = arith.addf %scan3A_2196, %mul3A_2234 : vector<16xf32>
      %gather3A_2236 = arith.constant 0 : i32
      %gather3A_2237 = arith.constant 0 : i32
      %gather3A_2238 = tpu.memref_slice %arg8[%scan3A_316, %gather3A_2236, %gather3A_2237] : memref<3x128x128xf32, #tpu.memory_space<vmem>> -> memref<1x128x128xf32, #tpu.memory_space<vmem>>
      %gather3A_2239 = tpu.memref_squeeze %gather3A_2238 : memref<1x128x128xf32, #tpu.memory_space<vmem>> -> memref<128x128xf32, #tpu.memory_space<vmem>>
      %gather3A_2240 = tpu.vector_load_idx %gather3A_2239[%add3A_275, %add3A_2210] : memref<128x128xf32, #tpu.memory_space<vmem>>[vector<16xi32>, vector<16xi32>], vector<16xf32>,
      %gather3A_2241 = arith.constant 0 : i32
      %gather3A_2242 = arith.constant 0 : i32
      %gather3A_2243 = tpu.memref_slice %arg9[%scan3A_317, %gather3A_2241, %gather3A_2242] : memref<3x128x128xf32, #tpu.memory_space<vmem>> -> memref<1x128x128xf32, #tpu.memory_space<vmem>>
      %gather3A_2244 = tpu.memref_squeeze %gather3A_2243 : memref<1x128x128xf32, #tpu.memory_space<vmem>> -> memref<128x128xf32, #tpu.memory_space<vmem>>
      %gather3A_2245 = tpu.vector_load_idx %gather3A_2244[%add3A_275, %add3A_2210] : memref<128x128xf32, #tpu.memory_space<vmem>>[vector<16xi32>, vector<16xi32>], vector<16xf32>,
      %sub3A_2246 = arith.subf %gather3A_2240, %gather3A_2245 : vector<16xf32>
      %mul3A_2247 = arith.mulf %sub3A_2246, %sub3A_2246 : vector<16xf32>
      %add3A_2248 = arith.addf %scan3A_2197, %mul3A_2247 : vector<16xf32>
      %gather3A_2249 = arith.constant 0 : i32
      %gather3A_2250 = arith.constant 0 : i32
      %gather3A_2251 = tpu.memref_slice %arg8[%scan3A_316, %gather3A_2249, %gather3A_2250] : memref<3x128x128xf32, #tpu.memory_space<vmem>> -> memref<1x128x128xf32, #tpu.memory_space<vmem>>
      %gather3A_2252 = tpu.memref_squeeze %gather3A_2251 : memref<1x128x128xf32, #tpu.memory_space<vmem>> -> memref<128x128xf32, #tpu.memory_space<vmem>>
      %gather3A_2253 = tpu.vector_load_idx %gather3A_2252[%add3A_278, %add3A_2210] : memref<128x128xf32, #tpu.memory_space<vmem>>[vector<16xi32>, vector<16xi32>], vector<16xf32>,
      %gather3A_2254 = arith.constant 0 : i32
      %gather3A_2255 = arith.constant 0 : i32
      %gather3A_2256 = tpu.memref_slice %arg9[%scan3A_317, %gather3A_2254, %gather3A_2255] : memref<3x128x128xf32, #tpu.memory_space<vmem>> -> memref<1x128x128xf32, #tpu.memory_space<vmem>>
      %gather3A_2257 = tpu.memref_squeeze %gather3A_2256 : memref<1x128x128xf32, #tpu.memory_space<vmem>> -> memref<128x128xf32, #tpu.memory_space<vmem>>
      %gather3A_2258 = tpu.vector_load_idx %gather3A_2257[%add3A_278, %add3A_2210] : memref<128x128xf32, #tpu.memory_space<vmem>>[vector<16xi32>, vector<16xi32>], vector<16xf32>,
      %sub3A_2259 = arith.subf %gather3A_2253, %gather3A_2258 : vector<16xf32>
      %mul3A_2260 = arith.mulf %sub3A_2259, %sub3A_2259 : vector<16xf32>
      %add3A_2261 = arith.addf %scan3A_2198, %mul3A_2260 : vector<16xf32>
      %gather3A_2262 = arith.constant 0 : i32
      %gather3A_2263 = arith.constant 0 : i32
      %gather3A_2264 = tpu.memref_slice %arg8[%scan3A_316, %gather3A_2262, %gather3A_2263] : memref<3x128x128xf32, #tpu.memory_space<vmem>> -> memref<1x128x128xf32, #tpu.memory_space<vmem>>
      %gather3A_2265 = tpu.memref_squeeze %gather3A_2264 : memref<1x128x128xf32, #tpu.memory_space<vmem>> -> memref<128x128xf32, #tpu.memory_space<vmem>>
      %gather3A_2266 = tpu.vector_load_idx %gather3A_2265[%add3A_281, %add3A_2210] : memref<128x128xf32, #tpu.memory_space<vmem>>[vector<16xi32>, vector<16xi32>], vector<16xf32>,
      %gather3A_2267 = arith.constant 0 : i32
      %gather3A_2268 = arith.constant 0 : i32
      %gather3A_2269 = tpu.memref_slice %arg9[%scan3A_317, %gather3A_2267, %gather3A_2268] : memref<3x128x128xf32, #tpu.memory_space<vmem>> -> memref<1x128x128xf32, #tpu.memory_space<vmem>>
      %gather3A_2270 = tpu.memref_squeeze %gather3A_2269 : memref<1x128x128xf32, #tpu.memory_space<vmem>> -> memref<128x128xf32, #tpu.memory_space<vmem>>
      %gather3A_2271 = tpu.vector_load_idx %gather3A_2270[%add3A_281, %add3A_2210] : memref<128x128xf32, #tpu.memory_space<vmem>>[vector<16xi32>, vector<16xi32>], vector<16xf32>,
      %sub3A_2272 = arith.subf %gather3A_2266, %gather3A_2271 : vector<16xf32>
      %mul3A_2273 = arith.mulf %sub3A_2272, %sub3A_2272 : vector<16xf32>
      %add3A_2274 = arith.addf %scan3A_2199, %mul3A_2273 : vector<16xf32>
      %gather3A_2275 = arith.constant 0 : i32
      %gather3A_2276 = arith.constant 0 : i32
      %gather3A_2277 = tpu.memref_slice %arg8[%scan3A_316, %gather3A_2275, %gather3A_2276] : memref<3x128x128xf32, #tpu.memory_space<vmem>> -> memref<1x128x128xf32, #tpu.memory_space<vmem>>
      %gather3A_2278 = tpu.memref_squeeze %gather3A_2277 : memref<1x128x128xf32, #tpu.memory_space<vmem>> -> memref<128x128xf32, #tpu.memory_space<vmem>>
      %gather3A_2279 = tpu.vector_load_idx %gather3A_2278[%add3A_284, %add3A_2210] : memref<128x128xf32, #tpu.memory_space<vmem>>[vector<16xi32>, vector<16xi32>], vector<16xf32>,
      %gather3A_2280 = arith.constant 0 : i32
      %gather3A_2281 = arith.constant 0 : i32
      %gather3A_2282 = tpu.memref_slice %arg9[%scan3A_317, %gather3A_2280, %gather3A_2281] : memref<3x128x128xf32, #tpu.memory_space<vmem>> -> memref<1x128x128xf32, #tpu.memory_space<vmem>>
      %gather3A_2283 = tpu.memref_squeeze %gather3A_2282 : memref<1x128x128xf32, #tpu.memory_space<vmem>> -> memref<128x128xf32, #tpu.memory_space<vmem>>
      %gather3A_2284 = tpu.vector_load_idx %gather3A_2283[%add3A_284, %add3A_2210] : memref<128x128xf32, #tpu.memory_space<vmem>>[vector<16xi32>, vector<16xi32>], vector<16xf32>,
      %sub3A_2285 = arith.subf %gather3A_2279, %gather3A_2284 : vector<16xf32>
      %mul3A_2286 = arith.mulf %sub3A_2285, %sub3A_2285 : vector<16xf32>
      %add3A_2287 = arith.addf %scan3A_2200, %mul3A_2286 : vector<16xf32>
      %gather3A_2288 = arith.constant 0 : i32
      %gather3A_2289 = arith.constant 0 : i32
      %gather3A_2290 = tpu.memref_slice %arg8[%scan3A_316, %gather3A_2288, %gather3A_2289] : memref<3x128x128xf32, #tpu.memory_space<vmem>> -> memref<1x128x128xf32, #tpu.memory_space<vmem>>
      %gather3A_2291 = tpu.memref_squeeze %gather3A_2290 : memref<1x128x128xf32, #tpu.memory_space<vmem>> -> memref<128x128xf32, #tpu.memory_space<vmem>>
      %gather3A_2292 = tpu.vector_load_idx %gather3A_2291[%add3A_287, %add3A_2210] : memref<128x128xf32, #tpu.memory_space<vmem>>[vector<16xi32>, vector<16xi32>], vector<16xf32>,
      %gather3A_2293 = arith.constant 0 : i32
      %gather3A_2294 = arith.constant 0 : i32
      %gather3A_2295 = tpu.memref_slice %arg9[%scan3A_317, %gather3A_2293, %gather3A_2294] : memref<3x128x128xf32, #tpu.memory_space<vmem>> -> memref<1x128x128xf32, #tpu.memory_space<vmem>>
      %gather3A_2296 = tpu.memref_squeeze %gather3A_2295 : memref<1x128x128xf32, #tpu.memory_space<vmem>> -> memref<128x128xf32, #tpu.memory_space<vmem>>
      %gather3A_2297 = tpu.vector_load_idx %gather3A_2296[%add3A_287, %add3A_2210] : memref<128x128xf32, #tpu.memory_space<vmem>>[vector<16xi32>, vector<16xi32>], vector<16xf32>,
      %sub3A_2298 = arith.subf %gather3A_2292, %gather3A_2297 : vector<16xf32>
      %mul3A_2299 = arith.mulf %sub3A_2298, %sub3A_2298 : vector<16xf32>
      %add3A_2300 = arith.addf %scan3A_2201, %mul3A_2299 : vector<16xf32>
      %gather3A_2301 = arith.constant 0 : i32
      %gather3A_2302 = arith.constant 0 : i32
      %gather3A_2303 = tpu.memref_slice %arg8[%scan3A_316, %gather3A_2301, %gather3A_2302] : memref<3x128x128xf32, #tpu.memory_space<vmem>> -> memref<1x128x128xf32, #tpu.memory_space<vmem>>
      %gather3A_2304 = tpu.memref_squeeze %gather3A_2303 : memref<1x128x128xf32, #tpu.memory_space<vmem>> -> memref<128x128xf32, #tpu.memory_space<vmem>>
      %gather3A_2305 = tpu.vector_load_idx %gather3A_2304[%add3A_290, %add3A_2210] : memref<128x128xf32, #tpu.memory_space<vmem>>[vector<16xi32>, vector<16xi32>], vector<16xf32>,
      %gather3A_2306 = arith.constant 0 : i32
      %gather3A_2307 = arith.constant 0 : i32
      %gather3A_2308 = tpu.memref_slice %arg9[%scan3A_317, %gather3A_2306, %gather3A_2307] : memref<3x128x128xf32, #tpu.memory_space<vmem>> -> memref<1x128x128xf32, #tpu.memory_space<vmem>>
      %gather3A_2309 = tpu.memref_squeeze %gather3A_2308 : memref<1x128x128xf32, #tpu.memory_space<vmem>> -> memref<128x128xf32, #tpu.memory_space<vmem>>
      %gather3A_2310 = tpu.vector_load_idx %gather3A_2309[%add3A_290, %add3A_2210] : memref<128x128xf32, #tpu.memory_space<vmem>>[vector<16xi32>, vector<16xi32>], vector<16xf32>,
      %sub3A_2311 = arith.subf %gather3A_2305, %gather3A_2310 : vector<16xf32>
      %mul3A_2312 = arith.mulf %sub3A_2311, %sub3A_2311 : vector<16xf32>
      %add3A_2313 = arith.addf %scan3A_2202, %mul3A_2312 : vector<16xf32>
      scf.yield %add3A_2222, %add3A_2235, %add3A_2248, %add3A_2261, %add3A_2274, %add3A_2287, %add3A_2300, %add3A_2313 : vector<16xf32>, vector<16xf32>, vector<16xf32>, vector<16xf32>, vector<16xf32>, vector<16xf32>, vector<16xf32>, vector<16xf32>
    }
    %scan3A_323 = arith.constant 128 : i32
    %dma_wait3A_324 = arith.constant 0 : i32
    %dma_wait3A_325 = arith.constant 0 : i32
    %dma_wait3A_326 = arith.constant 0 : i32
    %dma_wait3A_327 = tpu.memref_slice %arg10[%dma_wait3A_325, %dma_wait3A_326] : memref<4x128xf32, #tpu.memory_space<vmem>> -> memref<1x128xf32, #tpu.memory_space<vmem>>
    %dma_wait3A_328 = tpu.memref_squeeze %dma_wait3A_327 : memref<1x128xf32, #tpu.memory_space<vmem>> -> memref<128xf32, #tpu.memory_space<vmem>>
    %dma_wait3A_329 = arith.constant 0 : i32
    %dma_wait3A_330 = tpu.memref_slice %arg7[%dma_wait3A_324, %dma_wait3A_329] : memref<4x128xi32, #tpu.memory_space<vmem>> -> memref<1x128xi32, #tpu.memory_space<vmem>>
    %dma_wait3A_331 = tpu.memref_squeeze %dma_wait3A_330 : memref<1x128xi32, #tpu.memory_space<vmem>> -> memref<128xi32, #tpu.memory_space<vmem>>
    %dma_wait3A_332 = arith.constant 0 : i32
    %dma_wait3A_333 = tpu.memref_slice %arg14[%dma_wait3A_332] : memref<100096xf32, #tpu.memory_space<vmem_shared>> -> memref<100096xf32, #tpu.memory_space<vmem_shared>>
    tpu.wait_indirect_dma semaphore(%arg20 : memref<!tpu.dma_semaphore, #tpu.memory_space<semaphore_mem>>) src(%dma_wait3A_333 : memref<100096xf32, #tpu.memory_space<vmem_shared>>) dst(%dma_wait3A_328 : memref<128xf32, #tpu.memory_space<vmem>>)
    %get3A = arith.constant 0 : i32
    %get3A_334 = arith.index_cast %get3A : i32 to index
    %get3A_335 = arith.constant 0 : index
    %get3A_336 = tpu.vector_load %arg10[%get3A_334, %get3A_335] {strides = array<i32>} : memref<4x128xf32, #tpu.memory_space<vmem>>, vector<16xf32>,
    %bitcast3A = vector.bitcast %scan3A_322#0 : vector<16xf32> to vector<16xi32>
    %shift_right_logical3A = arith.constant 1 : i32
    %shift_right_logical3A_337 = vector.broadcast %shift_right_logical3A : i32 to vector<16xi32>
    %shift_right_logical3A_338 = arith.shrui %bitcast3A, %shift_right_logical3A_337 : vector<16xi32>
    %sub3A = arith.constant 1597463007 : i32
    %sub3A_339 = vector.broadcast %sub3A : i32 to vector<16xi32>
    %sub3A_340 = arith.subi %sub3A_339, %shift_right_logical3A_338 : vector<16xi32>
    %bitcast3A_341 = vector.bitcast %sub3A_340 : vector<16xi32> to vector<16xf32>
    %mul3A_342 = arith.constant 5.000000e-01 : f32
    %mul3A_343 = vector.broadcast %mul3A_342 : f32 to vector<16xf32>
    %mul3A_344 = arith.mulf %mul3A_343, %scan3A_322#0 : vector<16xf32>
    %mul3A_345 = arith.mulf %mul3A_344, %bitcast3A_341 : vector<16xf32>
    %mul3A_346 = arith.mulf %mul3A_345, %bitcast3A_341 : vector<16xf32>
    %sub3A_347 = arith.constant 1.500000e+00 : f32
    %sub3A_348 = vector.broadcast %sub3A_347 : f32 to vector<16xf32>
    %sub3A_349 = arith.subf %sub3A_348, %mul3A_346 : vector<16xf32>
    %mul3A_350 = arith.mulf %bitcast3A_341, %sub3A_349 : vector<16xf32>
    %mul3A_351 = arith.constant 5.000000e-01 : f32
    %mul3A_352 = vector.broadcast %mul3A_351 : f32 to vector<16xf32>
    %mul3A_353 = arith.mulf %mul3A_352, %scan3A_322#0 : vector<16xf32>
    %mul3A_354 = arith.mulf %mul3A_353, %mul3A_350 : vector<16xf32>
    %mul3A_355 = arith.mulf %mul3A_354, %mul3A_350 : vector<16xf32>
    %sub3A_356 = arith.constant 1.500000e+00 : f32
    %sub3A_357 = vector.broadcast %sub3A_356 : f32 to vector<16xf32>
    %sub3A_358 = arith.subf %sub3A_357, %mul3A_355 : vector<16xf32>
    %mul3A_359 = arith.mulf %mul3A_350, %sub3A_358 : vector<16xf32>
    %mul3A_360 = arith.constant 5.000000e-01 : f32
    %mul3A_361 = vector.broadcast %mul3A_360 : f32 to vector<16xf32>
    %mul3A_362 = arith.mulf %mul3A_361, %scan3A_322#0 : vector<16xf32>
    %mul3A_363 = arith.mulf %mul3A_362, %mul3A_359 : vector<16xf32>
    %mul3A_364 = arith.mulf %mul3A_363, %mul3A_359 : vector<16xf32>
    %sub3A_365 = arith.constant 1.500000e+00 : f32
    %sub3A_366 = vector.broadcast %sub3A_365 : f32 to vector<16xf32>
    %sub3A_367 = arith.subf %sub3A_366, %mul3A_364 : vector<16xf32>
    %mul3A_368 = arith.mulf %mul3A_359, %sub3A_367 : vector<16xf32>
    %gt3A = arith.constant 0.000000e+00 : f32
    %gt3A_369 = vector.broadcast %gt3A : f32 to vector<16xf32>
    %gt3A_370 = arith.cmpf ogt, %scan3A_322#0, %gt3A_369 : vector<16xf32>
    %mul3A_371 = arith.mulf %scan3A_322#0, %mul3A_368 : vector<16xf32>
    %jit3A = arith.constant 0.000000e+00 : f32
    %broadcast_in_dim3A_372 = vector.broadcast %jit3A : f32 to vector<16xf32>
    %select_n3A = arith.select %gt3A_370, %mul3A_371, %broadcast_in_dim3A_372 : vector<16xi1>, vector<16xf32>
    %div3A = arith.divf %select_n3A, %get3A_336 : vector<16xf32>
    %swap3A_373 = arith.constant 0 : i32
    %swap3A_374 = arith.index_cast %swap3A_373 : i32 to index
    %swap3A_375 = arith.constant 0 : index
    %swap3A_376 = tpu.vector_load %arg11[%swap3A_374, %swap3A_375] {strides = array<i32>} : memref<4x128xf32, #tpu.memory_space<vmem>>, vector<16xf32>,
    tpu.vector_store %arg11[%swap3A_374, %swap3A_375], %div3A {strides = array<i32>} : memref<4x128xf32, #tpu.memory_space<vmem>>, vector<16xf32>,
    %get3A_377 = arith.constant 0 : i32
    %get3A_378 = arith.index_cast %get3A_377 : i32 to index
    %get3A_379 = arith.constant 16 : index
    %get3A_380 = tpu.vector_load %arg10[%get3A_378, %get3A_379] {strides = array<i32>} : memref<4x128xf32, #tpu.memory_space<vmem>>, vector<16xf32>,
    %bitcast3A_381 = vector.bitcast %scan3A_322#1 : vector<16xf32> to vector<16xi32>
    %shift_right_logical3A_382 = arith.constant 1 : i32
    %shift_right_logical3A_383 = vector.broadcast %shift_right_logical3A_382 : i32 to vector<16xi32>
    %shift_right_logical3A_384 = arith.shrui %bitcast3A_381, %shift_right_logical3A_383 : vector<16xi32>
    %sub3A_385 = arith.constant 1597463007 : i32
    %sub3A_386 = vector.broadcast %sub3A_385 : i32 to vector<16xi32>
    %sub3A_387 = arith.subi %sub3A_386, %shift_right_logical3A_384 : vector<16xi32>
    %bitcast3A_388 = vector.bitcast %sub3A_387 : vector<16xi32> to vector<16xf32>
    %mul3A_389 = arith.constant 5.000000e-01 : f32
    %mul3A_390 = vector.broadcast %mul3A_389 : f32 to vector<16xf32>
    %mul3A_391 = arith.mulf %mul3A_390, %scan3A_322#1 : vector<16xf32>
    %mul3A_392 = arith.mulf %mul3A_391, %bitcast3A_388 : vector<16xf32>
    %mul3A_393 = arith.mulf %mul3A_392, %bitcast3A_388 : vector<16xf32>
    %sub3A_394 = arith.constant 1.500000e+00 : f32
    %sub3A_395 = vector.broadcast %sub3A_394 : f32 to vector<16xf32>
    %sub3A_396 = arith.subf %sub3A_395, %mul3A_393 : vector<16xf32>
    %mul3A_397 = arith.mulf %bitcast3A_388, %sub3A_396 : vector<16xf32>
    %mul3A_398 = arith.constant 5.000000e-01 : f32
    %mul3A_399 = vector.broadcast %mul3A_398 : f32 to vector<16xf32>
    %mul3A_400 = arith.mulf %mul3A_399, %scan3A_322#1 : vector<16xf32>
    %mul3A_401 = arith.mulf %mul3A_400, %mul3A_397 : vector<16xf32>
    %mul3A_402 = arith.mulf %mul3A_401, %mul3A_397 : vector<16xf32>
    %sub3A_403 = arith.constant 1.500000e+00 : f32
    %sub3A_404 = vector.broadcast %sub3A_403 : f32 to vector<16xf32>
    %sub3A_405 = arith.subf %sub3A_404, %mul3A_402 : vector<16xf32>
    %mul3A_406 = arith.mulf %mul3A_397, %sub3A_405 : vector<16xf32>
    %mul3A_407 = arith.constant 5.000000e-01 : f32
    %mul3A_408 = vector.broadcast %mul3A_407 : f32 to vector<16xf32>
    %mul3A_409 = arith.mulf %mul3A_408, %scan3A_322#1 : vector<16xf32>
    %mul3A_410 = arith.mulf %mul3A_409, %mul3A_406 : vector<16xf32>
    %mul3A_411 = arith.mulf %mul3A_410, %mul3A_406 : vector<16xf32>
    %sub3A_412 = arith.constant 1.500000e+00 : f32
    %sub3A_413 = vector.broadcast %sub3A_412 : f32 to vector<16xf32>
    %sub3A_414 = arith.subf %sub3A_413, %mul3A_411 : vector<16xf32>
    %mul3A_415 = arith.mulf %mul3A_406, %sub3A_414 : vector<16xf32>
    %gt3A_416 = arith.constant 0.000000e+00 : f32
    %gt3A_417 = vector.broadcast %gt3A_416 : f32 to vector<16xf32>
    %gt3A_418 = arith.cmpf ogt, %scan3A_322#1, %gt3A_417 : vector<16xf32>
    %mul3A_419 = arith.mulf %scan3A_322#1, %mul3A_415 : vector<16xf32>
    %jit3A_420 = arith.constant 0.000000e+00 : f32
    %broadcast_in_dim3A_421 = vector.broadcast %jit3A_420 : f32 to vector<16xf32>
    %select_n3A_422 = arith.select %gt3A_418, %mul3A_419, %broadcast_in_dim3A_421 : vector<16xi1>, vector<16xf32>
    %div3A_423 = arith.divf %select_n3A_422, %get3A_380 : vector<16xf32>
    %swap3A_424 = arith.constant 0 : i32
    %swap3A_425 = arith.index_cast %swap3A_424 : i32 to index
    %swap3A_426 = arith.constant 16 : index
    %swap3A_427 = tpu.vector_load %arg11[%swap3A_425, %swap3A_426] {strides = array<i32>} : memref<4x128xf32, #tpu.memory_space<vmem>>, vector<16xf32>,
    tpu.vector_store %arg11[%swap3A_425, %swap3A_426], %div3A_423 {strides = array<i32>} : memref<4x128xf32, #tpu.memory_space<vmem>>, vector<16xf32>,
    %get3A_428 = arith.constant 0 : i32
    %get3A_429 = arith.index_cast %get3A_428 : i32 to index
    %get3A_430 = arith.constant 32 : index
    %get3A_431 = tpu.vector_load %arg10[%get3A_429, %get3A_430] {strides = array<i32>} : memref<4x128xf32, #tpu.memory_space<vmem>>, vector<16xf32>,
    %bitcast3A_432 = vector.bitcast %scan3A_322#2 : vector<16xf32> to vector<16xi32>
    %shift_right_logical3A_433 = arith.constant 1 : i32
    %shift_right_logical3A_434 = vector.broadcast %shift_right_logical3A_433 : i32 to vector<16xi32>
    %shift_right_logical3A_435 = arith.shrui %bitcast3A_432, %shift_right_logical3A_434 : vector<16xi32>
    %sub3A_436 = arith.constant 1597463007 : i32
    %sub3A_437 = vector.broadcast %sub3A_436 : i32 to vector<16xi32>
    %sub3A_438 = arith.subi %sub3A_437, %shift_right_logical3A_435 : vector<16xi32>
    %bitcast3A_439 = vector.bitcast %sub3A_438 : vector<16xi32> to vector<16xf32>
    %mul3A_440 = arith.constant 5.000000e-01 : f32
    %mul3A_441 = vector.broadcast %mul3A_440 : f32 to vector<16xf32>
    %mul3A_442 = arith.mulf %mul3A_441, %scan3A_322#2 : vector<16xf32>
    %mul3A_443 = arith.mulf %mul3A_442, %bitcast3A_439 : vector<16xf32>
    %mul3A_444 = arith.mulf %mul3A_443, %bitcast3A_439 : vector<16xf32>
    %sub3A_445 = arith.constant 1.500000e+00 : f32
    %sub3A_446 = vector.broadcast %sub3A_445 : f32 to vector<16xf32>
    %sub3A_447 = arith.subf %sub3A_446, %mul3A_444 : vector<16xf32>
    %mul3A_448 = arith.mulf %bitcast3A_439, %sub3A_447 : vector<16xf32>
    %mul3A_449 = arith.constant 5.000000e-01 : f32
    %mul3A_450 = vector.broadcast %mul3A_449 : f32 to vector<16xf32>
    %mul3A_451 = arith.mulf %mul3A_450, %scan3A_322#2 : vector<16xf32>
    %mul3A_452 = arith.mulf %mul3A_451, %mul3A_448 : vector<16xf32>
    %mul3A_453 = arith.mulf %mul3A_452, %mul3A_448 : vector<16xf32>
    %sub3A_454 = arith.constant 1.500000e+00 : f32
    %sub3A_455 = vector.broadcast %sub3A_454 : f32 to vector<16xf32>
    %sub3A_456 = arith.subf %sub3A_455, %mul3A_453 : vector<16xf32>
    %mul3A_457 = arith.mulf %mul3A_448, %sub3A_456 : vector<16xf32>
    %mul3A_458 = arith.constant 5.000000e-01 : f32
    %mul3A_459 = vector.broadcast %mul3A_458 : f32 to vector<16xf32>
    %mul3A_460 = arith.mulf %mul3A_459, %scan3A_322#2 : vector<16xf32>
    %mul3A_461 = arith.mulf %mul3A_460, %mul3A_457 : vector<16xf32>
    %mul3A_462 = arith.mulf %mul3A_461, %mul3A_457 : vector<16xf32>
    %sub3A_463 = arith.constant 1.500000e+00 : f32
    %sub3A_464 = vector.broadcast %sub3A_463 : f32 to vector<16xf32>
    %sub3A_465 = arith.subf %sub3A_464, %mul3A_462 : vector<16xf32>
    %mul3A_466 = arith.mulf %mul3A_457, %sub3A_465 : vector<16xf32>
    %gt3A_467 = arith.constant 0.000000e+00 : f32
    %gt3A_468 = vector.broadcast %gt3A_467 : f32 to vector<16xf32>
    %gt3A_469 = arith.cmpf ogt, %scan3A_322#2, %gt3A_468 : vector<16xf32>
    %mul3A_470 = arith.mulf %scan3A_322#2, %mul3A_466 : vector<16xf32>
    %jit3A_471 = arith.constant 0.000000e+00 : f32
    %broadcast_in_dim3A_472 = vector.broadcast %jit3A_471 : f32 to vector<16xf32>
    %select_n3A_473 = arith.select %gt3A_469, %mul3A_470, %broadcast_in_dim3A_472 : vector<16xi1>, vector<16xf32>
    %div3A_474 = arith.divf %select_n3A_473, %get3A_431 : vector<16xf32>
    %swap3A_475 = arith.constant 0 : i32
    %swap3A_476 = arith.index_cast %swap3A_475 : i32 to index
    %swap3A_477 = arith.constant 32 : index
    %swap3A_478 = tpu.vector_load %arg11[%swap3A_476, %swap3A_477] {strides = array<i32>} : memref<4x128xf32, #tpu.memory_space<vmem>>, vector<16xf32>,
    tpu.vector_store %arg11[%swap3A_476, %swap3A_477], %div3A_474 {strides = array<i32>} : memref<4x128xf32, #tpu.memory_space<vmem>>, vector<16xf32>,
    %get3A_479 = arith.constant 0 : i32
    %get3A_480 = arith.index_cast %get3A_479 : i32 to index
    %get3A_481 = arith.constant 48 : index
    %get3A_482 = tpu.vector_load %arg10[%get3A_480, %get3A_481] {strides = array<i32>} : memref<4x128xf32, #tpu.memory_space<vmem>>, vector<16xf32>,
    %bitcast3A_483 = vector.bitcast %scan3A_322#3 : vector<16xf32> to vector<16xi32>
    %shift_right_logical3A_484 = arith.constant 1 : i32
    %shift_right_logical3A_485 = vector.broadcast %shift_right_logical3A_484 : i32 to vector<16xi32>
    %shift_right_logical3A_486 = arith.shrui %bitcast3A_483, %shift_right_logical3A_485 : vector<16xi32>
    %sub3A_487 = arith.constant 1597463007 : i32
    %sub3A_488 = vector.broadcast %sub3A_487 : i32 to vector<16xi32>
    %sub3A_489 = arith.subi %sub3A_488, %shift_right_logical3A_486 : vector<16xi32>
    %bitcast3A_490 = vector.bitcast %sub3A_489 : vector<16xi32> to vector<16xf32>
    %mul3A_491 = arith.constant 5.000000e-01 : f32
    %mul3A_492 = vector.broadcast %mul3A_491 : f32 to vector<16xf32>
    %mul3A_493 = arith.mulf %mul3A_492, %scan3A_322#3 : vector<16xf32>
    %mul3A_494 = arith.mulf %mul3A_493, %bitcast3A_490 : vector<16xf32>
    %mul3A_495 = arith.mulf %mul3A_494, %bitcast3A_490 : vector<16xf32>
    %sub3A_496 = arith.constant 1.500000e+00 : f32
    %sub3A_497 = vector.broadcast %sub3A_496 : f32 to vector<16xf32>
    %sub3A_498 = arith.subf %sub3A_497, %mul3A_495 : vector<16xf32>
    %mul3A_499 = arith.mulf %bitcast3A_490, %sub3A_498 : vector<16xf32>
    %mul3A_500 = arith.constant 5.000000e-01 : f32
    %mul3A_501 = vector.broadcast %mul3A_500 : f32 to vector<16xf32>
    %mul3A_502 = arith.mulf %mul3A_501, %scan3A_322#3 : vector<16xf32>
    %mul3A_503 = arith.mulf %mul3A_502, %mul3A_499 : vector<16xf32>
    %mul3A_504 = arith.mulf %mul3A_503, %mul3A_499 : vector<16xf32>
    %sub3A_505 = arith.constant 1.500000e+00 : f32
    %sub3A_506 = vector.broadcast %sub3A_505 : f32 to vector<16xf32>
    %sub3A_507 = arith.subf %sub3A_506, %mul3A_504 : vector<16xf32>
    %mul3A_508 = arith.mulf %mul3A_499, %sub3A_507 : vector<16xf32>
    %mul3A_509 = arith.constant 5.000000e-01 : f32
    %mul3A_510 = vector.broadcast %mul3A_509 : f32 to vector<16xf32>
    %mul3A_511 = arith.mulf %mul3A_510, %scan3A_322#3 : vector<16xf32>
    %mul3A_512 = arith.mulf %mul3A_511, %mul3A_508 : vector<16xf32>
    %mul3A_513 = arith.mulf %mul3A_512, %mul3A_508 : vector<16xf32>
    %sub3A_514 = arith.constant 1.500000e+00 : f32
    %sub3A_515 = vector.broadcast %sub3A_514 : f32 to vector<16xf32>
    %sub3A_516 = arith.subf %sub3A_515, %mul3A_513 : vector<16xf32>
    %mul3A_517 = arith.mulf %mul3A_508, %sub3A_516 : vector<16xf32>
    %gt3A_518 = arith.constant 0.000000e+00 : f32
    %gt3A_519 = vector.broadcast %gt3A_518 : f32 to vector<16xf32>
    %gt3A_520 = arith.cmpf ogt, %scan3A_322#3, %gt3A_519 : vector<16xf32>
    %mul3A_521 = arith.mulf %scan3A_322#3, %mul3A_517 : vector<16xf32>
    %jit3A_522 = arith.constant 0.000000e+00 : f32
    %broadcast_in_dim3A_523 = vector.broadcast %jit3A_522 : f32 to vector<16xf32>
    %select_n3A_524 = arith.select %gt3A_520, %mul3A_521, %broadcast_in_dim3A_523 : vector<16xi1>, vector<16xf32>
    %div3A_525 = arith.divf %select_n3A_524, %get3A_482 : vector<16xf32>
    %swap3A_526 = arith.constant 0 : i32
    %swap3A_527 = arith.index_cast %swap3A_526 : i32 to index
    %swap3A_528 = arith.constant 48 : index
    %swap3A_529 = tpu.vector_load %arg11[%swap3A_527, %swap3A_528] {strides = array<i32>} : memref<4x128xf32, #tpu.memory_space<vmem>>, vector<16xf32>,
    tpu.vector_store %arg11[%swap3A_527, %swap3A_528], %div3A_525 {strides = array<i32>} : memref<4x128xf32, #tpu.memory_space<vmem>>, vector<16xf32>,
    %get3A_530 = arith.constant 0 : i32
    %get3A_531 = arith.index_cast %get3A_530 : i32 to index
    %get3A_532 = arith.constant 64 : index
    %get3A_533 = tpu.vector_load %arg10[%get3A_531, %get3A_532] {strides = array<i32>} : memref<4x128xf32, #tpu.memory_space<vmem>>, vector<16xf32>,
    %bitcast3A_534 = vector.bitcast %scan3A_322#4 : vector<16xf32> to vector<16xi32>
    %shift_right_logical3A_535 = arith.constant 1 : i32
    %shift_right_logical3A_536 = vector.broadcast %shift_right_logical3A_535 : i32 to vector<16xi32>
    %shift_right_logical3A_537 = arith.shrui %bitcast3A_534, %shift_right_logical3A_536 : vector<16xi32>
    %sub3A_538 = arith.constant 1597463007 : i32
    %sub3A_539 = vector.broadcast %sub3A_538 : i32 to vector<16xi32>
    %sub3A_540 = arith.subi %sub3A_539, %shift_right_logical3A_537 : vector<16xi32>
    %bitcast3A_541 = vector.bitcast %sub3A_540 : vector<16xi32> to vector<16xf32>
    %mul3A_542 = arith.constant 5.000000e-01 : f32
    %mul3A_543 = vector.broadcast %mul3A_542 : f32 to vector<16xf32>
    %mul3A_544 = arith.mulf %mul3A_543, %scan3A_322#4 : vector<16xf32>
    %mul3A_545 = arith.mulf %mul3A_544, %bitcast3A_541 : vector<16xf32>
    %mul3A_546 = arith.mulf %mul3A_545, %bitcast3A_541 : vector<16xf32>
    %sub3A_547 = arith.constant 1.500000e+00 : f32
    %sub3A_548 = vector.broadcast %sub3A_547 : f32 to vector<16xf32>
    %sub3A_549 = arith.subf %sub3A_548, %mul3A_546 : vector<16xf32>
    %mul3A_550 = arith.mulf %bitcast3A_541, %sub3A_549 : vector<16xf32>
    %mul3A_551 = arith.constant 5.000000e-01 : f32
    %mul3A_552 = vector.broadcast %mul3A_551 : f32 to vector<16xf32>
    %mul3A_553 = arith.mulf %mul3A_552, %scan3A_322#4 : vector<16xf32>
    %mul3A_554 = arith.mulf %mul3A_553, %mul3A_550 : vector<16xf32>
    %mul3A_555 = arith.mulf %mul3A_554, %mul3A_550 : vector<16xf32>
    %sub3A_556 = arith.constant 1.500000e+00 : f32
    %sub3A_557 = vector.broadcast %sub3A_556 : f32 to vector<16xf32>
    %sub3A_558 = arith.subf %sub3A_557, %mul3A_555 : vector<16xf32>
    %mul3A_559 = arith.mulf %mul3A_550, %sub3A_558 : vector<16xf32>
    %mul3A_560 = arith.constant 5.000000e-01 : f32
    %mul3A_561 = vector.broadcast %mul3A_560 : f32 to vector<16xf32>
    %mul3A_562 = arith.mulf %mul3A_561, %scan3A_322#4 : vector<16xf32>
    %mul3A_563 = arith.mulf %mul3A_562, %mul3A_559 : vector<16xf32>
    %mul3A_564 = arith.mulf %mul3A_563, %mul3A_559 : vector<16xf32>
    %sub3A_565 = arith.constant 1.500000e+00 : f32
    %sub3A_566 = vector.broadcast %sub3A_565 : f32 to vector<16xf32>
    %sub3A_567 = arith.subf %sub3A_566, %mul3A_564 : vector<16xf32>
    %mul3A_568 = arith.mulf %mul3A_559, %sub3A_567 : vector<16xf32>
    %gt3A_569 = arith.constant 0.000000e+00 : f32
    %gt3A_570 = vector.broadcast %gt3A_569 : f32 to vector<16xf32>
    %gt3A_571 = arith.cmpf ogt, %scan3A_322#4, %gt3A_570 : vector<16xf32>
    %mul3A_572 = arith.mulf %scan3A_322#4, %mul3A_568 : vector<16xf32>
    %jit3A_573 = arith.constant 0.000000e+00 : f32
    %broadcast_in_dim3A_574 = vector.broadcast %jit3A_573 : f32 to vector<16xf32>
    %select_n3A_575 = arith.select %gt3A_571, %mul3A_572, %broadcast_in_dim3A_574 : vector<16xi1>, vector<16xf32>
    %div3A_576 = arith.divf %select_n3A_575, %get3A_533 : vector<16xf32>
    %swap3A_577 = arith.constant 0 : i32
    %swap3A_578 = arith.index_cast %swap3A_577 : i32 to index
    %swap3A_579 = arith.constant 64 : index
    %swap3A_580 = tpu.vector_load %arg11[%swap3A_578, %swap3A_579] {strides = array<i32>} : memref<4x128xf32, #tpu.memory_space<vmem>>, vector<16xf32>,
    tpu.vector_store %arg11[%swap3A_578, %swap3A_579], %div3A_576 {strides = array<i32>} : memref<4x128xf32, #tpu.memory_space<vmem>>, vector<16xf32>,
    %get3A_581 = arith.constant 0 : i32
    %get3A_582 = arith.index_cast %get3A_581 : i32 to index
    %get3A_583 = arith.constant 80 : index
    %get3A_584 = tpu.vector_load %arg10[%get3A_582, %get3A_583] {strides = array<i32>} : memref<4x128xf32, #tpu.memory_space<vmem>>, vector<16xf32>,
    %bitcast3A_585 = vector.bitcast %scan3A_322#5 : vector<16xf32> to vector<16xi32>
    %shift_right_logical3A_586 = arith.constant 1 : i32
    %shift_right_logical3A_587 = vector.broadcast %shift_right_logical3A_586 : i32 to vector<16xi32>
    %shift_right_logical3A_588 = arith.shrui %bitcast3A_585, %shift_right_logical3A_587 : vector<16xi32>
    %sub3A_589 = arith.constant 1597463007 : i32
    %sub3A_590 = vector.broadcast %sub3A_589 : i32 to vector<16xi32>
    %sub3A_591 = arith.subi %sub3A_590, %shift_right_logical3A_588 : vector<16xi32>
    %bitcast3A_592 = vector.bitcast %sub3A_591 : vector<16xi32> to vector<16xf32>
    %mul3A_593 = arith.constant 5.000000e-01 : f32
    %mul3A_594 = vector.broadcast %mul3A_593 : f32 to vector<16xf32>
    %mul3A_595 = arith.mulf %mul3A_594, %scan3A_322#5 : vector<16xf32>
    %mul3A_596 = arith.mulf %mul3A_595, %bitcast3A_592 : vector<16xf32>
    %mul3A_597 = arith.mulf %mul3A_596, %bitcast3A_592 : vector<16xf32>
    %sub3A_598 = arith.constant 1.500000e+00 : f32
    %sub3A_599 = vector.broadcast %sub3A_598 : f32 to vector<16xf32>
    %sub3A_600 = arith.subf %sub3A_599, %mul3A_597 : vector<16xf32>
    %mul3A_601 = arith.mulf %bitcast3A_592, %sub3A_600 : vector<16xf32>
    %mul3A_602 = arith.constant 5.000000e-01 : f32
    %mul3A_603 = vector.broadcast %mul3A_602 : f32 to vector<16xf32>
    %mul3A_604 = arith.mulf %mul3A_603, %scan3A_322#5 : vector<16xf32>
    %mul3A_605 = arith.mulf %mul3A_604, %mul3A_601 : vector<16xf32>
    %mul3A_606 = arith.mulf %mul3A_605, %mul3A_601 : vector<16xf32>
    %sub3A_607 = arith.constant 1.500000e+00 : f32
    %sub3A_608 = vector.broadcast %sub3A_607 : f32 to vector<16xf32>
    %sub3A_609 = arith.subf %sub3A_608, %mul3A_606 : vector<16xf32>
    %mul3A_610 = arith.mulf %mul3A_601, %sub3A_609 : vector<16xf32>
    %mul3A_611 = arith.constant 5.000000e-01 : f32
    %mul3A_612 = vector.broadcast %mul3A_611 : f32 to vector<16xf32>
    %mul3A_613 = arith.mulf %mul3A_612, %scan3A_322#5 : vector<16xf32>
    %mul3A_614 = arith.mulf %mul3A_613, %mul3A_610 : vector<16xf32>
    %mul3A_615 = arith.mulf %mul3A_614, %mul3A_610 : vector<16xf32>
    %sub3A_616 = arith.constant 1.500000e+00 : f32
    %sub3A_617 = vector.broadcast %sub3A_616 : f32 to vector<16xf32>
    %sub3A_618 = arith.subf %sub3A_617, %mul3A_615 : vector<16xf32>
    %mul3A_619 = arith.mulf %mul3A_610, %sub3A_618 : vector<16xf32>
    %gt3A_620 = arith.constant 0.000000e+00 : f32
    %gt3A_621 = vector.broadcast %gt3A_620 : f32 to vector<16xf32>
    %gt3A_622 = arith.cmpf ogt, %scan3A_322#5, %gt3A_621 : vector<16xf32>
    %mul3A_623 = arith.mulf %scan3A_322#5, %mul3A_619 : vector<16xf32>
    %jit3A_624 = arith.constant 0.000000e+00 : f32
    %broadcast_in_dim3A_625 = vector.broadcast %jit3A_624 : f32 to vector<16xf32>
    %select_n3A_626 = arith.select %gt3A_622, %mul3A_623, %broadcast_in_dim3A_625 : vector<16xi1>, vector<16xf32>
    %div3A_627 = arith.divf %select_n3A_626, %get3A_584 : vector<16xf32>
    %swap3A_628 = arith.constant 0 : i32
    %swap3A_629 = arith.index_cast %swap3A_628 : i32 to index
    %swap3A_630 = arith.constant 80 : index
    %swap3A_631 = tpu.vector_load %arg11[%swap3A_629, %swap3A_630] {strides = array<i32>} : memref<4x128xf32, #tpu.memory_space<vmem>>, vector<16xf32>,
    tpu.vector_store %arg11[%swap3A_629, %swap3A_630], %div3A_627 {strides = array<i32>} : memref<4x128xf32, #tpu.memory_space<vmem>>, vector<16xf32>,
    %get3A_632 = arith.constant 0 : i32
    %get3A_633 = arith.index_cast %get3A_632 : i32 to index
    %get3A_634 = arith.constant 96 : index
    %get3A_635 = tpu.vector_load %arg10[%get3A_633, %get3A_634] {strides = array<i32>} : memref<4x128xf32, #tpu.memory_space<vmem>>, vector<16xf32>,
    %bitcast3A_636 = vector.bitcast %scan3A_322#6 : vector<16xf32> to vector<16xi32>
    %shift_right_logical3A_637 = arith.constant 1 : i32
    %shift_right_logical3A_638 = vector.broadcast %shift_right_logical3A_637 : i32 to vector<16xi32>
    %shift_right_logical3A_639 = arith.shrui %bitcast3A_636, %shift_right_logical3A_638 : vector<16xi32>
    %sub3A_640 = arith.constant 1597463007 : i32
    %sub3A_641 = vector.broadcast %sub3A_640 : i32 to vector<16xi32>
    %sub3A_642 = arith.subi %sub3A_641, %shift_right_logical3A_639 : vector<16xi32>
    %bitcast3A_643 = vector.bitcast %sub3A_642 : vector<16xi32> to vector<16xf32>
    %mul3A_644 = arith.constant 5.000000e-01 : f32
    %mul3A_645 = vector.broadcast %mul3A_644 : f32 to vector<16xf32>
    %mul3A_646 = arith.mulf %mul3A_645, %scan3A_322#6 : vector<16xf32>
    %mul3A_647 = arith.mulf %mul3A_646, %bitcast3A_643 : vector<16xf32>
    %mul3A_648 = arith.mulf %mul3A_647, %bitcast3A_643 : vector<16xf32>
    %sub3A_649 = arith.constant 1.500000e+00 : f32
    %sub3A_650 = vector.broadcast %sub3A_649 : f32 to vector<16xf32>
    %sub3A_651 = arith.subf %sub3A_650, %mul3A_648 : vector<16xf32>
    %mul3A_652 = arith.mulf %bitcast3A_643, %sub3A_651 : vector<16xf32>
    %mul3A_653 = arith.constant 5.000000e-01 : f32
    %mul3A_654 = vector.broadcast %mul3A_653 : f32 to vector<16xf32>
    %mul3A_655 = arith.mulf %mul3A_654, %scan3A_322#6 : vector<16xf32>
    %mul3A_656 = arith.mulf %mul3A_655, %mul3A_652 : vector<16xf32>
    %mul3A_657 = arith.mulf %mul3A_656, %mul3A_652 : vector<16xf32>
    %sub3A_658 = arith.constant 1.500000e+00 : f32
    %sub3A_659 = vector.broadcast %sub3A_658 : f32 to vector<16xf32>
    %sub3A_660 = arith.subf %sub3A_659, %mul3A_657 : vector<16xf32>
    %mul3A_661 = arith.mulf %mul3A_652, %sub3A_660 : vector<16xf32>
    %mul3A_662 = arith.constant 5.000000e-01 : f32
    %mul3A_663 = vector.broadcast %mul3A_662 : f32 to vector<16xf32>
    %mul3A_664 = arith.mulf %mul3A_663, %scan3A_322#6 : vector<16xf32>
    %mul3A_665 = arith.mulf %mul3A_664, %mul3A_661 : vector<16xf32>
    %mul3A_666 = arith.mulf %mul3A_665, %mul3A_661 : vector<16xf32>
    %sub3A_667 = arith.constant 1.500000e+00 : f32
    %sub3A_668 = vector.broadcast %sub3A_667 : f32 to vector<16xf32>
    %sub3A_669 = arith.subf %sub3A_668, %mul3A_666 : vector<16xf32>
    %mul3A_670 = arith.mulf %mul3A_661, %sub3A_669 : vector<16xf32>
    %gt3A_671 = arith.constant 0.000000e+00 : f32
    %gt3A_672 = vector.broadcast %gt3A_671 : f32 to vector<16xf32>
    %gt3A_673 = arith.cmpf ogt, %scan3A_322#6, %gt3A_672 : vector<16xf32>
    %mul3A_674 = arith.mulf %scan3A_322#6, %mul3A_670 : vector<16xf32>
    %jit3A_675 = arith.constant 0.000000e+00 : f32
    %broadcast_in_dim3A_676 = vector.broadcast %jit3A_675 : f32 to vector<16xf32>
    %select_n3A_677 = arith.select %gt3A_673, %mul3A_674, %broadcast_in_dim3A_676 : vector<16xi1>, vector<16xf32>
    %div3A_678 = arith.divf %select_n3A_677, %get3A_635 : vector<16xf32>
    %swap3A_679 = arith.constant 0 : i32
    %swap3A_680 = arith.index_cast %swap3A_679 : i32 to index
    %swap3A_681 = arith.constant 96 : index
    %swap3A_682 = tpu.vector_load %arg11[%swap3A_680, %swap3A_681] {strides = array<i32>} : memref<4x128xf32, #tpu.memory_space<vmem>>, vector<16xf32>,
    tpu.vector_store %arg11[%swap3A_680, %swap3A_681], %div3A_678 {strides = array<i32>} : memref<4x128xf32, #tpu.memory_space<vmem>>, vector<16xf32>,
    %get3A_683 = arith.constant 0 : i32
    %get3A_684 = arith.index_cast %get3A_683 : i32 to index
    %get3A_685 = arith.constant 112 : index
    %get3A_686 = tpu.vector_load %arg10[%get3A_684, %get3A_685] {strides = array<i32>} : memref<4x128xf32, #tpu.memory_space<vmem>>, vector<16xf32>,
    %bitcast3A_687 = vector.bitcast %scan3A_322#7 : vector<16xf32> to vector<16xi32>
    %shift_right_logical3A_688 = arith.constant 1 : i32
    %shift_right_logical3A_689 = vector.broadcast %shift_right_logical3A_688 : i32 to vector<16xi32>
    %shift_right_logical3A_690 = arith.shrui %bitcast3A_687, %shift_right_logical3A_689 : vector<16xi32>
    %sub3A_691 = arith.constant 1597463007 : i32
    %sub3A_692 = vector.broadcast %sub3A_691 : i32 to vector<16xi32>
    %sub3A_693 = arith.subi %sub3A_692, %shift_right_logical3A_690 : vector<16xi32>
    %bitcast3A_694 = vector.bitcast %sub3A_693 : vector<16xi32> to vector<16xf32>
    %mul3A_695 = arith.constant 5.000000e-01 : f32
    %mul3A_696 = vector.broadcast %mul3A_695 : f32 to vector<16xf32>
    %mul3A_697 = arith.mulf %mul3A_696, %scan3A_322#7 : vector<16xf32>
    %mul3A_698 = arith.mulf %mul3A_697, %bitcast3A_694 : vector<16xf32>
    %mul3A_699 = arith.mulf %mul3A_698, %bitcast3A_694 : vector<16xf32>
    %sub3A_700 = arith.constant 1.500000e+00 : f32
    %sub3A_701 = vector.broadcast %sub3A_700 : f32 to vector<16xf32>
    %sub3A_702 = arith.subf %sub3A_701, %mul3A_699 : vector<16xf32>
    %mul3A_703 = arith.mulf %bitcast3A_694, %sub3A_702 : vector<16xf32>
    %mul3A_704 = arith.constant 5.000000e-01 : f32
    %mul3A_705 = vector.broadcast %mul3A_704 : f32 to vector<16xf32>
    %mul3A_706 = arith.mulf %mul3A_705, %scan3A_322#7 : vector<16xf32>
    %mul3A_707 = arith.mulf %mul3A_706, %mul3A_703 : vector<16xf32>
    %mul3A_708 = arith.mulf %mul3A_707, %mul3A_703 : vector<16xf32>
    %sub3A_709 = arith.constant 1.500000e+00 : f32
    %sub3A_710 = vector.broadcast %sub3A_709 : f32 to vector<16xf32>
    %sub3A_711 = arith.subf %sub3A_710, %mul3A_708 : vector<16xf32>
    %mul3A_712 = arith.mulf %mul3A_703, %sub3A_711 : vector<16xf32>
    %mul3A_713 = arith.constant 5.000000e-01 : f32
    %mul3A_714 = vector.broadcast %mul3A_713 : f32 to vector<16xf32>
    %mul3A_715 = arith.mulf %mul3A_714, %scan3A_322#7 : vector<16xf32>
    %mul3A_716 = arith.mulf %mul3A_715, %mul3A_712 : vector<16xf32>
    %mul3A_717 = arith.mulf %mul3A_716, %mul3A_712 : vector<16xf32>
    %sub3A_718 = arith.constant 1.500000e+00 : f32
    %sub3A_719 = vector.broadcast %sub3A_718 : f32 to vector<16xf32>
    %sub3A_720 = arith.subf %sub3A_719, %mul3A_717 : vector<16xf32>
    %mul3A_721 = arith.mulf %mul3A_712, %sub3A_720 : vector<16xf32>
    %gt3A_722 = arith.constant 0.000000e+00 : f32
    %gt3A_723 = vector.broadcast %gt3A_722 : f32 to vector<16xf32>
    %gt3A_724 = arith.cmpf ogt, %scan3A_322#7, %gt3A_723 : vector<16xf32>
    %mul3A_725 = arith.mulf %scan3A_322#7, %mul3A_721 : vector<16xf32>
    %jit3A_726 = arith.constant 0.000000e+00 : f32
    %broadcast_in_dim3A_727 = vector.broadcast %jit3A_726 : f32 to vector<16xf32>
    %select_n3A_728 = arith.select %gt3A_724, %mul3A_725, %broadcast_in_dim3A_727 : vector<16xi1>, vector<16xf32>
    %div3A_729 = arith.divf %select_n3A_728, %get3A_686 : vector<16xf32>
    %swap3A_730 = arith.constant 0 : i32
    %swap3A_731 = arith.index_cast %swap3A_730 : i32 to index
    %swap3A_732 = arith.constant 112 : index
    %swap3A_733 = tpu.vector_load %arg11[%swap3A_731, %swap3A_732] {strides = array<i32>} : memref<4x128xf32, #tpu.memory_space<vmem>>, vector<16xf32>,
    tpu.vector_store %arg11[%swap3A_731, %swap3A_732], %div3A_729 {strides = array<i32>} : memref<4x128xf32, #tpu.memory_space<vmem>>, vector<16xf32>,
    %add3A_734 = arith.constant 0 : i32
    %add3A_735 = arith.addi %mul3A_2, %add3A_734 : i32
    %dma_start3A_736 = arith.constant 0 : i32
    %dma_start3A_737 = arith.constant 0 : i32
    %dma_start3A_738 = tpu.memref_slice %arg11[%dma_start3A_736, %dma_start3A_737] : memref<4x128xf32, #tpu.memory_space<vmem>> -> memref<1x128xf32, #tpu.memory_space<vmem>>
    %dma_start3A_739 = tpu.memref_squeeze %dma_start3A_738 : memref<1x128xf32, #tpu.memory_space<vmem>> -> memref<128xf32, #tpu.memory_space<vmem>>
    %dma_start3A_740 = tpu.memref_slice %arg5[%add3A_735] : memref<16384xf32, #tpu.memory_space<hbm>> -> memref<128xf32, #tpu.memory_space<hbm>>
    %dma_start3A_741 = tpu.memref_slice %arg5[%add3A_735] : memref<16384xf32, #tpu.memory_space<hbm>> -> memref<128xf32, #tpu.memory_space<hbm>>
    %dma_start3A_742 = arith.constant 0 : i32
    %dma_start3A_743 = tpu.memref_slice %arg11[%dma_start3A_736, %dma_start3A_742] : memref<4x128xf32, #tpu.memory_space<vmem>> -> memref<1x128xf32, #tpu.memory_space<vmem>>
    %dma_start3A_744 = tpu.memref_squeeze %dma_start3A_743 : memref<1x128xf32, #tpu.memory_space<vmem>> -> memref<128xf32, #tpu.memory_space<vmem>>
    tpu.enqueue_dma source(%dma_start3A_744 : memref<128xf32, #tpu.memory_space<vmem>>) target(%dma_start3A_741 : memref<128xf32, #tpu.memory_space<hbm>>) target_semaphore(%arg19 : memref<!tpu.dma_semaphore, #tpu.memory_space<semaphore_mem>>)
    %add3A_745 = arith.constant 384 : i32
    %add3A_746 = arith.addi %mul3A_2, %add3A_745 : i32
    %dma_start3A_747 = arith.constant 0 : i32
    %dma_start3A_748 = arith.constant 0 : i32
    %dma_start3A_749 = arith.constant 0 : i32
    %dma_start3A_750 = tpu.memref_slice %arg8[%dma_start3A_747, %dma_start3A_748, %dma_start3A_749] : memref<3x128x128xf32, #tpu.memory_space<vmem>> -> memref<1x128x128xf32, #tpu.memory_space<vmem>>
    %dma_start3A_751 = tpu.memref_squeeze %dma_start3A_750 : memref<1x128x128xf32, #tpu.memory_space<vmem>> -> memref<128x128xf32, #tpu.memory_space<vmem>>
    %dma_start3A_752 = arith.constant 0 : i32
    %dma_start3A_753 = tpu.memref_slice %arg2[%add3A_746, %dma_start3A_752] : memref<16384x128xf32, #tpu.memory_space<hbm>> -> memref<128x128xf32, #tpu.memory_space<hbm>>
    %dma_start3A_754 = arith.constant 0 : i32
    %dma_start3A_755 = arith.constant 0 : i32
    %dma_start3A_756 = tpu.memref_slice %arg8[%dma_start3A_747, %dma_start3A_754, %dma_start3A_755] : memref<3x128x128xf32, #tpu.memory_space<vmem>> -> memref<1x128x128xf32, #tpu.memory_space<vmem>>
    %dma_start3A_757 = tpu.memref_squeeze %dma_start3A_756 : memref<1x128x128xf32, #tpu.memory_space<vmem>> -> memref<128x128xf32, #tpu.memory_space<vmem>>
    %dma_start3A_758 = arith.constant 0 : i32
    %dma_start3A_759 = tpu.memref_slice %arg2[%add3A_746, %dma_start3A_758] : memref<16384x128xf32, #tpu.memory_space<hbm>> -> memref<128x128xf32, #tpu.memory_space<hbm>>
    tpu.enqueue_dma source(%dma_start3A_759 : memref<128x128xf32, #tpu.memory_space<hbm>>) target(%dma_start3A_757 : memref<128x128xf32, #tpu.memory_space<vmem>>) target_semaphore(%arg24 : memref<!tpu.dma_semaphore, #tpu.memory_space<semaphore_mem>>)
    %dma_start3A_760 = arith.constant 3 : i32
    %dma_start3A_761 = arith.constant 0 : i32
    %dma_start3A_762 = arith.constant 0 : i32
    %dma_start3A_763 = arith.constant 0 : i32
    %dma_start3A_764 = tpu.memref_slice %arg9[%dma_start3A_761, %dma_start3A_762, %dma_start3A_763] : memref<3x128x128xf32, #tpu.memory_space<vmem>> -> memref<1x128x128xf32, #tpu.memory_space<vmem>>
    %dma_start3A_765 = tpu.memref_squeeze %dma_start3A_764 : memref<1x128x128xf32, #tpu.memory_space<vmem>> -> memref<128x128xf32, #tpu.memory_space<vmem>>
    %dma_start3A_766 = arith.constant 0 : i32
    %dma_start3A_767 = tpu.memref_slice %arg7[%dma_start3A_760, %dma_start3A_766] : memref<4x128xi32, #tpu.memory_space<vmem>> -> memref<1x128xi32, #tpu.memory_space<vmem>>
    %dma_start3A_768 = tpu.memref_squeeze %dma_start3A_767 : memref<1x128xi32, #tpu.memory_space<vmem>> -> memref<128xi32, #tpu.memory_space<vmem>>
    %dma_start3A_769 = arith.constant 0 : i32
    %dma_start3A_770 = arith.constant 0 : i32
    %dma_start3A_771 = tpu.memref_slice %arg4[%dma_start3A_769, %dma_start3A_770] : memref<100000x128xf32, #tpu.memory_space<hbm>> -> memref<100000x128xf32, #tpu.memory_space<hbm>>
    tpu.enqueue_indirect_dma source(%dma_start3A_771 : memref<100000x128xf32, #tpu.memory_space<hbm>>) target(%dma_start3A_765 : memref<128x128xf32, #tpu.memory_space<vmem>>) offsets(%dma_start3A_768 : memref<128xi32, #tpu.memory_space<vmem>>) semaphore(%arg27 : memref<!tpu.dma_semaphore, #tpu.memory_space<semaphore_mem>>)
    %dma_wait3A_772 = arith.constant 1 : i32
    %dma_wait3A_773 = arith.constant 1 : i32
    %dma_wait3A_774 = arith.constant 0 : i32
    %dma_wait3A_775 = arith.constant 0 : i32
    %dma_wait3A_776 = tpu.memref_slice %arg9[%dma_wait3A_773, %dma_wait3A_774, %dma_wait3A_775] : memref<3x128x128xf32, #tpu.memory_space<vmem>> -> memref<1x128x128xf32, #tpu.memory_space<vmem>>
    %dma_wait3A_777 = tpu.memref_squeeze %dma_wait3A_776 : memref<1x128x128xf32, #tpu.memory_space<vmem>> -> memref<128x128xf32, #tpu.memory_space<vmem>>
    %dma_wait3A_778 = arith.constant 0 : i32
    %dma_wait3A_779 = tpu.memref_slice %arg7[%dma_wait3A_772, %dma_wait3A_778] : memref<4x128xi32, #tpu.memory_space<vmem>> -> memref<1x128xi32, #tpu.memory_space<vmem>>
    %dma_wait3A_780 = tpu.memref_squeeze %dma_wait3A_779 : memref<1x128xi32, #tpu.memory_space<vmem>> -> memref<128xi32, #tpu.memory_space<vmem>>
    %dma_wait3A_781 = arith.constant 0 : i32
    %dma_wait3A_782 = arith.constant 0 : i32
    %dma_wait3A_783 = tpu.memref_slice %arg4[%dma_wait3A_781, %dma_wait3A_782] : memref<100000x128xf32, #tpu.memory_space<hbm>> -> memref<100000x128xf32, #tpu.memory_space<hbm>>
    tpu.wait_indirect_dma semaphore(%arg28 : memref<!tpu.dma_semaphore, #tpu.memory_space<semaphore_mem>>) src(%dma_wait3A_783 : memref<100000x128xf32, #tpu.memory_space<hbm>>) dst(%dma_wait3A_777 : memref<128x128xf32, #tpu.memory_space<vmem>>)
    %dma_wait3A_784 = arith.constant 1 : i32
    %dma_wait3A_785 = arith.constant 0 : i32
    %dma_wait3A_786 = arith.constant 0 : i32
    %dma_wait3A_787 = tpu.memref_slice %arg8[%dma_wait3A_784, %dma_wait3A_785, %dma_wait3A_786] : memref<3x128x128xf32, #tpu.memory_space<vmem>> -> memref<1x128x128xf32, #tpu.memory_space<vmem>>
    %dma_wait3A_788 = tpu.memref_squeeze %dma_wait3A_787 : memref<1x128x128xf32, #tpu.memory_space<vmem>> -> memref<128x128xf32, #tpu.memory_space<vmem>>
    %dma_wait3A_789 = arith.constant 0 : i32
    %dma_wait3A_790 = tpu.memref_slice %arg2[%add3A_43, %dma_wait3A_789] : memref<16384x128xf32, #tpu.memory_space<hbm>> -> memref<128x128xf32, #tpu.memory_space<hbm>>
    %dma_wait3A_791 = arith.constant 0 : i32
    %dma_wait3A_792 = arith.constant 0 : i32
    %dma_wait3A_793 = tpu.memref_slice %arg8[%dma_wait3A_784, %dma_wait3A_791, %dma_wait3A_792] : memref<3x128x128xf32, #tpu.memory_space<vmem>> -> memref<1x128x128xf32, #tpu.memory_space<vmem>>
    %dma_wait3A_794 = tpu.memref_squeeze %dma_wait3A_793 : memref<1x128x128xf32, #tpu.memory_space<vmem>> -> memref<128x128xf32, #tpu.memory_space<vmem>>
    %dma_wait3A_795 = arith.constant 0 : i32
    %dma_wait3A_796 = tpu.memref_slice %arg2[%add3A_43, %dma_wait3A_795] : memref<16384x128xf32, #tpu.memory_space<hbm>> -> memref<128x128xf32, #tpu.memory_space<hbm>>
    tpu.wait_dma2 semaphore(%arg25 : memref<!tpu.dma_semaphore, #tpu.memory_space<semaphore_mem>>) src(%dma_wait3A_796 : memref<128x128xf32, #tpu.memory_space<hbm>>) dst(%dma_wait3A_794 : memref<128x128xf32, #tpu.memory_space<vmem>>)
    %scan3A_797 = arith.constant 1 : i32
    %scan3A_798 = arith.constant 1 : i32
    %scan3A_799 = arith.constant 0 : i32
    %scan3A_800 = arith.constant 128 : i32
    %scan3A_801 = arith.addi %scan3A_799, %scan3A_800 : i32
    %scan3A_802 = arith.constant 1 : i32
    %scan3A_803:8 = scf.for %scan3A_2194 = %scan3A_799 to %scan3A_801 step %scan3A_802 iter_args(%scan3A_2195 = %broadcast_in_dim3A_96, %scan3A_2196 = %broadcast_in_dim3A_96, %scan3A_2197 = %broadcast_in_dim3A_96, %scan3A_2198 = %broadcast_in_dim3A_96, %scan3A_2199 = %broadcast_in_dim3A_96, %scan3A_2200 = %broadcast_in_dim3A_96, %scan3A_2201 = %broadcast_in_dim3A_96, %scan3A_2202 = %broadcast_in_dim3A_96) -> (vector<16xf32>, vector<16xf32>, vector<16xf32>, vector<16xf32>, vector<16xf32>, vector<16xf32>, vector<16xf32>, vector<16xf32>)  : i32 {
      %broadcast_in_dim3A_2203 = vector.broadcast %scan3A_2194 : i32 to vector<16xi32>
      %and3A = arith.constant -16 : i32
      %and3A_2204 = vector.broadcast %and3A : i32 to vector<16xi32>
      %and3A_2205 = arith.andi %broadcast_in_dim3A_2203, %and3A_2204 : vector<16xi32>
      %add3A_2206 = arith.addi %iota3A, %broadcast_in_dim3A_2203 : vector<16xi32>
      %and3A_2207 = arith.constant 15 : i32
      %and3A_2208 = vector.broadcast %and3A_2207 : i32 to vector<16xi32>
      %and3A_2209 = arith.andi %add3A_2206, %and3A_2208 : vector<16xi32>
      %add3A_2210 = arith.addi %and3A_2205, %and3A_2209 : vector<16xi32>
      %gather3A = arith.constant 0 : i32
      %gather3A_2211 = arith.constant 0 : i32
      %gather3A_2212 = tpu.memref_slice %arg8[%scan3A_797, %gather3A, %gather3A_2211] : memref<3x128x128xf32, #tpu.memory_space<vmem>> -> memref<1x128x128xf32, #tpu.memory_space<vmem>>
      %gather3A_2213 = tpu.memref_squeeze %gather3A_2212 : memref<1x128x128xf32, #tpu.memory_space<vmem>> -> memref<128x128xf32, #tpu.memory_space<vmem>>
      %gather3A_2214 = tpu.vector_load_idx %gather3A_2213[%add3A_269, %add3A_2210] : memref<128x128xf32, #tpu.memory_space<vmem>>[vector<16xi32>, vector<16xi32>], vector<16xf32>,
      %gather3A_2215 = arith.constant 0 : i32
      %gather3A_2216 = arith.constant 0 : i32
      %gather3A_2217 = tpu.memref_slice %arg9[%scan3A_798, %gather3A_2215, %gather3A_2216] : memref<3x128x128xf32, #tpu.memory_space<vmem>> -> memref<1x128x128xf32, #tpu.memory_space<vmem>>
      %gather3A_2218 = tpu.memref_squeeze %gather3A_2217 : memref<1x128x128xf32, #tpu.memory_space<vmem>> -> memref<128x128xf32, #tpu.memory_space<vmem>>
      %gather3A_2219 = tpu.vector_load_idx %gather3A_2218[%add3A_269, %add3A_2210] : memref<128x128xf32, #tpu.memory_space<vmem>>[vector<16xi32>, vector<16xi32>], vector<16xf32>,
      %sub3A_2220 = arith.subf %gather3A_2214, %gather3A_2219 : vector<16xf32>
      %mul3A_2221 = arith.mulf %sub3A_2220, %sub3A_2220 : vector<16xf32>
      %add3A_2222 = arith.addf %scan3A_2195, %mul3A_2221 : vector<16xf32>
      %gather3A_2223 = arith.constant 0 : i32
      %gather3A_2224 = arith.constant 0 : i32
      %gather3A_2225 = tpu.memref_slice %arg8[%scan3A_797, %gather3A_2223, %gather3A_2224] : memref<3x128x128xf32, #tpu.memory_space<vmem>> -> memref<1x128x128xf32, #tpu.memory_space<vmem>>
      %gather3A_2226 = tpu.memref_squeeze %gather3A_2225 : memref<1x128x128xf32, #tpu.memory_space<vmem>> -> memref<128x128xf32, #tpu.memory_space<vmem>>
      %gather3A_2227 = tpu.vector_load_idx %gather3A_2226[%add3A_272, %add3A_2210] : memref<128x128xf32, #tpu.memory_space<vmem>>[vector<16xi32>, vector<16xi32>], vector<16xf32>,
      %gather3A_2228 = arith.constant 0 : i32
      %gather3A_2229 = arith.constant 0 : i32
      %gather3A_2230 = tpu.memref_slice %arg9[%scan3A_798, %gather3A_2228, %gather3A_2229] : memref<3x128x128xf32, #tpu.memory_space<vmem>> -> memref<1x128x128xf32, #tpu.memory_space<vmem>>
      %gather3A_2231 = tpu.memref_squeeze %gather3A_2230 : memref<1x128x128xf32, #tpu.memory_space<vmem>> -> memref<128x128xf32, #tpu.memory_space<vmem>>
      %gather3A_2232 = tpu.vector_load_idx %gather3A_2231[%add3A_272, %add3A_2210] : memref<128x128xf32, #tpu.memory_space<vmem>>[vector<16xi32>, vector<16xi32>], vector<16xf32>,
      %sub3A_2233 = arith.subf %gather3A_2227, %gather3A_2232 : vector<16xf32>
      %mul3A_2234 = arith.mulf %sub3A_2233, %sub3A_2233 : vector<16xf32>
      %add3A_2235 = arith.addf %scan3A_2196, %mul3A_2234 : vector<16xf32>
      %gather3A_2236 = arith.constant 0 : i32
      %gather3A_2237 = arith.constant 0 : i32
      %gather3A_2238 = tpu.memref_slice %arg8[%scan3A_797, %gather3A_2236, %gather3A_2237] : memref<3x128x128xf32, #tpu.memory_space<vmem>> -> memref<1x128x128xf32, #tpu.memory_space<vmem>>
      %gather3A_2239 = tpu.memref_squeeze %gather3A_2238 : memref<1x128x128xf32, #tpu.memory_space<vmem>> -> memref<128x128xf32, #tpu.memory_space<vmem>>
      %gather3A_2240 = tpu.vector_load_idx %gather3A_2239[%add3A_275, %add3A_2210] : memref<128x128xf32, #tpu.memory_space<vmem>>[vector<16xi32>, vector<16xi32>], vector<16xf32>,
      %gather3A_2241 = arith.constant 0 : i32
      %gather3A_2242 = arith.constant 0 : i32
      %gather3A_2243 = tpu.memref_slice %arg9[%scan3A_798, %gather3A_2241, %gather3A_2242] : memref<3x128x128xf32, #tpu.memory_space<vmem>> -> memref<1x128x128xf32, #tpu.memory_space<vmem>>
      %gather3A_2244 = tpu.memref_squeeze %gather3A_2243 : memref<1x128x128xf32, #tpu.memory_space<vmem>> -> memref<128x128xf32, #tpu.memory_space<vmem>>
      %gather3A_2245 = tpu.vector_load_idx %gather3A_2244[%add3A_275, %add3A_2210] : memref<128x128xf32, #tpu.memory_space<vmem>>[vector<16xi32>, vector<16xi32>], vector<16xf32>,
      %sub3A_2246 = arith.subf %gather3A_2240, %gather3A_2245 : vector<16xf32>
      %mul3A_2247 = arith.mulf %sub3A_2246, %sub3A_2246 : vector<16xf32>
      %add3A_2248 = arith.addf %scan3A_2197, %mul3A_2247 : vector<16xf32>
      %gather3A_2249 = arith.constant 0 : i32
      %gather3A_2250 = arith.constant 0 : i32
      %gather3A_2251 = tpu.memref_slice %arg8[%scan3A_797, %gather3A_2249, %gather3A_2250] : memref<3x128x128xf32, #tpu.memory_space<vmem>> -> memref<1x128x128xf32, #tpu.memory_space<vmem>>
      %gather3A_2252 = tpu.memref_squeeze %gather3A_2251 : memref<1x128x128xf32, #tpu.memory_space<vmem>> -> memref<128x128xf32, #tpu.memory_space<vmem>>
      %gather3A_2253 = tpu.vector_load_idx %gather3A_2252[%add3A_278, %add3A_2210] : memref<128x128xf32, #tpu.memory_space<vmem>>[vector<16xi32>, vector<16xi32>], vector<16xf32>,
      %gather3A_2254 = arith.constant 0 : i32
      %gather3A_2255 = arith.constant 0 : i32
      %gather3A_2256 = tpu.memref_slice %arg9[%scan3A_798, %gather3A_2254, %gather3A_2255] : memref<3x128x128xf32, #tpu.memory_space<vmem>> -> memref<1x128x128xf32, #tpu.memory_space<vmem>>
      %gather3A_2257 = tpu.memref_squeeze %gather3A_2256 : memref<1x128x128xf32, #tpu.memory_space<vmem>> -> memref<128x128xf32, #tpu.memory_space<vmem>>
      %gather3A_2258 = tpu.vector_load_idx %gather3A_2257[%add3A_278, %add3A_2210] : memref<128x128xf32, #tpu.memory_space<vmem>>[vector<16xi32>, vector<16xi32>], vector<16xf32>,
      %sub3A_2259 = arith.subf %gather3A_2253, %gather3A_2258 : vector<16xf32>
      %mul3A_2260 = arith.mulf %sub3A_2259, %sub3A_2259 : vector<16xf32>
      %add3A_2261 = arith.addf %scan3A_2198, %mul3A_2260 : vector<16xf32>
      %gather3A_2262 = arith.constant 0 : i32
      %gather3A_2263 = arith.constant 0 : i32
      %gather3A_2264 = tpu.memref_slice %arg8[%scan3A_797, %gather3A_2262, %gather3A_2263] : memref<3x128x128xf32, #tpu.memory_space<vmem>> -> memref<1x128x128xf32, #tpu.memory_space<vmem>>
      %gather3A_2265 = tpu.memref_squeeze %gather3A_2264 : memref<1x128x128xf32, #tpu.memory_space<vmem>> -> memref<128x128xf32, #tpu.memory_space<vmem>>
      %gather3A_2266 = tpu.vector_load_idx %gather3A_2265[%add3A_281, %add3A_2210] : memref<128x128xf32, #tpu.memory_space<vmem>>[vector<16xi32>, vector<16xi32>], vector<16xf32>,
      %gather3A_2267 = arith.constant 0 : i32
      %gather3A_2268 = arith.constant 0 : i32
      %gather3A_2269 = tpu.memref_slice %arg9[%scan3A_798, %gather3A_2267, %gather3A_2268] : memref<3x128x128xf32, #tpu.memory_space<vmem>> -> memref<1x128x128xf32, #tpu.memory_space<vmem>>
      %gather3A_2270 = tpu.memref_squeeze %gather3A_2269 : memref<1x128x128xf32, #tpu.memory_space<vmem>> -> memref<128x128xf32, #tpu.memory_space<vmem>>
      %gather3A_2271 = tpu.vector_load_idx %gather3A_2270[%add3A_281, %add3A_2210] : memref<128x128xf32, #tpu.memory_space<vmem>>[vector<16xi32>, vector<16xi32>], vector<16xf32>,
      %sub3A_2272 = arith.subf %gather3A_2266, %gather3A_2271 : vector<16xf32>
      %mul3A_2273 = arith.mulf %sub3A_2272, %sub3A_2272 : vector<16xf32>
      %add3A_2274 = arith.addf %scan3A_2199, %mul3A_2273 : vector<16xf32>
      %gather3A_2275 = arith.constant 0 : i32
      %gather3A_2276 = arith.constant 0 : i32
      %gather3A_2277 = tpu.memref_slice %arg8[%scan3A_797, %gather3A_2275, %gather3A_2276] : memref<3x128x128xf32, #tpu.memory_space<vmem>> -> memref<1x128x128xf32, #tpu.memory_space<vmem>>
      %gather3A_2278 = tpu.memref_squeeze %gather3A_2277 : memref<1x128x128xf32, #tpu.memory_space<vmem>> -> memref<128x128xf32, #tpu.memory_space<vmem>>
      %gather3A_2279 = tpu.vector_load_idx %gather3A_2278[%add3A_284, %add3A_2210] : memref<128x128xf32, #tpu.memory_space<vmem>>[vector<16xi32>, vector<16xi32>], vector<16xf32>,
      %gather3A_2280 = arith.constant 0 : i32
      %gather3A_2281 = arith.constant 0 : i32
      %gather3A_2282 = tpu.memref_slice %arg9[%scan3A_798, %gather3A_2280, %gather3A_2281] : memref<3x128x128xf32, #tpu.memory_space<vmem>> -> memref<1x128x128xf32, #tpu.memory_space<vmem>>
      %gather3A_2283 = tpu.memref_squeeze %gather3A_2282 : memref<1x128x128xf32, #tpu.memory_space<vmem>> -> memref<128x128xf32, #tpu.memory_space<vmem>>
      %gather3A_2284 = tpu.vector_load_idx %gather3A_2283[%add3A_284, %add3A_2210] : memref<128x128xf32, #tpu.memory_space<vmem>>[vector<16xi32>, vector<16xi32>], vector<16xf32>,
      %sub3A_2285 = arith.subf %gather3A_2279, %gather3A_2284 : vector<16xf32>
      %mul3A_2286 = arith.mulf %sub3A_2285, %sub3A_2285 : vector<16xf32>
      %add3A_2287 = arith.addf %scan3A_2200, %mul3A_2286 : vector<16xf32>
      %gather3A_2288 = arith.constant 0 : i32
      %gather3A_2289 = arith.constant 0 : i32
      %gather3A_2290 = tpu.memref_slice %arg8[%scan3A_797, %gather3A_2288, %gather3A_2289] : memref<3x128x128xf32, #tpu.memory_space<vmem>> -> memref<1x128x128xf32, #tpu.memory_space<vmem>>
      %gather3A_2291 = tpu.memref_squeeze %gather3A_2290 : memref<1x128x128xf32, #tpu.memory_space<vmem>> -> memref<128x128xf32, #tpu.memory_space<vmem>>
      %gather3A_2292 = tpu.vector_load_idx %gather3A_2291[%add3A_287, %add3A_2210] : memref<128x128xf32, #tpu.memory_space<vmem>>[vector<16xi32>, vector<16xi32>], vector<16xf32>,
      %gather3A_2293 = arith.constant 0 : i32
      %gather3A_2294 = arith.constant 0 : i32
      %gather3A_2295 = tpu.memref_slice %arg9[%scan3A_798, %gather3A_2293, %gather3A_2294] : memref<3x128x128xf32, #tpu.memory_space<vmem>> -> memref<1x128x128xf32, #tpu.memory_space<vmem>>
      %gather3A_2296 = tpu.memref_squeeze %gather3A_2295 : memref<1x128x128xf32, #tpu.memory_space<vmem>> -> memref<128x128xf32, #tpu.memory_space<vmem>>
      %gather3A_2297 = tpu.vector_load_idx %gather3A_2296[%add3A_287, %add3A_2210] : memref<128x128xf32, #tpu.memory_space<vmem>>[vector<16xi32>, vector<16xi32>], vector<16xf32>,
      %sub3A_2298 = arith.subf %gather3A_2292, %gather3A_2297 : vector<16xf32>
      %mul3A_2299 = arith.mulf %sub3A_2298, %sub3A_2298 : vector<16xf32>
      %add3A_2300 = arith.addf %scan3A_2201, %mul3A_2299 : vector<16xf32>
      %gather3A_2301 = arith.constant 0 : i32
      %gather3A_2302 = arith.constant 0 : i32
      %gather3A_2303 = tpu.memref_slice %arg8[%scan3A_797, %gather3A_2301, %gather3A_2302] : memref<3x128x128xf32, #tpu.memory_space<vmem>> -> memref<1x128x128xf32, #tpu.memory_space<vmem>>
      %gather3A_2304 = tpu.memref_squeeze %gather3A_2303 : memref<1x128x128xf32, #tpu.memory_space<vmem>> -> memref<128x128xf32, #tpu.memory_space<vmem>>
      %gather3A_2305 = tpu.vector_load_idx %gather3A_2304[%add3A_290, %add3A_2210] : memref<128x128xf32, #tpu.memory_space<vmem>>[vector<16xi32>, vector<16xi32>], vector<16xf32>,
      %gather3A_2306 = arith.constant 0 : i32
      %gather3A_2307 = arith.constant 0 : i32
      %gather3A_2308 = tpu.memref_slice %arg9[%scan3A_798, %gather3A_2306, %gather3A_2307] : memref<3x128x128xf32, #tpu.memory_space<vmem>> -> memref<1x128x128xf32, #tpu.memory_space<vmem>>
      %gather3A_2309 = tpu.memref_squeeze %gather3A_2308 : memref<1x128x128xf32, #tpu.memory_space<vmem>> -> memref<128x128xf32, #tpu.memory_space<vmem>>
      %gather3A_2310 = tpu.vector_load_idx %gather3A_2309[%add3A_290, %add3A_2210] : memref<128x128xf32, #tpu.memory_space<vmem>>[vector<16xi32>, vector<16xi32>], vector<16xf32>,
      %sub3A_2311 = arith.subf %gather3A_2305, %gather3A_2310 : vector<16xf32>
      %mul3A_2312 = arith.mulf %sub3A_2311, %sub3A_2311 : vector<16xf32>
      %add3A_2313 = arith.addf %scan3A_2202, %mul3A_2312 : vector<16xf32>
      scf.yield %add3A_2222, %add3A_2235, %add3A_2248, %add3A_2261, %add3A_2274, %add3A_2287, %add3A_2300, %add3A_2313 : vector<16xf32>, vector<16xf32>, vector<16xf32>, vector<16xf32>, vector<16xf32>, vector<16xf32>, vector<16xf32>, vector<16xf32>
    }
    %scan3A_804 = arith.constant 128 : i32
    %dma_wait3A_805 = arith.constant 1 : i32
    %dma_wait3A_806 = arith.constant 1 : i32
    %dma_wait3A_807 = arith.constant 0 : i32
    %dma_wait3A_808 = tpu.memref_slice %arg10[%dma_wait3A_806, %dma_wait3A_807] : memref<4x128xf32, #tpu.memory_space<vmem>> -> memref<1x128xf32, #tpu.memory_space<vmem>>
    %dma_wait3A_809 = tpu.memref_squeeze %dma_wait3A_808 : memref<1x128xf32, #tpu.memory_space<vmem>> -> memref<128xf32, #tpu.memory_space<vmem>>
    %dma_wait3A_810 = arith.constant 0 : i32
    %dma_wait3A_811 = tpu.memref_slice %arg7[%dma_wait3A_805, %dma_wait3A_810] : memref<4x128xi32, #tpu.memory_space<vmem>> -> memref<1x128xi32, #tpu.memory_space<vmem>>
    %dma_wait3A_812 = tpu.memref_squeeze %dma_wait3A_811 : memref<1x128xi32, #tpu.memory_space<vmem>> -> memref<128xi32, #tpu.memory_space<vmem>>
    %dma_wait3A_813 = arith.constant 0 : i32
    %dma_wait3A_814 = tpu.memref_slice %arg14[%dma_wait3A_813] : memref<100096xf32, #tpu.memory_space<vmem_shared>> -> memref<100096xf32, #tpu.memory_space<vmem_shared>>
    tpu.wait_indirect_dma semaphore(%arg21 : memref<!tpu.dma_semaphore, #tpu.memory_space<semaphore_mem>>) src(%dma_wait3A_814 : memref<100096xf32, #tpu.memory_space<vmem_shared>>) dst(%dma_wait3A_809 : memref<128xf32, #tpu.memory_space<vmem>>)
    %get3A_815 = arith.constant 1 : i32
    %get3A_816 = arith.index_cast %get3A_815 : i32 to index
    %get3A_817 = arith.constant 0 : index
    %get3A_818 = tpu.vector_load %arg10[%get3A_816, %get3A_817] {strides = array<i32>} : memref<4x128xf32, #tpu.memory_space<vmem>>, vector<16xf32>,
    %bitcast3A_819 = vector.bitcast %scan3A_803#0 : vector<16xf32> to vector<16xi32>
    %shift_right_logical3A_820 = arith.constant 1 : i32
    %shift_right_logical3A_821 = vector.broadcast %shift_right_logical3A_820 : i32 to vector<16xi32>
    %shift_right_logical3A_822 = arith.shrui %bitcast3A_819, %shift_right_logical3A_821 : vector<16xi32>
    %sub3A_823 = arith.constant 1597463007 : i32
    %sub3A_824 = vector.broadcast %sub3A_823 : i32 to vector<16xi32>
    %sub3A_825 = arith.subi %sub3A_824, %shift_right_logical3A_822 : vector<16xi32>
    %bitcast3A_826 = vector.bitcast %sub3A_825 : vector<16xi32> to vector<16xf32>
    %mul3A_827 = arith.constant 5.000000e-01 : f32
    %mul3A_828 = vector.broadcast %mul3A_827 : f32 to vector<16xf32>
    %mul3A_829 = arith.mulf %mul3A_828, %scan3A_803#0 : vector<16xf32>
    %mul3A_830 = arith.mulf %mul3A_829, %bitcast3A_826 : vector<16xf32>
    %mul3A_831 = arith.mulf %mul3A_830, %bitcast3A_826 : vector<16xf32>
    %sub3A_832 = arith.constant 1.500000e+00 : f32
    %sub3A_833 = vector.broadcast %sub3A_832 : f32 to vector<16xf32>
    %sub3A_834 = arith.subf %sub3A_833, %mul3A_831 : vector<16xf32>
    %mul3A_835 = arith.mulf %bitcast3A_826, %sub3A_834 : vector<16xf32>
    %mul3A_836 = arith.constant 5.000000e-01 : f32
    %mul3A_837 = vector.broadcast %mul3A_836 : f32 to vector<16xf32>
    %mul3A_838 = arith.mulf %mul3A_837, %scan3A_803#0 : vector<16xf32>
    %mul3A_839 = arith.mulf %mul3A_838, %mul3A_835 : vector<16xf32>
    %mul3A_840 = arith.mulf %mul3A_839, %mul3A_835 : vector<16xf32>
    %sub3A_841 = arith.constant 1.500000e+00 : f32
    %sub3A_842 = vector.broadcast %sub3A_841 : f32 to vector<16xf32>
    %sub3A_843 = arith.subf %sub3A_842, %mul3A_840 : vector<16xf32>
    %mul3A_844 = arith.mulf %mul3A_835, %sub3A_843 : vector<16xf32>
    %mul3A_845 = arith.constant 5.000000e-01 : f32
    %mul3A_846 = vector.broadcast %mul3A_845 : f32 to vector<16xf32>
    %mul3A_847 = arith.mulf %mul3A_846, %scan3A_803#0 : vector<16xf32>
    %mul3A_848 = arith.mulf %mul3A_847, %mul3A_844 : vector<16xf32>
    %mul3A_849 = arith.mulf %mul3A_848, %mul3A_844 : vector<16xf32>
    %sub3A_850 = arith.constant 1.500000e+00 : f32
    %sub3A_851 = vector.broadcast %sub3A_850 : f32 to vector<16xf32>
    %sub3A_852 = arith.subf %sub3A_851, %mul3A_849 : vector<16xf32>
    %mul3A_853 = arith.mulf %mul3A_844, %sub3A_852 : vector<16xf32>
    %gt3A_854 = arith.constant 0.000000e+00 : f32
    %gt3A_855 = vector.broadcast %gt3A_854 : f32 to vector<16xf32>
    %gt3A_856 = arith.cmpf ogt, %scan3A_803#0, %gt3A_855 : vector<16xf32>
    %mul3A_857 = arith.mulf %scan3A_803#0, %mul3A_853 : vector<16xf32>
    %jit3A_858 = arith.constant 0.000000e+00 : f32
    %broadcast_in_dim3A_859 = vector.broadcast %jit3A_858 : f32 to vector<16xf32>
    %select_n3A_860 = arith.select %gt3A_856, %mul3A_857, %broadcast_in_dim3A_859 : vector<16xi1>, vector<16xf32>
    %div3A_861 = arith.divf %select_n3A_860, %get3A_818 : vector<16xf32>
    %swap3A_862 = arith.constant 1 : i32
    %swap3A_863 = arith.index_cast %swap3A_862 : i32 to index
    %swap3A_864 = arith.constant 0 : index
    %swap3A_865 = tpu.vector_load %arg11[%swap3A_863, %swap3A_864] {strides = array<i32>} : memref<4x128xf32, #tpu.memory_space<vmem>>, vector<16xf32>,
    tpu.vector_store %arg11[%swap3A_863, %swap3A_864], %div3A_861 {strides = array<i32>} : memref<4x128xf32, #tpu.memory_space<vmem>>, vector<16xf32>,
    %get3A_866 = arith.constant 1 : i32
    %get3A_867 = arith.index_cast %get3A_866 : i32 to index
    %get3A_868 = arith.constant 16 : index
    %get3A_869 = tpu.vector_load %arg10[%get3A_867, %get3A_868] {strides = array<i32>} : memref<4x128xf32, #tpu.memory_space<vmem>>, vector<16xf32>,
    %bitcast3A_870 = vector.bitcast %scan3A_803#1 : vector<16xf32> to vector<16xi32>
    %shift_right_logical3A_871 = arith.constant 1 : i32
    %shift_right_logical3A_872 = vector.broadcast %shift_right_logical3A_871 : i32 to vector<16xi32>
    %shift_right_logical3A_873 = arith.shrui %bitcast3A_870, %shift_right_logical3A_872 : vector<16xi32>
    %sub3A_874 = arith.constant 1597463007 : i32
    %sub3A_875 = vector.broadcast %sub3A_874 : i32 to vector<16xi32>
    %sub3A_876 = arith.subi %sub3A_875, %shift_right_logical3A_873 : vector<16xi32>
    %bitcast3A_877 = vector.bitcast %sub3A_876 : vector<16xi32> to vector<16xf32>
    %mul3A_878 = arith.constant 5.000000e-01 : f32
    %mul3A_879 = vector.broadcast %mul3A_878 : f32 to vector<16xf32>
    %mul3A_880 = arith.mulf %mul3A_879, %scan3A_803#1 : vector<16xf32>
    %mul3A_881 = arith.mulf %mul3A_880, %bitcast3A_877 : vector<16xf32>
    %mul3A_882 = arith.mulf %mul3A_881, %bitcast3A_877 : vector<16xf32>
    %sub3A_883 = arith.constant 1.500000e+00 : f32
    %sub3A_884 = vector.broadcast %sub3A_883 : f32 to vector<16xf32>
    %sub3A_885 = arith.subf %sub3A_884, %mul3A_882 : vector<16xf32>
    %mul3A_886 = arith.mulf %bitcast3A_877, %sub3A_885 : vector<16xf32>
    %mul3A_887 = arith.constant 5.000000e-01 : f32
    %mul3A_888 = vector.broadcast %mul3A_887 : f32 to vector<16xf32>
    %mul3A_889 = arith.mulf %mul3A_888, %scan3A_803#1 : vector<16xf32>
    %mul3A_890 = arith.mulf %mul3A_889, %mul3A_886 : vector<16xf32>
    %mul3A_891 = arith.mulf %mul3A_890, %mul3A_886 : vector<16xf32>
    %sub3A_892 = arith.constant 1.500000e+00 : f32
    %sub3A_893 = vector.broadcast %sub3A_892 : f32 to vector<16xf32>
    %sub3A_894 = arith.subf %sub3A_893, %mul3A_891 : vector<16xf32>
    %mul3A_895 = arith.mulf %mul3A_886, %sub3A_894 : vector<16xf32>
    %mul3A_896 = arith.constant 5.000000e-01 : f32
    %mul3A_897 = vector.broadcast %mul3A_896 : f32 to vector<16xf32>
    %mul3A_898 = arith.mulf %mul3A_897, %scan3A_803#1 : vector<16xf32>
    %mul3A_899 = arith.mulf %mul3A_898, %mul3A_895 : vector<16xf32>
    %mul3A_900 = arith.mulf %mul3A_899, %mul3A_895 : vector<16xf32>
    %sub3A_901 = arith.constant 1.500000e+00 : f32
    %sub3A_902 = vector.broadcast %sub3A_901 : f32 to vector<16xf32>
    %sub3A_903 = arith.subf %sub3A_902, %mul3A_900 : vector<16xf32>
    %mul3A_904 = arith.mulf %mul3A_895, %sub3A_903 : vector<16xf32>
    %gt3A_905 = arith.constant 0.000000e+00 : f32
    %gt3A_906 = vector.broadcast %gt3A_905 : f32 to vector<16xf32>
    %gt3A_907 = arith.cmpf ogt, %scan3A_803#1, %gt3A_906 : vector<16xf32>
    %mul3A_908 = arith.mulf %scan3A_803#1, %mul3A_904 : vector<16xf32>
    %jit3A_909 = arith.constant 0.000000e+00 : f32
    %broadcast_in_dim3A_910 = vector.broadcast %jit3A_909 : f32 to vector<16xf32>
    %select_n3A_911 = arith.select %gt3A_907, %mul3A_908, %broadcast_in_dim3A_910 : vector<16xi1>, vector<16xf32>
    %div3A_912 = arith.divf %select_n3A_911, %get3A_869 : vector<16xf32>
    %swap3A_913 = arith.constant 1 : i32
    %swap3A_914 = arith.index_cast %swap3A_913 : i32 to index
    %swap3A_915 = arith.constant 16 : index
    %swap3A_916 = tpu.vector_load %arg11[%swap3A_914, %swap3A_915] {strides = array<i32>} : memref<4x128xf32, #tpu.memory_space<vmem>>, vector<16xf32>,
    tpu.vector_store %arg11[%swap3A_914, %swap3A_915], %div3A_912 {strides = array<i32>} : memref<4x128xf32, #tpu.memory_space<vmem>>, vector<16xf32>,
    %get3A_917 = arith.constant 1 : i32
    %get3A_918 = arith.index_cast %get3A_917 : i32 to index
    %get3A_919 = arith.constant 32 : index
    %get3A_920 = tpu.vector_load %arg10[%get3A_918, %get3A_919] {strides = array<i32>} : memref<4x128xf32, #tpu.memory_space<vmem>>, vector<16xf32>,
    %bitcast3A_921 = vector.bitcast %scan3A_803#2 : vector<16xf32> to vector<16xi32>
    %shift_right_logical3A_922 = arith.constant 1 : i32
    %shift_right_logical3A_923 = vector.broadcast %shift_right_logical3A_922 : i32 to vector<16xi32>
    %shift_right_logical3A_924 = arith.shrui %bitcast3A_921, %shift_right_logical3A_923 : vector<16xi32>
    %sub3A_925 = arith.constant 1597463007 : i32
    %sub3A_926 = vector.broadcast %sub3A_925 : i32 to vector<16xi32>
    %sub3A_927 = arith.subi %sub3A_926, %shift_right_logical3A_924 : vector<16xi32>
    %bitcast3A_928 = vector.bitcast %sub3A_927 : vector<16xi32> to vector<16xf32>
    %mul3A_929 = arith.constant 5.000000e-01 : f32
    %mul3A_930 = vector.broadcast %mul3A_929 : f32 to vector<16xf32>
    %mul3A_931 = arith.mulf %mul3A_930, %scan3A_803#2 : vector<16xf32>
    %mul3A_932 = arith.mulf %mul3A_931, %bitcast3A_928 : vector<16xf32>
    %mul3A_933 = arith.mulf %mul3A_932, %bitcast3A_928 : vector<16xf32>
    %sub3A_934 = arith.constant 1.500000e+00 : f32
    %sub3A_935 = vector.broadcast %sub3A_934 : f32 to vector<16xf32>
    %sub3A_936 = arith.subf %sub3A_935, %mul3A_933 : vector<16xf32>
    %mul3A_937 = arith.mulf %bitcast3A_928, %sub3A_936 : vector<16xf32>
    %mul3A_938 = arith.constant 5.000000e-01 : f32
    %mul3A_939 = vector.broadcast %mul3A_938 : f32 to vector<16xf32>
    %mul3A_940 = arith.mulf %mul3A_939, %scan3A_803#2 : vector<16xf32>
    %mul3A_941 = arith.mulf %mul3A_940, %mul3A_937 : vector<16xf32>
    %mul3A_942 = arith.mulf %mul3A_941, %mul3A_937 : vector<16xf32>
    %sub3A_943 = arith.constant 1.500000e+00 : f32
    %sub3A_944 = vector.broadcast %sub3A_943 : f32 to vector<16xf32>
    %sub3A_945 = arith.subf %sub3A_944, %mul3A_942 : vector<16xf32>
    %mul3A_946 = arith.mulf %mul3A_937, %sub3A_945 : vector<16xf32>
    %mul3A_947 = arith.constant 5.000000e-01 : f32
    %mul3A_948 = vector.broadcast %mul3A_947 : f32 to vector<16xf32>
    %mul3A_949 = arith.mulf %mul3A_948, %scan3A_803#2 : vector<16xf32>
    %mul3A_950 = arith.mulf %mul3A_949, %mul3A_946 : vector<16xf32>
    %mul3A_951 = arith.mulf %mul3A_950, %mul3A_946 : vector<16xf32>
    %sub3A_952 = arith.constant 1.500000e+00 : f32
    %sub3A_953 = vector.broadcast %sub3A_952 : f32 to vector<16xf32>
    %sub3A_954 = arith.subf %sub3A_953, %mul3A_951 : vector<16xf32>
    %mul3A_955 = arith.mulf %mul3A_946, %sub3A_954 : vector<16xf32>
    %gt3A_956 = arith.constant 0.000000e+00 : f32
    %gt3A_957 = vector.broadcast %gt3A_956 : f32 to vector<16xf32>
    %gt3A_958 = arith.cmpf ogt, %scan3A_803#2, %gt3A_957 : vector<16xf32>
    %mul3A_959 = arith.mulf %scan3A_803#2, %mul3A_955 : vector<16xf32>
    %jit3A_960 = arith.constant 0.000000e+00 : f32
    %broadcast_in_dim3A_961 = vector.broadcast %jit3A_960 : f32 to vector<16xf32>
    %select_n3A_962 = arith.select %gt3A_958, %mul3A_959, %broadcast_in_dim3A_961 : vector<16xi1>, vector<16xf32>
    %div3A_963 = arith.divf %select_n3A_962, %get3A_920 : vector<16xf32>
    %swap3A_964 = arith.constant 1 : i32
    %swap3A_965 = arith.index_cast %swap3A_964 : i32 to index
    %swap3A_966 = arith.constant 32 : index
    %swap3A_967 = tpu.vector_load %arg11[%swap3A_965, %swap3A_966] {strides = array<i32>} : memref<4x128xf32, #tpu.memory_space<vmem>>, vector<16xf32>,
    tpu.vector_store %arg11[%swap3A_965, %swap3A_966], %div3A_963 {strides = array<i32>} : memref<4x128xf32, #tpu.memory_space<vmem>>, vector<16xf32>,
    %get3A_968 = arith.constant 1 : i32
    %get3A_969 = arith.index_cast %get3A_968 : i32 to index
    %get3A_970 = arith.constant 48 : index
    %get3A_971 = tpu.vector_load %arg10[%get3A_969, %get3A_970] {strides = array<i32>} : memref<4x128xf32, #tpu.memory_space<vmem>>, vector<16xf32>,
    %bitcast3A_972 = vector.bitcast %scan3A_803#3 : vector<16xf32> to vector<16xi32>
    %shift_right_logical3A_973 = arith.constant 1 : i32
    %shift_right_logical3A_974 = vector.broadcast %shift_right_logical3A_973 : i32 to vector<16xi32>
    %shift_right_logical3A_975 = arith.shrui %bitcast3A_972, %shift_right_logical3A_974 : vector<16xi32>
    %sub3A_976 = arith.constant 1597463007 : i32
    %sub3A_977 = vector.broadcast %sub3A_976 : i32 to vector<16xi32>
    %sub3A_978 = arith.subi %sub3A_977, %shift_right_logical3A_975 : vector<16xi32>
    %bitcast3A_979 = vector.bitcast %sub3A_978 : vector<16xi32> to vector<16xf32>
    %mul3A_980 = arith.constant 5.000000e-01 : f32
    %mul3A_981 = vector.broadcast %mul3A_980 : f32 to vector<16xf32>
    %mul3A_982 = arith.mulf %mul3A_981, %scan3A_803#3 : vector<16xf32>
    %mul3A_983 = arith.mulf %mul3A_982, %bitcast3A_979 : vector<16xf32>
    %mul3A_984 = arith.mulf %mul3A_983, %bitcast3A_979 : vector<16xf32>
    %sub3A_985 = arith.constant 1.500000e+00 : f32
    %sub3A_986 = vector.broadcast %sub3A_985 : f32 to vector<16xf32>
    %sub3A_987 = arith.subf %sub3A_986, %mul3A_984 : vector<16xf32>
    %mul3A_988 = arith.mulf %bitcast3A_979, %sub3A_987 : vector<16xf32>
    %mul3A_989 = arith.constant 5.000000e-01 : f32
    %mul3A_990 = vector.broadcast %mul3A_989 : f32 to vector<16xf32>
    %mul3A_991 = arith.mulf %mul3A_990, %scan3A_803#3 : vector<16xf32>
    %mul3A_992 = arith.mulf %mul3A_991, %mul3A_988 : vector<16xf32>
    %mul3A_993 = arith.mulf %mul3A_992, %mul3A_988 : vector<16xf32>
    %sub3A_994 = arith.constant 1.500000e+00 : f32
    %sub3A_995 = vector.broadcast %sub3A_994 : f32 to vector<16xf32>
    %sub3A_996 = arith.subf %sub3A_995, %mul3A_993 : vector<16xf32>
    %mul3A_997 = arith.mulf %mul3A_988, %sub3A_996 : vector<16xf32>
    %mul3A_998 = arith.constant 5.000000e-01 : f32
    %mul3A_999 = vector.broadcast %mul3A_998 : f32 to vector<16xf32>
    %mul3A_1000 = arith.mulf %mul3A_999, %scan3A_803#3 : vector<16xf32>
    %mul3A_1001 = arith.mulf %mul3A_1000, %mul3A_997 : vector<16xf32>
    %mul3A_1002 = arith.mulf %mul3A_1001, %mul3A_997 : vector<16xf32>
    %sub3A_1003 = arith.constant 1.500000e+00 : f32
    %sub3A_1004 = vector.broadcast %sub3A_1003 : f32 to vector<16xf32>
    %sub3A_1005 = arith.subf %sub3A_1004, %mul3A_1002 : vector<16xf32>
    %mul3A_1006 = arith.mulf %mul3A_997, %sub3A_1005 : vector<16xf32>
    %gt3A_1007 = arith.constant 0.000000e+00 : f32
    %gt3A_1008 = vector.broadcast %gt3A_1007 : f32 to vector<16xf32>
    %gt3A_1009 = arith.cmpf ogt, %scan3A_803#3, %gt3A_1008 : vector<16xf32>
    %mul3A_1010 = arith.mulf %scan3A_803#3, %mul3A_1006 : vector<16xf32>
    %jit3A_1011 = arith.constant 0.000000e+00 : f32
    %broadcast_in_dim3A_1012 = vector.broadcast %jit3A_1011 : f32 to vector<16xf32>
    %select_n3A_1013 = arith.select %gt3A_1009, %mul3A_1010, %broadcast_in_dim3A_1012 : vector<16xi1>, vector<16xf32>
    %div3A_1014 = arith.divf %select_n3A_1013, %get3A_971 : vector<16xf32>
    %swap3A_1015 = arith.constant 1 : i32
    %swap3A_1016 = arith.index_cast %swap3A_1015 : i32 to index
    %swap3A_1017 = arith.constant 48 : index
    %swap3A_1018 = tpu.vector_load %arg11[%swap3A_1016, %swap3A_1017] {strides = array<i32>} : memref<4x128xf32, #tpu.memory_space<vmem>>, vector<16xf32>,
    tpu.vector_store %arg11[%swap3A_1016, %swap3A_1017], %div3A_1014 {strides = array<i32>} : memref<4x128xf32, #tpu.memory_space<vmem>>, vector<16xf32>,
    %get3A_1019 = arith.constant 1 : i32
    %get3A_1020 = arith.index_cast %get3A_1019 : i32 to index
    %get3A_1021 = arith.constant 64 : index
    %get3A_1022 = tpu.vector_load %arg10[%get3A_1020, %get3A_1021] {strides = array<i32>} : memref<4x128xf32, #tpu.memory_space<vmem>>, vector<16xf32>,
    %bitcast3A_1023 = vector.bitcast %scan3A_803#4 : vector<16xf32> to vector<16xi32>
    %shift_right_logical3A_1024 = arith.constant 1 : i32
    %shift_right_logical3A_1025 = vector.broadcast %shift_right_logical3A_1024 : i32 to vector<16xi32>
    %shift_right_logical3A_1026 = arith.shrui %bitcast3A_1023, %shift_right_logical3A_1025 : vector<16xi32>
    %sub3A_1027 = arith.constant 1597463007 : i32
    %sub3A_1028 = vector.broadcast %sub3A_1027 : i32 to vector<16xi32>
    %sub3A_1029 = arith.subi %sub3A_1028, %shift_right_logical3A_1026 : vector<16xi32>
    %bitcast3A_1030 = vector.bitcast %sub3A_1029 : vector<16xi32> to vector<16xf32>
    %mul3A_1031 = arith.constant 5.000000e-01 : f32
    %mul3A_1032 = vector.broadcast %mul3A_1031 : f32 to vector<16xf32>
    %mul3A_1033 = arith.mulf %mul3A_1032, %scan3A_803#4 : vector<16xf32>
    %mul3A_1034 = arith.mulf %mul3A_1033, %bitcast3A_1030 : vector<16xf32>
    %mul3A_1035 = arith.mulf %mul3A_1034, %bitcast3A_1030 : vector<16xf32>
    %sub3A_1036 = arith.constant 1.500000e+00 : f32
    %sub3A_1037 = vector.broadcast %sub3A_1036 : f32 to vector<16xf32>
    %sub3A_1038 = arith.subf %sub3A_1037, %mul3A_1035 : vector<16xf32>
    %mul3A_1039 = arith.mulf %bitcast3A_1030, %sub3A_1038 : vector<16xf32>
    %mul3A_1040 = arith.constant 5.000000e-01 : f32
    %mul3A_1041 = vector.broadcast %mul3A_1040 : f32 to vector<16xf32>
    %mul3A_1042 = arith.mulf %mul3A_1041, %scan3A_803#4 : vector<16xf32>
    %mul3A_1043 = arith.mulf %mul3A_1042, %mul3A_1039 : vector<16xf32>
    %mul3A_1044 = arith.mulf %mul3A_1043, %mul3A_1039 : vector<16xf32>
    %sub3A_1045 = arith.constant 1.500000e+00 : f32
    %sub3A_1046 = vector.broadcast %sub3A_1045 : f32 to vector<16xf32>
    %sub3A_1047 = arith.subf %sub3A_1046, %mul3A_1044 : vector<16xf32>
    %mul3A_1048 = arith.mulf %mul3A_1039, %sub3A_1047 : vector<16xf32>
    %mul3A_1049 = arith.constant 5.000000e-01 : f32
    %mul3A_1050 = vector.broadcast %mul3A_1049 : f32 to vector<16xf32>
    %mul3A_1051 = arith.mulf %mul3A_1050, %scan3A_803#4 : vector<16xf32>
    %mul3A_1052 = arith.mulf %mul3A_1051, %mul3A_1048 : vector<16xf32>
    %mul3A_1053 = arith.mulf %mul3A_1052, %mul3A_1048 : vector<16xf32>
    %sub3A_1054 = arith.constant 1.500000e+00 : f32
    %sub3A_1055 = vector.broadcast %sub3A_1054 : f32 to vector<16xf32>
    %sub3A_1056 = arith.subf %sub3A_1055, %mul3A_1053 : vector<16xf32>
    %mul3A_1057 = arith.mulf %mul3A_1048, %sub3A_1056 : vector<16xf32>
    %gt3A_1058 = arith.constant 0.000000e+00 : f32
    %gt3A_1059 = vector.broadcast %gt3A_1058 : f32 to vector<16xf32>
    %gt3A_1060 = arith.cmpf ogt, %scan3A_803#4, %gt3A_1059 : vector<16xf32>
    %mul3A_1061 = arith.mulf %scan3A_803#4, %mul3A_1057 : vector<16xf32>
    %jit3A_1062 = arith.constant 0.000000e+00 : f32
    %broadcast_in_dim3A_1063 = vector.broadcast %jit3A_1062 : f32 to vector<16xf32>
    %select_n3A_1064 = arith.select %gt3A_1060, %mul3A_1061, %broadcast_in_dim3A_1063 : vector<16xi1>, vector<16xf32>
    %div3A_1065 = arith.divf %select_n3A_1064, %get3A_1022 : vector<16xf32>
    %swap3A_1066 = arith.constant 1 : i32
    %swap3A_1067 = arith.index_cast %swap3A_1066 : i32 to index
    %swap3A_1068 = arith.constant 64 : index
    %swap3A_1069 = tpu.vector_load %arg11[%swap3A_1067, %swap3A_1068] {strides = array<i32>} : memref<4x128xf32, #tpu.memory_space<vmem>>, vector<16xf32>,
    tpu.vector_store %arg11[%swap3A_1067, %swap3A_1068], %div3A_1065 {strides = array<i32>} : memref<4x128xf32, #tpu.memory_space<vmem>>, vector<16xf32>,
    %get3A_1070 = arith.constant 1 : i32
    %get3A_1071 = arith.index_cast %get3A_1070 : i32 to index
    %get3A_1072 = arith.constant 80 : index
    %get3A_1073 = tpu.vector_load %arg10[%get3A_1071, %get3A_1072] {strides = array<i32>} : memref<4x128xf32, #tpu.memory_space<vmem>>, vector<16xf32>,
    %bitcast3A_1074 = vector.bitcast %scan3A_803#5 : vector<16xf32> to vector<16xi32>
    %shift_right_logical3A_1075 = arith.constant 1 : i32
    %shift_right_logical3A_1076 = vector.broadcast %shift_right_logical3A_1075 : i32 to vector<16xi32>
    %shift_right_logical3A_1077 = arith.shrui %bitcast3A_1074, %shift_right_logical3A_1076 : vector<16xi32>
    %sub3A_1078 = arith.constant 1597463007 : i32
    %sub3A_1079 = vector.broadcast %sub3A_1078 : i32 to vector<16xi32>
    %sub3A_1080 = arith.subi %sub3A_1079, %shift_right_logical3A_1077 : vector<16xi32>
    %bitcast3A_1081 = vector.bitcast %sub3A_1080 : vector<16xi32> to vector<16xf32>
    %mul3A_1082 = arith.constant 5.000000e-01 : f32
    %mul3A_1083 = vector.broadcast %mul3A_1082 : f32 to vector<16xf32>
    %mul3A_1084 = arith.mulf %mul3A_1083, %scan3A_803#5 : vector<16xf32>
    %mul3A_1085 = arith.mulf %mul3A_1084, %bitcast3A_1081 : vector<16xf32>
    %mul3A_1086 = arith.mulf %mul3A_1085, %bitcast3A_1081 : vector<16xf32>
    %sub3A_1087 = arith.constant 1.500000e+00 : f32
    %sub3A_1088 = vector.broadcast %sub3A_1087 : f32 to vector<16xf32>
    %sub3A_1089 = arith.subf %sub3A_1088, %mul3A_1086 : vector<16xf32>
    %mul3A_1090 = arith.mulf %bitcast3A_1081, %sub3A_1089 : vector<16xf32>
    %mul3A_1091 = arith.constant 5.000000e-01 : f32
    %mul3A_1092 = vector.broadcast %mul3A_1091 : f32 to vector<16xf32>
    %mul3A_1093 = arith.mulf %mul3A_1092, %scan3A_803#5 : vector<16xf32>
    %mul3A_1094 = arith.mulf %mul3A_1093, %mul3A_1090 : vector<16xf32>
    %mul3A_1095 = arith.mulf %mul3A_1094, %mul3A_1090 : vector<16xf32>
    %sub3A_1096 = arith.constant 1.500000e+00 : f32
    %sub3A_1097 = vector.broadcast %sub3A_1096 : f32 to vector<16xf32>
    %sub3A_1098 = arith.subf %sub3A_1097, %mul3A_1095 : vector<16xf32>
    %mul3A_1099 = arith.mulf %mul3A_1090, %sub3A_1098 : vector<16xf32>
    %mul3A_1100 = arith.constant 5.000000e-01 : f32
    %mul3A_1101 = vector.broadcast %mul3A_1100 : f32 to vector<16xf32>
    %mul3A_1102 = arith.mulf %mul3A_1101, %scan3A_803#5 : vector<16xf32>
    %mul3A_1103 = arith.mulf %mul3A_1102, %mul3A_1099 : vector<16xf32>
    %mul3A_1104 = arith.mulf %mul3A_1103, %mul3A_1099 : vector<16xf32>
    %sub3A_1105 = arith.constant 1.500000e+00 : f32
    %sub3A_1106 = vector.broadcast %sub3A_1105 : f32 to vector<16xf32>
    %sub3A_1107 = arith.subf %sub3A_1106, %mul3A_1104 : vector<16xf32>
    %mul3A_1108 = arith.mulf %mul3A_1099, %sub3A_1107 : vector<16xf32>
    %gt3A_1109 = arith.constant 0.000000e+00 : f32
    %gt3A_1110 = vector.broadcast %gt3A_1109 : f32 to vector<16xf32>
    %gt3A_1111 = arith.cmpf ogt, %scan3A_803#5, %gt3A_1110 : vector<16xf32>
    %mul3A_1112 = arith.mulf %scan3A_803#5, %mul3A_1108 : vector<16xf32>
    %jit3A_1113 = arith.constant 0.000000e+00 : f32
    %broadcast_in_dim3A_1114 = vector.broadcast %jit3A_1113 : f32 to vector<16xf32>
    %select_n3A_1115 = arith.select %gt3A_1111, %mul3A_1112, %broadcast_in_dim3A_1114 : vector<16xi1>, vector<16xf32>
    %div3A_1116 = arith.divf %select_n3A_1115, %get3A_1073 : vector<16xf32>
    %swap3A_1117 = arith.constant 1 : i32
    %swap3A_1118 = arith.index_cast %swap3A_1117 : i32 to index
    %swap3A_1119 = arith.constant 80 : index
    %swap3A_1120 = tpu.vector_load %arg11[%swap3A_1118, %swap3A_1119] {strides = array<i32>} : memref<4x128xf32, #tpu.memory_space<vmem>>, vector<16xf32>,
    tpu.vector_store %arg11[%swap3A_1118, %swap3A_1119], %div3A_1116 {strides = array<i32>} : memref<4x128xf32, #tpu.memory_space<vmem>>, vector<16xf32>,
    %get3A_1121 = arith.constant 1 : i32
    %get3A_1122 = arith.index_cast %get3A_1121 : i32 to index
    %get3A_1123 = arith.constant 96 : index
    %get3A_1124 = tpu.vector_load %arg10[%get3A_1122, %get3A_1123] {strides = array<i32>} : memref<4x128xf32, #tpu.memory_space<vmem>>, vector<16xf32>,
    %bitcast3A_1125 = vector.bitcast %scan3A_803#6 : vector<16xf32> to vector<16xi32>
    %shift_right_logical3A_1126 = arith.constant 1 : i32
    %shift_right_logical3A_1127 = vector.broadcast %shift_right_logical3A_1126 : i32 to vector<16xi32>
    %shift_right_logical3A_1128 = arith.shrui %bitcast3A_1125, %shift_right_logical3A_1127 : vector<16xi32>
    %sub3A_1129 = arith.constant 1597463007 : i32
    %sub3A_1130 = vector.broadcast %sub3A_1129 : i32 to vector<16xi32>
    %sub3A_1131 = arith.subi %sub3A_1130, %shift_right_logical3A_1128 : vector<16xi32>
    %bitcast3A_1132 = vector.bitcast %sub3A_1131 : vector<16xi32> to vector<16xf32>
    %mul3A_1133 = arith.constant 5.000000e-01 : f32
    %mul3A_1134 = vector.broadcast %mul3A_1133 : f32 to vector<16xf32>
    %mul3A_1135 = arith.mulf %mul3A_1134, %scan3A_803#6 : vector<16xf32>
    %mul3A_1136 = arith.mulf %mul3A_1135, %bitcast3A_1132 : vector<16xf32>
    %mul3A_1137 = arith.mulf %mul3A_1136, %bitcast3A_1132 : vector<16xf32>
    %sub3A_1138 = arith.constant 1.500000e+00 : f32
    %sub3A_1139 = vector.broadcast %sub3A_1138 : f32 to vector<16xf32>
    %sub3A_1140 = arith.subf %sub3A_1139, %mul3A_1137 : vector<16xf32>
    %mul3A_1141 = arith.mulf %bitcast3A_1132, %sub3A_1140 : vector<16xf32>
    %mul3A_1142 = arith.constant 5.000000e-01 : f32
    %mul3A_1143 = vector.broadcast %mul3A_1142 : f32 to vector<16xf32>
    %mul3A_1144 = arith.mulf %mul3A_1143, %scan3A_803#6 : vector<16xf32>
    %mul3A_1145 = arith.mulf %mul3A_1144, %mul3A_1141 : vector<16xf32>
    %mul3A_1146 = arith.mulf %mul3A_1145, %mul3A_1141 : vector<16xf32>
    %sub3A_1147 = arith.constant 1.500000e+00 : f32
    %sub3A_1148 = vector.broadcast %sub3A_1147 : f32 to vector<16xf32>
    %sub3A_1149 = arith.subf %sub3A_1148, %mul3A_1146 : vector<16xf32>
    %mul3A_1150 = arith.mulf %mul3A_1141, %sub3A_1149 : vector<16xf32>
    %mul3A_1151 = arith.constant 5.000000e-01 : f32
    %mul3A_1152 = vector.broadcast %mul3A_1151 : f32 to vector<16xf32>
    %mul3A_1153 = arith.mulf %mul3A_1152, %scan3A_803#6 : vector<16xf32>
    %mul3A_1154 = arith.mulf %mul3A_1153, %mul3A_1150 : vector<16xf32>
    %mul3A_1155 = arith.mulf %mul3A_1154, %mul3A_1150 : vector<16xf32>
    %sub3A_1156 = arith.constant 1.500000e+00 : f32
    %sub3A_1157 = vector.broadcast %sub3A_1156 : f32 to vector<16xf32>
    %sub3A_1158 = arith.subf %sub3A_1157, %mul3A_1155 : vector<16xf32>
    %mul3A_1159 = arith.mulf %mul3A_1150, %sub3A_1158 : vector<16xf32>
    %gt3A_1160 = arith.constant 0.000000e+00 : f32
    %gt3A_1161 = vector.broadcast %gt3A_1160 : f32 to vector<16xf32>
    %gt3A_1162 = arith.cmpf ogt, %scan3A_803#6, %gt3A_1161 : vector<16xf32>
    %mul3A_1163 = arith.mulf %scan3A_803#6, %mul3A_1159 : vector<16xf32>
    %jit3A_1164 = arith.constant 0.000000e+00 : f32
    %broadcast_in_dim3A_1165 = vector.broadcast %jit3A_1164 : f32 to vector<16xf32>
    %select_n3A_1166 = arith.select %gt3A_1162, %mul3A_1163, %broadcast_in_dim3A_1165 : vector<16xi1>, vector<16xf32>
    %div3A_1167 = arith.divf %select_n3A_1166, %get3A_1124 : vector<16xf32>
    %swap3A_1168 = arith.constant 1 : i32
    %swap3A_1169 = arith.index_cast %swap3A_1168 : i32 to index
    %swap3A_1170 = arith.constant 96 : index
    %swap3A_1171 = tpu.vector_load %arg11[%swap3A_1169, %swap3A_1170] {strides = array<i32>} : memref<4x128xf32, #tpu.memory_space<vmem>>, vector<16xf32>,
    tpu.vector_store %arg11[%swap3A_1169, %swap3A_1170], %div3A_1167 {strides = array<i32>} : memref<4x128xf32, #tpu.memory_space<vmem>>, vector<16xf32>,
    %get3A_1172 = arith.constant 1 : i32
    %get3A_1173 = arith.index_cast %get3A_1172 : i32 to index
    %get3A_1174 = arith.constant 112 : index
    %get3A_1175 = tpu.vector_load %arg10[%get3A_1173, %get3A_1174] {strides = array<i32>} : memref<4x128xf32, #tpu.memory_space<vmem>>, vector<16xf32>,
    %bitcast3A_1176 = vector.bitcast %scan3A_803#7 : vector<16xf32> to vector<16xi32>
    %shift_right_logical3A_1177 = arith.constant 1 : i32
    %shift_right_logical3A_1178 = vector.broadcast %shift_right_logical3A_1177 : i32 to vector<16xi32>
    %shift_right_logical3A_1179 = arith.shrui %bitcast3A_1176, %shift_right_logical3A_1178 : vector<16xi32>
    %sub3A_1180 = arith.constant 1597463007 : i32
    %sub3A_1181 = vector.broadcast %sub3A_1180 : i32 to vector<16xi32>
    %sub3A_1182 = arith.subi %sub3A_1181, %shift_right_logical3A_1179 : vector<16xi32>
    %bitcast3A_1183 = vector.bitcast %sub3A_1182 : vector<16xi32> to vector<16xf32>
    %mul3A_1184 = arith.constant 5.000000e-01 : f32
    %mul3A_1185 = vector.broadcast %mul3A_1184 : f32 to vector<16xf32>
    %mul3A_1186 = arith.mulf %mul3A_1185, %scan3A_803#7 : vector<16xf32>
    %mul3A_1187 = arith.mulf %mul3A_1186, %bitcast3A_1183 : vector<16xf32>
    %mul3A_1188 = arith.mulf %mul3A_1187, %bitcast3A_1183 : vector<16xf32>
    %sub3A_1189 = arith.constant 1.500000e+00 : f32
    %sub3A_1190 = vector.broadcast %sub3A_1189 : f32 to vector<16xf32>
    %sub3A_1191 = arith.subf %sub3A_1190, %mul3A_1188 : vector<16xf32>
    %mul3A_1192 = arith.mulf %bitcast3A_1183, %sub3A_1191 : vector<16xf32>
    %mul3A_1193 = arith.constant 5.000000e-01 : f32
    %mul3A_1194 = vector.broadcast %mul3A_1193 : f32 to vector<16xf32>
    %mul3A_1195 = arith.mulf %mul3A_1194, %scan3A_803#7 : vector<16xf32>
    %mul3A_1196 = arith.mulf %mul3A_1195, %mul3A_1192 : vector<16xf32>
    %mul3A_1197 = arith.mulf %mul3A_1196, %mul3A_1192 : vector<16xf32>
    %sub3A_1198 = arith.constant 1.500000e+00 : f32
    %sub3A_1199 = vector.broadcast %sub3A_1198 : f32 to vector<16xf32>
    %sub3A_1200 = arith.subf %sub3A_1199, %mul3A_1197 : vector<16xf32>
    %mul3A_1201 = arith.mulf %mul3A_1192, %sub3A_1200 : vector<16xf32>
    %mul3A_1202 = arith.constant 5.000000e-01 : f32
    %mul3A_1203 = vector.broadcast %mul3A_1202 : f32 to vector<16xf32>
    %mul3A_1204 = arith.mulf %mul3A_1203, %scan3A_803#7 : vector<16xf32>
    %mul3A_1205 = arith.mulf %mul3A_1204, %mul3A_1201 : vector<16xf32>
    %mul3A_1206 = arith.mulf %mul3A_1205, %mul3A_1201 : vector<16xf32>
    %sub3A_1207 = arith.constant 1.500000e+00 : f32
    %sub3A_1208 = vector.broadcast %sub3A_1207 : f32 to vector<16xf32>
    %sub3A_1209 = arith.subf %sub3A_1208, %mul3A_1206 : vector<16xf32>
    %mul3A_1210 = arith.mulf %mul3A_1201, %sub3A_1209 : vector<16xf32>
    %gt3A_1211 = arith.constant 0.000000e+00 : f32
    %gt3A_1212 = vector.broadcast %gt3A_1211 : f32 to vector<16xf32>
    %gt3A_1213 = arith.cmpf ogt, %scan3A_803#7, %gt3A_1212 : vector<16xf32>
    %mul3A_1214 = arith.mulf %scan3A_803#7, %mul3A_1210 : vector<16xf32>
    %jit3A_1215 = arith.constant 0.000000e+00 : f32
    %broadcast_in_dim3A_1216 = vector.broadcast %jit3A_1215 : f32 to vector<16xf32>
    %select_n3A_1217 = arith.select %gt3A_1213, %mul3A_1214, %broadcast_in_dim3A_1216 : vector<16xi1>, vector<16xf32>
    %div3A_1218 = arith.divf %select_n3A_1217, %get3A_1175 : vector<16xf32>
    %swap3A_1219 = arith.constant 1 : i32
    %swap3A_1220 = arith.index_cast %swap3A_1219 : i32 to index
    %swap3A_1221 = arith.constant 112 : index
    %swap3A_1222 = tpu.vector_load %arg11[%swap3A_1220, %swap3A_1221] {strides = array<i32>} : memref<4x128xf32, #tpu.memory_space<vmem>>, vector<16xf32>,
    tpu.vector_store %arg11[%swap3A_1220, %swap3A_1221], %div3A_1218 {strides = array<i32>} : memref<4x128xf32, #tpu.memory_space<vmem>>, vector<16xf32>,
    %add3A_1223 = arith.constant 128 : i32
    %add3A_1224 = arith.addi %mul3A_2, %add3A_1223 : i32
    %dma_start3A_1225 = arith.constant 1 : i32
    %dma_start3A_1226 = arith.constant 0 : i32
    %dma_start3A_1227 = tpu.memref_slice %arg11[%dma_start3A_1225, %dma_start3A_1226] : memref<4x128xf32, #tpu.memory_space<vmem>> -> memref<1x128xf32, #tpu.memory_space<vmem>>
    %dma_start3A_1228 = tpu.memref_squeeze %dma_start3A_1227 : memref<1x128xf32, #tpu.memory_space<vmem>> -> memref<128xf32, #tpu.memory_space<vmem>>
    %dma_start3A_1229 = tpu.memref_slice %arg5[%add3A_1224] : memref<16384xf32, #tpu.memory_space<hbm>> -> memref<128xf32, #tpu.memory_space<hbm>>
    %dma_start3A_1230 = tpu.memref_slice %arg5[%add3A_1224] : memref<16384xf32, #tpu.memory_space<hbm>> -> memref<128xf32, #tpu.memory_space<hbm>>
    %dma_start3A_1231 = arith.constant 0 : i32
    %dma_start3A_1232 = tpu.memref_slice %arg11[%dma_start3A_1225, %dma_start3A_1231] : memref<4x128xf32, #tpu.memory_space<vmem>> -> memref<1x128xf32, #tpu.memory_space<vmem>>
    %dma_start3A_1233 = tpu.memref_squeeze %dma_start3A_1232 : memref<1x128xf32, #tpu.memory_space<vmem>> -> memref<128xf32, #tpu.memory_space<vmem>>
    tpu.enqueue_dma source(%dma_start3A_1233 : memref<128xf32, #tpu.memory_space<vmem>>) target(%dma_start3A_1230 : memref<128xf32, #tpu.memory_space<hbm>>) target_semaphore(%arg19 : memref<!tpu.dma_semaphore, #tpu.memory_space<semaphore_mem>>)
    %dma_wait3A_1234 = arith.constant 2 : i32
    %dma_wait3A_1235 = arith.constant 2 : i32
    %dma_wait3A_1236 = arith.constant 0 : i32
    %dma_wait3A_1237 = arith.constant 0 : i32
    %dma_wait3A_1238 = tpu.memref_slice %arg9[%dma_wait3A_1235, %dma_wait3A_1236, %dma_wait3A_1237] : memref<3x128x128xf32, #tpu.memory_space<vmem>> -> memref<1x128x128xf32, #tpu.memory_space<vmem>>
    %dma_wait3A_1239 = tpu.memref_squeeze %dma_wait3A_1238 : memref<1x128x128xf32, #tpu.memory_space<vmem>> -> memref<128x128xf32, #tpu.memory_space<vmem>>
    %dma_wait3A_1240 = arith.constant 0 : i32
    %dma_wait3A_1241 = tpu.memref_slice %arg7[%dma_wait3A_1234, %dma_wait3A_1240] : memref<4x128xi32, #tpu.memory_space<vmem>> -> memref<1x128xi32, #tpu.memory_space<vmem>>
    %dma_wait3A_1242 = tpu.memref_squeeze %dma_wait3A_1241 : memref<1x128xi32, #tpu.memory_space<vmem>> -> memref<128xi32, #tpu.memory_space<vmem>>
    %dma_wait3A_1243 = arith.constant 0 : i32
    %dma_wait3A_1244 = arith.constant 0 : i32
    %dma_wait3A_1245 = tpu.memref_slice %arg4[%dma_wait3A_1243, %dma_wait3A_1244] : memref<100000x128xf32, #tpu.memory_space<hbm>> -> memref<100000x128xf32, #tpu.memory_space<hbm>>
    tpu.wait_indirect_dma semaphore(%arg29 : memref<!tpu.dma_semaphore, #tpu.memory_space<semaphore_mem>>) src(%dma_wait3A_1245 : memref<100000x128xf32, #tpu.memory_space<hbm>>) dst(%dma_wait3A_1239 : memref<128x128xf32, #tpu.memory_space<vmem>>)
    %dma_wait3A_1246 = arith.constant 2 : i32
    %dma_wait3A_1247 = arith.constant 0 : i32
    %dma_wait3A_1248 = arith.constant 0 : i32
    %dma_wait3A_1249 = tpu.memref_slice %arg8[%dma_wait3A_1246, %dma_wait3A_1247, %dma_wait3A_1248] : memref<3x128x128xf32, #tpu.memory_space<vmem>> -> memref<1x128x128xf32, #tpu.memory_space<vmem>>
    %dma_wait3A_1250 = tpu.memref_squeeze %dma_wait3A_1249 : memref<1x128x128xf32, #tpu.memory_space<vmem>> -> memref<128x128xf32, #tpu.memory_space<vmem>>
    %dma_wait3A_1251 = arith.constant 0 : i32
    %dma_wait3A_1252 = tpu.memref_slice %arg2[%add3A_70, %dma_wait3A_1251] : memref<16384x128xf32, #tpu.memory_space<hbm>> -> memref<128x128xf32, #tpu.memory_space<hbm>>
    %dma_wait3A_1253 = arith.constant 0 : i32
    %dma_wait3A_1254 = arith.constant 0 : i32
    %dma_wait3A_1255 = tpu.memref_slice %arg8[%dma_wait3A_1246, %dma_wait3A_1253, %dma_wait3A_1254] : memref<3x128x128xf32, #tpu.memory_space<vmem>> -> memref<1x128x128xf32, #tpu.memory_space<vmem>>
    %dma_wait3A_1256 = tpu.memref_squeeze %dma_wait3A_1255 : memref<1x128x128xf32, #tpu.memory_space<vmem>> -> memref<128x128xf32, #tpu.memory_space<vmem>>
    %dma_wait3A_1257 = arith.constant 0 : i32
    %dma_wait3A_1258 = tpu.memref_slice %arg2[%add3A_70, %dma_wait3A_1257] : memref<16384x128xf32, #tpu.memory_space<hbm>> -> memref<128x128xf32, #tpu.memory_space<hbm>>
    tpu.wait_dma2 semaphore(%arg26 : memref<!tpu.dma_semaphore, #tpu.memory_space<semaphore_mem>>) src(%dma_wait3A_1258 : memref<128x128xf32, #tpu.memory_space<hbm>>) dst(%dma_wait3A_1256 : memref<128x128xf32, #tpu.memory_space<vmem>>)
    %scan3A_1259 = arith.constant 2 : i32
    %scan3A_1260 = arith.constant 2 : i32
    %scan3A_1261 = arith.constant 0 : i32
    %scan3A_1262 = arith.constant 128 : i32
    %scan3A_1263 = arith.addi %scan3A_1261, %scan3A_1262 : i32
    %scan3A_1264 = arith.constant 1 : i32
    %scan3A_1265:8 = scf.for %scan3A_2194 = %scan3A_1261 to %scan3A_1263 step %scan3A_1264 iter_args(%scan3A_2195 = %broadcast_in_dim3A_96, %scan3A_2196 = %broadcast_in_dim3A_96, %scan3A_2197 = %broadcast_in_dim3A_96, %scan3A_2198 = %broadcast_in_dim3A_96, %scan3A_2199 = %broadcast_in_dim3A_96, %scan3A_2200 = %broadcast_in_dim3A_96, %scan3A_2201 = %broadcast_in_dim3A_96, %scan3A_2202 = %broadcast_in_dim3A_96) -> (vector<16xf32>, vector<16xf32>, vector<16xf32>, vector<16xf32>, vector<16xf32>, vector<16xf32>, vector<16xf32>, vector<16xf32>)  : i32 {
      %broadcast_in_dim3A_2203 = vector.broadcast %scan3A_2194 : i32 to vector<16xi32>
      %and3A = arith.constant -16 : i32
      %and3A_2204 = vector.broadcast %and3A : i32 to vector<16xi32>
      %and3A_2205 = arith.andi %broadcast_in_dim3A_2203, %and3A_2204 : vector<16xi32>
      %add3A_2206 = arith.addi %iota3A, %broadcast_in_dim3A_2203 : vector<16xi32>
      %and3A_2207 = arith.constant 15 : i32
      %and3A_2208 = vector.broadcast %and3A_2207 : i32 to vector<16xi32>
      %and3A_2209 = arith.andi %add3A_2206, %and3A_2208 : vector<16xi32>
      %add3A_2210 = arith.addi %and3A_2205, %and3A_2209 : vector<16xi32>
      %gather3A = arith.constant 0 : i32
      %gather3A_2211 = arith.constant 0 : i32
      %gather3A_2212 = tpu.memref_slice %arg8[%scan3A_1259, %gather3A, %gather3A_2211] : memref<3x128x128xf32, #tpu.memory_space<vmem>> -> memref<1x128x128xf32, #tpu.memory_space<vmem>>
      %gather3A_2213 = tpu.memref_squeeze %gather3A_2212 : memref<1x128x128xf32, #tpu.memory_space<vmem>> -> memref<128x128xf32, #tpu.memory_space<vmem>>
      %gather3A_2214 = tpu.vector_load_idx %gather3A_2213[%add3A_269, %add3A_2210] : memref<128x128xf32, #tpu.memory_space<vmem>>[vector<16xi32>, vector<16xi32>], vector<16xf32>,
      %gather3A_2215 = arith.constant 0 : i32
      %gather3A_2216 = arith.constant 0 : i32
      %gather3A_2217 = tpu.memref_slice %arg9[%scan3A_1260, %gather3A_2215, %gather3A_2216] : memref<3x128x128xf32, #tpu.memory_space<vmem>> -> memref<1x128x128xf32, #tpu.memory_space<vmem>>
      %gather3A_2218 = tpu.memref_squeeze %gather3A_2217 : memref<1x128x128xf32, #tpu.memory_space<vmem>> -> memref<128x128xf32, #tpu.memory_space<vmem>>
      %gather3A_2219 = tpu.vector_load_idx %gather3A_2218[%add3A_269, %add3A_2210] : memref<128x128xf32, #tpu.memory_space<vmem>>[vector<16xi32>, vector<16xi32>], vector<16xf32>,
      %sub3A_2220 = arith.subf %gather3A_2214, %gather3A_2219 : vector<16xf32>
      %mul3A_2221 = arith.mulf %sub3A_2220, %sub3A_2220 : vector<16xf32>
      %add3A_2222 = arith.addf %scan3A_2195, %mul3A_2221 : vector<16xf32>
      %gather3A_2223 = arith.constant 0 : i32
      %gather3A_2224 = arith.constant 0 : i32
      %gather3A_2225 = tpu.memref_slice %arg8[%scan3A_1259, %gather3A_2223, %gather3A_2224] : memref<3x128x128xf32, #tpu.memory_space<vmem>> -> memref<1x128x128xf32, #tpu.memory_space<vmem>>
      %gather3A_2226 = tpu.memref_squeeze %gather3A_2225 : memref<1x128x128xf32, #tpu.memory_space<vmem>> -> memref<128x128xf32, #tpu.memory_space<vmem>>
      %gather3A_2227 = tpu.vector_load_idx %gather3A_2226[%add3A_272, %add3A_2210] : memref<128x128xf32, #tpu.memory_space<vmem>>[vector<16xi32>, vector<16xi32>], vector<16xf32>,
      %gather3A_2228 = arith.constant 0 : i32
      %gather3A_2229 = arith.constant 0 : i32
      %gather3A_2230 = tpu.memref_slice %arg9[%scan3A_1260, %gather3A_2228, %gather3A_2229] : memref<3x128x128xf32, #tpu.memory_space<vmem>> -> memref<1x128x128xf32, #tpu.memory_space<vmem>>
      %gather3A_2231 = tpu.memref_squeeze %gather3A_2230 : memref<1x128x128xf32, #tpu.memory_space<vmem>> -> memref<128x128xf32, #tpu.memory_space<vmem>>
      %gather3A_2232 = tpu.vector_load_idx %gather3A_2231[%add3A_272, %add3A_2210] : memref<128x128xf32, #tpu.memory_space<vmem>>[vector<16xi32>, vector<16xi32>], vector<16xf32>,
      %sub3A_2233 = arith.subf %gather3A_2227, %gather3A_2232 : vector<16xf32>
      %mul3A_2234 = arith.mulf %sub3A_2233, %sub3A_2233 : vector<16xf32>
      %add3A_2235 = arith.addf %scan3A_2196, %mul3A_2234 : vector<16xf32>
      %gather3A_2236 = arith.constant 0 : i32
      %gather3A_2237 = arith.constant 0 : i32
      %gather3A_2238 = tpu.memref_slice %arg8[%scan3A_1259, %gather3A_2236, %gather3A_2237] : memref<3x128x128xf32, #tpu.memory_space<vmem>> -> memref<1x128x128xf32, #tpu.memory_space<vmem>>
      %gather3A_2239 = tpu.memref_squeeze %gather3A_2238 : memref<1x128x128xf32, #tpu.memory_space<vmem>> -> memref<128x128xf32, #tpu.memory_space<vmem>>
      %gather3A_2240 = tpu.vector_load_idx %gather3A_2239[%add3A_275, %add3A_2210] : memref<128x128xf32, #tpu.memory_space<vmem>>[vector<16xi32>, vector<16xi32>], vector<16xf32>,
      %gather3A_2241 = arith.constant 0 : i32
      %gather3A_2242 = arith.constant 0 : i32
      %gather3A_2243 = tpu.memref_slice %arg9[%scan3A_1260, %gather3A_2241, %gather3A_2242] : memref<3x128x128xf32, #tpu.memory_space<vmem>> -> memref<1x128x128xf32, #tpu.memory_space<vmem>>
      %gather3A_2244 = tpu.memref_squeeze %gather3A_2243 : memref<1x128x128xf32, #tpu.memory_space<vmem>> -> memref<128x128xf32, #tpu.memory_space<vmem>>
      %gather3A_2245 = tpu.vector_load_idx %gather3A_2244[%add3A_275, %add3A_2210] : memref<128x128xf32, #tpu.memory_space<vmem>>[vector<16xi32>, vector<16xi32>], vector<16xf32>,
      %sub3A_2246 = arith.subf %gather3A_2240, %gather3A_2245 : vector<16xf32>
      %mul3A_2247 = arith.mulf %sub3A_2246, %sub3A_2246 : vector<16xf32>
      %add3A_2248 = arith.addf %scan3A_2197, %mul3A_2247 : vector<16xf32>
      %gather3A_2249 = arith.constant 0 : i32
      %gather3A_2250 = arith.constant 0 : i32
      %gather3A_2251 = tpu.memref_slice %arg8[%scan3A_1259, %gather3A_2249, %gather3A_2250] : memref<3x128x128xf32, #tpu.memory_space<vmem>> -> memref<1x128x128xf32, #tpu.memory_space<vmem>>
      %gather3A_2252 = tpu.memref_squeeze %gather3A_2251 : memref<1x128x128xf32, #tpu.memory_space<vmem>> -> memref<128x128xf32, #tpu.memory_space<vmem>>
      %gather3A_2253 = tpu.vector_load_idx %gather3A_2252[%add3A_278, %add3A_2210] : memref<128x128xf32, #tpu.memory_space<vmem>>[vector<16xi32>, vector<16xi32>], vector<16xf32>,
      %gather3A_2254 = arith.constant 0 : i32
      %gather3A_2255 = arith.constant 0 : i32
      %gather3A_2256 = tpu.memref_slice %arg9[%scan3A_1260, %gather3A_2254, %gather3A_2255] : memref<3x128x128xf32, #tpu.memory_space<vmem>> -> memref<1x128x128xf32, #tpu.memory_space<vmem>>
      %gather3A_2257 = tpu.memref_squeeze %gather3A_2256 : memref<1x128x128xf32, #tpu.memory_space<vmem>> -> memref<128x128xf32, #tpu.memory_space<vmem>>
      %gather3A_2258 = tpu.vector_load_idx %gather3A_2257[%add3A_278, %add3A_2210] : memref<128x128xf32, #tpu.memory_space<vmem>>[vector<16xi32>, vector<16xi32>], vector<16xf32>,
      %sub3A_2259 = arith.subf %gather3A_2253, %gather3A_2258 : vector<16xf32>
      %mul3A_2260 = arith.mulf %sub3A_2259, %sub3A_2259 : vector<16xf32>
      %add3A_2261 = arith.addf %scan3A_2198, %mul3A_2260 : vector<16xf32>
      %gather3A_2262 = arith.constant 0 : i32
      %gather3A_2263 = arith.constant 0 : i32
      %gather3A_2264 = tpu.memref_slice %arg8[%scan3A_1259, %gather3A_2262, %gather3A_2263] : memref<3x128x128xf32, #tpu.memory_space<vmem>> -> memref<1x128x128xf32, #tpu.memory_space<vmem>>
      %gather3A_2265 = tpu.memref_squeeze %gather3A_2264 : memref<1x128x128xf32, #tpu.memory_space<vmem>> -> memref<128x128xf32, #tpu.memory_space<vmem>>
      %gather3A_2266 = tpu.vector_load_idx %gather3A_2265[%add3A_281, %add3A_2210] : memref<128x128xf32, #tpu.memory_space<vmem>>[vector<16xi32>, vector<16xi32>], vector<16xf32>,
      %gather3A_2267 = arith.constant 0 : i32
      %gather3A_2268 = arith.constant 0 : i32
      %gather3A_2269 = tpu.memref_slice %arg9[%scan3A_1260, %gather3A_2267, %gather3A_2268] : memref<3x128x128xf32, #tpu.memory_space<vmem>> -> memref<1x128x128xf32, #tpu.memory_space<vmem>>
      %gather3A_2270 = tpu.memref_squeeze %gather3A_2269 : memref<1x128x128xf32, #tpu.memory_space<vmem>> -> memref<128x128xf32, #tpu.memory_space<vmem>>
      %gather3A_2271 = tpu.vector_load_idx %gather3A_2270[%add3A_281, %add3A_2210] : memref<128x128xf32, #tpu.memory_space<vmem>>[vector<16xi32>, vector<16xi32>], vector<16xf32>,
      %sub3A_2272 = arith.subf %gather3A_2266, %gather3A_2271 : vector<16xf32>
      %mul3A_2273 = arith.mulf %sub3A_2272, %sub3A_2272 : vector<16xf32>
      %add3A_2274 = arith.addf %scan3A_2199, %mul3A_2273 : vector<16xf32>
      %gather3A_2275 = arith.constant 0 : i32
      %gather3A_2276 = arith.constant 0 : i32
      %gather3A_2277 = tpu.memref_slice %arg8[%scan3A_1259, %gather3A_2275, %gather3A_2276] : memref<3x128x128xf32, #tpu.memory_space<vmem>> -> memref<1x128x128xf32, #tpu.memory_space<vmem>>
      %gather3A_2278 = tpu.memref_squeeze %gather3A_2277 : memref<1x128x128xf32, #tpu.memory_space<vmem>> -> memref<128x128xf32, #tpu.memory_space<vmem>>
      %gather3A_2279 = tpu.vector_load_idx %gather3A_2278[%add3A_284, %add3A_2210] : memref<128x128xf32, #tpu.memory_space<vmem>>[vector<16xi32>, vector<16xi32>], vector<16xf32>,
      %gather3A_2280 = arith.constant 0 : i32
      %gather3A_2281 = arith.constant 0 : i32
      %gather3A_2282 = tpu.memref_slice %arg9[%scan3A_1260, %gather3A_2280, %gather3A_2281] : memref<3x128x128xf32, #tpu.memory_space<vmem>> -> memref<1x128x128xf32, #tpu.memory_space<vmem>>
      %gather3A_2283 = tpu.memref_squeeze %gather3A_2282 : memref<1x128x128xf32, #tpu.memory_space<vmem>> -> memref<128x128xf32, #tpu.memory_space<vmem>>
      %gather3A_2284 = tpu.vector_load_idx %gather3A_2283[%add3A_284, %add3A_2210] : memref<128x128xf32, #tpu.memory_space<vmem>>[vector<16xi32>, vector<16xi32>], vector<16xf32>,
      %sub3A_2285 = arith.subf %gather3A_2279, %gather3A_2284 : vector<16xf32>
      %mul3A_2286 = arith.mulf %sub3A_2285, %sub3A_2285 : vector<16xf32>
      %add3A_2287 = arith.addf %scan3A_2200, %mul3A_2286 : vector<16xf32>
      %gather3A_2288 = arith.constant 0 : i32
      %gather3A_2289 = arith.constant 0 : i32
      %gather3A_2290 = tpu.memref_slice %arg8[%scan3A_1259, %gather3A_2288, %gather3A_2289] : memref<3x128x128xf32, #tpu.memory_space<vmem>> -> memref<1x128x128xf32, #tpu.memory_space<vmem>>
      %gather3A_2291 = tpu.memref_squeeze %gather3A_2290 : memref<1x128x128xf32, #tpu.memory_space<vmem>> -> memref<128x128xf32, #tpu.memory_space<vmem>>
      %gather3A_2292 = tpu.vector_load_idx %gather3A_2291[%add3A_287, %add3A_2210] : memref<128x128xf32, #tpu.memory_space<vmem>>[vector<16xi32>, vector<16xi32>], vector<16xf32>,
      %gather3A_2293 = arith.constant 0 : i32
      %gather3A_2294 = arith.constant 0 : i32
      %gather3A_2295 = tpu.memref_slice %arg9[%scan3A_1260, %gather3A_2293, %gather3A_2294] : memref<3x128x128xf32, #tpu.memory_space<vmem>> -> memref<1x128x128xf32, #tpu.memory_space<vmem>>
      %gather3A_2296 = tpu.memref_squeeze %gather3A_2295 : memref<1x128x128xf32, #tpu.memory_space<vmem>> -> memref<128x128xf32, #tpu.memory_space<vmem>>
      %gather3A_2297 = tpu.vector_load_idx %gather3A_2296[%add3A_287, %add3A_2210] : memref<128x128xf32, #tpu.memory_space<vmem>>[vector<16xi32>, vector<16xi32>], vector<16xf32>,
      %sub3A_2298 = arith.subf %gather3A_2292, %gather3A_2297 : vector<16xf32>
      %mul3A_2299 = arith.mulf %sub3A_2298, %sub3A_2298 : vector<16xf32>
      %add3A_2300 = arith.addf %scan3A_2201, %mul3A_2299 : vector<16xf32>
      %gather3A_2301 = arith.constant 0 : i32
      %gather3A_2302 = arith.constant 0 : i32
      %gather3A_2303 = tpu.memref_slice %arg8[%scan3A_1259, %gather3A_2301, %gather3A_2302] : memref<3x128x128xf32, #tpu.memory_space<vmem>> -> memref<1x128x128xf32, #tpu.memory_space<vmem>>
      %gather3A_2304 = tpu.memref_squeeze %gather3A_2303 : memref<1x128x128xf32, #tpu.memory_space<vmem>> -> memref<128x128xf32, #tpu.memory_space<vmem>>
      %gather3A_2305 = tpu.vector_load_idx %gather3A_2304[%add3A_290, %add3A_2210] : memref<128x128xf32, #tpu.memory_space<vmem>>[vector<16xi32>, vector<16xi32>], vector<16xf32>,
      %gather3A_2306 = arith.constant 0 : i32
      %gather3A_2307 = arith.constant 0 : i32
      %gather3A_2308 = tpu.memref_slice %arg9[%scan3A_1260, %gather3A_2306, %gather3A_2307] : memref<3x128x128xf32, #tpu.memory_space<vmem>> -> memref<1x128x128xf32, #tpu.memory_space<vmem>>
      %gather3A_2309 = tpu.memref_squeeze %gather3A_2308 : memref<1x128x128xf32, #tpu.memory_space<vmem>> -> memref<128x128xf32, #tpu.memory_space<vmem>>
      %gather3A_2310 = tpu.vector_load_idx %gather3A_2309[%add3A_290, %add3A_2210] : memref<128x128xf32, #tpu.memory_space<vmem>>[vector<16xi32>, vector<16xi32>], vector<16xf32>,
      %sub3A_2311 = arith.subf %gather3A_2305, %gather3A_2310 : vector<16xf32>
      %mul3A_2312 = arith.mulf %sub3A_2311, %sub3A_2311 : vector<16xf32>
      %add3A_2313 = arith.addf %scan3A_2202, %mul3A_2312 : vector<16xf32>
      scf.yield %add3A_2222, %add3A_2235, %add3A_2248, %add3A_2261, %add3A_2274, %add3A_2287, %add3A_2300, %add3A_2313 : vector<16xf32>, vector<16xf32>, vector<16xf32>, vector<16xf32>, vector<16xf32>, vector<16xf32>, vector<16xf32>, vector<16xf32>
    }
    %scan3A_1266 = arith.constant 128 : i32
    %dma_wait3A_1267 = arith.constant 2 : i32
    %dma_wait3A_1268 = arith.constant 2 : i32
    %dma_wait3A_1269 = arith.constant 0 : i32
    %dma_wait3A_1270 = tpu.memref_slice %arg10[%dma_wait3A_1268, %dma_wait3A_1269] : memref<4x128xf32, #tpu.memory_space<vmem>> -> memref<1x128xf32, #tpu.memory_space<vmem>>
    %dma_wait3A_1271 = tpu.memref_squeeze %dma_wait3A_1270 : memref<1x128xf32, #tpu.memory_space<vmem>> -> memref<128xf32, #tpu.memory_space<vmem>>
    %dma_wait3A_1272 = arith.constant 0 : i32
    %dma_wait3A_1273 = tpu.memref_slice %arg7[%dma_wait3A_1267, %dma_wait3A_1272] : memref<4x128xi32, #tpu.memory_space<vmem>> -> memref<1x128xi32, #tpu.memory_space<vmem>>
    %dma_wait3A_1274 = tpu.memref_squeeze %dma_wait3A_1273 : memref<1x128xi32, #tpu.memory_space<vmem>> -> memref<128xi32, #tpu.memory_space<vmem>>
    %dma_wait3A_1275 = arith.constant 0 : i32
    %dma_wait3A_1276 = tpu.memref_slice %arg14[%dma_wait3A_1275] : memref<100096xf32, #tpu.memory_space<vmem_shared>> -> memref<100096xf32, #tpu.memory_space<vmem_shared>>
    tpu.wait_indirect_dma semaphore(%arg22 : memref<!tpu.dma_semaphore, #tpu.memory_space<semaphore_mem>>) src(%dma_wait3A_1276 : memref<100096xf32, #tpu.memory_space<vmem_shared>>) dst(%dma_wait3A_1271 : memref<128xf32, #tpu.memory_space<vmem>>)
    %get3A_1277 = arith.constant 2 : i32
    %get3A_1278 = arith.index_cast %get3A_1277 : i32 to index
    %get3A_1279 = arith.constant 0 : index
    %get3A_1280 = tpu.vector_load %arg10[%get3A_1278, %get3A_1279] {strides = array<i32>} : memref<4x128xf32, #tpu.memory_space<vmem>>, vector<16xf32>,
    %bitcast3A_1281 = vector.bitcast %scan3A_1265#0 : vector<16xf32> to vector<16xi32>
    %shift_right_logical3A_1282 = arith.constant 1 : i32
    %shift_right_logical3A_1283 = vector.broadcast %shift_right_logical3A_1282 : i32 to vector<16xi32>
    %shift_right_logical3A_1284 = arith.shrui %bitcast3A_1281, %shift_right_logical3A_1283 : vector<16xi32>
    %sub3A_1285 = arith.constant 1597463007 : i32
    %sub3A_1286 = vector.broadcast %sub3A_1285 : i32 to vector<16xi32>
    %sub3A_1287 = arith.subi %sub3A_1286, %shift_right_logical3A_1284 : vector<16xi32>
    %bitcast3A_1288 = vector.bitcast %sub3A_1287 : vector<16xi32> to vector<16xf32>
    %mul3A_1289 = arith.constant 5.000000e-01 : f32
    %mul3A_1290 = vector.broadcast %mul3A_1289 : f32 to vector<16xf32>
    %mul3A_1291 = arith.mulf %mul3A_1290, %scan3A_1265#0 : vector<16xf32>
    %mul3A_1292 = arith.mulf %mul3A_1291, %bitcast3A_1288 : vector<16xf32>
    %mul3A_1293 = arith.mulf %mul3A_1292, %bitcast3A_1288 : vector<16xf32>
    %sub3A_1294 = arith.constant 1.500000e+00 : f32
    %sub3A_1295 = vector.broadcast %sub3A_1294 : f32 to vector<16xf32>
    %sub3A_1296 = arith.subf %sub3A_1295, %mul3A_1293 : vector<16xf32>
    %mul3A_1297 = arith.mulf %bitcast3A_1288, %sub3A_1296 : vector<16xf32>
    %mul3A_1298 = arith.constant 5.000000e-01 : f32
    %mul3A_1299 = vector.broadcast %mul3A_1298 : f32 to vector<16xf32>
    %mul3A_1300 = arith.mulf %mul3A_1299, %scan3A_1265#0 : vector<16xf32>
    %mul3A_1301 = arith.mulf %mul3A_1300, %mul3A_1297 : vector<16xf32>
    %mul3A_1302 = arith.mulf %mul3A_1301, %mul3A_1297 : vector<16xf32>
    %sub3A_1303 = arith.constant 1.500000e+00 : f32
    %sub3A_1304 = vector.broadcast %sub3A_1303 : f32 to vector<16xf32>
    %sub3A_1305 = arith.subf %sub3A_1304, %mul3A_1302 : vector<16xf32>
    %mul3A_1306 = arith.mulf %mul3A_1297, %sub3A_1305 : vector<16xf32>
    %mul3A_1307 = arith.constant 5.000000e-01 : f32
    %mul3A_1308 = vector.broadcast %mul3A_1307 : f32 to vector<16xf32>
    %mul3A_1309 = arith.mulf %mul3A_1308, %scan3A_1265#0 : vector<16xf32>
    %mul3A_1310 = arith.mulf %mul3A_1309, %mul3A_1306 : vector<16xf32>
    %mul3A_1311 = arith.mulf %mul3A_1310, %mul3A_1306 : vector<16xf32>
    %sub3A_1312 = arith.constant 1.500000e+00 : f32
    %sub3A_1313 = vector.broadcast %sub3A_1312 : f32 to vector<16xf32>
    %sub3A_1314 = arith.subf %sub3A_1313, %mul3A_1311 : vector<16xf32>
    %mul3A_1315 = arith.mulf %mul3A_1306, %sub3A_1314 : vector<16xf32>
    %gt3A_1316 = arith.constant 0.000000e+00 : f32
    %gt3A_1317 = vector.broadcast %gt3A_1316 : f32 to vector<16xf32>
    %gt3A_1318 = arith.cmpf ogt, %scan3A_1265#0, %gt3A_1317 : vector<16xf32>
    %mul3A_1319 = arith.mulf %scan3A_1265#0, %mul3A_1315 : vector<16xf32>
    %jit3A_1320 = arith.constant 0.000000e+00 : f32
    %broadcast_in_dim3A_1321 = vector.broadcast %jit3A_1320 : f32 to vector<16xf32>
    %select_n3A_1322 = arith.select %gt3A_1318, %mul3A_1319, %broadcast_in_dim3A_1321 : vector<16xi1>, vector<16xf32>
    %div3A_1323 = arith.divf %select_n3A_1322, %get3A_1280 : vector<16xf32>
    %swap3A_1324 = arith.constant 2 : i32
    %swap3A_1325 = arith.index_cast %swap3A_1324 : i32 to index
    %swap3A_1326 = arith.constant 0 : index
    %swap3A_1327 = tpu.vector_load %arg11[%swap3A_1325, %swap3A_1326] {strides = array<i32>} : memref<4x128xf32, #tpu.memory_space<vmem>>, vector<16xf32>,
    tpu.vector_store %arg11[%swap3A_1325, %swap3A_1326], %div3A_1323 {strides = array<i32>} : memref<4x128xf32, #tpu.memory_space<vmem>>, vector<16xf32>,
    %get3A_1328 = arith.constant 2 : i32
    %get3A_1329 = arith.index_cast %get3A_1328 : i32 to index
    %get3A_1330 = arith.constant 16 : index
    %get3A_1331 = tpu.vector_load %arg10[%get3A_1329, %get3A_1330] {strides = array<i32>} : memref<4x128xf32, #tpu.memory_space<vmem>>, vector<16xf32>,
    %bitcast3A_1332 = vector.bitcast %scan3A_1265#1 : vector<16xf32> to vector<16xi32>
    %shift_right_logical3A_1333 = arith.constant 1 : i32
    %shift_right_logical3A_1334 = vector.broadcast %shift_right_logical3A_1333 : i32 to vector<16xi32>
    %shift_right_logical3A_1335 = arith.shrui %bitcast3A_1332, %shift_right_logical3A_1334 : vector<16xi32>
    %sub3A_1336 = arith.constant 1597463007 : i32
    %sub3A_1337 = vector.broadcast %sub3A_1336 : i32 to vector<16xi32>
    %sub3A_1338 = arith.subi %sub3A_1337, %shift_right_logical3A_1335 : vector<16xi32>
    %bitcast3A_1339 = vector.bitcast %sub3A_1338 : vector<16xi32> to vector<16xf32>
    %mul3A_1340 = arith.constant 5.000000e-01 : f32
    %mul3A_1341 = vector.broadcast %mul3A_1340 : f32 to vector<16xf32>
    %mul3A_1342 = arith.mulf %mul3A_1341, %scan3A_1265#1 : vector<16xf32>
    %mul3A_1343 = arith.mulf %mul3A_1342, %bitcast3A_1339 : vector<16xf32>
    %mul3A_1344 = arith.mulf %mul3A_1343, %bitcast3A_1339 : vector<16xf32>
    %sub3A_1345 = arith.constant 1.500000e+00 : f32
    %sub3A_1346 = vector.broadcast %sub3A_1345 : f32 to vector<16xf32>
    %sub3A_1347 = arith.subf %sub3A_1346, %mul3A_1344 : vector<16xf32>
    %mul3A_1348 = arith.mulf %bitcast3A_1339, %sub3A_1347 : vector<16xf32>
    %mul3A_1349 = arith.constant 5.000000e-01 : f32
    %mul3A_1350 = vector.broadcast %mul3A_1349 : f32 to vector<16xf32>
    %mul3A_1351 = arith.mulf %mul3A_1350, %scan3A_1265#1 : vector<16xf32>
    %mul3A_1352 = arith.mulf %mul3A_1351, %mul3A_1348 : vector<16xf32>
    %mul3A_1353 = arith.mulf %mul3A_1352, %mul3A_1348 : vector<16xf32>
    %sub3A_1354 = arith.constant 1.500000e+00 : f32
    %sub3A_1355 = vector.broadcast %sub3A_1354 : f32 to vector<16xf32>
    %sub3A_1356 = arith.subf %sub3A_1355, %mul3A_1353 : vector<16xf32>
    %mul3A_1357 = arith.mulf %mul3A_1348, %sub3A_1356 : vector<16xf32>
    %mul3A_1358 = arith.constant 5.000000e-01 : f32
    %mul3A_1359 = vector.broadcast %mul3A_1358 : f32 to vector<16xf32>
    %mul3A_1360 = arith.mulf %mul3A_1359, %scan3A_1265#1 : vector<16xf32>
    %mul3A_1361 = arith.mulf %mul3A_1360, %mul3A_1357 : vector<16xf32>
    %mul3A_1362 = arith.mulf %mul3A_1361, %mul3A_1357 : vector<16xf32>
    %sub3A_1363 = arith.constant 1.500000e+00 : f32
    %sub3A_1364 = vector.broadcast %sub3A_1363 : f32 to vector<16xf32>
    %sub3A_1365 = arith.subf %sub3A_1364, %mul3A_1362 : vector<16xf32>
    %mul3A_1366 = arith.mulf %mul3A_1357, %sub3A_1365 : vector<16xf32>
    %gt3A_1367 = arith.constant 0.000000e+00 : f32
    %gt3A_1368 = vector.broadcast %gt3A_1367 : f32 to vector<16xf32>
    %gt3A_1369 = arith.cmpf ogt, %scan3A_1265#1, %gt3A_1368 : vector<16xf32>
    %mul3A_1370 = arith.mulf %scan3A_1265#1, %mul3A_1366 : vector<16xf32>
    %jit3A_1371 = arith.constant 0.000000e+00 : f32
    %broadcast_in_dim3A_1372 = vector.broadcast %jit3A_1371 : f32 to vector<16xf32>
    %select_n3A_1373 = arith.select %gt3A_1369, %mul3A_1370, %broadcast_in_dim3A_1372 : vector<16xi1>, vector<16xf32>
    %div3A_1374 = arith.divf %select_n3A_1373, %get3A_1331 : vector<16xf32>
    %swap3A_1375 = arith.constant 2 : i32
    %swap3A_1376 = arith.index_cast %swap3A_1375 : i32 to index
    %swap3A_1377 = arith.constant 16 : index
    %swap3A_1378 = tpu.vector_load %arg11[%swap3A_1376, %swap3A_1377] {strides = array<i32>} : memref<4x128xf32, #tpu.memory_space<vmem>>, vector<16xf32>,
    tpu.vector_store %arg11[%swap3A_1376, %swap3A_1377], %div3A_1374 {strides = array<i32>} : memref<4x128xf32, #tpu.memory_space<vmem>>, vector<16xf32>,
    %get3A_1379 = arith.constant 2 : i32
    %get3A_1380 = arith.index_cast %get3A_1379 : i32 to index
    %get3A_1381 = arith.constant 32 : index
    %get3A_1382 = tpu.vector_load %arg10[%get3A_1380, %get3A_1381] {strides = array<i32>} : memref<4x128xf32, #tpu.memory_space<vmem>>, vector<16xf32>,
    %bitcast3A_1383 = vector.bitcast %scan3A_1265#2 : vector<16xf32> to vector<16xi32>
    %shift_right_logical3A_1384 = arith.constant 1 : i32
    %shift_right_logical3A_1385 = vector.broadcast %shift_right_logical3A_1384 : i32 to vector<16xi32>
    %shift_right_logical3A_1386 = arith.shrui %bitcast3A_1383, %shift_right_logical3A_1385 : vector<16xi32>
    %sub3A_1387 = arith.constant 1597463007 : i32
    %sub3A_1388 = vector.broadcast %sub3A_1387 : i32 to vector<16xi32>
    %sub3A_1389 = arith.subi %sub3A_1388, %shift_right_logical3A_1386 : vector<16xi32>
    %bitcast3A_1390 = vector.bitcast %sub3A_1389 : vector<16xi32> to vector<16xf32>
    %mul3A_1391 = arith.constant 5.000000e-01 : f32
    %mul3A_1392 = vector.broadcast %mul3A_1391 : f32 to vector<16xf32>
    %mul3A_1393 = arith.mulf %mul3A_1392, %scan3A_1265#2 : vector<16xf32>
    %mul3A_1394 = arith.mulf %mul3A_1393, %bitcast3A_1390 : vector<16xf32>
    %mul3A_1395 = arith.mulf %mul3A_1394, %bitcast3A_1390 : vector<16xf32>
    %sub3A_1396 = arith.constant 1.500000e+00 : f32
    %sub3A_1397 = vector.broadcast %sub3A_1396 : f32 to vector<16xf32>
    %sub3A_1398 = arith.subf %sub3A_1397, %mul3A_1395 : vector<16xf32>
    %mul3A_1399 = arith.mulf %bitcast3A_1390, %sub3A_1398 : vector<16xf32>
    %mul3A_1400 = arith.constant 5.000000e-01 : f32
    %mul3A_1401 = vector.broadcast %mul3A_1400 : f32 to vector<16xf32>
    %mul3A_1402 = arith.mulf %mul3A_1401, %scan3A_1265#2 : vector<16xf32>
    %mul3A_1403 = arith.mulf %mul3A_1402, %mul3A_1399 : vector<16xf32>
    %mul3A_1404 = arith.mulf %mul3A_1403, %mul3A_1399 : vector<16xf32>
    %sub3A_1405 = arith.constant 1.500000e+00 : f32
    %sub3A_1406 = vector.broadcast %sub3A_1405 : f32 to vector<16xf32>
    %sub3A_1407 = arith.subf %sub3A_1406, %mul3A_1404 : vector<16xf32>
    %mul3A_1408 = arith.mulf %mul3A_1399, %sub3A_1407 : vector<16xf32>
    %mul3A_1409 = arith.constant 5.000000e-01 : f32
    %mul3A_1410 = vector.broadcast %mul3A_1409 : f32 to vector<16xf32>
    %mul3A_1411 = arith.mulf %mul3A_1410, %scan3A_1265#2 : vector<16xf32>
    %mul3A_1412 = arith.mulf %mul3A_1411, %mul3A_1408 : vector<16xf32>
    %mul3A_1413 = arith.mulf %mul3A_1412, %mul3A_1408 : vector<16xf32>
    %sub3A_1414 = arith.constant 1.500000e+00 : f32
    %sub3A_1415 = vector.broadcast %sub3A_1414 : f32 to vector<16xf32>
    %sub3A_1416 = arith.subf %sub3A_1415, %mul3A_1413 : vector<16xf32>
    %mul3A_1417 = arith.mulf %mul3A_1408, %sub3A_1416 : vector<16xf32>
    %gt3A_1418 = arith.constant 0.000000e+00 : f32
    %gt3A_1419 = vector.broadcast %gt3A_1418 : f32 to vector<16xf32>
    %gt3A_1420 = arith.cmpf ogt, %scan3A_1265#2, %gt3A_1419 : vector<16xf32>
    %mul3A_1421 = arith.mulf %scan3A_1265#2, %mul3A_1417 : vector<16xf32>
    %jit3A_1422 = arith.constant 0.000000e+00 : f32
    %broadcast_in_dim3A_1423 = vector.broadcast %jit3A_1422 : f32 to vector<16xf32>
    %select_n3A_1424 = arith.select %gt3A_1420, %mul3A_1421, %broadcast_in_dim3A_1423 : vector<16xi1>, vector<16xf32>
    %div3A_1425 = arith.divf %select_n3A_1424, %get3A_1382 : vector<16xf32>
    %swap3A_1426 = arith.constant 2 : i32
    %swap3A_1427 = arith.index_cast %swap3A_1426 : i32 to index
    %swap3A_1428 = arith.constant 32 : index
    %swap3A_1429 = tpu.vector_load %arg11[%swap3A_1427, %swap3A_1428] {strides = array<i32>} : memref<4x128xf32, #tpu.memory_space<vmem>>, vector<16xf32>,
    tpu.vector_store %arg11[%swap3A_1427, %swap3A_1428], %div3A_1425 {strides = array<i32>} : memref<4x128xf32, #tpu.memory_space<vmem>>, vector<16xf32>,
    %get3A_1430 = arith.constant 2 : i32
    %get3A_1431 = arith.index_cast %get3A_1430 : i32 to index
    %get3A_1432 = arith.constant 48 : index
    %get3A_1433 = tpu.vector_load %arg10[%get3A_1431, %get3A_1432] {strides = array<i32>} : memref<4x128xf32, #tpu.memory_space<vmem>>, vector<16xf32>,
    %bitcast3A_1434 = vector.bitcast %scan3A_1265#3 : vector<16xf32> to vector<16xi32>
    %shift_right_logical3A_1435 = arith.constant 1 : i32
    %shift_right_logical3A_1436 = vector.broadcast %shift_right_logical3A_1435 : i32 to vector<16xi32>
    %shift_right_logical3A_1437 = arith.shrui %bitcast3A_1434, %shift_right_logical3A_1436 : vector<16xi32>
    %sub3A_1438 = arith.constant 1597463007 : i32
    %sub3A_1439 = vector.broadcast %sub3A_1438 : i32 to vector<16xi32>
    %sub3A_1440 = arith.subi %sub3A_1439, %shift_right_logical3A_1437 : vector<16xi32>
    %bitcast3A_1441 = vector.bitcast %sub3A_1440 : vector<16xi32> to vector<16xf32>
    %mul3A_1442 = arith.constant 5.000000e-01 : f32
    %mul3A_1443 = vector.broadcast %mul3A_1442 : f32 to vector<16xf32>
    %mul3A_1444 = arith.mulf %mul3A_1443, %scan3A_1265#3 : vector<16xf32>
    %mul3A_1445 = arith.mulf %mul3A_1444, %bitcast3A_1441 : vector<16xf32>
    %mul3A_1446 = arith.mulf %mul3A_1445, %bitcast3A_1441 : vector<16xf32>
    %sub3A_1447 = arith.constant 1.500000e+00 : f32
    %sub3A_1448 = vector.broadcast %sub3A_1447 : f32 to vector<16xf32>
    %sub3A_1449 = arith.subf %sub3A_1448, %mul3A_1446 : vector<16xf32>
    %mul3A_1450 = arith.mulf %bitcast3A_1441, %sub3A_1449 : vector<16xf32>
    %mul3A_1451 = arith.constant 5.000000e-01 : f32
    %mul3A_1452 = vector.broadcast %mul3A_1451 : f32 to vector<16xf32>
    %mul3A_1453 = arith.mulf %mul3A_1452, %scan3A_1265#3 : vector<16xf32>
    %mul3A_1454 = arith.mulf %mul3A_1453, %mul3A_1450 : vector<16xf32>
    %mul3A_1455 = arith.mulf %mul3A_1454, %mul3A_1450 : vector<16xf32>
    %sub3A_1456 = arith.constant 1.500000e+00 : f32
    %sub3A_1457 = vector.broadcast %sub3A_1456 : f32 to vector<16xf32>
    %sub3A_1458 = arith.subf %sub3A_1457, %mul3A_1455 : vector<16xf32>
    %mul3A_1459 = arith.mulf %mul3A_1450, %sub3A_1458 : vector<16xf32>
    %mul3A_1460 = arith.constant 5.000000e-01 : f32
    %mul3A_1461 = vector.broadcast %mul3A_1460 : f32 to vector<16xf32>
    %mul3A_1462 = arith.mulf %mul3A_1461, %scan3A_1265#3 : vector<16xf32>
    %mul3A_1463 = arith.mulf %mul3A_1462, %mul3A_1459 : vector<16xf32>
    %mul3A_1464 = arith.mulf %mul3A_1463, %mul3A_1459 : vector<16xf32>
    %sub3A_1465 = arith.constant 1.500000e+00 : f32
    %sub3A_1466 = vector.broadcast %sub3A_1465 : f32 to vector<16xf32>
    %sub3A_1467 = arith.subf %sub3A_1466, %mul3A_1464 : vector<16xf32>
    %mul3A_1468 = arith.mulf %mul3A_1459, %sub3A_1467 : vector<16xf32>
    %gt3A_1469 = arith.constant 0.000000e+00 : f32
    %gt3A_1470 = vector.broadcast %gt3A_1469 : f32 to vector<16xf32>
    %gt3A_1471 = arith.cmpf ogt, %scan3A_1265#3, %gt3A_1470 : vector<16xf32>
    %mul3A_1472 = arith.mulf %scan3A_1265#3, %mul3A_1468 : vector<16xf32>
    %jit3A_1473 = arith.constant 0.000000e+00 : f32
    %broadcast_in_dim3A_1474 = vector.broadcast %jit3A_1473 : f32 to vector<16xf32>
    %select_n3A_1475 = arith.select %gt3A_1471, %mul3A_1472, %broadcast_in_dim3A_1474 : vector<16xi1>, vector<16xf32>
    %div3A_1476 = arith.divf %select_n3A_1475, %get3A_1433 : vector<16xf32>
    %swap3A_1477 = arith.constant 2 : i32
    %swap3A_1478 = arith.index_cast %swap3A_1477 : i32 to index
    %swap3A_1479 = arith.constant 48 : index
    %swap3A_1480 = tpu.vector_load %arg11[%swap3A_1478, %swap3A_1479] {strides = array<i32>} : memref<4x128xf32, #tpu.memory_space<vmem>>, vector<16xf32>,
    tpu.vector_store %arg11[%swap3A_1478, %swap3A_1479], %div3A_1476 {strides = array<i32>} : memref<4x128xf32, #tpu.memory_space<vmem>>, vector<16xf32>,
    %get3A_1481 = arith.constant 2 : i32
    %get3A_1482 = arith.index_cast %get3A_1481 : i32 to index
    %get3A_1483 = arith.constant 64 : index
    %get3A_1484 = tpu.vector_load %arg10[%get3A_1482, %get3A_1483] {strides = array<i32>} : memref<4x128xf32, #tpu.memory_space<vmem>>, vector<16xf32>,
    %bitcast3A_1485 = vector.bitcast %scan3A_1265#4 : vector<16xf32> to vector<16xi32>
    %shift_right_logical3A_1486 = arith.constant 1 : i32
    %shift_right_logical3A_1487 = vector.broadcast %shift_right_logical3A_1486 : i32 to vector<16xi32>
    %shift_right_logical3A_1488 = arith.shrui %bitcast3A_1485, %shift_right_logical3A_1487 : vector<16xi32>
    %sub3A_1489 = arith.constant 1597463007 : i32
    %sub3A_1490 = vector.broadcast %sub3A_1489 : i32 to vector<16xi32>
    %sub3A_1491 = arith.subi %sub3A_1490, %shift_right_logical3A_1488 : vector<16xi32>
    %bitcast3A_1492 = vector.bitcast %sub3A_1491 : vector<16xi32> to vector<16xf32>
    %mul3A_1493 = arith.constant 5.000000e-01 : f32
    %mul3A_1494 = vector.broadcast %mul3A_1493 : f32 to vector<16xf32>
    %mul3A_1495 = arith.mulf %mul3A_1494, %scan3A_1265#4 : vector<16xf32>
    %mul3A_1496 = arith.mulf %mul3A_1495, %bitcast3A_1492 : vector<16xf32>
    %mul3A_1497 = arith.mulf %mul3A_1496, %bitcast3A_1492 : vector<16xf32>
    %sub3A_1498 = arith.constant 1.500000e+00 : f32
    %sub3A_1499 = vector.broadcast %sub3A_1498 : f32 to vector<16xf32>
    %sub3A_1500 = arith.subf %sub3A_1499, %mul3A_1497 : vector<16xf32>
    %mul3A_1501 = arith.mulf %bitcast3A_1492, %sub3A_1500 : vector<16xf32>
    %mul3A_1502 = arith.constant 5.000000e-01 : f32
    %mul3A_1503 = vector.broadcast %mul3A_1502 : f32 to vector<16xf32>
    %mul3A_1504 = arith.mulf %mul3A_1503, %scan3A_1265#4 : vector<16xf32>
    %mul3A_1505 = arith.mulf %mul3A_1504, %mul3A_1501 : vector<16xf32>
    %mul3A_1506 = arith.mulf %mul3A_1505, %mul3A_1501 : vector<16xf32>
    %sub3A_1507 = arith.constant 1.500000e+00 : f32
    %sub3A_1508 = vector.broadcast %sub3A_1507 : f32 to vector<16xf32>
    %sub3A_1509 = arith.subf %sub3A_1508, %mul3A_1506 : vector<16xf32>
    %mul3A_1510 = arith.mulf %mul3A_1501, %sub3A_1509 : vector<16xf32>
    %mul3A_1511 = arith.constant 5.000000e-01 : f32
    %mul3A_1512 = vector.broadcast %mul3A_1511 : f32 to vector<16xf32>
    %mul3A_1513 = arith.mulf %mul3A_1512, %scan3A_1265#4 : vector<16xf32>
    %mul3A_1514 = arith.mulf %mul3A_1513, %mul3A_1510 : vector<16xf32>
    %mul3A_1515 = arith.mulf %mul3A_1514, %mul3A_1510 : vector<16xf32>
    %sub3A_1516 = arith.constant 1.500000e+00 : f32
    %sub3A_1517 = vector.broadcast %sub3A_1516 : f32 to vector<16xf32>
    %sub3A_1518 = arith.subf %sub3A_1517, %mul3A_1515 : vector<16xf32>
    %mul3A_1519 = arith.mulf %mul3A_1510, %sub3A_1518 : vector<16xf32>
    %gt3A_1520 = arith.constant 0.000000e+00 : f32
    %gt3A_1521 = vector.broadcast %gt3A_1520 : f32 to vector<16xf32>
    %gt3A_1522 = arith.cmpf ogt, %scan3A_1265#4, %gt3A_1521 : vector<16xf32>
    %mul3A_1523 = arith.mulf %scan3A_1265#4, %mul3A_1519 : vector<16xf32>
    %jit3A_1524 = arith.constant 0.000000e+00 : f32
    %broadcast_in_dim3A_1525 = vector.broadcast %jit3A_1524 : f32 to vector<16xf32>
    %select_n3A_1526 = arith.select %gt3A_1522, %mul3A_1523, %broadcast_in_dim3A_1525 : vector<16xi1>, vector<16xf32>
    %div3A_1527 = arith.divf %select_n3A_1526, %get3A_1484 : vector<16xf32>
    %swap3A_1528 = arith.constant 2 : i32
    %swap3A_1529 = arith.index_cast %swap3A_1528 : i32 to index
    %swap3A_1530 = arith.constant 64 : index
    %swap3A_1531 = tpu.vector_load %arg11[%swap3A_1529, %swap3A_1530] {strides = array<i32>} : memref<4x128xf32, #tpu.memory_space<vmem>>, vector<16xf32>,
    tpu.vector_store %arg11[%swap3A_1529, %swap3A_1530], %div3A_1527 {strides = array<i32>} : memref<4x128xf32, #tpu.memory_space<vmem>>, vector<16xf32>,
    %get3A_1532 = arith.constant 2 : i32
    %get3A_1533 = arith.index_cast %get3A_1532 : i32 to index
    %get3A_1534 = arith.constant 80 : index
    %get3A_1535 = tpu.vector_load %arg10[%get3A_1533, %get3A_1534] {strides = array<i32>} : memref<4x128xf32, #tpu.memory_space<vmem>>, vector<16xf32>,
    %bitcast3A_1536 = vector.bitcast %scan3A_1265#5 : vector<16xf32> to vector<16xi32>
    %shift_right_logical3A_1537 = arith.constant 1 : i32
    %shift_right_logical3A_1538 = vector.broadcast %shift_right_logical3A_1537 : i32 to vector<16xi32>
    %shift_right_logical3A_1539 = arith.shrui %bitcast3A_1536, %shift_right_logical3A_1538 : vector<16xi32>
    %sub3A_1540 = arith.constant 1597463007 : i32
    %sub3A_1541 = vector.broadcast %sub3A_1540 : i32 to vector<16xi32>
    %sub3A_1542 = arith.subi %sub3A_1541, %shift_right_logical3A_1539 : vector<16xi32>
    %bitcast3A_1543 = vector.bitcast %sub3A_1542 : vector<16xi32> to vector<16xf32>
    %mul3A_1544 = arith.constant 5.000000e-01 : f32
    %mul3A_1545 = vector.broadcast %mul3A_1544 : f32 to vector<16xf32>
    %mul3A_1546 = arith.mulf %mul3A_1545, %scan3A_1265#5 : vector<16xf32>
    %mul3A_1547 = arith.mulf %mul3A_1546, %bitcast3A_1543 : vector<16xf32>
    %mul3A_1548 = arith.mulf %mul3A_1547, %bitcast3A_1543 : vector<16xf32>
    %sub3A_1549 = arith.constant 1.500000e+00 : f32
    %sub3A_1550 = vector.broadcast %sub3A_1549 : f32 to vector<16xf32>
    %sub3A_1551 = arith.subf %sub3A_1550, %mul3A_1548 : vector<16xf32>
    %mul3A_1552 = arith.mulf %bitcast3A_1543, %sub3A_1551 : vector<16xf32>
    %mul3A_1553 = arith.constant 5.000000e-01 : f32
    %mul3A_1554 = vector.broadcast %mul3A_1553 : f32 to vector<16xf32>
    %mul3A_1555 = arith.mulf %mul3A_1554, %scan3A_1265#5 : vector<16xf32>
    %mul3A_1556 = arith.mulf %mul3A_1555, %mul3A_1552 : vector<16xf32>
    %mul3A_1557 = arith.mulf %mul3A_1556, %mul3A_1552 : vector<16xf32>
    %sub3A_1558 = arith.constant 1.500000e+00 : f32
    %sub3A_1559 = vector.broadcast %sub3A_1558 : f32 to vector<16xf32>
    %sub3A_1560 = arith.subf %sub3A_1559, %mul3A_1557 : vector<16xf32>
    %mul3A_1561 = arith.mulf %mul3A_1552, %sub3A_1560 : vector<16xf32>
    %mul3A_1562 = arith.constant 5.000000e-01 : f32
    %mul3A_1563 = vector.broadcast %mul3A_1562 : f32 to vector<16xf32>
    %mul3A_1564 = arith.mulf %mul3A_1563, %scan3A_1265#5 : vector<16xf32>
    %mul3A_1565 = arith.mulf %mul3A_1564, %mul3A_1561 : vector<16xf32>
    %mul3A_1566 = arith.mulf %mul3A_1565, %mul3A_1561 : vector<16xf32>
    %sub3A_1567 = arith.constant 1.500000e+00 : f32
    %sub3A_1568 = vector.broadcast %sub3A_1567 : f32 to vector<16xf32>
    %sub3A_1569 = arith.subf %sub3A_1568, %mul3A_1566 : vector<16xf32>
    %mul3A_1570 = arith.mulf %mul3A_1561, %sub3A_1569 : vector<16xf32>
    %gt3A_1571 = arith.constant 0.000000e+00 : f32
    %gt3A_1572 = vector.broadcast %gt3A_1571 : f32 to vector<16xf32>
    %gt3A_1573 = arith.cmpf ogt, %scan3A_1265#5, %gt3A_1572 : vector<16xf32>
    %mul3A_1574 = arith.mulf %scan3A_1265#5, %mul3A_1570 : vector<16xf32>
    %jit3A_1575 = arith.constant 0.000000e+00 : f32
    %broadcast_in_dim3A_1576 = vector.broadcast %jit3A_1575 : f32 to vector<16xf32>
    %select_n3A_1577 = arith.select %gt3A_1573, %mul3A_1574, %broadcast_in_dim3A_1576 : vector<16xi1>, vector<16xf32>
    %div3A_1578 = arith.divf %select_n3A_1577, %get3A_1535 : vector<16xf32>
    %swap3A_1579 = arith.constant 2 : i32
    %swap3A_1580 = arith.index_cast %swap3A_1579 : i32 to index
    %swap3A_1581 = arith.constant 80 : index
    %swap3A_1582 = tpu.vector_load %arg11[%swap3A_1580, %swap3A_1581] {strides = array<i32>} : memref<4x128xf32, #tpu.memory_space<vmem>>, vector<16xf32>,
    tpu.vector_store %arg11[%swap3A_1580, %swap3A_1581], %div3A_1578 {strides = array<i32>} : memref<4x128xf32, #tpu.memory_space<vmem>>, vector<16xf32>,
    %get3A_1583 = arith.constant 2 : i32
    %get3A_1584 = arith.index_cast %get3A_1583 : i32 to index
    %get3A_1585 = arith.constant 96 : index
    %get3A_1586 = tpu.vector_load %arg10[%get3A_1584, %get3A_1585] {strides = array<i32>} : memref<4x128xf32, #tpu.memory_space<vmem>>, vector<16xf32>,
    %bitcast3A_1587 = vector.bitcast %scan3A_1265#6 : vector<16xf32> to vector<16xi32>
    %shift_right_logical3A_1588 = arith.constant 1 : i32
    %shift_right_logical3A_1589 = vector.broadcast %shift_right_logical3A_1588 : i32 to vector<16xi32>
    %shift_right_logical3A_1590 = arith.shrui %bitcast3A_1587, %shift_right_logical3A_1589 : vector<16xi32>
    %sub3A_1591 = arith.constant 1597463007 : i32
    %sub3A_1592 = vector.broadcast %sub3A_1591 : i32 to vector<16xi32>
    %sub3A_1593 = arith.subi %sub3A_1592, %shift_right_logical3A_1590 : vector<16xi32>
    %bitcast3A_1594 = vector.bitcast %sub3A_1593 : vector<16xi32> to vector<16xf32>
    %mul3A_1595 = arith.constant 5.000000e-01 : f32
    %mul3A_1596 = vector.broadcast %mul3A_1595 : f32 to vector<16xf32>
    %mul3A_1597 = arith.mulf %mul3A_1596, %scan3A_1265#6 : vector<16xf32>
    %mul3A_1598 = arith.mulf %mul3A_1597, %bitcast3A_1594 : vector<16xf32>
    %mul3A_1599 = arith.mulf %mul3A_1598, %bitcast3A_1594 : vector<16xf32>
    %sub3A_1600 = arith.constant 1.500000e+00 : f32
    %sub3A_1601 = vector.broadcast %sub3A_1600 : f32 to vector<16xf32>
    %sub3A_1602 = arith.subf %sub3A_1601, %mul3A_1599 : vector<16xf32>
    %mul3A_1603 = arith.mulf %bitcast3A_1594, %sub3A_1602 : vector<16xf32>
    %mul3A_1604 = arith.constant 5.000000e-01 : f32
    %mul3A_1605 = vector.broadcast %mul3A_1604 : f32 to vector<16xf32>
    %mul3A_1606 = arith.mulf %mul3A_1605, %scan3A_1265#6 : vector<16xf32>
    %mul3A_1607 = arith.mulf %mul3A_1606, %mul3A_1603 : vector<16xf32>
    %mul3A_1608 = arith.mulf %mul3A_1607, %mul3A_1603 : vector<16xf32>
    %sub3A_1609 = arith.constant 1.500000e+00 : f32
    %sub3A_1610 = vector.broadcast %sub3A_1609 : f32 to vector<16xf32>
    %sub3A_1611 = arith.subf %sub3A_1610, %mul3A_1608 : vector<16xf32>
    %mul3A_1612 = arith.mulf %mul3A_1603, %sub3A_1611 : vector<16xf32>
    %mul3A_1613 = arith.constant 5.000000e-01 : f32
    %mul3A_1614 = vector.broadcast %mul3A_1613 : f32 to vector<16xf32>
    %mul3A_1615 = arith.mulf %mul3A_1614, %scan3A_1265#6 : vector<16xf32>
    %mul3A_1616 = arith.mulf %mul3A_1615, %mul3A_1612 : vector<16xf32>
    %mul3A_1617 = arith.mulf %mul3A_1616, %mul3A_1612 : vector<16xf32>
    %sub3A_1618 = arith.constant 1.500000e+00 : f32
    %sub3A_1619 = vector.broadcast %sub3A_1618 : f32 to vector<16xf32>
    %sub3A_1620 = arith.subf %sub3A_1619, %mul3A_1617 : vector<16xf32>
    %mul3A_1621 = arith.mulf %mul3A_1612, %sub3A_1620 : vector<16xf32>
    %gt3A_1622 = arith.constant 0.000000e+00 : f32
    %gt3A_1623 = vector.broadcast %gt3A_1622 : f32 to vector<16xf32>
    %gt3A_1624 = arith.cmpf ogt, %scan3A_1265#6, %gt3A_1623 : vector<16xf32>
    %mul3A_1625 = arith.mulf %scan3A_1265#6, %mul3A_1621 : vector<16xf32>
    %jit3A_1626 = arith.constant 0.000000e+00 : f32
    %broadcast_in_dim3A_1627 = vector.broadcast %jit3A_1626 : f32 to vector<16xf32>
    %select_n3A_1628 = arith.select %gt3A_1624, %mul3A_1625, %broadcast_in_dim3A_1627 : vector<16xi1>, vector<16xf32>
    %div3A_1629 = arith.divf %select_n3A_1628, %get3A_1586 : vector<16xf32>
    %swap3A_1630 = arith.constant 2 : i32
    %swap3A_1631 = arith.index_cast %swap3A_1630 : i32 to index
    %swap3A_1632 = arith.constant 96 : index
    %swap3A_1633 = tpu.vector_load %arg11[%swap3A_1631, %swap3A_1632] {strides = array<i32>} : memref<4x128xf32, #tpu.memory_space<vmem>>, vector<16xf32>,
    tpu.vector_store %arg11[%swap3A_1631, %swap3A_1632], %div3A_1629 {strides = array<i32>} : memref<4x128xf32, #tpu.memory_space<vmem>>, vector<16xf32>,
    %get3A_1634 = arith.constant 2 : i32
    %get3A_1635 = arith.index_cast %get3A_1634 : i32 to index
    %get3A_1636 = arith.constant 112 : index
    %get3A_1637 = tpu.vector_load %arg10[%get3A_1635, %get3A_1636] {strides = array<i32>} : memref<4x128xf32, #tpu.memory_space<vmem>>, vector<16xf32>,
    %bitcast3A_1638 = vector.bitcast %scan3A_1265#7 : vector<16xf32> to vector<16xi32>
    %shift_right_logical3A_1639 = arith.constant 1 : i32
    %shift_right_logical3A_1640 = vector.broadcast %shift_right_logical3A_1639 : i32 to vector<16xi32>
    %shift_right_logical3A_1641 = arith.shrui %bitcast3A_1638, %shift_right_logical3A_1640 : vector<16xi32>
    %sub3A_1642 = arith.constant 1597463007 : i32
    %sub3A_1643 = vector.broadcast %sub3A_1642 : i32 to vector<16xi32>
    %sub3A_1644 = arith.subi %sub3A_1643, %shift_right_logical3A_1641 : vector<16xi32>
    %bitcast3A_1645 = vector.bitcast %sub3A_1644 : vector<16xi32> to vector<16xf32>
    %mul3A_1646 = arith.constant 5.000000e-01 : f32
    %mul3A_1647 = vector.broadcast %mul3A_1646 : f32 to vector<16xf32>
    %mul3A_1648 = arith.mulf %mul3A_1647, %scan3A_1265#7 : vector<16xf32>
    %mul3A_1649 = arith.mulf %mul3A_1648, %bitcast3A_1645 : vector<16xf32>
    %mul3A_1650 = arith.mulf %mul3A_1649, %bitcast3A_1645 : vector<16xf32>
    %sub3A_1651 = arith.constant 1.500000e+00 : f32
    %sub3A_1652 = vector.broadcast %sub3A_1651 : f32 to vector<16xf32>
    %sub3A_1653 = arith.subf %sub3A_1652, %mul3A_1650 : vector<16xf32>
    %mul3A_1654 = arith.mulf %bitcast3A_1645, %sub3A_1653 : vector<16xf32>
    %mul3A_1655 = arith.constant 5.000000e-01 : f32
    %mul3A_1656 = vector.broadcast %mul3A_1655 : f32 to vector<16xf32>
    %mul3A_1657 = arith.mulf %mul3A_1656, %scan3A_1265#7 : vector<16xf32>
    %mul3A_1658 = arith.mulf %mul3A_1657, %mul3A_1654 : vector<16xf32>
    %mul3A_1659 = arith.mulf %mul3A_1658, %mul3A_1654 : vector<16xf32>
    %sub3A_1660 = arith.constant 1.500000e+00 : f32
    %sub3A_1661 = vector.broadcast %sub3A_1660 : f32 to vector<16xf32>
    %sub3A_1662 = arith.subf %sub3A_1661, %mul3A_1659 : vector<16xf32>
    %mul3A_1663 = arith.mulf %mul3A_1654, %sub3A_1662 : vector<16xf32>
    %mul3A_1664 = arith.constant 5.000000e-01 : f32
    %mul3A_1665 = vector.broadcast %mul3A_1664 : f32 to vector<16xf32>
    %mul3A_1666 = arith.mulf %mul3A_1665, %scan3A_1265#7 : vector<16xf32>
    %mul3A_1667 = arith.mulf %mul3A_1666, %mul3A_1663 : vector<16xf32>
    %mul3A_1668 = arith.mulf %mul3A_1667, %mul3A_1663 : vector<16xf32>
    %sub3A_1669 = arith.constant 1.500000e+00 : f32
    %sub3A_1670 = vector.broadcast %sub3A_1669 : f32 to vector<16xf32>
    %sub3A_1671 = arith.subf %sub3A_1670, %mul3A_1668 : vector<16xf32>
    %mul3A_1672 = arith.mulf %mul3A_1663, %sub3A_1671 : vector<16xf32>
    %gt3A_1673 = arith.constant 0.000000e+00 : f32
    %gt3A_1674 = vector.broadcast %gt3A_1673 : f32 to vector<16xf32>
    %gt3A_1675 = arith.cmpf ogt, %scan3A_1265#7, %gt3A_1674 : vector<16xf32>
    %mul3A_1676 = arith.mulf %scan3A_1265#7, %mul3A_1672 : vector<16xf32>
    %jit3A_1677 = arith.constant 0.000000e+00 : f32
    %broadcast_in_dim3A_1678 = vector.broadcast %jit3A_1677 : f32 to vector<16xf32>
    %select_n3A_1679 = arith.select %gt3A_1675, %mul3A_1676, %broadcast_in_dim3A_1678 : vector<16xi1>, vector<16xf32>
    %div3A_1680 = arith.divf %select_n3A_1679, %get3A_1637 : vector<16xf32>
    %swap3A_1681 = arith.constant 2 : i32
    %swap3A_1682 = arith.index_cast %swap3A_1681 : i32 to index
    %swap3A_1683 = arith.constant 112 : index
    %swap3A_1684 = tpu.vector_load %arg11[%swap3A_1682, %swap3A_1683] {strides = array<i32>} : memref<4x128xf32, #tpu.memory_space<vmem>>, vector<16xf32>,
    tpu.vector_store %arg11[%swap3A_1682, %swap3A_1683], %div3A_1680 {strides = array<i32>} : memref<4x128xf32, #tpu.memory_space<vmem>>, vector<16xf32>,
    %add3A_1685 = arith.constant 256 : i32
    %add3A_1686 = arith.addi %mul3A_2, %add3A_1685 : i32
    %dma_start3A_1687 = arith.constant 2 : i32
    %dma_start3A_1688 = arith.constant 0 : i32
    %dma_start3A_1689 = tpu.memref_slice %arg11[%dma_start3A_1687, %dma_start3A_1688] : memref<4x128xf32, #tpu.memory_space<vmem>> -> memref<1x128xf32, #tpu.memory_space<vmem>>
    %dma_start3A_1690 = tpu.memref_squeeze %dma_start3A_1689 : memref<1x128xf32, #tpu.memory_space<vmem>> -> memref<128xf32, #tpu.memory_space<vmem>>
    %dma_start3A_1691 = tpu.memref_slice %arg5[%add3A_1686] : memref<16384xf32, #tpu.memory_space<hbm>> -> memref<128xf32, #tpu.memory_space<hbm>>
    %dma_start3A_1692 = tpu.memref_slice %arg5[%add3A_1686] : memref<16384xf32, #tpu.memory_space<hbm>> -> memref<128xf32, #tpu.memory_space<hbm>>
    %dma_start3A_1693 = arith.constant 0 : i32
    %dma_start3A_1694 = tpu.memref_slice %arg11[%dma_start3A_1687, %dma_start3A_1693] : memref<4x128xf32, #tpu.memory_space<vmem>> -> memref<1x128xf32, #tpu.memory_space<vmem>>
    %dma_start3A_1695 = tpu.memref_squeeze %dma_start3A_1694 : memref<1x128xf32, #tpu.memory_space<vmem>> -> memref<128xf32, #tpu.memory_space<vmem>>
    tpu.enqueue_dma source(%dma_start3A_1695 : memref<128xf32, #tpu.memory_space<vmem>>) target(%dma_start3A_1692 : memref<128xf32, #tpu.memory_space<hbm>>) target_semaphore(%arg19 : memref<!tpu.dma_semaphore, #tpu.memory_space<semaphore_mem>>)
    %dma_wait3A_1696 = arith.constant 3 : i32
    %dma_wait3A_1697 = arith.constant 0 : i32
    %dma_wait3A_1698 = arith.constant 0 : i32
    %dma_wait3A_1699 = arith.constant 0 : i32
    %dma_wait3A_1700 = tpu.memref_slice %arg9[%dma_wait3A_1697, %dma_wait3A_1698, %dma_wait3A_1699] : memref<3x128x128xf32, #tpu.memory_space<vmem>> -> memref<1x128x128xf32, #tpu.memory_space<vmem>>
    %dma_wait3A_1701 = tpu.memref_squeeze %dma_wait3A_1700 : memref<1x128x128xf32, #tpu.memory_space<vmem>> -> memref<128x128xf32, #tpu.memory_space<vmem>>
    %dma_wait3A_1702 = arith.constant 0 : i32
    %dma_wait3A_1703 = tpu.memref_slice %arg7[%dma_wait3A_1696, %dma_wait3A_1702] : memref<4x128xi32, #tpu.memory_space<vmem>> -> memref<1x128xi32, #tpu.memory_space<vmem>>
    %dma_wait3A_1704 = tpu.memref_squeeze %dma_wait3A_1703 : memref<1x128xi32, #tpu.memory_space<vmem>> -> memref<128xi32, #tpu.memory_space<vmem>>
    %dma_wait3A_1705 = arith.constant 0 : i32
    %dma_wait3A_1706 = arith.constant 0 : i32
    %dma_wait3A_1707 = tpu.memref_slice %arg4[%dma_wait3A_1705, %dma_wait3A_1706] : memref<100000x128xf32, #tpu.memory_space<hbm>> -> memref<100000x128xf32, #tpu.memory_space<hbm>>
    tpu.wait_indirect_dma semaphore(%arg27 : memref<!tpu.dma_semaphore, #tpu.memory_space<semaphore_mem>>) src(%dma_wait3A_1707 : memref<100000x128xf32, #tpu.memory_space<hbm>>) dst(%dma_wait3A_1701 : memref<128x128xf32, #tpu.memory_space<vmem>>)
    %dma_wait3A_1708 = arith.constant 0 : i32
    %dma_wait3A_1709 = arith.constant 0 : i32
    %dma_wait3A_1710 = arith.constant 0 : i32
    %dma_wait3A_1711 = tpu.memref_slice %arg8[%dma_wait3A_1708, %dma_wait3A_1709, %dma_wait3A_1710] : memref<3x128x128xf32, #tpu.memory_space<vmem>> -> memref<1x128x128xf32, #tpu.memory_space<vmem>>
    %dma_wait3A_1712 = tpu.memref_squeeze %dma_wait3A_1711 : memref<1x128x128xf32, #tpu.memory_space<vmem>> -> memref<128x128xf32, #tpu.memory_space<vmem>>
    %dma_wait3A_1713 = arith.constant 0 : i32
    %dma_wait3A_1714 = tpu.memref_slice %arg2[%add3A_746, %dma_wait3A_1713] : memref<16384x128xf32, #tpu.memory_space<hbm>> -> memref<128x128xf32, #tpu.memory_space<hbm>>
    %dma_wait3A_1715 = arith.constant 0 : i32
    %dma_wait3A_1716 = arith.constant 0 : i32
    %dma_wait3A_1717 = tpu.memref_slice %arg8[%dma_wait3A_1708, %dma_wait3A_1715, %dma_wait3A_1716] : memref<3x128x128xf32, #tpu.memory_space<vmem>> -> memref<1x128x128xf32, #tpu.memory_space<vmem>>
    %dma_wait3A_1718 = tpu.memref_squeeze %dma_wait3A_1717 : memref<1x128x128xf32, #tpu.memory_space<vmem>> -> memref<128x128xf32, #tpu.memory_space<vmem>>
    %dma_wait3A_1719 = arith.constant 0 : i32
    %dma_wait3A_1720 = tpu.memref_slice %arg2[%add3A_746, %dma_wait3A_1719] : memref<16384x128xf32, #tpu.memory_space<hbm>> -> memref<128x128xf32, #tpu.memory_space<hbm>>
    tpu.wait_dma2 semaphore(%arg24 : memref<!tpu.dma_semaphore, #tpu.memory_space<semaphore_mem>>) src(%dma_wait3A_1720 : memref<128x128xf32, #tpu.memory_space<hbm>>) dst(%dma_wait3A_1718 : memref<128x128xf32, #tpu.memory_space<vmem>>)
    %scan3A_1721 = arith.constant 0 : i32
    %scan3A_1722 = arith.constant 0 : i32
    %scan3A_1723 = arith.constant 0 : i32
    %scan3A_1724 = arith.constant 128 : i32
    %scan3A_1725 = arith.addi %scan3A_1723, %scan3A_1724 : i32
    %scan3A_1726 = arith.constant 1 : i32
    %scan3A_1727:8 = scf.for %scan3A_2194 = %scan3A_1723 to %scan3A_1725 step %scan3A_1726 iter_args(%scan3A_2195 = %broadcast_in_dim3A_96, %scan3A_2196 = %broadcast_in_dim3A_96, %scan3A_2197 = %broadcast_in_dim3A_96, %scan3A_2198 = %broadcast_in_dim3A_96, %scan3A_2199 = %broadcast_in_dim3A_96, %scan3A_2200 = %broadcast_in_dim3A_96, %scan3A_2201 = %broadcast_in_dim3A_96, %scan3A_2202 = %broadcast_in_dim3A_96) -> (vector<16xf32>, vector<16xf32>, vector<16xf32>, vector<16xf32>, vector<16xf32>, vector<16xf32>, vector<16xf32>, vector<16xf32>)  : i32 {
      %broadcast_in_dim3A_2203 = vector.broadcast %scan3A_2194 : i32 to vector<16xi32>
      %and3A = arith.constant -16 : i32
      %and3A_2204 = vector.broadcast %and3A : i32 to vector<16xi32>
      %and3A_2205 = arith.andi %broadcast_in_dim3A_2203, %and3A_2204 : vector<16xi32>
      %add3A_2206 = arith.addi %iota3A, %broadcast_in_dim3A_2203 : vector<16xi32>
      %and3A_2207 = arith.constant 15 : i32
      %and3A_2208 = vector.broadcast %and3A_2207 : i32 to vector<16xi32>
      %and3A_2209 = arith.andi %add3A_2206, %and3A_2208 : vector<16xi32>
      %add3A_2210 = arith.addi %and3A_2205, %and3A_2209 : vector<16xi32>
      %gather3A = arith.constant 0 : i32
      %gather3A_2211 = arith.constant 0 : i32
      %gather3A_2212 = tpu.memref_slice %arg8[%scan3A_1721, %gather3A, %gather3A_2211] : memref<3x128x128xf32, #tpu.memory_space<vmem>> -> memref<1x128x128xf32, #tpu.memory_space<vmem>>
      %gather3A_2213 = tpu.memref_squeeze %gather3A_2212 : memref<1x128x128xf32, #tpu.memory_space<vmem>> -> memref<128x128xf32, #tpu.memory_space<vmem>>
      %gather3A_2214 = tpu.vector_load_idx %gather3A_2213[%add3A_269, %add3A_2210] : memref<128x128xf32, #tpu.memory_space<vmem>>[vector<16xi32>, vector<16xi32>], vector<16xf32>,
      %gather3A_2215 = arith.constant 0 : i32
      %gather3A_2216 = arith.constant 0 : i32
      %gather3A_2217 = tpu.memref_slice %arg9[%scan3A_1722, %gather3A_2215, %gather3A_2216] : memref<3x128x128xf32, #tpu.memory_space<vmem>> -> memref<1x128x128xf32, #tpu.memory_space<vmem>>
      %gather3A_2218 = tpu.memref_squeeze %gather3A_2217 : memref<1x128x128xf32, #tpu.memory_space<vmem>> -> memref<128x128xf32, #tpu.memory_space<vmem>>
      %gather3A_2219 = tpu.vector_load_idx %gather3A_2218[%add3A_269, %add3A_2210] : memref<128x128xf32, #tpu.memory_space<vmem>>[vector<16xi32>, vector<16xi32>], vector<16xf32>,
      %sub3A_2220 = arith.subf %gather3A_2214, %gather3A_2219 : vector<16xf32>
      %mul3A_2221 = arith.mulf %sub3A_2220, %sub3A_2220 : vector<16xf32>
      %add3A_2222 = arith.addf %scan3A_2195, %mul3A_2221 : vector<16xf32>
      %gather3A_2223 = arith.constant 0 : i32
      %gather3A_2224 = arith.constant 0 : i32
      %gather3A_2225 = tpu.memref_slice %arg8[%scan3A_1721, %gather3A_2223, %gather3A_2224] : memref<3x128x128xf32, #tpu.memory_space<vmem>> -> memref<1x128x128xf32, #tpu.memory_space<vmem>>
      %gather3A_2226 = tpu.memref_squeeze %gather3A_2225 : memref<1x128x128xf32, #tpu.memory_space<vmem>> -> memref<128x128xf32, #tpu.memory_space<vmem>>
      %gather3A_2227 = tpu.vector_load_idx %gather3A_2226[%add3A_272, %add3A_2210] : memref<128x128xf32, #tpu.memory_space<vmem>>[vector<16xi32>, vector<16xi32>], vector<16xf32>,
      %gather3A_2228 = arith.constant 0 : i32
      %gather3A_2229 = arith.constant 0 : i32
      %gather3A_2230 = tpu.memref_slice %arg9[%scan3A_1722, %gather3A_2228, %gather3A_2229] : memref<3x128x128xf32, #tpu.memory_space<vmem>> -> memref<1x128x128xf32, #tpu.memory_space<vmem>>
      %gather3A_2231 = tpu.memref_squeeze %gather3A_2230 : memref<1x128x128xf32, #tpu.memory_space<vmem>> -> memref<128x128xf32, #tpu.memory_space<vmem>>
      %gather3A_2232 = tpu.vector_load_idx %gather3A_2231[%add3A_272, %add3A_2210] : memref<128x128xf32, #tpu.memory_space<vmem>>[vector<16xi32>, vector<16xi32>], vector<16xf32>,
      %sub3A_2233 = arith.subf %gather3A_2227, %gather3A_2232 : vector<16xf32>
      %mul3A_2234 = arith.mulf %sub3A_2233, %sub3A_2233 : vector<16xf32>
      %add3A_2235 = arith.addf %scan3A_2196, %mul3A_2234 : vector<16xf32>
      %gather3A_2236 = arith.constant 0 : i32
      %gather3A_2237 = arith.constant 0 : i32
      %gather3A_2238 = tpu.memref_slice %arg8[%scan3A_1721, %gather3A_2236, %gather3A_2237] : memref<3x128x128xf32, #tpu.memory_space<vmem>> -> memref<1x128x128xf32, #tpu.memory_space<vmem>>
      %gather3A_2239 = tpu.memref_squeeze %gather3A_2238 : memref<1x128x128xf32, #tpu.memory_space<vmem>> -> memref<128x128xf32, #tpu.memory_space<vmem>>
      %gather3A_2240 = tpu.vector_load_idx %gather3A_2239[%add3A_275, %add3A_2210] : memref<128x128xf32, #tpu.memory_space<vmem>>[vector<16xi32>, vector<16xi32>], vector<16xf32>,
      %gather3A_2241 = arith.constant 0 : i32
      %gather3A_2242 = arith.constant 0 : i32
      %gather3A_2243 = tpu.memref_slice %arg9[%scan3A_1722, %gather3A_2241, %gather3A_2242] : memref<3x128x128xf32, #tpu.memory_space<vmem>> -> memref<1x128x128xf32, #tpu.memory_space<vmem>>
      %gather3A_2244 = tpu.memref_squeeze %gather3A_2243 : memref<1x128x128xf32, #tpu.memory_space<vmem>> -> memref<128x128xf32, #tpu.memory_space<vmem>>
      %gather3A_2245 = tpu.vector_load_idx %gather3A_2244[%add3A_275, %add3A_2210] : memref<128x128xf32, #tpu.memory_space<vmem>>[vector<16xi32>, vector<16xi32>], vector<16xf32>,
      %sub3A_2246 = arith.subf %gather3A_2240, %gather3A_2245 : vector<16xf32>
      %mul3A_2247 = arith.mulf %sub3A_2246, %sub3A_2246 : vector<16xf32>
      %add3A_2248 = arith.addf %scan3A_2197, %mul3A_2247 : vector<16xf32>
      %gather3A_2249 = arith.constant 0 : i32
      %gather3A_2250 = arith.constant 0 : i32
      %gather3A_2251 = tpu.memref_slice %arg8[%scan3A_1721, %gather3A_2249, %gather3A_2250] : memref<3x128x128xf32, #tpu.memory_space<vmem>> -> memref<1x128x128xf32, #tpu.memory_space<vmem>>
      %gather3A_2252 = tpu.memref_squeeze %gather3A_2251 : memref<1x128x128xf32, #tpu.memory_space<vmem>> -> memref<128x128xf32, #tpu.memory_space<vmem>>
      %gather3A_2253 = tpu.vector_load_idx %gather3A_2252[%add3A_278, %add3A_2210] : memref<128x128xf32, #tpu.memory_space<vmem>>[vector<16xi32>, vector<16xi32>], vector<16xf32>,
      %gather3A_2254 = arith.constant 0 : i32
      %gather3A_2255 = arith.constant 0 : i32
      %gather3A_2256 = tpu.memref_slice %arg9[%scan3A_1722, %gather3A_2254, %gather3A_2255] : memref<3x128x128xf32, #tpu.memory_space<vmem>> -> memref<1x128x128xf32, #tpu.memory_space<vmem>>
      %gather3A_2257 = tpu.memref_squeeze %gather3A_2256 : memref<1x128x128xf32, #tpu.memory_space<vmem>> -> memref<128x128xf32, #tpu.memory_space<vmem>>
      %gather3A_2258 = tpu.vector_load_idx %gather3A_2257[%add3A_278, %add3A_2210] : memref<128x128xf32, #tpu.memory_space<vmem>>[vector<16xi32>, vector<16xi32>], vector<16xf32>,
      %sub3A_2259 = arith.subf %gather3A_2253, %gather3A_2258 : vector<16xf32>
      %mul3A_2260 = arith.mulf %sub3A_2259, %sub3A_2259 : vector<16xf32>
      %add3A_2261 = arith.addf %scan3A_2198, %mul3A_2260 : vector<16xf32>
      %gather3A_2262 = arith.constant 0 : i32
      %gather3A_2263 = arith.constant 0 : i32
      %gather3A_2264 = tpu.memref_slice %arg8[%scan3A_1721, %gather3A_2262, %gather3A_2263] : memref<3x128x128xf32, #tpu.memory_space<vmem>> -> memref<1x128x128xf32, #tpu.memory_space<vmem>>
      %gather3A_2265 = tpu.memref_squeeze %gather3A_2264 : memref<1x128x128xf32, #tpu.memory_space<vmem>> -> memref<128x128xf32, #tpu.memory_space<vmem>>
      %gather3A_2266 = tpu.vector_load_idx %gather3A_2265[%add3A_281, %add3A_2210] : memref<128x128xf32, #tpu.memory_space<vmem>>[vector<16xi32>, vector<16xi32>], vector<16xf32>,
      %gather3A_2267 = arith.constant 0 : i32
      %gather3A_2268 = arith.constant 0 : i32
      %gather3A_2269 = tpu.memref_slice %arg9[%scan3A_1722, %gather3A_2267, %gather3A_2268] : memref<3x128x128xf32, #tpu.memory_space<vmem>> -> memref<1x128x128xf32, #tpu.memory_space<vmem>>
      %gather3A_2270 = tpu.memref_squeeze %gather3A_2269 : memref<1x128x128xf32, #tpu.memory_space<vmem>> -> memref<128x128xf32, #tpu.memory_space<vmem>>
      %gather3A_2271 = tpu.vector_load_idx %gather3A_2270[%add3A_281, %add3A_2210] : memref<128x128xf32, #tpu.memory_space<vmem>>[vector<16xi32>, vector<16xi32>], vector<16xf32>,
      %sub3A_2272 = arith.subf %gather3A_2266, %gather3A_2271 : vector<16xf32>
      %mul3A_2273 = arith.mulf %sub3A_2272, %sub3A_2272 : vector<16xf32>
      %add3A_2274 = arith.addf %scan3A_2199, %mul3A_2273 : vector<16xf32>
      %gather3A_2275 = arith.constant 0 : i32
      %gather3A_2276 = arith.constant 0 : i32
      %gather3A_2277 = tpu.memref_slice %arg8[%scan3A_1721, %gather3A_2275, %gather3A_2276] : memref<3x128x128xf32, #tpu.memory_space<vmem>> -> memref<1x128x128xf32, #tpu.memory_space<vmem>>
      %gather3A_2278 = tpu.memref_squeeze %gather3A_2277 : memref<1x128x128xf32, #tpu.memory_space<vmem>> -> memref<128x128xf32, #tpu.memory_space<vmem>>
      %gather3A_2279 = tpu.vector_load_idx %gather3A_2278[%add3A_284, %add3A_2210] : memref<128x128xf32, #tpu.memory_space<vmem>>[vector<16xi32>, vector<16xi32>], vector<16xf32>,
      %gather3A_2280 = arith.constant 0 : i32
      %gather3A_2281 = arith.constant 0 : i32
      %gather3A_2282 = tpu.memref_slice %arg9[%scan3A_1722, %gather3A_2280, %gather3A_2281] : memref<3x128x128xf32, #tpu.memory_space<vmem>> -> memref<1x128x128xf32, #tpu.memory_space<vmem>>
      %gather3A_2283 = tpu.memref_squeeze %gather3A_2282 : memref<1x128x128xf32, #tpu.memory_space<vmem>> -> memref<128x128xf32, #tpu.memory_space<vmem>>
      %gather3A_2284 = tpu.vector_load_idx %gather3A_2283[%add3A_284, %add3A_2210] : memref<128x128xf32, #tpu.memory_space<vmem>>[vector<16xi32>, vector<16xi32>], vector<16xf32>,
      %sub3A_2285 = arith.subf %gather3A_2279, %gather3A_2284 : vector<16xf32>
      %mul3A_2286 = arith.mulf %sub3A_2285, %sub3A_2285 : vector<16xf32>
      %add3A_2287 = arith.addf %scan3A_2200, %mul3A_2286 : vector<16xf32>
      %gather3A_2288 = arith.constant 0 : i32
      %gather3A_2289 = arith.constant 0 : i32
      %gather3A_2290 = tpu.memref_slice %arg8[%scan3A_1721, %gather3A_2288, %gather3A_2289] : memref<3x128x128xf32, #tpu.memory_space<vmem>> -> memref<1x128x128xf32, #tpu.memory_space<vmem>>
      %gather3A_2291 = tpu.memref_squeeze %gather3A_2290 : memref<1x128x128xf32, #tpu.memory_space<vmem>> -> memref<128x128xf32, #tpu.memory_space<vmem>>
      %gather3A_2292 = tpu.vector_load_idx %gather3A_2291[%add3A_287, %add3A_2210] : memref<128x128xf32, #tpu.memory_space<vmem>>[vector<16xi32>, vector<16xi32>], vector<16xf32>,
      %gather3A_2293 = arith.constant 0 : i32
      %gather3A_2294 = arith.constant 0 : i32
      %gather3A_2295 = tpu.memref_slice %arg9[%scan3A_1722, %gather3A_2293, %gather3A_2294] : memref<3x128x128xf32, #tpu.memory_space<vmem>> -> memref<1x128x128xf32, #tpu.memory_space<vmem>>
      %gather3A_2296 = tpu.memref_squeeze %gather3A_2295 : memref<1x128x128xf32, #tpu.memory_space<vmem>> -> memref<128x128xf32, #tpu.memory_space<vmem>>
      %gather3A_2297 = tpu.vector_load_idx %gather3A_2296[%add3A_287, %add3A_2210] : memref<128x128xf32, #tpu.memory_space<vmem>>[vector<16xi32>, vector<16xi32>], vector<16xf32>,
      %sub3A_2298 = arith.subf %gather3A_2292, %gather3A_2297 : vector<16xf32>
      %mul3A_2299 = arith.mulf %sub3A_2298, %sub3A_2298 : vector<16xf32>
      %add3A_2300 = arith.addf %scan3A_2201, %mul3A_2299 : vector<16xf32>
      %gather3A_2301 = arith.constant 0 : i32
      %gather3A_2302 = arith.constant 0 : i32
      %gather3A_2303 = tpu.memref_slice %arg8[%scan3A_1721, %gather3A_2301, %gather3A_2302] : memref<3x128x128xf32, #tpu.memory_space<vmem>> -> memref<1x128x128xf32, #tpu.memory_space<vmem>>
      %gather3A_2304 = tpu.memref_squeeze %gather3A_2303 : memref<1x128x128xf32, #tpu.memory_space<vmem>> -> memref<128x128xf32, #tpu.memory_space<vmem>>
      %gather3A_2305 = tpu.vector_load_idx %gather3A_2304[%add3A_290, %add3A_2210] : memref<128x128xf32, #tpu.memory_space<vmem>>[vector<16xi32>, vector<16xi32>], vector<16xf32>,
      %gather3A_2306 = arith.constant 0 : i32
      %gather3A_2307 = arith.constant 0 : i32
      %gather3A_2308 = tpu.memref_slice %arg9[%scan3A_1722, %gather3A_2306, %gather3A_2307] : memref<3x128x128xf32, #tpu.memory_space<vmem>> -> memref<1x128x128xf32, #tpu.memory_space<vmem>>
      %gather3A_2309 = tpu.memref_squeeze %gather3A_2308 : memref<1x128x128xf32, #tpu.memory_space<vmem>> -> memref<128x128xf32, #tpu.memory_space<vmem>>
      %gather3A_2310 = tpu.vector_load_idx %gather3A_2309[%add3A_290, %add3A_2210] : memref<128x128xf32, #tpu.memory_space<vmem>>[vector<16xi32>, vector<16xi32>], vector<16xf32>,
      %sub3A_2311 = arith.subf %gather3A_2305, %gather3A_2310 : vector<16xf32>
      %mul3A_2312 = arith.mulf %sub3A_2311, %sub3A_2311 : vector<16xf32>
      %add3A_2313 = arith.addf %scan3A_2202, %mul3A_2312 : vector<16xf32>
      scf.yield %add3A_2222, %add3A_2235, %add3A_2248, %add3A_2261, %add3A_2274, %add3A_2287, %add3A_2300, %add3A_2313 : vector<16xf32>, vector<16xf32>, vector<16xf32>, vector<16xf32>, vector<16xf32>, vector<16xf32>, vector<16xf32>, vector<16xf32>
    }
    %scan3A_1728 = arith.constant 128 : i32
    %dma_wait3A_1729 = arith.constant 3 : i32
    %dma_wait3A_1730 = arith.constant 3 : i32
    %dma_wait3A_1731 = arith.constant 0 : i32
    %dma_wait3A_1732 = tpu.memref_slice %arg10[%dma_wait3A_1730, %dma_wait3A_1731] : memref<4x128xf32, #tpu.memory_space<vmem>> -> memref<1x128xf32, #tpu.memory_space<vmem>>
    %dma_wait3A_1733 = tpu.memref_squeeze %dma_wait3A_1732 : memref<1x128xf32, #tpu.memory_space<vmem>> -> memref<128xf32, #tpu.memory_space<vmem>>
    %dma_wait3A_1734 = arith.constant 0 : i32
    %dma_wait3A_1735 = tpu.memref_slice %arg7[%dma_wait3A_1729, %dma_wait3A_1734] : memref<4x128xi32, #tpu.memory_space<vmem>> -> memref<1x128xi32, #tpu.memory_space<vmem>>
    %dma_wait3A_1736 = tpu.memref_squeeze %dma_wait3A_1735 : memref<1x128xi32, #tpu.memory_space<vmem>> -> memref<128xi32, #tpu.memory_space<vmem>>
    %dma_wait3A_1737 = arith.constant 0 : i32
    %dma_wait3A_1738 = tpu.memref_slice %arg14[%dma_wait3A_1737] : memref<100096xf32, #tpu.memory_space<vmem_shared>> -> memref<100096xf32, #tpu.memory_space<vmem_shared>>
    tpu.wait_indirect_dma semaphore(%arg23 : memref<!tpu.dma_semaphore, #tpu.memory_space<semaphore_mem>>) src(%dma_wait3A_1738 : memref<100096xf32, #tpu.memory_space<vmem_shared>>) dst(%dma_wait3A_1733 : memref<128xf32, #tpu.memory_space<vmem>>)
    %get3A_1739 = arith.constant 3 : i32
    %get3A_1740 = arith.index_cast %get3A_1739 : i32 to index
    %get3A_1741 = arith.constant 0 : index
    %get3A_1742 = tpu.vector_load %arg10[%get3A_1740, %get3A_1741] {strides = array<i32>} : memref<4x128xf32, #tpu.memory_space<vmem>>, vector<16xf32>,
    %bitcast3A_1743 = vector.bitcast %scan3A_1727#0 : vector<16xf32> to vector<16xi32>
    %shift_right_logical3A_1744 = arith.constant 1 : i32
    %shift_right_logical3A_1745 = vector.broadcast %shift_right_logical3A_1744 : i32 to vector<16xi32>
    %shift_right_logical3A_1746 = arith.shrui %bitcast3A_1743, %shift_right_logical3A_1745 : vector<16xi32>
    %sub3A_1747 = arith.constant 1597463007 : i32
    %sub3A_1748 = vector.broadcast %sub3A_1747 : i32 to vector<16xi32>
    %sub3A_1749 = arith.subi %sub3A_1748, %shift_right_logical3A_1746 : vector<16xi32>
    %bitcast3A_1750 = vector.bitcast %sub3A_1749 : vector<16xi32> to vector<16xf32>
    %mul3A_1751 = arith.constant 5.000000e-01 : f32
    %mul3A_1752 = vector.broadcast %mul3A_1751 : f32 to vector<16xf32>
    %mul3A_1753 = arith.mulf %mul3A_1752, %scan3A_1727#0 : vector<16xf32>
    %mul3A_1754 = arith.mulf %mul3A_1753, %bitcast3A_1750 : vector<16xf32>
    %mul3A_1755 = arith.mulf %mul3A_1754, %bitcast3A_1750 : vector<16xf32>
    %sub3A_1756 = arith.constant 1.500000e+00 : f32
    %sub3A_1757 = vector.broadcast %sub3A_1756 : f32 to vector<16xf32>
    %sub3A_1758 = arith.subf %sub3A_1757, %mul3A_1755 : vector<16xf32>
    %mul3A_1759 = arith.mulf %bitcast3A_1750, %sub3A_1758 : vector<16xf32>
    %mul3A_1760 = arith.constant 5.000000e-01 : f32
    %mul3A_1761 = vector.broadcast %mul3A_1760 : f32 to vector<16xf32>
    %mul3A_1762 = arith.mulf %mul3A_1761, %scan3A_1727#0 : vector<16xf32>
    %mul3A_1763 = arith.mulf %mul3A_1762, %mul3A_1759 : vector<16xf32>
    %mul3A_1764 = arith.mulf %mul3A_1763, %mul3A_1759 : vector<16xf32>
    %sub3A_1765 = arith.constant 1.500000e+00 : f32
    %sub3A_1766 = vector.broadcast %sub3A_1765 : f32 to vector<16xf32>
    %sub3A_1767 = arith.subf %sub3A_1766, %mul3A_1764 : vector<16xf32>
    %mul3A_1768 = arith.mulf %mul3A_1759, %sub3A_1767 : vector<16xf32>
    %mul3A_1769 = arith.constant 5.000000e-01 : f32
    %mul3A_1770 = vector.broadcast %mul3A_1769 : f32 to vector<16xf32>
    %mul3A_1771 = arith.mulf %mul3A_1770, %scan3A_1727#0 : vector<16xf32>
    %mul3A_1772 = arith.mulf %mul3A_1771, %mul3A_1768 : vector<16xf32>
    %mul3A_1773 = arith.mulf %mul3A_1772, %mul3A_1768 : vector<16xf32>
    %sub3A_1774 = arith.constant 1.500000e+00 : f32
    %sub3A_1775 = vector.broadcast %sub3A_1774 : f32 to vector<16xf32>
    %sub3A_1776 = arith.subf %sub3A_1775, %mul3A_1773 : vector<16xf32>
    %mul3A_1777 = arith.mulf %mul3A_1768, %sub3A_1776 : vector<16xf32>
    %gt3A_1778 = arith.constant 0.000000e+00 : f32
    %gt3A_1779 = vector.broadcast %gt3A_1778 : f32 to vector<16xf32>
    %gt3A_1780 = arith.cmpf ogt, %scan3A_1727#0, %gt3A_1779 : vector<16xf32>
    %mul3A_1781 = arith.mulf %scan3A_1727#0, %mul3A_1777 : vector<16xf32>
    %jit3A_1782 = arith.constant 0.000000e+00 : f32
    %broadcast_in_dim3A_1783 = vector.broadcast %jit3A_1782 : f32 to vector<16xf32>
    %select_n3A_1784 = arith.select %gt3A_1780, %mul3A_1781, %broadcast_in_dim3A_1783 : vector<16xi1>, vector<16xf32>
    %div3A_1785 = arith.divf %select_n3A_1784, %get3A_1742 : vector<16xf32>
    %swap3A_1786 = arith.constant 3 : i32
    %swap3A_1787 = arith.index_cast %swap3A_1786 : i32 to index
    %swap3A_1788 = arith.constant 0 : index
    %swap3A_1789 = tpu.vector_load %arg11[%swap3A_1787, %swap3A_1788] {strides = array<i32>} : memref<4x128xf32, #tpu.memory_space<vmem>>, vector<16xf32>,
    tpu.vector_store %arg11[%swap3A_1787, %swap3A_1788], %div3A_1785 {strides = array<i32>} : memref<4x128xf32, #tpu.memory_space<vmem>>, vector<16xf32>,
    %get3A_1790 = arith.constant 3 : i32
    %get3A_1791 = arith.index_cast %get3A_1790 : i32 to index
    %get3A_1792 = arith.constant 16 : index
    %get3A_1793 = tpu.vector_load %arg10[%get3A_1791, %get3A_1792] {strides = array<i32>} : memref<4x128xf32, #tpu.memory_space<vmem>>, vector<16xf32>,
    %bitcast3A_1794 = vector.bitcast %scan3A_1727#1 : vector<16xf32> to vector<16xi32>
    %shift_right_logical3A_1795 = arith.constant 1 : i32
    %shift_right_logical3A_1796 = vector.broadcast %shift_right_logical3A_1795 : i32 to vector<16xi32>
    %shift_right_logical3A_1797 = arith.shrui %bitcast3A_1794, %shift_right_logical3A_1796 : vector<16xi32>
    %sub3A_1798 = arith.constant 1597463007 : i32
    %sub3A_1799 = vector.broadcast %sub3A_1798 : i32 to vector<16xi32>
    %sub3A_1800 = arith.subi %sub3A_1799, %shift_right_logical3A_1797 : vector<16xi32>
    %bitcast3A_1801 = vector.bitcast %sub3A_1800 : vector<16xi32> to vector<16xf32>
    %mul3A_1802 = arith.constant 5.000000e-01 : f32
    %mul3A_1803 = vector.broadcast %mul3A_1802 : f32 to vector<16xf32>
    %mul3A_1804 = arith.mulf %mul3A_1803, %scan3A_1727#1 : vector<16xf32>
    %mul3A_1805 = arith.mulf %mul3A_1804, %bitcast3A_1801 : vector<16xf32>
    %mul3A_1806 = arith.mulf %mul3A_1805, %bitcast3A_1801 : vector<16xf32>
    %sub3A_1807 = arith.constant 1.500000e+00 : f32
    %sub3A_1808 = vector.broadcast %sub3A_1807 : f32 to vector<16xf32>
    %sub3A_1809 = arith.subf %sub3A_1808, %mul3A_1806 : vector<16xf32>
    %mul3A_1810 = arith.mulf %bitcast3A_1801, %sub3A_1809 : vector<16xf32>
    %mul3A_1811 = arith.constant 5.000000e-01 : f32
    %mul3A_1812 = vector.broadcast %mul3A_1811 : f32 to vector<16xf32>
    %mul3A_1813 = arith.mulf %mul3A_1812, %scan3A_1727#1 : vector<16xf32>
    %mul3A_1814 = arith.mulf %mul3A_1813, %mul3A_1810 : vector<16xf32>
    %mul3A_1815 = arith.mulf %mul3A_1814, %mul3A_1810 : vector<16xf32>
    %sub3A_1816 = arith.constant 1.500000e+00 : f32
    %sub3A_1817 = vector.broadcast %sub3A_1816 : f32 to vector<16xf32>
    %sub3A_1818 = arith.subf %sub3A_1817, %mul3A_1815 : vector<16xf32>
    %mul3A_1819 = arith.mulf %mul3A_1810, %sub3A_1818 : vector<16xf32>
    %mul3A_1820 = arith.constant 5.000000e-01 : f32
    %mul3A_1821 = vector.broadcast %mul3A_1820 : f32 to vector<16xf32>
    %mul3A_1822 = arith.mulf %mul3A_1821, %scan3A_1727#1 : vector<16xf32>
    %mul3A_1823 = arith.mulf %mul3A_1822, %mul3A_1819 : vector<16xf32>
    %mul3A_1824 = arith.mulf %mul3A_1823, %mul3A_1819 : vector<16xf32>
    %sub3A_1825 = arith.constant 1.500000e+00 : f32
    %sub3A_1826 = vector.broadcast %sub3A_1825 : f32 to vector<16xf32>
    %sub3A_1827 = arith.subf %sub3A_1826, %mul3A_1824 : vector<16xf32>
    %mul3A_1828 = arith.mulf %mul3A_1819, %sub3A_1827 : vector<16xf32>
    %gt3A_1829 = arith.constant 0.000000e+00 : f32
    %gt3A_1830 = vector.broadcast %gt3A_1829 : f32 to vector<16xf32>
    %gt3A_1831 = arith.cmpf ogt, %scan3A_1727#1, %gt3A_1830 : vector<16xf32>
    %mul3A_1832 = arith.mulf %scan3A_1727#1, %mul3A_1828 : vector<16xf32>
    %jit3A_1833 = arith.constant 0.000000e+00 : f32
    %broadcast_in_dim3A_1834 = vector.broadcast %jit3A_1833 : f32 to vector<16xf32>
    %select_n3A_1835 = arith.select %gt3A_1831, %mul3A_1832, %broadcast_in_dim3A_1834 : vector<16xi1>, vector<16xf32>
    %div3A_1836 = arith.divf %select_n3A_1835, %get3A_1793 : vector<16xf32>
    %swap3A_1837 = arith.constant 3 : i32
    %swap3A_1838 = arith.index_cast %swap3A_1837 : i32 to index
    %swap3A_1839 = arith.constant 16 : index
    %swap3A_1840 = tpu.vector_load %arg11[%swap3A_1838, %swap3A_1839] {strides = array<i32>} : memref<4x128xf32, #tpu.memory_space<vmem>>, vector<16xf32>,
    tpu.vector_store %arg11[%swap3A_1838, %swap3A_1839], %div3A_1836 {strides = array<i32>} : memref<4x128xf32, #tpu.memory_space<vmem>>, vector<16xf32>,
    %get3A_1841 = arith.constant 3 : i32
    %get3A_1842 = arith.index_cast %get3A_1841 : i32 to index
    %get3A_1843 = arith.constant 32 : index
    %get3A_1844 = tpu.vector_load %arg10[%get3A_1842, %get3A_1843] {strides = array<i32>} : memref<4x128xf32, #tpu.memory_space<vmem>>, vector<16xf32>,
    %bitcast3A_1845 = vector.bitcast %scan3A_1727#2 : vector<16xf32> to vector<16xi32>
    %shift_right_logical3A_1846 = arith.constant 1 : i32
    %shift_right_logical3A_1847 = vector.broadcast %shift_right_logical3A_1846 : i32 to vector<16xi32>
    %shift_right_logical3A_1848 = arith.shrui %bitcast3A_1845, %shift_right_logical3A_1847 : vector<16xi32>
    %sub3A_1849 = arith.constant 1597463007 : i32
    %sub3A_1850 = vector.broadcast %sub3A_1849 : i32 to vector<16xi32>
    %sub3A_1851 = arith.subi %sub3A_1850, %shift_right_logical3A_1848 : vector<16xi32>
    %bitcast3A_1852 = vector.bitcast %sub3A_1851 : vector<16xi32> to vector<16xf32>
    %mul3A_1853 = arith.constant 5.000000e-01 : f32
    %mul3A_1854 = vector.broadcast %mul3A_1853 : f32 to vector<16xf32>
    %mul3A_1855 = arith.mulf %mul3A_1854, %scan3A_1727#2 : vector<16xf32>
    %mul3A_1856 = arith.mulf %mul3A_1855, %bitcast3A_1852 : vector<16xf32>
    %mul3A_1857 = arith.mulf %mul3A_1856, %bitcast3A_1852 : vector<16xf32>
    %sub3A_1858 = arith.constant 1.500000e+00 : f32
    %sub3A_1859 = vector.broadcast %sub3A_1858 : f32 to vector<16xf32>
    %sub3A_1860 = arith.subf %sub3A_1859, %mul3A_1857 : vector<16xf32>
    %mul3A_1861 = arith.mulf %bitcast3A_1852, %sub3A_1860 : vector<16xf32>
    %mul3A_1862 = arith.constant 5.000000e-01 : f32
    %mul3A_1863 = vector.broadcast %mul3A_1862 : f32 to vector<16xf32>
    %mul3A_1864 = arith.mulf %mul3A_1863, %scan3A_1727#2 : vector<16xf32>
    %mul3A_1865 = arith.mulf %mul3A_1864, %mul3A_1861 : vector<16xf32>
    %mul3A_1866 = arith.mulf %mul3A_1865, %mul3A_1861 : vector<16xf32>
    %sub3A_1867 = arith.constant 1.500000e+00 : f32
    %sub3A_1868 = vector.broadcast %sub3A_1867 : f32 to vector<16xf32>
    %sub3A_1869 = arith.subf %sub3A_1868, %mul3A_1866 : vector<16xf32>
    %mul3A_1870 = arith.mulf %mul3A_1861, %sub3A_1869 : vector<16xf32>
    %mul3A_1871 = arith.constant 5.000000e-01 : f32
    %mul3A_1872 = vector.broadcast %mul3A_1871 : f32 to vector<16xf32>
    %mul3A_1873 = arith.mulf %mul3A_1872, %scan3A_1727#2 : vector<16xf32>
    %mul3A_1874 = arith.mulf %mul3A_1873, %mul3A_1870 : vector<16xf32>
    %mul3A_1875 = arith.mulf %mul3A_1874, %mul3A_1870 : vector<16xf32>
    %sub3A_1876 = arith.constant 1.500000e+00 : f32
    %sub3A_1877 = vector.broadcast %sub3A_1876 : f32 to vector<16xf32>
    %sub3A_1878 = arith.subf %sub3A_1877, %mul3A_1875 : vector<16xf32>
    %mul3A_1879 = arith.mulf %mul3A_1870, %sub3A_1878 : vector<16xf32>
    %gt3A_1880 = arith.constant 0.000000e+00 : f32
    %gt3A_1881 = vector.broadcast %gt3A_1880 : f32 to vector<16xf32>
    %gt3A_1882 = arith.cmpf ogt, %scan3A_1727#2, %gt3A_1881 : vector<16xf32>
    %mul3A_1883 = arith.mulf %scan3A_1727#2, %mul3A_1879 : vector<16xf32>
    %jit3A_1884 = arith.constant 0.000000e+00 : f32
    %broadcast_in_dim3A_1885 = vector.broadcast %jit3A_1884 : f32 to vector<16xf32>
    %select_n3A_1886 = arith.select %gt3A_1882, %mul3A_1883, %broadcast_in_dim3A_1885 : vector<16xi1>, vector<16xf32>
    %div3A_1887 = arith.divf %select_n3A_1886, %get3A_1844 : vector<16xf32>
    %swap3A_1888 = arith.constant 3 : i32
    %swap3A_1889 = arith.index_cast %swap3A_1888 : i32 to index
    %swap3A_1890 = arith.constant 32 : index
    %swap3A_1891 = tpu.vector_load %arg11[%swap3A_1889, %swap3A_1890] {strides = array<i32>} : memref<4x128xf32, #tpu.memory_space<vmem>>, vector<16xf32>,
    tpu.vector_store %arg11[%swap3A_1889, %swap3A_1890], %div3A_1887 {strides = array<i32>} : memref<4x128xf32, #tpu.memory_space<vmem>>, vector<16xf32>,
    %get3A_1892 = arith.constant 3 : i32
    %get3A_1893 = arith.index_cast %get3A_1892 : i32 to index
    %get3A_1894 = arith.constant 48 : index
    %get3A_1895 = tpu.vector_load %arg10[%get3A_1893, %get3A_1894] {strides = array<i32>} : memref<4x128xf32, #tpu.memory_space<vmem>>, vector<16xf32>,
    %bitcast3A_1896 = vector.bitcast %scan3A_1727#3 : vector<16xf32> to vector<16xi32>
    %shift_right_logical3A_1897 = arith.constant 1 : i32
    %shift_right_logical3A_1898 = vector.broadcast %shift_right_logical3A_1897 : i32 to vector<16xi32>
    %shift_right_logical3A_1899 = arith.shrui %bitcast3A_1896, %shift_right_logical3A_1898 : vector<16xi32>
    %sub3A_1900 = arith.constant 1597463007 : i32
    %sub3A_1901 = vector.broadcast %sub3A_1900 : i32 to vector<16xi32>
    %sub3A_1902 = arith.subi %sub3A_1901, %shift_right_logical3A_1899 : vector<16xi32>
    %bitcast3A_1903 = vector.bitcast %sub3A_1902 : vector<16xi32> to vector<16xf32>
    %mul3A_1904 = arith.constant 5.000000e-01 : f32
    %mul3A_1905 = vector.broadcast %mul3A_1904 : f32 to vector<16xf32>
    %mul3A_1906 = arith.mulf %mul3A_1905, %scan3A_1727#3 : vector<16xf32>
    %mul3A_1907 = arith.mulf %mul3A_1906, %bitcast3A_1903 : vector<16xf32>
    %mul3A_1908 = arith.mulf %mul3A_1907, %bitcast3A_1903 : vector<16xf32>
    %sub3A_1909 = arith.constant 1.500000e+00 : f32
    %sub3A_1910 = vector.broadcast %sub3A_1909 : f32 to vector<16xf32>
    %sub3A_1911 = arith.subf %sub3A_1910, %mul3A_1908 : vector<16xf32>
    %mul3A_1912 = arith.mulf %bitcast3A_1903, %sub3A_1911 : vector<16xf32>
    %mul3A_1913 = arith.constant 5.000000e-01 : f32
    %mul3A_1914 = vector.broadcast %mul3A_1913 : f32 to vector<16xf32>
    %mul3A_1915 = arith.mulf %mul3A_1914, %scan3A_1727#3 : vector<16xf32>
    %mul3A_1916 = arith.mulf %mul3A_1915, %mul3A_1912 : vector<16xf32>
    %mul3A_1917 = arith.mulf %mul3A_1916, %mul3A_1912 : vector<16xf32>
    %sub3A_1918 = arith.constant 1.500000e+00 : f32
    %sub3A_1919 = vector.broadcast %sub3A_1918 : f32 to vector<16xf32>
    %sub3A_1920 = arith.subf %sub3A_1919, %mul3A_1917 : vector<16xf32>
    %mul3A_1921 = arith.mulf %mul3A_1912, %sub3A_1920 : vector<16xf32>
    %mul3A_1922 = arith.constant 5.000000e-01 : f32
    %mul3A_1923 = vector.broadcast %mul3A_1922 : f32 to vector<16xf32>
    %mul3A_1924 = arith.mulf %mul3A_1923, %scan3A_1727#3 : vector<16xf32>
    %mul3A_1925 = arith.mulf %mul3A_1924, %mul3A_1921 : vector<16xf32>
    %mul3A_1926 = arith.mulf %mul3A_1925, %mul3A_1921 : vector<16xf32>
    %sub3A_1927 = arith.constant 1.500000e+00 : f32
    %sub3A_1928 = vector.broadcast %sub3A_1927 : f32 to vector<16xf32>
    %sub3A_1929 = arith.subf %sub3A_1928, %mul3A_1926 : vector<16xf32>
    %mul3A_1930 = arith.mulf %mul3A_1921, %sub3A_1929 : vector<16xf32>
    %gt3A_1931 = arith.constant 0.000000e+00 : f32
    %gt3A_1932 = vector.broadcast %gt3A_1931 : f32 to vector<16xf32>
    %gt3A_1933 = arith.cmpf ogt, %scan3A_1727#3, %gt3A_1932 : vector<16xf32>
    %mul3A_1934 = arith.mulf %scan3A_1727#3, %mul3A_1930 : vector<16xf32>
    %jit3A_1935 = arith.constant 0.000000e+00 : f32
    %broadcast_in_dim3A_1936 = vector.broadcast %jit3A_1935 : f32 to vector<16xf32>
    %select_n3A_1937 = arith.select %gt3A_1933, %mul3A_1934, %broadcast_in_dim3A_1936 : vector<16xi1>, vector<16xf32>
    %div3A_1938 = arith.divf %select_n3A_1937, %get3A_1895 : vector<16xf32>
    %swap3A_1939 = arith.constant 3 : i32
    %swap3A_1940 = arith.index_cast %swap3A_1939 : i32 to index
    %swap3A_1941 = arith.constant 48 : index
    %swap3A_1942 = tpu.vector_load %arg11[%swap3A_1940, %swap3A_1941] {strides = array<i32>} : memref<4x128xf32, #tpu.memory_space<vmem>>, vector<16xf32>,
    tpu.vector_store %arg11[%swap3A_1940, %swap3A_1941], %div3A_1938 {strides = array<i32>} : memref<4x128xf32, #tpu.memory_space<vmem>>, vector<16xf32>,
    %get3A_1943 = arith.constant 3 : i32
    %get3A_1944 = arith.index_cast %get3A_1943 : i32 to index
    %get3A_1945 = arith.constant 64 : index
    %get3A_1946 = tpu.vector_load %arg10[%get3A_1944, %get3A_1945] {strides = array<i32>} : memref<4x128xf32, #tpu.memory_space<vmem>>, vector<16xf32>,
    %bitcast3A_1947 = vector.bitcast %scan3A_1727#4 : vector<16xf32> to vector<16xi32>
    %shift_right_logical3A_1948 = arith.constant 1 : i32
    %shift_right_logical3A_1949 = vector.broadcast %shift_right_logical3A_1948 : i32 to vector<16xi32>
    %shift_right_logical3A_1950 = arith.shrui %bitcast3A_1947, %shift_right_logical3A_1949 : vector<16xi32>
    %sub3A_1951 = arith.constant 1597463007 : i32
    %sub3A_1952 = vector.broadcast %sub3A_1951 : i32 to vector<16xi32>
    %sub3A_1953 = arith.subi %sub3A_1952, %shift_right_logical3A_1950 : vector<16xi32>
    %bitcast3A_1954 = vector.bitcast %sub3A_1953 : vector<16xi32> to vector<16xf32>
    %mul3A_1955 = arith.constant 5.000000e-01 : f32
    %mul3A_1956 = vector.broadcast %mul3A_1955 : f32 to vector<16xf32>
    %mul3A_1957 = arith.mulf %mul3A_1956, %scan3A_1727#4 : vector<16xf32>
    %mul3A_1958 = arith.mulf %mul3A_1957, %bitcast3A_1954 : vector<16xf32>
    %mul3A_1959 = arith.mulf %mul3A_1958, %bitcast3A_1954 : vector<16xf32>
    %sub3A_1960 = arith.constant 1.500000e+00 : f32
    %sub3A_1961 = vector.broadcast %sub3A_1960 : f32 to vector<16xf32>
    %sub3A_1962 = arith.subf %sub3A_1961, %mul3A_1959 : vector<16xf32>
    %mul3A_1963 = arith.mulf %bitcast3A_1954, %sub3A_1962 : vector<16xf32>
    %mul3A_1964 = arith.constant 5.000000e-01 : f32
    %mul3A_1965 = vector.broadcast %mul3A_1964 : f32 to vector<16xf32>
    %mul3A_1966 = arith.mulf %mul3A_1965, %scan3A_1727#4 : vector<16xf32>
    %mul3A_1967 = arith.mulf %mul3A_1966, %mul3A_1963 : vector<16xf32>
    %mul3A_1968 = arith.mulf %mul3A_1967, %mul3A_1963 : vector<16xf32>
    %sub3A_1969 = arith.constant 1.500000e+00 : f32
    %sub3A_1970 = vector.broadcast %sub3A_1969 : f32 to vector<16xf32>
    %sub3A_1971 = arith.subf %sub3A_1970, %mul3A_1968 : vector<16xf32>
    %mul3A_1972 = arith.mulf %mul3A_1963, %sub3A_1971 : vector<16xf32>
    %mul3A_1973 = arith.constant 5.000000e-01 : f32
    %mul3A_1974 = vector.broadcast %mul3A_1973 : f32 to vector<16xf32>
    %mul3A_1975 = arith.mulf %mul3A_1974, %scan3A_1727#4 : vector<16xf32>
    %mul3A_1976 = arith.mulf %mul3A_1975, %mul3A_1972 : vector<16xf32>
    %mul3A_1977 = arith.mulf %mul3A_1976, %mul3A_1972 : vector<16xf32>
    %sub3A_1978 = arith.constant 1.500000e+00 : f32
    %sub3A_1979 = vector.broadcast %sub3A_1978 : f32 to vector<16xf32>
    %sub3A_1980 = arith.subf %sub3A_1979, %mul3A_1977 : vector<16xf32>
    %mul3A_1981 = arith.mulf %mul3A_1972, %sub3A_1980 : vector<16xf32>
    %gt3A_1982 = arith.constant 0.000000e+00 : f32
    %gt3A_1983 = vector.broadcast %gt3A_1982 : f32 to vector<16xf32>
    %gt3A_1984 = arith.cmpf ogt, %scan3A_1727#4, %gt3A_1983 : vector<16xf32>
    %mul3A_1985 = arith.mulf %scan3A_1727#4, %mul3A_1981 : vector<16xf32>
    %jit3A_1986 = arith.constant 0.000000e+00 : f32
    %broadcast_in_dim3A_1987 = vector.broadcast %jit3A_1986 : f32 to vector<16xf32>
    %select_n3A_1988 = arith.select %gt3A_1984, %mul3A_1985, %broadcast_in_dim3A_1987 : vector<16xi1>, vector<16xf32>
    %div3A_1989 = arith.divf %select_n3A_1988, %get3A_1946 : vector<16xf32>
    %swap3A_1990 = arith.constant 3 : i32
    %swap3A_1991 = arith.index_cast %swap3A_1990 : i32 to index
    %swap3A_1992 = arith.constant 64 : index
    %swap3A_1993 = tpu.vector_load %arg11[%swap3A_1991, %swap3A_1992] {strides = array<i32>} : memref<4x128xf32, #tpu.memory_space<vmem>>, vector<16xf32>,
    tpu.vector_store %arg11[%swap3A_1991, %swap3A_1992], %div3A_1989 {strides = array<i32>} : memref<4x128xf32, #tpu.memory_space<vmem>>, vector<16xf32>,
    %get3A_1994 = arith.constant 3 : i32
    %get3A_1995 = arith.index_cast %get3A_1994 : i32 to index
    %get3A_1996 = arith.constant 80 : index
    %get3A_1997 = tpu.vector_load %arg10[%get3A_1995, %get3A_1996] {strides = array<i32>} : memref<4x128xf32, #tpu.memory_space<vmem>>, vector<16xf32>,
    %bitcast3A_1998 = vector.bitcast %scan3A_1727#5 : vector<16xf32> to vector<16xi32>
    %shift_right_logical3A_1999 = arith.constant 1 : i32
    %shift_right_logical3A_2000 = vector.broadcast %shift_right_logical3A_1999 : i32 to vector<16xi32>
    %shift_right_logical3A_2001 = arith.shrui %bitcast3A_1998, %shift_right_logical3A_2000 : vector<16xi32>
    %sub3A_2002 = arith.constant 1597463007 : i32
    %sub3A_2003 = vector.broadcast %sub3A_2002 : i32 to vector<16xi32>
    %sub3A_2004 = arith.subi %sub3A_2003, %shift_right_logical3A_2001 : vector<16xi32>
    %bitcast3A_2005 = vector.bitcast %sub3A_2004 : vector<16xi32> to vector<16xf32>
    %mul3A_2006 = arith.constant 5.000000e-01 : f32
    %mul3A_2007 = vector.broadcast %mul3A_2006 : f32 to vector<16xf32>
    %mul3A_2008 = arith.mulf %mul3A_2007, %scan3A_1727#5 : vector<16xf32>
    %mul3A_2009 = arith.mulf %mul3A_2008, %bitcast3A_2005 : vector<16xf32>
    %mul3A_2010 = arith.mulf %mul3A_2009, %bitcast3A_2005 : vector<16xf32>
    %sub3A_2011 = arith.constant 1.500000e+00 : f32
    %sub3A_2012 = vector.broadcast %sub3A_2011 : f32 to vector<16xf32>
    %sub3A_2013 = arith.subf %sub3A_2012, %mul3A_2010 : vector<16xf32>
    %mul3A_2014 = arith.mulf %bitcast3A_2005, %sub3A_2013 : vector<16xf32>
    %mul3A_2015 = arith.constant 5.000000e-01 : f32
    %mul3A_2016 = vector.broadcast %mul3A_2015 : f32 to vector<16xf32>
    %mul3A_2017 = arith.mulf %mul3A_2016, %scan3A_1727#5 : vector<16xf32>
    %mul3A_2018 = arith.mulf %mul3A_2017, %mul3A_2014 : vector<16xf32>
    %mul3A_2019 = arith.mulf %mul3A_2018, %mul3A_2014 : vector<16xf32>
    %sub3A_2020 = arith.constant 1.500000e+00 : f32
    %sub3A_2021 = vector.broadcast %sub3A_2020 : f32 to vector<16xf32>
    %sub3A_2022 = arith.subf %sub3A_2021, %mul3A_2019 : vector<16xf32>
    %mul3A_2023 = arith.mulf %mul3A_2014, %sub3A_2022 : vector<16xf32>
    %mul3A_2024 = arith.constant 5.000000e-01 : f32
    %mul3A_2025 = vector.broadcast %mul3A_2024 : f32 to vector<16xf32>
    %mul3A_2026 = arith.mulf %mul3A_2025, %scan3A_1727#5 : vector<16xf32>
    %mul3A_2027 = arith.mulf %mul3A_2026, %mul3A_2023 : vector<16xf32>
    %mul3A_2028 = arith.mulf %mul3A_2027, %mul3A_2023 : vector<16xf32>
    %sub3A_2029 = arith.constant 1.500000e+00 : f32
    %sub3A_2030 = vector.broadcast %sub3A_2029 : f32 to vector<16xf32>
    %sub3A_2031 = arith.subf %sub3A_2030, %mul3A_2028 : vector<16xf32>
    %mul3A_2032 = arith.mulf %mul3A_2023, %sub3A_2031 : vector<16xf32>
    %gt3A_2033 = arith.constant 0.000000e+00 : f32
    %gt3A_2034 = vector.broadcast %gt3A_2033 : f32 to vector<16xf32>
    %gt3A_2035 = arith.cmpf ogt, %scan3A_1727#5, %gt3A_2034 : vector<16xf32>
    %mul3A_2036 = arith.mulf %scan3A_1727#5, %mul3A_2032 : vector<16xf32>
    %jit3A_2037 = arith.constant 0.000000e+00 : f32
    %broadcast_in_dim3A_2038 = vector.broadcast %jit3A_2037 : f32 to vector<16xf32>
    %select_n3A_2039 = arith.select %gt3A_2035, %mul3A_2036, %broadcast_in_dim3A_2038 : vector<16xi1>, vector<16xf32>
    %div3A_2040 = arith.divf %select_n3A_2039, %get3A_1997 : vector<16xf32>
    %swap3A_2041 = arith.constant 3 : i32
    %swap3A_2042 = arith.index_cast %swap3A_2041 : i32 to index
    %swap3A_2043 = arith.constant 80 : index
    %swap3A_2044 = tpu.vector_load %arg11[%swap3A_2042, %swap3A_2043] {strides = array<i32>} : memref<4x128xf32, #tpu.memory_space<vmem>>, vector<16xf32>,
    tpu.vector_store %arg11[%swap3A_2042, %swap3A_2043], %div3A_2040 {strides = array<i32>} : memref<4x128xf32, #tpu.memory_space<vmem>>, vector<16xf32>,
    %get3A_2045 = arith.constant 3 : i32
    %get3A_2046 = arith.index_cast %get3A_2045 : i32 to index
    %get3A_2047 = arith.constant 96 : index
    %get3A_2048 = tpu.vector_load %arg10[%get3A_2046, %get3A_2047] {strides = array<i32>} : memref<4x128xf32, #tpu.memory_space<vmem>>, vector<16xf32>,
    %bitcast3A_2049 = vector.bitcast %scan3A_1727#6 : vector<16xf32> to vector<16xi32>
    %shift_right_logical3A_2050 = arith.constant 1 : i32
    %shift_right_logical3A_2051 = vector.broadcast %shift_right_logical3A_2050 : i32 to vector<16xi32>
    %shift_right_logical3A_2052 = arith.shrui %bitcast3A_2049, %shift_right_logical3A_2051 : vector<16xi32>
    %sub3A_2053 = arith.constant 1597463007 : i32
    %sub3A_2054 = vector.broadcast %sub3A_2053 : i32 to vector<16xi32>
    %sub3A_2055 = arith.subi %sub3A_2054, %shift_right_logical3A_2052 : vector<16xi32>
    %bitcast3A_2056 = vector.bitcast %sub3A_2055 : vector<16xi32> to vector<16xf32>
    %mul3A_2057 = arith.constant 5.000000e-01 : f32
    %mul3A_2058 = vector.broadcast %mul3A_2057 : f32 to vector<16xf32>
    %mul3A_2059 = arith.mulf %mul3A_2058, %scan3A_1727#6 : vector<16xf32>
    %mul3A_2060 = arith.mulf %mul3A_2059, %bitcast3A_2056 : vector<16xf32>
    %mul3A_2061 = arith.mulf %mul3A_2060, %bitcast3A_2056 : vector<16xf32>
    %sub3A_2062 = arith.constant 1.500000e+00 : f32
    %sub3A_2063 = vector.broadcast %sub3A_2062 : f32 to vector<16xf32>
    %sub3A_2064 = arith.subf %sub3A_2063, %mul3A_2061 : vector<16xf32>
    %mul3A_2065 = arith.mulf %bitcast3A_2056, %sub3A_2064 : vector<16xf32>
    %mul3A_2066 = arith.constant 5.000000e-01 : f32
    %mul3A_2067 = vector.broadcast %mul3A_2066 : f32 to vector<16xf32>
    %mul3A_2068 = arith.mulf %mul3A_2067, %scan3A_1727#6 : vector<16xf32>
    %mul3A_2069 = arith.mulf %mul3A_2068, %mul3A_2065 : vector<16xf32>
    %mul3A_2070 = arith.mulf %mul3A_2069, %mul3A_2065 : vector<16xf32>
    %sub3A_2071 = arith.constant 1.500000e+00 : f32
    %sub3A_2072 = vector.broadcast %sub3A_2071 : f32 to vector<16xf32>
    %sub3A_2073 = arith.subf %sub3A_2072, %mul3A_2070 : vector<16xf32>
    %mul3A_2074 = arith.mulf %mul3A_2065, %sub3A_2073 : vector<16xf32>
    %mul3A_2075 = arith.constant 5.000000e-01 : f32
    %mul3A_2076 = vector.broadcast %mul3A_2075 : f32 to vector<16xf32>
    %mul3A_2077 = arith.mulf %mul3A_2076, %scan3A_1727#6 : vector<16xf32>
    %mul3A_2078 = arith.mulf %mul3A_2077, %mul3A_2074 : vector<16xf32>
    %mul3A_2079 = arith.mulf %mul3A_2078, %mul3A_2074 : vector<16xf32>
    %sub3A_2080 = arith.constant 1.500000e+00 : f32
    %sub3A_2081 = vector.broadcast %sub3A_2080 : f32 to vector<16xf32>
    %sub3A_2082 = arith.subf %sub3A_2081, %mul3A_2079 : vector<16xf32>
    %mul3A_2083 = arith.mulf %mul3A_2074, %sub3A_2082 : vector<16xf32>
    %gt3A_2084 = arith.constant 0.000000e+00 : f32
    %gt3A_2085 = vector.broadcast %gt3A_2084 : f32 to vector<16xf32>
    %gt3A_2086 = arith.cmpf ogt, %scan3A_1727#6, %gt3A_2085 : vector<16xf32>
    %mul3A_2087 = arith.mulf %scan3A_1727#6, %mul3A_2083 : vector<16xf32>
    %jit3A_2088 = arith.constant 0.000000e+00 : f32
    %broadcast_in_dim3A_2089 = vector.broadcast %jit3A_2088 : f32 to vector<16xf32>
    %select_n3A_2090 = arith.select %gt3A_2086, %mul3A_2087, %broadcast_in_dim3A_2089 : vector<16xi1>, vector<16xf32>
    %div3A_2091 = arith.divf %select_n3A_2090, %get3A_2048 : vector<16xf32>
    %swap3A_2092 = arith.constant 3 : i32
    %swap3A_2093 = arith.index_cast %swap3A_2092 : i32 to index
    %swap3A_2094 = arith.constant 96 : index
    %swap3A_2095 = tpu.vector_load %arg11[%swap3A_2093, %swap3A_2094] {strides = array<i32>} : memref<4x128xf32, #tpu.memory_space<vmem>>, vector<16xf32>,
    tpu.vector_store %arg11[%swap3A_2093, %swap3A_2094], %div3A_2091 {strides = array<i32>} : memref<4x128xf32, #tpu.memory_space<vmem>>, vector<16xf32>,
    %get3A_2096 = arith.constant 3 : i32
    %get3A_2097 = arith.index_cast %get3A_2096 : i32 to index
    %get3A_2098 = arith.constant 112 : index
    %get3A_2099 = tpu.vector_load %arg10[%get3A_2097, %get3A_2098] {strides = array<i32>} : memref<4x128xf32, #tpu.memory_space<vmem>>, vector<16xf32>,
    %bitcast3A_2100 = vector.bitcast %scan3A_1727#7 : vector<16xf32> to vector<16xi32>
    %shift_right_logical3A_2101 = arith.constant 1 : i32
    %shift_right_logical3A_2102 = vector.broadcast %shift_right_logical3A_2101 : i32 to vector<16xi32>
    %shift_right_logical3A_2103 = arith.shrui %bitcast3A_2100, %shift_right_logical3A_2102 : vector<16xi32>
    %sub3A_2104 = arith.constant 1597463007 : i32
    %sub3A_2105 = vector.broadcast %sub3A_2104 : i32 to vector<16xi32>
    %sub3A_2106 = arith.subi %sub3A_2105, %shift_right_logical3A_2103 : vector<16xi32>
    %bitcast3A_2107 = vector.bitcast %sub3A_2106 : vector<16xi32> to vector<16xf32>
    %mul3A_2108 = arith.constant 5.000000e-01 : f32
    %mul3A_2109 = vector.broadcast %mul3A_2108 : f32 to vector<16xf32>
    %mul3A_2110 = arith.mulf %mul3A_2109, %scan3A_1727#7 : vector<16xf32>
    %mul3A_2111 = arith.mulf %mul3A_2110, %bitcast3A_2107 : vector<16xf32>
    %mul3A_2112 = arith.mulf %mul3A_2111, %bitcast3A_2107 : vector<16xf32>
    %sub3A_2113 = arith.constant 1.500000e+00 : f32
    %sub3A_2114 = vector.broadcast %sub3A_2113 : f32 to vector<16xf32>
    %sub3A_2115 = arith.subf %sub3A_2114, %mul3A_2112 : vector<16xf32>
    %mul3A_2116 = arith.mulf %bitcast3A_2107, %sub3A_2115 : vector<16xf32>
    %mul3A_2117 = arith.constant 5.000000e-01 : f32
    %mul3A_2118 = vector.broadcast %mul3A_2117 : f32 to vector<16xf32>
    %mul3A_2119 = arith.mulf %mul3A_2118, %scan3A_1727#7 : vector<16xf32>
    %mul3A_2120 = arith.mulf %mul3A_2119, %mul3A_2116 : vector<16xf32>
    %mul3A_2121 = arith.mulf %mul3A_2120, %mul3A_2116 : vector<16xf32>
    %sub3A_2122 = arith.constant 1.500000e+00 : f32
    %sub3A_2123 = vector.broadcast %sub3A_2122 : f32 to vector<16xf32>
    %sub3A_2124 = arith.subf %sub3A_2123, %mul3A_2121 : vector<16xf32>
    %mul3A_2125 = arith.mulf %mul3A_2116, %sub3A_2124 : vector<16xf32>
    %mul3A_2126 = arith.constant 5.000000e-01 : f32
    %mul3A_2127 = vector.broadcast %mul3A_2126 : f32 to vector<16xf32>
    %mul3A_2128 = arith.mulf %mul3A_2127, %scan3A_1727#7 : vector<16xf32>
    %mul3A_2129 = arith.mulf %mul3A_2128, %mul3A_2125 : vector<16xf32>
    %mul3A_2130 = arith.mulf %mul3A_2129, %mul3A_2125 : vector<16xf32>
    %sub3A_2131 = arith.constant 1.500000e+00 : f32
    %sub3A_2132 = vector.broadcast %sub3A_2131 : f32 to vector<16xf32>
    %sub3A_2133 = arith.subf %sub3A_2132, %mul3A_2130 : vector<16xf32>
    %mul3A_2134 = arith.mulf %mul3A_2125, %sub3A_2133 : vector<16xf32>
    %gt3A_2135 = arith.constant 0.000000e+00 : f32
    %gt3A_2136 = vector.broadcast %gt3A_2135 : f32 to vector<16xf32>
    %gt3A_2137 = arith.cmpf ogt, %scan3A_1727#7, %gt3A_2136 : vector<16xf32>
    %mul3A_2138 = arith.mulf %scan3A_1727#7, %mul3A_2134 : vector<16xf32>
    %jit3A_2139 = arith.constant 0.000000e+00 : f32
    %broadcast_in_dim3A_2140 = vector.broadcast %jit3A_2139 : f32 to vector<16xf32>
    %select_n3A_2141 = arith.select %gt3A_2137, %mul3A_2138, %broadcast_in_dim3A_2140 : vector<16xi1>, vector<16xf32>
    %div3A_2142 = arith.divf %select_n3A_2141, %get3A_2099 : vector<16xf32>
    %swap3A_2143 = arith.constant 3 : i32
    %swap3A_2144 = arith.index_cast %swap3A_2143 : i32 to index
    %swap3A_2145 = arith.constant 112 : index
    %swap3A_2146 = tpu.vector_load %arg11[%swap3A_2144, %swap3A_2145] {strides = array<i32>} : memref<4x128xf32, #tpu.memory_space<vmem>>, vector<16xf32>,
    tpu.vector_store %arg11[%swap3A_2144, %swap3A_2145], %div3A_2142 {strides = array<i32>} : memref<4x128xf32, #tpu.memory_space<vmem>>, vector<16xf32>,
    %add3A_2147 = arith.constant 384 : i32
    %add3A_2148 = arith.addi %mul3A_2, %add3A_2147 : i32
    %dma_start3A_2149 = arith.constant 3 : i32
    %dma_start3A_2150 = arith.constant 0 : i32
    %dma_start3A_2151 = tpu.memref_slice %arg11[%dma_start3A_2149, %dma_start3A_2150] : memref<4x128xf32, #tpu.memory_space<vmem>> -> memref<1x128xf32, #tpu.memory_space<vmem>>
    %dma_start3A_2152 = tpu.memref_squeeze %dma_start3A_2151 : memref<1x128xf32, #tpu.memory_space<vmem>> -> memref<128xf32, #tpu.memory_space<vmem>>
    %dma_start3A_2153 = tpu.memref_slice %arg5[%add3A_2148] : memref<16384xf32, #tpu.memory_space<hbm>> -> memref<128xf32, #tpu.memory_space<hbm>>
    %dma_start3A_2154 = tpu.memref_slice %arg5[%add3A_2148] : memref<16384xf32, #tpu.memory_space<hbm>> -> memref<128xf32, #tpu.memory_space<hbm>>
    %dma_start3A_2155 = arith.constant 0 : i32
    %dma_start3A_2156 = tpu.memref_slice %arg11[%dma_start3A_2149, %dma_start3A_2155] : memref<4x128xf32, #tpu.memory_space<vmem>> -> memref<1x128xf32, #tpu.memory_space<vmem>>
    %dma_start3A_2157 = tpu.memref_squeeze %dma_start3A_2156 : memref<1x128xf32, #tpu.memory_space<vmem>> -> memref<128xf32, #tpu.memory_space<vmem>>
    tpu.enqueue_dma source(%dma_start3A_2157 : memref<128xf32, #tpu.memory_space<vmem>>) target(%dma_start3A_2154 : memref<128xf32, #tpu.memory_space<hbm>>) target_semaphore(%arg19 : memref<!tpu.dma_semaphore, #tpu.memory_space<semaphore_mem>>)
    %dma_wait3A_2158 = arith.constant 0 : i32
    %dma_wait3A_2159 = arith.constant 0 : i32
    %dma_wait3A_2160 = tpu.memref_slice %arg11[%dma_wait3A_2158, %dma_wait3A_2159] : memref<4x128xf32, #tpu.memory_space<vmem>> -> memref<1x128xf32, #tpu.memory_space<vmem>>
    %dma_wait3A_2161 = tpu.memref_squeeze %dma_wait3A_2160 : memref<1x128xf32, #tpu.memory_space<vmem>> -> memref<128xf32, #tpu.memory_space<vmem>>
    %dma_wait3A_2162 = tpu.memref_slice %arg5[%add3A_735] : memref<16384xf32, #tpu.memory_space<hbm>> -> memref<128xf32, #tpu.memory_space<hbm>>
    %dma_wait3A_2163 = tpu.memref_slice %arg5[%add3A_735] : memref<16384xf32, #tpu.memory_space<hbm>> -> memref<128xf32, #tpu.memory_space<hbm>>
    %dma_wait3A_2164 = arith.constant 0 : i32
    %dma_wait3A_2165 = tpu.memref_slice %arg11[%dma_wait3A_2158, %dma_wait3A_2164] : memref<4x128xf32, #tpu.memory_space<vmem>> -> memref<1x128xf32, #tpu.memory_space<vmem>>
    %dma_wait3A_2166 = tpu.memref_squeeze %dma_wait3A_2165 : memref<1x128xf32, #tpu.memory_space<vmem>> -> memref<128xf32, #tpu.memory_space<vmem>>
    tpu.wait_dma2 semaphore(%arg19 : memref<!tpu.dma_semaphore, #tpu.memory_space<semaphore_mem>>) src(%dma_wait3A_2166 : memref<128xf32, #tpu.memory_space<vmem>>) dst(%dma_wait3A_2163 : memref<128xf32, #tpu.memory_space<hbm>>)
    %dma_wait3A_2167 = arith.constant 1 : i32
    %dma_wait3A_2168 = arith.constant 0 : i32
    %dma_wait3A_2169 = tpu.memref_slice %arg11[%dma_wait3A_2167, %dma_wait3A_2168] : memref<4x128xf32, #tpu.memory_space<vmem>> -> memref<1x128xf32, #tpu.memory_space<vmem>>
    %dma_wait3A_2170 = tpu.memref_squeeze %dma_wait3A_2169 : memref<1x128xf32, #tpu.memory_space<vmem>> -> memref<128xf32, #tpu.memory_space<vmem>>
    %dma_wait3A_2171 = tpu.memref_slice %arg5[%add3A_1224] : memref<16384xf32, #tpu.memory_space<hbm>> -> memref<128xf32, #tpu.memory_space<hbm>>
    %dma_wait3A_2172 = tpu.memref_slice %arg5[%add3A_1224] : memref<16384xf32, #tpu.memory_space<hbm>> -> memref<128xf32, #tpu.memory_space<hbm>>
    %dma_wait3A_2173 = arith.constant 0 : i32
    %dma_wait3A_2174 = tpu.memref_slice %arg11[%dma_wait3A_2167, %dma_wait3A_2173] : memref<4x128xf32, #tpu.memory_space<vmem>> -> memref<1x128xf32, #tpu.memory_space<vmem>>
    %dma_wait3A_2175 = tpu.memref_squeeze %dma_wait3A_2174 : memref<1x128xf32, #tpu.memory_space<vmem>> -> memref<128xf32, #tpu.memory_space<vmem>>
    tpu.wait_dma2 semaphore(%arg19 : memref<!tpu.dma_semaphore, #tpu.memory_space<semaphore_mem>>) src(%dma_wait3A_2175 : memref<128xf32, #tpu.memory_space<vmem>>) dst(%dma_wait3A_2172 : memref<128xf32, #tpu.memory_space<hbm>>)
    %dma_wait3A_2176 = arith.constant 2 : i32
    %dma_wait3A_2177 = arith.constant 0 : i32
    %dma_wait3A_2178 = tpu.memref_slice %arg11[%dma_wait3A_2176, %dma_wait3A_2177] : memref<4x128xf32, #tpu.memory_space<vmem>> -> memref<1x128xf32, #tpu.memory_space<vmem>>
    %dma_wait3A_2179 = tpu.memref_squeeze %dma_wait3A_2178 : memref<1x128xf32, #tpu.memory_space<vmem>> -> memref<128xf32, #tpu.memory_space<vmem>>
    %dma_wait3A_2180 = tpu.memref_slice %arg5[%add3A_1686] : memref<16384xf32, #tpu.memory_space<hbm>> -> memref<128xf32, #tpu.memory_space<hbm>>
    %dma_wait3A_2181 = tpu.memref_slice %arg5[%add3A_1686] : memref<16384xf32, #tpu.memory_space<hbm>> -> memref<128xf32, #tpu.memory_space<hbm>>
    %dma_wait3A_2182 = arith.constant 0 : i32
    %dma_wait3A_2183 = tpu.memref_slice %arg11[%dma_wait3A_2176, %dma_wait3A_2182] : memref<4x128xf32, #tpu.memory_space<vmem>> -> memref<1x128xf32, #tpu.memory_space<vmem>>
    %dma_wait3A_2184 = tpu.memref_squeeze %dma_wait3A_2183 : memref<1x128xf32, #tpu.memory_space<vmem>> -> memref<128xf32, #tpu.memory_space<vmem>>
    tpu.wait_dma2 semaphore(%arg19 : memref<!tpu.dma_semaphore, #tpu.memory_space<semaphore_mem>>) src(%dma_wait3A_2184 : memref<128xf32, #tpu.memory_space<vmem>>) dst(%dma_wait3A_2181 : memref<128xf32, #tpu.memory_space<hbm>>)
    %dma_wait3A_2185 = arith.constant 3 : i32
    %dma_wait3A_2186 = arith.constant 0 : i32
    %dma_wait3A_2187 = tpu.memref_slice %arg11[%dma_wait3A_2185, %dma_wait3A_2186] : memref<4x128xf32, #tpu.memory_space<vmem>> -> memref<1x128xf32, #tpu.memory_space<vmem>>
    %dma_wait3A_2188 = tpu.memref_squeeze %dma_wait3A_2187 : memref<1x128xf32, #tpu.memory_space<vmem>> -> memref<128xf32, #tpu.memory_space<vmem>>
    %dma_wait3A_2189 = tpu.memref_slice %arg5[%add3A_2148] : memref<16384xf32, #tpu.memory_space<hbm>> -> memref<128xf32, #tpu.memory_space<hbm>>
    %dma_wait3A_2190 = tpu.memref_slice %arg5[%add3A_2148] : memref<16384xf32, #tpu.memory_space<hbm>> -> memref<128xf32, #tpu.memory_space<hbm>>
    %dma_wait3A_2191 = arith.constant 0 : i32
    %dma_wait3A_2192 = tpu.memref_slice %arg11[%dma_wait3A_2185, %dma_wait3A_2191] : memref<4x128xf32, #tpu.memory_space<vmem>> -> memref<1x128xf32, #tpu.memory_space<vmem>>
    %dma_wait3A_2193 = tpu.memref_squeeze %dma_wait3A_2192 : memref<1x128xf32, #tpu.memory_space<vmem>> -> memref<128xf32, #tpu.memory_space<vmem>>
    tpu.wait_dma2 semaphore(%arg19 : memref<!tpu.dma_semaphore, #tpu.memory_space<semaphore_mem>>) src(%dma_wait3A_2193 : memref<128xf32, #tpu.memory_space<vmem>>) dst(%dma_wait3A_2190 : memref<128xf32, #tpu.memory_space<hbm>>)
    return
  }
}

</mosaic_0001>

<sc_bundles>
// kernel: _center_loss.3.cloned.1.call-start
scs
__scs_entry_jumppad:
0x0: {  	(pc) =	sbr.rel $0x88, $3  }
0x1: {  	(tag) =	ssettag $0x0;
	lr =	simm.s32 $0x1  }
0x2: {  	[smem:$0x3F9E] =	sst lr;
	_ =	strace $0xD0000000  }
0x3: {  	_ = 	snop  }
0x4: {  	_ = 	snop  }
0x5: {  	_ = 	snop  }
0x6: {  	_ = 	snop  }
0x7: {  	_ = 	snop  }
__scs_overlays_trampoline_lowered:
0x8: {  	[smem:$0x3FAD] =	sst s0  }
0x9: {  	[smem:$0x3FAE] =	sst s1  }
0xa: {  	[smem:$0x3FAF] =	sst s2  }
0xb: {  	[smem:$0x3FB0] =	sst s3  }
0xc: {  	[smem:$0x3FB1] =	sst s4  }
0xd: {  	[smem:$0x3FB2] =	sst s5  }
0xe: {  	[smem:$0x3FB3] =	sst s6  }
0xf: {  	[smem:$0x3FB4] =	sst s7  }
0x10: {  	[smem:$0x3FB5] =	sst s8  }
0x11: {  	[smem:$0x3FB6] =	sst s9;
	s0 =	simm.s32 @!p0 $0x0  }
0x12: {  	s1 =	sld [smem:$0x3F9C];
	s0 =	simm.s32 @p0 $0x1  }
0x13: {  	[smem:$0x3FB7] =	sst s0;
	s0 =	simm.s32 @!p1 $0x0  }
0x14: {  	s2 =	sld [smem:$0x3F9B];
	s0 =	simm.s32 @p1 $0x1  }
0x15: {  	[smem:$0x3FB8] =	sst s0;
	s0 =	simm.s32 @!p2 $0x0  }
0x16: {  	s3 =	sld [smem:$0x3FDB];
	s0 =	simm.s32 @p2 $0x1  }
0x17: {  	s4 =	simm.s32 $0x1BF5;
	[smem:$0x3FBA] =	sst s0  }
0x18: {  	s0 =	sld [smem:$0x3F9D];
	_ =	swait.ge [sflag:s4], $0x0  }
0x19: {  	s7 =	sld [smem:$0x3F9E]  }
0x1a: {  	s8 =	sadd.s32 $0xFFFFE003, lr  }
0x1b: {  	s9 =	sadd.s32 $0xFFFFFEF7, lr;
	s5 =	simm.s32 $0xFFFFFFFF;
	p2 =	slt.u32 s8, $0xFFFFF086  }
0x1c: {  	p1 =	slt.u32 s9, $0xF7A;
	s5 =	simm.s32 @!p2 $0x0  }
0x1d: {  	s5 =	simm.s32 @p1 $0x1;
	p0 =	seq.s32 s7, s2  }
0x1e: {  	s7 =	smul.u32 @!p0 $0xF7A, s2;
	p2 =	seq.s32 @!p0 s5, $0x0  }
0x1f: {  	s9 =	smul.u32 $0xF7A, s1;
	s8 =	simm.s32 @!p0 $0x1BF5;
	p2 =	por !p2, p0  }
0x20: {  	[sflag:s8] =	ssyncset.s32 @!p0 $0xFFFFF086;
	s6 =	sadd.s32 @!p0 s3, s7;
	s7 =	simm.s32 @!p0 $0x108  }
0x21: {  	s3 =	sadd.s32 s3, s9;
	s6 =	sadd.s32 @!p0 $0x88, s6;
	s7 =	simm.s32 @p2 $0x1082  }
0x22: {  	[simem:s7], [sflag:s8] =	dma.local @!p0 [hbm:s6], $0xF7A  }
0x23: {  	s9 =	sor.u32 $0xD0000000, s2;
	s6 =	simm.s32 $0x108;
	_ =	swait.ge @!p0 [sflag:s8], $0x0  }
0x24: {  	s3 =	sadd.s32 $0x88, s3;
	s6 =	simm.s32 @!p1 $0x1082;
	[sflag:s4] =	ssyncset.s32 $0xFFFFF086  }
0x25: {  	[simem:s6], [sflag:s4] =	dma.local [hbm:s3], $0xF7A  }
0x26: {  	[smem:$0x3F9E] =	sst s1;
	(tag) =	ssettag s2;
	_ =	strace s9  }
0x27: {  	s1 =	sld [smem:$0x3FAE]  }
0x28: {  	s2 =	sld [smem:$0x3FAF]  }
0x29: {  	s4 =	sld [smem:$0x3FB1]  }
0x2a: {  	p0 =	seq.s32 s5, $0x0;
	s5 =	sld [smem:$0x3FB2]  }
0x2b: {  	s6 =	sld [smem:$0x3FB3]  }
0x2c: {  	s7 =	sld [smem:$0x3FB4]  }
0x2d: {  	s3 =	simm.s32 $0x108;
	s8 =	sld [smem:$0x3FB5]  }
0x2e: {  	s3 =	simm.s32 @!p0 $0x1082;
	s9 =	sld [smem:$0x3FB6]  }
0x2f: {  	lr =	sadd.s32 s0, s3;
	s0 =	sld [smem:$0x3FAD]  }
0x30: {  	s3 =	sld [smem:$0x3FB0]  }
0x31: {  	[smem:$0x3FB9] =	sst s10  }
0x32: {  	s10 =	sld [smem:$0x3FB7];
	_ =	sdelay $0x3  }
0x33: {  	p0 =	seq.s32 s10, $0x1;
	s10 =	sld [smem:$0x3FB9];
	_ =	sdelay $0x3  }
0x34: {  	[smem:$0x3FB9] =	sst s10  }
0x35: {  	s10 =	sld [smem:$0x3FB8];
	_ =	sdelay $0x3  }
0x36: {  	p1 =	seq.s32 s10, $0x1;
	s10 =	sld [smem:$0x3FB9];
	_ =	sdelay $0x3  }
0x37: {  	[smem:$0x3FB9] =	sst s10  }
0x38: {  	s10 =	sld [smem:$0x3FBA]  }
0x39: {  	_ = 	snop;
	(pc) =	sbr.ind lr, $3  }
0x3a: {  	_ = 	snop  }
0x3b: {  	_ = 	snop  }
0x3c: {  	p2 =	seq.s32 s10, $0x1;
	s10 =	sld [smem:$0x3FB9]  }
0x3d: {  	_ =	shalt  }
0x3e: {  	_ =	shalt  }
0x3f: {  	_ =	shalt  }
0x40: {  	_ =	shalt  }
0x41: {  	_ =	shalt  }
0x42: {  	_ =	shalt  }
0x43: {  	_ =	shalt  }
0x44: {  	_ =	shalt  }
0x45: {  	_ =	shalt  }
0x46: {  	_ =	shalt  }
0x47: {  	_ =	shalt  }
0x48: {  	_ =	shalt  }
0x49: {  	_ =	shalt  }
0x4a: {  	_ =	shalt  }
0x4b: {  	_ =	shalt  }
0x4c: {  	_ =	shalt  }
0x4d: {  	_ =	shalt  }
0x4e: {  	_ =	shalt  }
0x4f: {  	_ =	shalt  }
0x50: {  	_ =	shalt  }
0x51: {  	_ =	shalt  }
0x52: {  	_ =	shalt  }
0x53: {  	_ =	shalt  }
0x54: {  	_ =	shalt  }
0x55: {  	_ =	shalt  }
0x56: {  	_ =	shalt  }
0x57: {  	_ =	shalt  }
0x58: {  	_ =	shalt  }
0x59: {  	_ =	shalt  }
0x5a: {  	_ =	shalt  }
0x5b: {  	_ =	shalt  }
0x5c: {  	_ =	shalt  }
0x5d: {  	_ =	shalt  }
0x5e: {  	_ =	shalt  }
0x5f: {  	_ =	shalt  }
0x60: {  	_ =	shalt  }
0x61: {  	_ =	shalt  }
0x62: {  	_ =	shalt  }
0x63: {  	_ =	shalt  }
0x64: {  	_ =	shalt  }
0x65: {  	_ =	shalt  }
0x66: {  	_ =	shalt  }
0x67: {  	_ =	shalt  }
0x68: {  	_ =	shalt  }
0x69: {  	_ =	shalt  }
0x6a: {  	_ =	shalt  }
0x6b: {  	_ =	shalt  }
0x6c: {  	_ =	shalt  }
0x6d: {  	_ =	shalt  }
0x6e: {  	_ =	shalt  }
0x6f: {  	_ =	shalt  }
0x70: {  	_ =	shalt  }
0x71: {  	_ =	shalt  }
0x72: {  	_ =	shalt  }
0x73: {  	_ =	shalt  }
0x74: {  	_ =	shalt  }
0x75: {  	_ =	shalt  }
0x76: {  	_ =	shalt  }
0x77: {  	_ =	shalt  }
0x78: {  	_ =	shalt  }
0x79: {  	_ =	shalt  }
0x7a: {  	_ =	shalt  }
0x7b: {  	_ =	shalt  }
0x7c: {  	_ =	shalt  }
0x7d: {  	_ =	shalt  }
0x7e: {  	_ =	shalt  }
0x7f: {  	_ =	shalt  }
0x80: {  	_ =	shalt  }
0x81: {  	_ =	shalt  }
0x82: {  	_ =	shalt  }
0x83: {  	_ =	shalt  }
0x84: {  	_ =	shalt  }
0x85: {  	_ =	shalt  }
0x86: {  	_ =	shalt  }
0x87: {  	_ =	shalt  }
.Lfunc_end0:
.L_simem_size_0:
called_computation_lowered:
.L_overlay_start_0:
0x88: {  	s2 =	sld [smem:$0x3FD9]  }
0x89: {  	s3 =	sld [smem:$0x3FFE];
	_ =	sdelay $0x1  }
0x8a: {  	s1 =	srdreg.scid  }
0x8b: {  	s0 =	sand.u32 $0x1, s1  }
0x8c: {  	s18 =	sshll.u32 s0, $0xA;
	s2 =	sadd.s32 s3, s2  }
0x8d: {  	s2 =	sadd.s32 s2, s18  }
0x8e: {  	[smem:$0x3FC5] =	sst s2  }
0x8f: {  	_ = 	snop  }
0x90: {  	s2 =	sld [smem:$0x3FC9]  }
0x91: {  	s19 =	sld [smem:$0x3FC8]  }
0x92: {  	s4 =	sld [smem:$0x3FC7]  }
0x93: {  	s5 =	sld [smem:$0x3FD0];
	(tm) =	ssettm $0x1  }
0x94: {  	s6 =	sld [smem:$0x3FFB];
	_ =	sdelay $0x3  }
0x95: {  	_ =	strace s6  }
0x96: {  	s6 =	sld [smem:$0x3FFC];
	_ =	sdelay $0x3  }
0x97: {  	_ =	strace s6  }
0x98: {  	s6 =	sld [smem:$0x3FFD];
	_ =	sdelay $0x3  }
0x99: {  	_ =	strace s6  }
0x9a: {  	_ =	strace $0x8FFFFFFF  }
0x9b: {  	s20 =	sld [smem:$0x3FDB];
	_ =	sdelay $0x1  }
0x9c: {  	s7 =	simm.s32 $_scs_section_size  }
0x9d: {  	s8 =	simm.s32 $_size__tile_overlayer_lowered;
	s9 =	simm.s32 $_tile_overlayer_lowered  }
0x9e: {  	s23 =	simm.s32 $0x1BFF;
	s22 =	sshll.u32 s9, $0x1;
	s6 =	sadd.s32 s7, s20  }
0x9f: {  	s10 =	simm.s32 $0x0;
	s21 =	sshll.u32 s8, $0x1;
	s8 =	sadd.s32 s22, s6  }
0xa0: {  	[timem:s10], [sflag:s23] =	dma.local [hbm:s8], s21  }
0xa1: {  	_ =	swait.ge [sflag:s23], s21  }
0xa2: {  	s7 =	ssub.s32 $0x0, s21;
	[sflag:s23] =	ssyncset.done $0x0  }
0xa3: {  	[sflag:s23] =	ssyncadd.s32 s7;
	_ =	sdelay $0x1  }
0xa4: {  	s24 =	simm.s32 $0x1B8B  }
0xa5: {  	_ =	swait.ge [sflag:s24], $0x1  }
0xa6: {  	[sflag:s24] =	ssyncset.done $0x0  }
0xa7: {  	s25 =	simm.s32 $0x1B8E;
	[sflag:s24] =	ssyncadd.s32 $0xFFFFFFFF  }
0xa8: {  	s26 =	simm.s32 $execute0_lowered;
	[smem:$0x3FD2] =	sst s25  }
0xa9: {  	s7 =	sshll.u32 s26, $0x1;
	_ =	strace $0x80000046;
	[dreg:$0x1] =	wrdreg $0xFFFFFFFF  }
0xaa: {  	s28 =	simm.s32 $_size_execute0_lowered;
	s6 =	sadd.s32 s6, s7;
	[dreg:$0x0] =	wrdreg $0x0  }
0xab: {  	s7 =	sshll.u32 s28, $0x1;
	[dreg:$0x2] =	wrdreg s6  }
0xac: {  	[dreg:$0x3] =	wrdreg s7  }
0xad: {  	[dreg:$0x4] =	wrdreg $0xC0  }
0xae: {  	_ =	task [dreg:s10], $0x5FFFF  }
0xaf: {  	[dreg:$0x1] =	wrdreg $0xFFFFFFFF  }
0xb0: {  	[dreg:$0x0] =	wrdreg $0x60  }
0xb1: {  	[dreg:$0x2] =	wrdreg s2  }
0xb2: {  	[dreg:$0x3] =	wrdreg s19  }
0xb3: {  	[dreg:$0x4] =	wrdreg s4  }
0xb4: {  	[dreg:$0x5] =	wrdreg s5  }
0xb5: {  	[dreg:$0x6] =	wrdreg $0x1A3000  }
0xb6: {  	[dreg:$0x7] =	wrdreg $0x9  }
0xb7: {  	_ =	task.clear_ibuf [dreg:s10], $0x8FFFF;
	_ =	strace $0x90000046  }
0xb8: {  	s29 =	simm.s32 $0x9;
	_ =	strace $0x80000048  }
0xb9: {  	_ =	swait.ge [sflag:s29], $0x1  }
0xba: {  	[sflag:s29] =	ssyncadd.s32 $0xFFFFFFFF  }
0xbb: {  	_ =	strace $0x90000048  }
0xbc: {  	_ =	sfence  }
0xbd: {  	s30 =	sld [smem:$0x0];
	_ =	sdelay $0x2  }
0xbe: {  	s31 =	sshll.u32 s1, $0xD;
	s1 =	sshrl.u32 s1, $0x2  }
0xbf: {  	s3 =	sand.u32 $0x4000, s31;
	s1 =	sadd.s32 s1, s30  }
0xc0: {  	s0 =	sor.u32 s3, s0;
	s1 =	sshll.u32 s1, $0x11  }
0xc1: {  	s0 =	sor.u32 s1, s0  }
0xc2: {  	s0 =	sadd.s32 $0x8F2B, s0  }
0xc3: {  	[sflag:s0] =	ssyncadd.remote.s32 $0x1  }
0xc4: {  	_ =	sfence.sel $0xFFFF  }
0xc5: {  	[dreg:$0x0] =	wrdreg $0xFFFFFFFF;
	(pc) =	sbr.abs _section_cstart, $3  }
0xc6: {  	[dreg:$0x1] =	wrdreg $0xFFFFFFFF  }
0xc7: {  	_ =	task.clear_ibuf [dreg:s10], $0x2FFFF;
	_ =	strace $0x9FFFFFFF  }
0xc8: {  	(tm) =	ssettm $0x7FFFFFFF  }
0xc9: {  	_ =	shalt  }
tec
execute0_lowered:
.L_overlay_start_1:
0x0: {  	(tag) =	ssettag $0x1  }
0x1: {  	s0 =	rddreg [dreg:$0x0]  }
0x2: {  	s2 =	rddreg [dreg:$0x1]  }
0x3: {  	s1 =	rddreg [dreg:$0x2];
	s3 =	srdreg.scid  }
0x4: {  	s13 =	stileid.u32;
	s5 =	rddreg [dreg:$0x3]  }
0x5: {  	s28 =	simm.s32 $0x14600;
	s30 =	simm.s32 $0x1;
	s31 =	simm.s32 $0x2  }
0x6: {  	s6 =	sand.u32 $0x1, s3;
	s4 =	sshll.u32 s13, $0x1;
	s3 =	rddreg [dreg:$0x4]  }
0x7: {  	s11 =	sshll.u32 s13, $0x7;
	s13 =	smul.u32 $0x61C0, s13;
	s7 =	sor.u32 s6, s4  }
0x8: {  	s4 =	simm.s32 $0x0;
	s10 =	sshll.u32 s6, $0x9;
	s6 =	ssub.s32 $0x2, s6  }
0x9: {  	s8 =	sshll.u32 s7, $0x9;
	[smem:$0x7FF] =	sst s4;
	s12 =	sshrl.u32 s6, $0x1  }
0xa: {  	s14 =	sshll.u32 s7, $0xD;
	s20 =	sshrl.u32 s13, $0x2;
	s7 =	sshll.u32 s7, $0x6  }
0xb: {  	s13 =	simm.s32 $0x5;
	s9 =	sand.u32 $0x3C00, s8;
	_ =	strace $0x80000047  }
0xc: {  	s6 =	ssub.s32 s6, s12;
	s15 =	sor.u32 $0x80, s8;
	s16 =	sor.u32 $0x100, s8  }
0xd: {  	s8 =	sor.u32 $0x180, s8;
	s21 =	sadd.s32 s5, s7;
	s7 =	simm.s32 $0xB  }
0xe: {  	s9 =	sor.u32 s10, s9;
	s17 =	sshll.u32 s15, $0x4;
	s12 =	sshll.u32 s16, $0x4  }
0xf: {  	[dreg:$0xc] =	wrdreg s21;
	s22 =	sshll.u32 s8, $0x4;
	s23 =	sshrl.u32 s15, $0x3  }
0x10: {  	s24 =	sshrl.u32 s16, $0x3;
	s26 =	sshrl.u32 s8, $0x3;
	s29 =	smax.u32 s6, $0x1  }
0x11: {  	s16 =	simm.s32 $0x400;
	s21 =	simm.s32 $0xC600;
	s6 =	simm.s32 $0xA  }
0x12: {  	s8 =	simm.s32 $0x7;
	s10 =	simm.s32 $0xC;
	s9 =	sshrl.u32 s9, $0x3  }
0x13: {  	s18 =	sadd.s32 s0, s17;
	s19 =	sadd.s32 s0, s12;
	[dreg:$0x11] =	wrdreg s29  }
0x14: {  	s25 =	sadd.s32 s5, s24;
	s24 =	simm.s32 $0x10600;
	[dreg:$0x9] =	wrdreg s18  }
0x15: {  	s12 =	simm.s32 $0x9;
	s9 =	sadd.s32 s2, s9;
	[dreg:$0xa] =	wrdreg s19  }
0x16: {  	s2 =	sadd.s32 s2, s11;
	[dreg:$0xf] =	wrdreg s25;
	s18 =	simm.s32 $0x600  }
0x17: {  	s19 =	simm.s32 $0x3;
	s25 =	simm.s32 $0x8600;
	[dreg:$0x6] =	wrdreg s9  }
0x18: {  	s11 =	simm.s32 $0x8;
	[dreg:$0x7] =	wrdreg s2;
	s2 =	sadd.s32 s0, s14  }
0x19: {  	v0 =	vlaneseq.u32;
	s0 =	sadd.s32 s0, s22;
	s22 =	simm.s32 $0x4600;
	[dreg:$0x8] =	wrdreg s2  }
0x1a: {  	v1 =	vmul.u32 $0x80, v0;
	s9 =	simm.s32 $0xF;
	s2 =	sadd.s32 s20, s3;
	[dreg:$0xd] =	wrdreg s0  }
0x1b: {  	s14 =	simm.s32 $0x0;
	s0 =	sadd.s32 s5, s23;
	[dreg:$0xb] =	wrdreg s2  }
0x1c: {  	v2 =	vimm.f32 $1.000000000e+00;
	v3 =	vimm.f32 $0.0e+00;
	v4 =	vor.u32 $0x800, v1;
	s20 =	simm.s32 $0x80;
	s23 =	simm.s32 $0x6;
	[dreg:$0xe] =	wrdreg s0  }
0x1d: {  	v5 =	vor.u32 $0x1000, v1;
	v6 =	vor.u32 $0x1800, v1;
	v7 =	vor.u32 $0x2000, v1;
	s0 =	sadd.s32 s5, s26;
	s2 =	simm.s32 $0x18A00;
	s5 =	simm.s32 $0xD  }
0x1e: {  	v8 =	vor.u32 $0x2800, v1;
	v9 =	vor.u32 $0x3000, v1;
	v10 =	vor.u32 $0x3800, v1;
	s26 =	simm.s32 $0xE;
	[dreg:$0x10] =	wrdreg s0;
	s0 =	simm.s32 $0x4  }
.LBB2_1:
0x1f: {  	s15 =	rddreg [dreg:$0x6]  }
0x20: {  	[tilespmem:s16], [sflag:$0x3] =	stream.linear.gather [hbm4b:s15+s4], $0x200, $0x38;
	[tilespmem:$0x1BB70] =	vst v63  }
0x21: {  	s17 =	rddreg [dreg:$0x7]  }
0x22: {  	[tilespmem:s4], [sflag:$0x2] =	stream.linear.gather [hbm4b:s17+s4], $0x400, $0x38;
	[tilespmem:$0x1BB70] =	vst v63  }
0x23: {  	s17 =	rddreg [dreg:$0x8]  }
0x24: {  	[tilespmem:s18], [sflag:$0xA] =	stream.linear.gather [hbm4b:s17+s4], $0x4000, $0x38;
	[tilespmem:$0x1BB70] =	vst v63  }
0x25: {  	_ =	swait.ge [sflag:s19], $0x200  }
0x26: {  	[sflag:s19] =	ssyncset.done $0x0  }
0x27: {  	[sflag:s19] =	ssyncadd.s32 $0xFFFFFE00  }
0x28: {  	[tilespmem:s21], [sflag:$0xD] =	stream.indirect.gather [hbm4b:s1+s20], $0x80, s16, s20, $0xb8;
	[tilespmem:$0x1BB70] =	vst v63  }
0x29: {  	s17 =	rddreg [dreg:$0x9]  }
0x2a: {  	[tilespmem:s22], [sflag:$0xB] =	stream.linear.gather [hbm4b:s17+s4], $0x4000, $0x38;
	[tilespmem:$0x1BB70] =	vst v63  }
0x2b: {  	s17 =	simm.s32 $0x480  }
0x2c: {  	[tilespmem:s24], [sflag:$0xE] =	stream.indirect.gather [hbm4b:s1+s20], $0x80, s17, s20, $0xb8;
	[tilespmem:$0x1BB70] =	vst v63  }
0x2d: {  	s17 =	rddreg [dreg:$0xa]  }
0x2e: {  	[tilespmem:s25], [sflag:$0xC] =	stream.linear.gather [hbm4b:s17+s4], $0x4000, $0x38;
	[tilespmem:$0x1BB70] =	vst v63  }
0x2f: {  	s17 =	simm.s32 $0x500  }
0x30: {  	[tilespmem:s28], [sflag:$0xF] =	stream.indirect.gather [hbm4b:s1+s20], $0x80, s17, s20, $0xb8;
	[tilespmem:$0x1BB70] =	vst v63  }
0x31: {  	[tilespmem:$0x18A00] =	vst v2  }
0x32: {  	[tilespmem:$0x18A10] =	vst v2  }
0x33: {  	[tilespmem:$0x18A20] =	vst v2  }
0x34: {  	[tilespmem:$0x18A30] =	vst v2  }
0x35: {  	[tilespmem:$0x18A40] =	vst v2  }
0x36: {  	[tilespmem:$0x18A50] =	vst v2  }
0x37: {  	[tilespmem:$0x18A60] =	vst v2  }
0x38: {  	s29 =	simm.s32 $0x40;
	s15 =	simm.s32 $0x0;
	[tilespmem:$0x18A70] =	vst v2  }
.LBB2_2:
0x39: {  	p0 =	sne.s32 s29, $0x6180;
	[tilespmem:s15+$0x18A80] =	vst v3;
	s15 =	smov.u32 s29;
	s29 =	sadd.s32 $0x40, s29  }
.Ltmp0:
0x3a: {  	(pc) =	sbr.rel @p0 .LBB2_2-.Ltmp0, $2  }
0x3b: {  	_ =	sdelay $0x2  }
0x3c: {  	s15 =	sshra.s32 s15, $0x2  }
0x3d: {  	[tilespmem:s15+$0x18A80] =	vst v3;
	s17 =	rddreg [dreg:$0xb];
	s29 =	simm.s32 $0x18A80  }
0x3e: {  	[spmem:s17] =	stream.linear.scatter [tilespmem:s29], [sflag:$0x1], $0x1870, $0x38;
	[tilespmem:$0x1BB70] =	vst v63  }
0x3f: {  	_ =	swait.ge [sflag:s30], $0x1870  }
0x40: {  	[sflag:s30] =	ssyncset.done $0x0  }
0x41: {  	[sflag:s30] =	ssyncadd.s32 $0xFFFFE790  }
0x42: {  	_ =	swait.ge [sflag:s31], $0x400  }
0x43: {  	[sflag:s31] =	ssyncset.done $0x0  }
0x44: {  	[sflag:s31] =	ssyncadd.s32 $0xFFFFFC00  }
0x45: {  	s15 =	simm.s32 $0x0;
	[bflag:$0x0] =	sbarrier.arrive $0xFFFF  }
0x46: {  	[spmem:s3] =	stream.indirect.scatter.add.f32 [tilespmem:s2], [sflag:$0x4], $0x1, s15, s20, $0xb8;
	[tilespmem:$0x1BB70] =	vst v63  }
0x47: {  	_ = 	snop  }
0x48: {  	[spmem:s3] =	stream.indirect.scatter.add.f32 [tilespmem:s2], [sflag:$0x4], $0x1, s20, s20, $0xb8;
	[tilespmem:$0x1BB70] =	vst v63  }
0x49: {  	s29 =	simm.s32 $0x100  }
0x4a: {  	[spmem:s3] =	stream.indirect.scatter.add.f32 [tilespmem:s2], [sflag:$0x4], $0x1, s29, s20, $0xb8;
	[tilespmem:$0x1BB70] =	vst v63  }
0x4b: {  	s29 =	simm.s32 $0x180  }
0x4c: {  	[spmem:s3] =	stream.indirect.scatter.add.f32 [tilespmem:s2], [sflag:$0x4], $0x1, s29, s20, $0xb8;
	[tilespmem:$0x1BB70] =	vst v63  }
0x4d: {  	s29 =	simm.s32 $0x200  }
0x4e: {  	[spmem:s3] =	stream.indirect.scatter.add.f32 [tilespmem:s2], [sflag:$0x4], $0x1, s29, s20, $0xb8;
	[tilespmem:$0x1BB70] =	vst v63  }
0x4f: {  	s29 =	simm.s32 $0x280  }
0x50: {  	[spmem:s3] =	stream.indirect.scatter.add.f32 [tilespmem:s2], [sflag:$0x4], $0x1, s29, s20, $0xb8;
	[tilespmem:$0x1BB70] =	vst v63  }
0x51: {  	s29 =	simm.s32 $0x300  }
0x52: {  	[spmem:s3] =	stream.indirect.scatter.add.f32 [tilespmem:s2], [sflag:$0x4], $0x1, s29, s20, $0xb8;
	[tilespmem:$0x1BB70] =	vst v63  }
0x53: {  	s29 =	simm.s32 $0x380  }
0x54: {  	[spmem:s3] =	stream.indirect.scatter.add.f32 [tilespmem:s2], [sflag:$0x4], $0x1, s29, s20, $0xb8;
	[tilespmem:$0x1BB70] =	vst v63  }
0x55: {  	_ =	swait.ge [sflag:s0], $0x80  }
0x56: {  	[sflag:s0] =	ssyncset.done $0x0  }
0x57: {  	[sflag:s0] =	ssyncadd.s32 $0xFFFFFF80  }
0x58: {  	_ =	swait.ge [sflag:s0], $0x80  }
0x59: {  	[sflag:s0] =	ssyncset.done $0x0  }
0x5a: {  	[sflag:s0] =	ssyncadd.s32 $0xFFFFFF80  }
0x5b: {  	_ =	swait.ge [sflag:s0], $0x80  }
0x5c: {  	[sflag:s0] =	ssyncset.done $0x0  }
0x5d: {  	[sflag:s0] =	ssyncadd.s32 $0xFFFFFF80  }
0x5e: {  	_ =	swait.ge [sflag:s0], $0x80  }
0x5f: {  	[sflag:s0] =	ssyncset.done $0x0  }
0x60: {  	[sflag:s0] =	ssyncadd.s32 $0xFFFFFF80  }
0x61: {  	_ =	swait.ge [sflag:s0], $0x80  }
0x62: {  	[sflag:s0] =	ssyncset.done $0x0  }
0x63: {  	[sflag:s0] =	ssyncadd.s32 $0xFFFFFF80  }
0x64: {  	_ =	swait.ge [sflag:s0], $0x80  }
0x65: {  	[sflag:s0] =	ssyncset.done $0x0  }
0x66: {  	[sflag:s0] =	ssyncadd.s32 $0xFFFFFF80  }
0x67: {  	_ =	swait.ge [sflag:s0], $0x80  }
0x68: {  	[sflag:s0] =	ssyncset.done $0x0  }
0x69: {  	[sflag:s0] =	ssyncadd.s32 $0xFFFFFF80  }
0x6a: {  	_ =	swait.ge [sflag:s0], $0x80  }
0x6b: {  	[sflag:s0] =	ssyncset.done $0x0  }
0x6c: {  	[sflag:s0] =	ssyncadd.s32 $0xFFFFFF80  }
0x6d: {  	s29 =	simm.s32 $0x18600;
	[bflag:$0x0] =	sbarrier.arrive $0xFFFF  }
0x6e: {  	[tilespmem:s29], [sflag:$0x6] =	stream.indirect.gather [spmem:s3], $0x1, s16, s20, $0xb8;
	[tilespmem:$0x1BB70] =	vst v63  }
0x6f: {  	s17 =	simm.s32 $0x18680;
	s29 =	simm.s32 $0x480  }
0x70: {  	[tilespmem:s17], [sflag:$0x7] =	stream.indirect.gather [spmem:s3], $0x1, s29, s20, $0xb8;
	[tilespmem:$0x1BB70] =	vst v63  }
0x71: {  	s29 =	simm.s32 $0x500;
	s17 =	simm.s32 $0x18700  }
0x72: {  	[tilespmem:s17], [sflag:$0x8] =	stream.indirect.gather [spmem:s3], $0x1, s29, s20, $0xb8;
	[tilespmem:$0x1BB70] =	vst v63  }
0x73: {  	v11 =	vmov s15;
	v12 =	vadd.s32 s15, v0;
	s16 =	simm.s32 $0x580;
	s17 =	simm.s32 $0x18780  }
0x74: {  	v11 =	vand.u32 $0x70, v11;
	v12 =	vand.u32 $0xF, v12;
	[tilespmem:s17], [sflag:$0x9] =	stream.indirect.gather [spmem:s3], $0x1, s16, s20, $0xb8;
	[tilespmem:$0x1BB70] =	vst v63  }
0x75: {  	v11 =	vor.u32 v11, v12;
	_ =	swait.ge [sflag:s5], $0x4000  }
0x76: {  	v12 =	vor.u32 v10, v11;
	[sflag:s5] =	ssyncset.done $0x0  }
0x77: {  	[sflag:s5] =	ssyncadd.s32 $0xFFFFC000  }
0x78: {  	v13 =	vor.u32 v1, v11;
	_ =	swait.ge [sflag:s6], $0x4000  }
0x79: {  	[sflag:s6] =	ssyncset.done $0x0  }
0x7a: {  	v14 =	vor.u32 v4, v11;
	[sflag:s6] =	ssyncadd.s32 $0xFFFFC000  }
0x7b: {  	v15 =	vld.idx.msk [tilespmem:v12+s18+$0x0], $0xffff  }
0x7c: {  	v16 =	vor.u32 v5, v11;
	v12 =	vld.idx.msk [tilespmem:v12+s21+$0x0], $0xffff  }
0x7d: {  	v17 =	vld.idx.msk [tilespmem:v13+s18+$0x0], $0xffff  }
0x7e: {  	v18 =	vor.u32 v6, v11;
	v13 =	vld.idx.msk [tilespmem:v13+s21+$0x0], $0xffff  }
0x7f: {  	v19 =	vld.idx.msk [tilespmem:v14+s18+$0x0], $0xffff  }
0x80: {  	v20 =	vor.u32 v7, v11;
	v14 =	vld.idx.msk [tilespmem:v14+s21+$0x0], $0xffff  }
0x81: {  	v22 =	vor.u32 v8, v11;
	v21 =	vld.idx.msk [tilespmem:v16+s18+$0x0], $0xffff  }
0x82: {  	s17 =	simm.s32 $0x1;
	v16 =	vld.idx.msk [tilespmem:v16+s21+$0x0], $0xffff  }
0x83: {  	v26 =	vor.u32 v9, v11;
	v23 =	vmov s17;
	v24 =	vadd.s32 s17, v0;
	v25 =	vld.idx.msk [tilespmem:v18+s18+$0x0], $0xffff  }
0x84: {  	v11 =	vand.u32 $0x70, v23;
	v23 =	vand.u32 $0xF, v24;
	v24 =	vld.idx.msk [tilespmem:v18+s21+$0x0], $0xffff  }
0x85: {  	v27 =	vor.u32 v11, v23;
	v23 =	vld.idx.msk [tilespmem:v20+s18+$0x0], $0xffff  }
0x86: {  	v28 =	vld.idx.msk [tilespmem:v22+s18+$0x0], $0xffff  }
0x87: {  	v30 =	vor.u32 v1, v27;
	v22 =	vld.idx.msk [tilespmem:v22+s21+$0x0], $0xffff  }
0x88: {  	v31 =	vld.idx.msk [tilespmem:v26+s18+$0x0], $0xffff;
	v11 =	vsub.f32 v15, v12;
	v12 =	vor.u32 v10, v27  }
0x89: {  	v33 =	vld.idx.msk [tilespmem:v26+s21+$0x0], $0xffff  }
0x8a: {  	v32 =	vor.u32 v4, v27;
	v34 =	vor.u32 v5, v27;
	v20 =	vld.idx.msk [tilespmem:v20+s21+$0x0], $0xffff  }
0x8b: {  	v35 =	vor.u32 v6, v27;
	v18 =	vor.u32 v7, v27;
	v13 =	vsub.f32 v17, v13  }
0x8c: {  	v29 =	vld.idx.msk [tilespmem:v30+s18+$0x0], $0xffff;
	v15 =	vimm.f32 $0.0e+00;
	v14 =	vsub.f32 v19, v14;
	v16 =	vsub.f32 v21, v16  }
0x8d: {  	v17 =	vsub.f32 v25, v24;
	v22 =	vsub.f32 v28, v22;
	v11 =	vmul.f32 v11, v11;
	v36 =	vld.idx.msk [tilespmem:v12+s18+$0x0], $0xffff  }
0x8e: {  	v28 =	vsub.f32 v31, v33;
	v13 =	vmul.f32 v13, v13;
	v14 =	vmul.f32 v14, v14;
	v12 =	vld.idx.msk [tilespmem:v12+s21+$0x0], $0xffff  }
0x8f: {  	s17 =	simm.s32 $0x2;
	v30 =	vld.idx.msk [tilespmem:v30+s21+$0x0], $0xffff;
	v20 =	vsub.f32 v23, v20;
	v16 =	vmul.f32 v16, v16;
	v21 =	vmul.f32 v17, v17  }
0x90: {  	v26 =	vld.idx.msk [tilespmem:v32+s21+$0x0], $0xffff;
	v24 =	vmul.f32 v22, v22;
	v31 =	vmul.f32 v28, v28;
	v28 =	vadd.s32 s17, v0  }
0x91: {  	v23 =	vld.idx.msk [tilespmem:v32+s18+$0x0], $0xffff;
	v33 =	vand.u32 $0xF, v28;
	v11 =	vadd.f32 v11, v15;
	v19 =	vadd.f32 v13, v15  }
0x92: {  	v25 =	vld.idx.msk [tilespmem:v34+s21+$0x0], $0xffff;
	v17 =	vadd.f32 v14, v15;
	v13 =	vmul.f32 v20, v20;
	v16 =	vadd.f32 v16, v15  }
0x93: {  	v22 =	vld.idx.msk [tilespmem:v34+s18+$0x0], $0xffff;
	v14 =	vadd.f32 v21, v15;
	v21 =	vor.u32 v8, v27;
	v63 =	vsub.f32 v36, v12  }
0x94: {  	v28 =	vld.idx.msk [tilespmem:v35+s21+$0x0], $0xffff;
	v20 =	vor.u32 v9, v27;
	v12 =	vadd.f32 v24, v15;
	v24 =	vmov s17  }
0x95: {  	s29 =	simm.s32 $0x3;
	v27 =	vld.idx.msk [tilespmem:v35+s18+$0x0], $0xffff;
	v13 =	vadd.f32 v13, v15;
	v32 =	vand.u32 $0x70, v24;
	v24 =	vmul.f32 v63, v63  }
.LBB2_4:
0x96: {  	p0 =	sne.s32 s29, $0x7F;
	v32 =	vor.u32 v32, v33;
	v29 =	vsub.f32 v29, v30;
	v30 =	vld.idx.msk [tilespmem:v18+s18+$0x0], $0xffff;
	v15 =	vadd.f32 v31, v15  }
0x97: {  	v31 =	vor.u32 v1, v32;
	v33 =	vor.u32 v10, v32;
	v34 =	vld.idx.msk [tilespmem:v18+s21+$0x0], $0xffff;
	v11 =	vadd.f32 v24, v11  }
0x98: {  	v24 =	vor.u32 v4, v32;
	v35 =	vor.u32 v5, v32;
	v36 =	vor.u32 v6, v32;
	v37 =	vld.idx.msk [tilespmem:v21+s18+$0x0], $0xffff  }
0x99: {  	v18 =	vor.u32 v7, v32;
	v38 =	vor.u32 v9, v32;
	v39 =	vld.idx.msk [tilespmem:v21+s21+$0x0], $0xffff;
	v21 =	vor.u32 v8, v32  }
0x9a: {  	v23 =	vsub.f32 v23, v26;
	v29 =	vmul.f32 v29, v29;
	v22 =	vsub.f32 v22, v25;
	v25 =	vld.idx.msk [tilespmem:v20+s18+$0x0], $0xffff  }
0x9b: {  	v26 =	vsub.f32 v27, v28;
	v27 =	vld.idx.msk [tilespmem:v20+s21+$0x0], $0xffff;
	v20 =	vmov v38  }
0x9c: {  	v23 =	vmul.f32 v23, v23;
	v19 =	vadd.f32 v29, v19;
	v22 =	vmul.f32 v22, v22;
	v28 =	vld.idx.msk [tilespmem:v33+s18+$0x0], $0xffff  }
0x9d: {  	v26 =	vmul.f32 v26, v26;
	v32 =	vld.idx.msk [tilespmem:v33+s21+$0x0], $0xffff;
	v33 =	vsub.f32 v30, v34  }
0x9e: {  	v17 =	vadd.f32 v23, v17;
	v16 =	vadd.f32 v22, v16;
	v29 =	vld.idx.msk [tilespmem:v31+s18+$0x0], $0xffff  }
0x9f: {  	v14 =	vadd.f32 v26, v14;
	v30 =	vld.idx.msk [tilespmem:v31+s21+$0x0], $0xffff;
	v22 =	vmul.f32 v33, v33;
	v31 =	vsub.f32 v37, v39  }
0xa0: {  	v23 =	vld.idx.msk [tilespmem:v24+s18+$0x0], $0xffff  }
.Ltmp1:
0xa1: {  	v27 =	vsub.f32 v25, v27;
	v26 =	vld.idx.msk [tilespmem:v24+s21+$0x0], $0xffff;
	v13 =	vadd.f32 v22, v13;
	v24 =	vmul.f32 v31, v31;
	(pc) =	sbr.rel @p0 .LBB2_4-.Ltmp1, $4  }
0xa2: {  	v22 =	vld.idx.msk [tilespmem:v35+s18+$0x0], $0xffff  }
0xa3: {  	v34 =	vsub.f32 v28, v32;
	v31 =	vmul.f32 v27, v27;
	v25 =	vld.idx.msk [tilespmem:v35+s21+$0x0], $0xffff;
	v12 =	vadd.f32 v24, v12  }
0xa4: {  	v28 =	vadd.s32 s29, v0;
	v24 =	vmov s29;
	v27 =	vld.idx.msk [tilespmem:v36+s18+$0x0], $0xffff  }
0xa5: {  	v33 =	vand.u32 $0xF, v28;
	s29 =	sadd.s32 $0x1, s29;
	v32 =	vand.u32 $0x70, v24;
	v24 =	vmul.f32 v34, v34;
	v28 =	vld.idx.msk [tilespmem:v36+s21+$0x0], $0xffff  }
0xa6: {  	v32 =	vor.u32 v32, v33  }
0xa7: {  	v33 =	vor.u32 v1, v32;
	_ =	sdelay $0x4  }
0xa8: {  	v34 =	vor.u32 v4, v32;
	v35 =	vld.idx.msk [tilespmem:v33+s18+$0x0], $0xffff  }
0xa9: {  	v33 =	vld.idx.msk [tilespmem:v33+s21+$0x0], $0xffff;
	_ =	sdelay $0x2  }
0xaa: {  	v29 =	vsub.f32 v29, v30  }
0xab: {  	v36 =	vld.idx.msk [tilespmem:v34+s18+$0x0], $0xffff  }
0xac: {  	v29 =	vmul.f32 v29, v29;
	v34 =	vld.idx.msk [tilespmem:v34+s21+$0x0], $0xffff;
	v33 =	vsub.f32 v35, v33  }
0xad: {  	v30 =	vld.idx.msk [tilespmem:v18+s18+$0x0], $0xffff  }
0xae: {  	v18 =	vld.idx.msk [tilespmem:v18+s21+$0x0], $0xffff;
	v37 =	vor.u32 v5, v32;
	v19 =	vadd.f32 v29, v19;
	v29 =	vmul.f32 v33, v33  }
0xaf: {  	v38 =	vld.idx.msk [tilespmem:v21+s18+$0x0], $0xffff;
	v23 =	vsub.f32 v23, v26;
	v31 =	vadd.f32 v31, v15  }
0xb0: {  	v21 =	vld.idx.msk [tilespmem:v21+s21+$0x0], $0xffff;
	v59 =	vor.u32 v10, v32;
	v61 =	vor.u32 v7, v32;
	v19 =	vadd.f32 v29, v19  }
0xb1: {  	v26 =	vld.idx.msk [tilespmem:v20+s18+$0x0], $0xffff;
	v63 =	vor.u32 v8, v32;
	v23 =	vmul.f32 v23, v23;
	v60 =	vsub.f32 v36, v34  }
0xb2: {  	v20 =	vld.idx.msk [tilespmem:v20+s21+$0x0], $0xffff;
	v15 =	vsub.f32 v22, v25;
	v39 =	vshrl.u32 v19, $0x1;
	v40 =	vmul.f32 $5.000000000e-01, v19  }
0xb3: {  	v17 =	vadd.f32 v23, v17;
	v23 =	vld.idx.msk [tilespmem:v37+s18+$0x0], $0xffff;
	v33 =	vmul.f32 v60, v60;
	v39 =	vsub.s32 $0x5F3759DF, v39  }
0xb4: {  	v15 =	vmul.f32 v15, v15;
	v22 =	vld.idx.msk [tilespmem:v37+s21+$0x0], $0xffff;
	v25 =	vmul.f32 v39, v40  }
0xb5: {  	v62 =	vld.idx.msk [tilespmem:v59+s18+$0x0], $0xffff;
	v29 =	vor.u32 v6, v32;
	v17 =	vadd.f32 v33, v17  }
0xb6: {  	v18 =	vsub.f32 v30, v18;
	v15 =	vadd.f32 v15, v16;
	v16 =	vld.idx.msk [tilespmem:v61+s18+$0x0], $0xffff;
	v25 =	vmul.f32 v39, v25  }
0xb7: {  	v20 =	vsub.f32 v26, v20;
	v41 =	vld.idx.msk [tilespmem:v63+s18+$0x0], $0xffff;
	v30 =	vshrl.u32 v17, $0x1;
	v33 =	vmul.f32 $5.000000000e-01, v17  }
0xb8: {  	v26 =	vld.idx.msk [tilespmem:v63+s21+$0x0], $0xffff;
	v32 =	vor.u32 v9, v32;
	v30 =	vsub.s32 $0x5F3759DF, v30;
	v25 =	vsub.f32 $1.500000000e+00, v25  }
0xb9: {  	v35 =	vld.idx.msk [tilespmem:v59+s21+$0x0], $0xffff;
	v22 =	vsub.f32 v23, v22;
	v23 =	vmul.f32 v30, v33  }
0xba: {  	v27 =	vsub.f32 v27, v28;
	v28 =	vld.idx.msk [tilespmem:v29+s18+$0x0], $0xffff;
	v25 =	vmul.f32 v39, v25  }
0xbb: {  	v22 =	vmul.f32 v22, v22;
	v29 =	vld.idx.msk [tilespmem:v29+s21+$0x0], $0xffff;
	v23 =	vmul.f32 v30, v23  }
0xbc: {  	v21 =	vsub.f32 v38, v21;
	v27 =	vmul.f32 v27, v27;
	v34 =	vld.idx.msk [tilespmem:v61+s21+$0x0], $0xffff;
	v43 =	vmul.f32 v25, v40  }
0xbd: {  	v18 =	vmul.f32 v18, v18;
	v15 =	vadd.f32 v22, v15;
	v42 =	vld.idx.msk [tilespmem:v32+s18+$0x0], $0xffff;
	v22 =	vsub.f32 $1.500000000e+00, v23  }
0xbe: {  	v11 =	vadd.f32 v24, v11;
	v21 =	vmul.f32 v21, v21;
	v32 =	vld.idx.msk [tilespmem:v32+s21+$0x0], $0xffff;
	_ =	swait.ge [sflag:s23], $0x80;
	v24 =	vmul.f32 v43, v25  }
0xbf: {  	v44 =	vmul.f32 $5.000000000e-01, v15;
	[sflag:s23] =	ssyncset.done $0x0;
	v22 =	vmul.f32 v30, v22;
	v30 =	vshrl.u32 v15, $0x1  }
0xc0: {  	[sflag:s23] =	ssyncadd.s32 $0xFFFFFF80;
	v28 =	vsub.f32 v28, v29;
	v29 =	vsub.s32 $0x5F3759DF, v30;
	v24 =	vsub.f32 $1.500000000e+00, v24  }
0xc1: {  	v14 =	vadd.f32 v27, v14;
	v27 =	vld [tilespmem:$0x18600];
	v30 =	vmul.f32 v22, v33;
	v45 =	vmul.f32 v29, v44  }
0xc2: {  	v20 =	vmul.f32 v20, v20;
	v35 =	vsub.f32 v62, v35;
	v24 =	vmul.f32 v24, v25  }
0xc3: {  	v25 =	vsub.f32 v41, v26;
	v26 =	vmul.f32 v30, v22;
	v30 =	vmul.f32 v29, v45  }
0xc4: {  	v13 =	vadd.f32 v18, v13;
	v28 =	vmul.f32 v28, v28;
	v18 =	vmul.f32 v24, v40  }
0xc5: {  	v23 =	vmul.f32 v35, v35;
	v26 =	vsub.f32 $1.500000000e+00, v26;
	v30 =	vsub.f32 $1.500000000e+00, v30  }
0xc6: {  	(erf) = vrcp.f32 v27;
	v14 =	vadd.f32 v28, v14;
	v18 =	vmul.f32 v18, v24  }
0xc7: {  	v12 =	vadd.f32 v21, v12;
	v21 =	vmul.f32 v26, v22;
	v22 =	vmul.f32 v29, v30  }
0xc8: {  	v27 =	vshrl.u32 v14, $0x1;
	v28 =	vmul.f32 $5.000000000e-01, v14;
	v26 =	vld [tilespmem:$0x18610];
	v18 =	vsub.f32 $1.500000000e+00, v18  }
0xc9: {  	v27 =	vsub.s32 $0x5F3759DF, v27;
	v29 =	vmul.f32 v21, v33;
	v30 =	vmul.f32 v22, v44  }
0xca: {  	v20 =	vadd.f32 v20, v31;
	v18 =	vmul.f32 v18, v24;
	v24 =	vmul.f32 v27, v28  }
0xcb: {  	v16 =	vsub.f32 v16, v34;
	v11 =	vadd.f32 v23, v11;
	v23 =	vmul.f32 v29, v21  }
0xcc: {  	vm0 =	vgt.f32 v19, $0.0e+00;
	v29 =	vmul.f32 v30, v22;
	v24 =	vmul.f32 v27, v24  }
0xcd: {  	vm9 =	vgt.f32 v17, $0.0e+00;
	v16 =	vmul.f32 v16, v16;
	(erf) = vrcp.f32 v26  }
0xce: {  	v18 =	vmul.f32 v18, v19;
	v23 =	vsub.f32 $1.500000000e+00, v23;
	v26 =	vsub.f32 $1.500000000e+00, v29  }
0xcf: {  	v31 =	vmul.f32 $5.000000000e-01, v11;
	v25 =	vmul.f32 v25, v25;
	v19 =	vsub.f32 $1.500000000e+00, v24  }
0xd0: {  	v18 =	vnsel vm0, $0x0, v18;
	v21 =	vmul.f32 v23, v21;
	v22 =	vmul.f32 v26, v22;
	v24 =	vpop (erf)  }
0xd1: {  	v13 =	vadd.f32 v16, v13;
	v16 =	vmul.f32 v24, v18;
	v18 =	vmul.f32 v27, v19  }
0xd2: {  	v12 =	vadd.f32 v25, v12;
	v19 =	vmul.f32 v21, v17;
	v21 =	vmul.f32 v22, v44  }
0xd3: {  	v25 =	vmul.f32 $5.000000000e-01, v13;
	v24 =	vshrl.u32 v13, $0x1;
	v23 =	vmul.f32 v18, v28  }
0xd4: {  	v30 =	vsub.f32 v42, v32;
	v17 =	vmul.f32 v21, v22;
	v21 =	vsub.s32 $0x5F3759DF, v24  }
0xd5: {  	v26 =	vshrl.u32 v12, $0x1;
	v24 =	vmul.f32 v21, v25;
	v23 =	vmul.f32 v23, v18  }
0xd6: {  	v29 =	vmul.f32 v30, v30;
	v26 =	vsub.s32 $0x5F3759DF, v26;
	v27 =	vmul.f32 $5.000000000e-01, v12  }
0xd7: {  	v17 =	vsub.f32 $1.500000000e+00, v17;
	v24 =	vmul.f32 v21, v24;
	v23 =	vsub.f32 $1.500000000e+00, v23  }
0xd8: {  	v20 =	vadd.f32 v29, v20;
	v19 =	vnsel vm9, $0x0, v19;
	v29 =	vmul.f32 v26, v27  }
0xd9: {  	v17 =	vmul.f32 v17, v22;
	v22 =	vsub.f32 $1.500000000e+00, v24;
	v18 =	vmul.f32 v23, v18  }
0xda: {  	v30 =	vpop (erf);
	v24 =	vshrl.u32 v20, $0x1;
	v23 =	vmul.f32 v26, v29;
	v29 =	vmul.f32 $5.000000000e-01, v20  }
0xdb: {  	v19 =	vmul.f32 v30, v19;
	v30 =	vshrl.u32 v11, $0x1;
	v24 =	vsub.s32 $0x5F3759DF, v24  }
0xdc: {  	v30 =	vsub.s32 $0x5F3759DF, v30;
	v21 =	vmul.f32 v21, v22;
	v22 =	vmul.f32 v24, v29  }
0xdd: {  	v46 =	vld [tilespmem:$0x18620];
	v47 =	vmul.f32 v30, v31;
	v23 =	vsub.f32 $1.500000000e+00, v23  }
0xde: {  	v28 =	vmul.f32 v18, v28;
	v22 =	vmul.f32 v24, v22  }
0xdf: {  	v48 =	vmul.f32 v21, v25;
	v23 =	vmul.f32 v26, v23  }
0xe0: {  	v26 =	vmul.f32 v30, v47;
	v28 =	vmul.f32 v28, v18;
	v22 =	vsub.f32 $1.500000000e+00, v22  }
0xe1: {  	v49 =	vmul.f32 v48, v21;
	v50 =	vmul.f32 v23, v27  }
0xe2: {  	(erf) = vrcp.f32 v46;
	v26 =	vsub.f32 $1.500000000e+00, v26;
	v22 =	vmul.f32 v24, v22  }
0xe3: {  	v28 =	vsub.f32 $1.500000000e+00, v28;
	v51 =	vsub.f32 $1.500000000e+00, v49;
	v52 =	vmul.f32 v50, v23  }
0xe4: {  	v24 =	vld [tilespmem:$0x18630];
	v26 =	vmul.f32 v30, v26;
	v30 =	vmul.f32 v22, v29  }
0xe5: {  	v18 =	vmul.f32 v28, v18;
	v21 =	vmul.f32 v51, v21  }
0xe6: {  	v28 =	vld [tilespmem:$0x18640];
	v53 =	vsub.f32 $1.500000000e+00, v52;
	v54 =	vmul.f32 v26, v31;
	v30 =	vmul.f32 v30, v22  }
0xe7: {  	v17 =	vmul.f32 v17, v15;
	v25 =	vmul.f32 v21, v25  }
0xe8: {  	v55 =	vld [tilespmem:$0x18650];
	v23 =	vmul.f32 v53, v23;
	v56 =	vmul.f32 v54, v26;
	v30 =	vsub.f32 $1.500000000e+00, v30  }
0xe9: {  	(erf) = vrcp.f32 v24;
	v25 =	vmul.f32 v25, v21  }
0xea: {  	vm10 =	vgt.f32 v15, $0.0e+00;
	v24 =	vld [tilespmem:$0x18660];
	v27 =	vmul.f32 v23, v27;
	v22 =	vmul.f32 v30, v22  }
0xeb: {  	v57 =	vld [tilespmem:$0x18670];
	v18 =	vmul.f32 v18, v14;
	v32 =	vsub.f32 $1.500000000e+00, v56;
	(erf) = vrcp.f32 v28  }
0xec: {  	v25 =	vsub.f32 $1.500000000e+00, v25;
	v15 =	vmul.f32 v27, v23;
	v27 =	vmul.f32 v22, v29  }
0xed: {  	(erf) = vrcp.f32 v55;
	v26 =	vmul.f32 v32, v26  }
0xee: {  	vm11 =	vgt.f32 v14, $0.0e+00;
	v21 =	vmul.f32 v25, v21;
	v14 =	vmul.f32 v27, v22  }
0xef: {  	(erf) = vrcp.f32 v24;
	v24 =	vmul.f32 v26, v31  }
0xf0: {  	v15 =	vsub.f32 $1.500000000e+00, v15;
	(erf) = vrcp.f32 v57;
	v14 =	vsub.f32 $1.500000000e+00, v14  }
0xf1: {  	v24 =	vmul.f32 v24, v26  }
0xf2: {  	vm12 =	vgt.f32 v13, $0.0e+00;
	v21 =	vmul.f32 v21, v13;
	v15 =	vmul.f32 v15, v23;
	v27 =	vpop (erf)  }
0xf3: {  	v17 =	vnsel vm10, $0x0, v17;
	v23 =	vsub.f32 $1.500000000e+00, v24;
	v25 =	vpop (erf);
	v13 =	vmul.f32 v14, v22  }
0xf4: {  	[tilespmem:$0x18800] =	vst v16;
	v16 =	vnsel vm12, $0x0, v21;
	v15 =	vmul.f32 v15, v12;
	v17 =	vmul.f32 v27, v17;
	v14 =	vpop (erf)  }
0xf5: {  	v18 =	vnsel vm11, $0x0, v18;
	v21 =	vmul.f32 v23, v26;
	v14 =	vmul.f32 v14, v16  }
0xf6: {  	vm13 =	vgt.f32 v12, $0.0e+00;
	[tilespmem:$0x18810] =	vst v19;
	v18 =	vmul.f32 v25, v18;
	v12 =	vmul.f32 v13, v20  }
0xf7: {  	vm14 =	vgt.f32 v20, $0.0e+00;
	v15 =	vnsel vm13, $0x0, v15;
	[tilespmem:$0x18820] =	vst v17;
	v16 =	vmul.f32 v21, v11;
	v13 =	vpop (erf)  }
0xf8: {  	vm15 =	vgt.f32 v11, $0.0e+00;
	[tilespmem:$0x18830] =	vst v18;
	v12 =	vnsel vm14, $0x0, v12;
	v17 =	vpop (erf);
	v13 =	vmul.f32 v13, v15  }
0xf9: {  	[tilespmem:$0x18840] =	vst v14;
	v11 =	vmul.f32 v17, v12;
	v12 =	vnsel vm15, $0x0, v16;
	v14 =	vpop (erf)  }
0xfa: {  	[tilespmem:$0x18850] =	vst v13;
	v12 =	vmul.f32 v14, v12  }
0xfb: {  	[tilespmem:$0x18860] =	vst v11  }
0xfc: {  	s15 =	simm.s32 $0x0;
	s17 =	simm.s32 $0x18800;
	s29 =	rddreg [dreg:$0xc];
	[tilespmem:$0x18870] =	vst v12  }
0xfd: {  	[hbm4b:s29+s15] =	stream.linear.scatter [tilespmem:s17], [sflag:$0x5], $0x80, $0x38;
	[tilespmem:$0x1BB70] =	vst v63  }
0xfe: {  	s29 =	rddreg [dreg:$0xd]  }
0xff: {  	[tilespmem:s18], [sflag:$0xA] =	stream.linear.gather [hbm4b:s29+s15], $0x4000, $0x38;
	[tilespmem:$0x1BB70] =	vst v63  }
0x100: {  	v11 =	vmov s15;
	v12 =	vadd.s32 s15, v0  }
0x101: {  	v11 =	vand.u32 $0x70, v11;
	v12 =	vand.u32 $0xF, v12;
	[tilespmem:s21], [sflag:$0xD] =	stream.indirect.gather [hbm4b:s1+s20], $0x80, s16, s20, $0xb8;
	[tilespmem:$0x1BB70] =	vst v63  }
0x102: {  	v11 =	vor.u32 v11, v12;
	_ =	swait.ge [sflag:s26], $0x4000  }
0x103: {  	v12 =	vor.u32 v10, v11;
	[sflag:s26] =	ssyncset.done $0x0  }
0x104: {  	[sflag:s26] =	ssyncadd.s32 $0xFFFFC000  }
0x105: {  	v13 =	vor.u32 v1, v11;
	_ =	swait.ge [sflag:s7], $0x4000  }
0x106: {  	[sflag:s7] =	ssyncset.done $0x0  }
0x107: {  	v14 =	vor.u32 v4, v11;
	[sflag:s7] =	ssyncadd.s32 $0xFFFFC000  }
0x108: {  	v15 =	vld.idx.msk [tilespmem:v12+s22+$0x0], $0xffff  }
0x109: {  	v16 =	vor.u32 v5, v11;
	v12 =	vld.idx.msk [tilespmem:v12+s24+$0x0], $0xffff  }
0x10a: {  	v17 =	vld.idx.msk [tilespmem:v13+s22+$0x0], $0xffff  }
0x10b: {  	v18 =	vor.u32 v6, v11;
	v13 =	vld.idx.msk [tilespmem:v13+s24+$0x0], $0xffff  }
0x10c: {  	v19 =	vld.idx.msk [tilespmem:v14+s22+$0x0], $0xffff  }
0x10d: {  	v20 =	vor.u32 v7, v11;
	v14 =	vld.idx.msk [tilespmem:v14+s24+$0x0], $0xffff  }
0x10e: {  	v22 =	vor.u32 v8, v11;
	v21 =	vld.idx.msk [tilespmem:v16+s22+$0x0], $0xffff  }
0x10f: {  	s16 =	simm.s32 $0x1;
	v16 =	vld.idx.msk [tilespmem:v16+s24+$0x0], $0xffff  }
0x110: {  	v26 =	vor.u32 v9, v11;
	v23 =	vmov s16;
	v24 =	vadd.s32 s16, v0;
	v25 =	vld.idx.msk [tilespmem:v18+s22+$0x0], $0xffff  }
0x111: {  	v11 =	vand.u32 $0x70, v23;
	v23 =	vand.u32 $0xF, v24;
	v24 =	vld.idx.msk [tilespmem:v18+s24+$0x0], $0xffff  }
0x112: {  	v27 =	vor.u32 v11, v23;
	v23 =	vld.idx.msk [tilespmem:v20+s22+$0x0], $0xffff  }
0x113: {  	v28 =	vld.idx.msk [tilespmem:v22+s22+$0x0], $0xffff  }
0x114: {  	v30 =	vor.u32 v1, v27;
	v22 =	vld.idx.msk [tilespmem:v22+s24+$0x0], $0xffff  }
0x115: {  	v31 =	vld.idx.msk [tilespmem:v26+s22+$0x0], $0xffff;
	v11 =	vsub.f32 v15, v12;
	v12 =	vor.u32 v10, v27  }
0x116: {  	v59 =	vld.idx.msk [tilespmem:v26+s24+$0x0], $0xffff  }
0x117: {  	v58 =	vor.u32 v4, v27;
	v60 =	vor.u32 v5, v27;
	v20 =	vld.idx.msk [tilespmem:v20+s24+$0x0], $0xffff  }
0x118: {  	v61 =	vor.u32 v6, v27;
	v18 =	vor.u32 v7, v27;
	v13 =	vsub.f32 v17, v13  }
0x119: {  	v29 =	vld.idx.msk [tilespmem:v30+s22+$0x0], $0xffff;
	v15 =	vimm.f32 $0.0e+00;
	v14 =	vsub.f32 v19, v14;
	v16 =	vsub.f32 v21, v16  }
0x11a: {  	v17 =	vsub.f32 v25, v24;
	v22 =	vsub.f32 v28, v22;
	v11 =	vmul.f32 v11, v11;
	v62 =	vld.idx.msk [tilespmem:v12+s22+$0x0], $0xffff  }
0x11b: {  	v28 =	vsub.f32 v31, v59;
	v13 =	vmul.f32 v13, v13;
	v14 =	vmul.f32 v14, v14;
	v12 =	vld.idx.msk [tilespmem:v12+s24+$0x0], $0xffff  }
0x11c: {  	s17 =	simm.s32 $0x2;
	v30 =	vld.idx.msk [tilespmem:v30+s24+$0x0], $0xffff;
	v20 =	vsub.f32 v23, v20;
	v16 =	vmul.f32 v16, v16;
	v21 =	vmul.f32 v17, v17  }
0x11d: {  	v26 =	vld.idx.msk [tilespmem:v58+s24+$0x0], $0xffff;
	v24 =	vmul.f32 v22, v22;
	v31 =	vmul.f32 v28, v28;
	v28 =	vadd.s32 s17, v0  }
0x11e: {  	v23 =	vld.idx.msk [tilespmem:v58+s22+$0x0], $0xffff;
	v33 =	vand.u32 $0xF, v28;
	v11 =	vadd.f32 v11, v15;
	v19 =	vadd.f32 v13, v15  }
0x11f: {  	v25 =	vld.idx.msk [tilespmem:v60+s24+$0x0], $0xffff;
	v17 =	vadd.f32 v14, v15;
	v13 =	vmul.f32 v20, v20;
	v16 =	vadd.f32 v16, v15  }
0x120: {  	v22 =	vld.idx.msk [tilespmem:v60+s22+$0x0], $0xffff;
	v14 =	vadd.f32 v21, v15;
	v21 =	vor.u32 v8, v27;
	v63 =	vsub.f32 v62, v12  }
0x121: {  	v28 =	vld.idx.msk [tilespmem:v61+s24+$0x0], $0xffff;
	v20 =	vor.u32 v9, v27;
	v12 =	vadd.f32 v24, v15;
	v24 =	vmov s17  }
0x122: {  	s29 =	simm.s32 $0x3;
	v27 =	vld.idx.msk [tilespmem:v61+s22+$0x0], $0xffff;
	v13 =	vadd.f32 v13, v15;
	v32 =	vand.u32 $0x70, v24;
	v24 =	vmul.f32 v63, v63  }
.LBB2_6:
0x123: {  	p0 =	sne.s32 s29, $0x7F;
	v32 =	vor.u32 v32, v33;
	v29 =	vsub.f32 v29, v30;
	v30 =	vld.idx.msk [tilespmem:v18+s22+$0x0], $0xffff;
	v15 =	vadd.f32 v31, v15  }
0x124: {  	v31 =	vor.u32 v1, v32;
	v33 =	vor.u32 v10, v32;
	v34 =	vld.idx.msk [tilespmem:v18+s24+$0x0], $0xffff;
	v11 =	vadd.f32 v24, v11  }
0x125: {  	v24 =	vor.u32 v4, v32;
	v35 =	vor.u32 v5, v32;
	v36 =	vor.u32 v6, v32;
	v37 =	vld.idx.msk [tilespmem:v21+s22+$0x0], $0xffff  }
0x126: {  	v18 =	vor.u32 v7, v32;
	v38 =	vor.u32 v9, v32;
	v39 =	vld.idx.msk [tilespmem:v21+s24+$0x0], $0xffff;
	v21 =	vor.u32 v8, v32  }
0x127: {  	v23 =	vsub.f32 v23, v26;
	v29 =	vmul.f32 v29, v29;
	v22 =	vsub.f32 v22, v25;
	v25 =	vld.idx.msk [tilespmem:v20+s22+$0x0], $0xffff  }
0x128: {  	v26 =	vsub.f32 v27, v28;
	v27 =	vld.idx.msk [tilespmem:v20+s24+$0x0], $0xffff;
	v20 =	vmov v38  }
0x129: {  	v23 =	vmul.f32 v23, v23;
	v19 =	vadd.f32 v29, v19;
	v22 =	vmul.f32 v22, v22;
	v28 =	vld.idx.msk [tilespmem:v33+s22+$0x0], $0xffff  }
0x12a: {  	v26 =	vmul.f32 v26, v26;
	v32 =	vld.idx.msk [tilespmem:v33+s24+$0x0], $0xffff;
	v33 =	vsub.f32 v30, v34  }
0x12b: {  	v17 =	vadd.f32 v23, v17;
	v16 =	vadd.f32 v22, v16;
	v29 =	vld.idx.msk [tilespmem:v31+s22+$0x0], $0xffff  }
0x12c: {  	v14 =	vadd.f32 v26, v14;
	v30 =	vld.idx.msk [tilespmem:v31+s24+$0x0], $0xffff;
	v22 =	vmul.f32 v33, v33;
	v31 =	vsub.f32 v37, v39  }
0x12d: {  	v23 =	vld.idx.msk [tilespmem:v24+s22+$0x0], $0xffff  }
.Ltmp2:
0x12e: {  	v27 =	vsub.f32 v25, v27;
	v26 =	vld.idx.msk [tilespmem:v24+s24+$0x0], $0xffff;
	v13 =	vadd.f32 v22, v13;
	v24 =	vmul.f32 v31, v31;
	(pc) =	sbr.rel @p0 .LBB2_6-.Ltmp2, $4  }
0x12f: {  	v22 =	vld.idx.msk [tilespmem:v35+s22+$0x0], $0xffff  }
0x130: {  	v34 =	vsub.f32 v28, v32;
	v31 =	vmul.f32 v27, v27;
	v25 =	vld.idx.msk [tilespmem:v35+s24+$0x0], $0xffff;
	v12 =	vadd.f32 v24, v12  }
0x131: {  	v28 =	vadd.s32 s29, v0;
	v24 =	vmov s29;
	v27 =	vld.idx.msk [tilespmem:v36+s22+$0x0], $0xffff  }
0x132: {  	v33 =	vand.u32 $0xF, v28;
	s29 =	sadd.s32 $0x1, s29;
	v32 =	vand.u32 $0x70, v24;
	v24 =	vmul.f32 v34, v34;
	v28 =	vld.idx.msk [tilespmem:v36+s24+$0x0], $0xffff  }
0x133: {  	v32 =	vor.u32 v32, v33  }
0x134: {  	v33 =	vor.u32 v1, v32;
	_ =	sdelay $0x4  }
0x135: {  	v34 =	vor.u32 v4, v32;
	v35 =	vld.idx.msk [tilespmem:v33+s22+$0x0], $0xffff  }
0x136: {  	v33 =	vld.idx.msk [tilespmem:v33+s24+$0x0], $0xffff;
	_ =	sdelay $0x2  }
0x137: {  	v29 =	vsub.f32 v29, v30  }
0x138: {  	v36 =	vld.idx.msk [tilespmem:v34+s22+$0x0], $0xffff  }
0x139: {  	v29 =	vmul.f32 v29, v29;
	v34 =	vld.idx.msk [tilespmem:v34+s24+$0x0], $0xffff;
	v33 =	vsub.f32 v35, v33  }
0x13a: {  	v30 =	vld.idx.msk [tilespmem:v18+s22+$0x0], $0xffff  }
0x13b: {  	v18 =	vld.idx.msk [tilespmem:v18+s24+$0x0], $0xffff;
	v37 =	vor.u32 v5, v32;
	v19 =	vadd.f32 v29, v19;
	v29 =	vmul.f32 v33, v33  }
0x13c: {  	v38 =	vld.idx.msk [tilespmem:v21+s22+$0x0], $0xffff;
	v23 =	vsub.f32 v23, v26;
	v31 =	vadd.f32 v31, v15  }
0x13d: {  	v21 =	vld.idx.msk [tilespmem:v21+s24+$0x0], $0xffff;
	v59 =	vor.u32 v10, v32;
	v61 =	vor.u32 v7, v32;
	v19 =	vadd.f32 v29, v19  }
0x13e: {  	v26 =	vld.idx.msk [tilespmem:v20+s22+$0x0], $0xffff;
	v63 =	vor.u32 v8, v32;
	v23 =	vmul.f32 v23, v23;
	v60 =	vsub.f32 v36, v34  }
0x13f: {  	v20 =	vld.idx.msk [tilespmem:v20+s24+$0x0], $0xffff;
	v15 =	vsub.f32 v22, v25;
	v39 =	vshrl.u32 v19, $0x1;
	v40 =	vmul.f32 $5.000000000e-01, v19  }
0x140: {  	v17 =	vadd.f32 v23, v17;
	v23 =	vld.idx.msk [tilespmem:v37+s22+$0x0], $0xffff;
	v33 =	vmul.f32 v60, v60;
	v39 =	vsub.s32 $0x5F3759DF, v39  }
0x141: {  	v15 =	vmul.f32 v15, v15;
	v22 =	vld.idx.msk [tilespmem:v37+s24+$0x0], $0xffff;
	v25 =	vmul.f32 v39, v40  }
0x142: {  	v62 =	vld.idx.msk [tilespmem:v59+s22+$0x0], $0xffff;
	v29 =	vor.u32 v6, v32;
	v17 =	vadd.f32 v33, v17  }
0x143: {  	v18 =	vsub.f32 v30, v18;
	v15 =	vadd.f32 v15, v16;
	v16 =	vld.idx.msk [tilespmem:v61+s22+$0x0], $0xffff;
	v25 =	vmul.f32 v39, v25  }
0x144: {  	v20 =	vsub.f32 v26, v20;
	v41 =	vld.idx.msk [tilespmem:v63+s22+$0x0], $0xffff;
	v30 =	vshrl.u32 v17, $0x1;
	v33 =	vmul.f32 $5.000000000e-01, v17  }
0x145: {  	v26 =	vld.idx.msk [tilespmem:v63+s24+$0x0], $0xffff;
	v32 =	vor.u32 v9, v32;
	v30 =	vsub.s32 $0x5F3759DF, v30;
	v25 =	vsub.f32 $1.500000000e+00, v25  }
0x146: {  	v35 =	vld.idx.msk [tilespmem:v59+s24+$0x0], $0xffff;
	v22 =	vsub.f32 v23, v22;
	v23 =	vmul.f32 v30, v33  }
0x147: {  	v27 =	vsub.f32 v27, v28;
	v28 =	vld.idx.msk [tilespmem:v29+s22+$0x0], $0xffff;
	v25 =	vmul.f32 v39, v25  }
0x148: {  	v22 =	vmul.f32 v22, v22;
	v29 =	vld.idx.msk [tilespmem:v29+s24+$0x0], $0xffff;
	v23 =	vmul.f32 v30, v23  }
0x149: {  	v21 =	vsub.f32 v38, v21;
	v27 =	vmul.f32 v27, v27;
	v34 =	vld.idx.msk [tilespmem:v61+s24+$0x0], $0xffff;
	v43 =	vmul.f32 v25, v40  }
0x14a: {  	v18 =	vmul.f32 v18, v18;
	v15 =	vadd.f32 v22, v15;
	v42 =	vld.idx.msk [tilespmem:v32+s22+$0x0], $0xffff;
	v22 =	vsub.f32 $1.500000000e+00, v23  }
0x14b: {  	v11 =	vadd.f32 v24, v11;
	v21 =	vmul.f32 v21, v21;
	v32 =	vld.idx.msk [tilespmem:v32+s24+$0x0], $0xffff;
	_ =	swait.ge [sflag:s8], $0x80;
	v24 =	vmul.f32 v43, v25  }
0x14c: {  	v44 =	vmul.f32 $5.000000000e-01, v15;
	[sflag:s8] =	ssyncset.done $0x0;
	v22 =	vmul.f32 v30, v22;
	v30 =	vshrl.u32 v15, $0x1  }
0x14d: {  	[sflag:s8] =	ssyncadd.s32 $0xFFFFFF80;
	v28 =	vsub.f32 v28, v29;
	v29 =	vsub.s32 $0x5F3759DF, v30;
	v24 =	vsub.f32 $1.500000000e+00, v24  }
0x14e: {  	v14 =	vadd.f32 v27, v14;
	v27 =	vld [tilespmem:$0x18680];
	v30 =	vmul.f32 v22, v33;
	v45 =	vmul.f32 v29, v44  }
0x14f: {  	v20 =	vmul.f32 v20, v20;
	v35 =	vsub.f32 v62, v35;
	v24 =	vmul.f32 v24, v25  }
0x150: {  	v25 =	vsub.f32 v41, v26;
	v26 =	vmul.f32 v30, v22;
	v30 =	vmul.f32 v29, v45  }
0x151: {  	v13 =	vadd.f32 v18, v13;
	v28 =	vmul.f32 v28, v28;
	v18 =	vmul.f32 v24, v40  }
0x152: {  	v23 =	vmul.f32 v35, v35;
	v26 =	vsub.f32 $1.500000000e+00, v26;
	v30 =	vsub.f32 $1.500000000e+00, v30  }
0x153: {  	(erf) = vrcp.f32 v27;
	v14 =	vadd.f32 v28, v14;
	v18 =	vmul.f32 v18, v24  }
0x154: {  	v12 =	vadd.f32 v21, v12;
	v21 =	vmul.f32 v26, v22;
	v22 =	vmul.f32 v29, v30  }
0x155: {  	v27 =	vshrl.u32 v14, $0x1;
	v28 =	vmul.f32 $5.000000000e-01, v14;
	v26 =	vld [tilespmem:$0x18690];
	v18 =	vsub.f32 $1.500000000e+00, v18  }
0x156: {  	v27 =	vsub.s32 $0x5F3759DF, v27;
	v29 =	vmul.f32 v21, v33;
	v30 =	vmul.f32 v22, v44  }
0x157: {  	v20 =	vadd.f32 v20, v31;
	v18 =	vmul.f32 v18, v24;
	v24 =	vmul.f32 v27, v28  }
0x158: {  	v16 =	vsub.f32 v16, v34;
	v11 =	vadd.f32 v23, v11;
	v23 =	vmul.f32 v29, v21  }
0x159: {  	vm0 =	vgt.f32 v19, $0.0e+00;
	v29 =	vmul.f32 v30, v22;
	v24 =	vmul.f32 v27, v24  }
0x15a: {  	vm9 =	vgt.f32 v17, $0.0e+00;
	v16 =	vmul.f32 v16, v16;
	(erf) = vrcp.f32 v26  }
0x15b: {  	v18 =	vmul.f32 v18, v19;
	v23 =	vsub.f32 $1.500000000e+00, v23;
	v26 =	vsub.f32 $1.500000000e+00, v29  }
0x15c: {  	v31 =	vmul.f32 $5.000000000e-01, v11;
	v25 =	vmul.f32 v25, v25;
	v19 =	vsub.f32 $1.500000000e+00, v24  }
0x15d: {  	v18 =	vnsel vm0, $0x0, v18;
	v21 =	vmul.f32 v23, v21;
	v22 =	vmul.f32 v26, v22;
	v24 =	vpop (erf)  }
0x15e: {  	v13 =	vadd.f32 v16, v13;
	v16 =	vmul.f32 v24, v18;
	v18 =	vmul.f32 v27, v19  }
0x15f: {  	v12 =	vadd.f32 v25, v12;
	v19 =	vmul.f32 v21, v17;
	v21 =	vmul.f32 v22, v44  }
0x160: {  	v25 =	vmul.f32 $5.000000000e-01, v13;
	v24 =	vshrl.u32 v13, $0x1;
	v23 =	vmul.f32 v18, v28  }
0x161: {  	v30 =	vsub.f32 v42, v32;
	v17 =	vmul.f32 v21, v22;
	v21 =	vsub.s32 $0x5F3759DF, v24  }
0x162: {  	v26 =	vshrl.u32 v12, $0x1;
	v24 =	vmul.f32 v21, v25;
	v23 =	vmul.f32 v23, v18  }
0x163: {  	v29 =	vmul.f32 v30, v30;
	v26 =	vsub.s32 $0x5F3759DF, v26;
	v27 =	vmul.f32 $5.000000000e-01, v12  }
0x164: {  	v17 =	vsub.f32 $1.500000000e+00, v17;
	v24 =	vmul.f32 v21, v24;
	v23 =	vsub.f32 $1.500000000e+00, v23  }
0x165: {  	v20 =	vadd.f32 v29, v20;
	v19 =	vnsel vm9, $0x0, v19;
	v29 =	vmul.f32 v26, v27  }
0x166: {  	v17 =	vmul.f32 v17, v22;
	v22 =	vsub.f32 $1.500000000e+00, v24;
	v18 =	vmul.f32 v23, v18  }
0x167: {  	v30 =	vpop (erf);
	v24 =	vshrl.u32 v20, $0x1;
	v23 =	vmul.f32 v26, v29;
	v29 =	vmul.f32 $5.000000000e-01, v20  }
0x168: {  	v19 =	vmul.f32 v30, v19;
	v30 =	vshrl.u32 v11, $0x1;
	v24 =	vsub.s32 $0x5F3759DF, v24  }
0x169: {  	v30 =	vsub.s32 $0x5F3759DF, v30;
	v21 =	vmul.f32 v21, v22;
	v22 =	vmul.f32 v24, v29  }
0x16a: {  	v46 =	vld [tilespmem:$0x186A0];
	v47 =	vmul.f32 v30, v31;
	v23 =	vsub.f32 $1.500000000e+00, v23  }
0x16b: {  	v28 =	vmul.f32 v18, v28;
	v22 =	vmul.f32 v24, v22  }
0x16c: {  	v48 =	vmul.f32 v21, v25;
	v23 =	vmul.f32 v26, v23  }
0x16d: {  	v26 =	vmul.f32 v30, v47;
	v28 =	vmul.f32 v28, v18;
	v22 =	vsub.f32 $1.500000000e+00, v22  }
0x16e: {  	v49 =	vmul.f32 v48, v21;
	v50 =	vmul.f32 v23, v27  }
0x16f: {  	(erf) = vrcp.f32 v46;
	v26 =	vsub.f32 $1.500000000e+00, v26;
	v22 =	vmul.f32 v24, v22  }
0x170: {  	v28 =	vsub.f32 $1.500000000e+00, v28;
	v51 =	vsub.f32 $1.500000000e+00, v49;
	v52 =	vmul.f32 v50, v23  }
0x171: {  	v24 =	vld [tilespmem:$0x186B0];
	v26 =	vmul.f32 v30, v26;
	v30 =	vmul.f32 v22, v29  }
0x172: {  	v18 =	vmul.f32 v28, v18;
	v21 =	vmul.f32 v51, v21  }
0x173: {  	v28 =	vld [tilespmem:$0x186C0];
	v53 =	vsub.f32 $1.500000000e+00, v52;
	v54 =	vmul.f32 v26, v31;
	v30 =	vmul.f32 v30, v22  }
0x174: {  	v17 =	vmul.f32 v17, v15;
	v25 =	vmul.f32 v21, v25  }
0x175: {  	v55 =	vld [tilespmem:$0x186D0];
	v23 =	vmul.f32 v53, v23;
	v56 =	vmul.f32 v54, v26;
	v30 =	vsub.f32 $1.500000000e+00, v30  }
0x176: {  	(erf) = vrcp.f32 v24;
	v25 =	vmul.f32 v25, v21  }
0x177: {  	vm10 =	vgt.f32 v15, $0.0e+00;
	v24 =	vld [tilespmem:$0x186E0];
	v27 =	vmul.f32 v23, v27;
	v22 =	vmul.f32 v30, v22  }
0x178: {  	v57 =	vld [tilespmem:$0x186F0];
	v18 =	vmul.f32 v18, v14;
	v32 =	vsub.f32 $1.500000000e+00, v56;
	(erf) = vrcp.f32 v28  }
0x179: {  	v25 =	vsub.f32 $1.500000000e+00, v25;
	v15 =	vmul.f32 v27, v23;
	v27 =	vmul.f32 v22, v29  }
0x17a: {  	(erf) = vrcp.f32 v55;
	v26 =	vmul.f32 v32, v26  }
0x17b: {  	vm11 =	vgt.f32 v14, $0.0e+00;
	v21 =	vmul.f32 v25, v21;
	v14 =	vmul.f32 v27, v22  }
0x17c: {  	(erf) = vrcp.f32 v24;
	v24 =	vmul.f32 v26, v31  }
0x17d: {  	v15 =	vsub.f32 $1.500000000e+00, v15;
	(erf) = vrcp.f32 v57;
	v14 =	vsub.f32 $1.500000000e+00, v14  }
0x17e: {  	v24 =	vmul.f32 v24, v26  }
0x17f: {  	vm12 =	vgt.f32 v13, $0.0e+00;
	v21 =	vmul.f32 v21, v13;
	v15 =	vmul.f32 v15, v23;
	v27 =	vpop (erf)  }
0x180: {  	v17 =	vnsel vm10, $0x0, v17;
	v23 =	vsub.f32 $1.500000000e+00, v24;
	v25 =	vpop (erf);
	v13 =	vmul.f32 v14, v22  }
0x181: {  	[tilespmem:$0x18880] =	vst v16;
	v16 =	vnsel vm12, $0x0, v21;
	v15 =	vmul.f32 v15, v12;
	v17 =	vmul.f32 v27, v17;
	v14 =	vpop (erf)  }
0x182: {  	v18 =	vnsel vm11, $0x0, v18;
	v21 =	vmul.f32 v23, v26;
	v14 =	vmul.f32 v14, v16  }
0x183: {  	vm13 =	vgt.f32 v12, $0.0e+00;
	[tilespmem:$0x18890] =	vst v19;
	v18 =	vmul.f32 v25, v18;
	v12 =	vmul.f32 v13, v20  }
0x184: {  	vm14 =	vgt.f32 v20, $0.0e+00;
	v15 =	vnsel vm13, $0x0, v15;
	[tilespmem:$0x188A0] =	vst v17;
	v16 =	vmul.f32 v21, v11;
	v13 =	vpop (erf)  }
0x185: {  	vm15 =	vgt.f32 v11, $0.0e+00;
	[tilespmem:$0x188B0] =	vst v18;
	v12 =	vnsel vm14, $0x0, v12;
	v17 =	vpop (erf);
	v13 =	vmul.f32 v13, v15  }
0x186: {  	[tilespmem:$0x188C0] =	vst v14;
	v11 =	vmul.f32 v17, v12;
	v12 =	vnsel vm15, $0x0, v16;
	v14 =	vpop (erf)  }
0x187: {  	[tilespmem:$0x188D0] =	vst v13;
	v12 =	vmul.f32 v14, v12  }
0x188: {  	s15 =	simm.s32 $0x0;
	[tilespmem:$0x188E0] =	vst v11  }
0x189: {  	s16 =	simm.s32 $0x18880;
	s29 =	rddreg [dreg:$0xe];
	v11 =	vmov s15;
	[tilespmem:$0x188F0] =	vst v12;
	v12 =	vadd.s32 s15, v0  }
0x18a: {  	v11 =	vand.u32 $0x70, v11;
	[hbm4b:s29+s15] =	stream.linear.scatter [tilespmem:s16], [sflag:$0x5], $0x80, $0x38;
	v12 =	vand.u32 $0xF, v12;
	[tilespmem:$0x1BB70] =	vst v63  }
0x18b: {  	_ =	swait.ge [sflag:s9], $0x4000;
	v11 =	vor.u32 v11, v12  }
0x18c: {  	[sflag:s9] =	ssyncset.done $0x0;
	v12 =	vor.u32 v10, v11  }
0x18d: {  	[sflag:s9] =	ssyncadd.s32 $0xFFFFC000  }
0x18e: {  	v13 =	vor.u32 v1, v11;
	_ =	swait.ge [sflag:s10], $0x4000  }
0x18f: {  	[sflag:s10] =	ssyncset.done $0x0  }
0x190: {  	v14 =	vor.u32 v4, v11;
	[sflag:s10] =	ssyncadd.s32 $0xFFFFC000  }
0x191: {  	v15 =	vld.idx.msk [tilespmem:v12+s25+$0x0], $0xffff  }
0x192: {  	v16 =	vor.u32 v5, v11;
	v12 =	vld.idx.msk [tilespmem:v12+s28+$0x0], $0xffff  }
0x193: {  	v17 =	vld.idx.msk [tilespmem:v13+s25+$0x0], $0xffff  }
0x194: {  	v18 =	vor.u32 v6, v11;
	v13 =	vld.idx.msk [tilespmem:v13+s28+$0x0], $0xffff  }
0x195: {  	v19 =	vld.idx.msk [tilespmem:v14+s25+$0x0], $0xffff  }
0x196: {  	v20 =	vor.u32 v7, v11;
	v14 =	vld.idx.msk [tilespmem:v14+s28+$0x0], $0xffff  }
0x197: {  	v22 =	vor.u32 v8, v11;
	v21 =	vld.idx.msk [tilespmem:v16+s25+$0x0], $0xffff  }
0x198: {  	s16 =	simm.s32 $0x1;
	v16 =	vld.idx.msk [tilespmem:v16+s28+$0x0], $0xffff  }
0x199: {  	v23 =	vmov s16;
	v24 =	vadd.s32 s16, v0;
	v26 =	vor.u32 v9, v11;
	v25 =	vld.idx.msk [tilespmem:v18+s25+$0x0], $0xffff  }
0x19a: {  	v11 =	vand.u32 $0x70, v23;
	v23 =	vand.u32 $0xF, v24;
	v24 =	vld.idx.msk [tilespmem:v18+s28+$0x0], $0xffff  }
0x19b: {  	v27 =	vor.u32 v11, v23;
	v23 =	vld.idx.msk [tilespmem:v20+s25+$0x0], $0xffff  }
0x19c: {  	v28 =	vld.idx.msk [tilespmem:v22+s25+$0x0], $0xffff  }
0x19d: {  	v30 =	vor.u32 v1, v27;
	v22 =	vld.idx.msk [tilespmem:v22+s28+$0x0], $0xffff  }
0x19e: {  	v31 =	vld.idx.msk [tilespmem:v26+s25+$0x0], $0xffff;
	v11 =	vsub.f32 v15, v12;
	v12 =	vor.u32 v10, v27  }
0x19f: {  	v59 =	vld.idx.msk [tilespmem:v26+s28+$0x0], $0xffff  }
0x1a0: {  	v58 =	vor.u32 v4, v27;
	v60 =	vor.u32 v5, v27;
	v20 =	vld.idx.msk [tilespmem:v20+s28+$0x0], $0xffff  }
0x1a1: {  	v61 =	vor.u32 v6, v27;
	v18 =	vor.u32 v7, v27;
	v13 =	vsub.f32 v17, v13  }
0x1a2: {  	v29 =	vld.idx.msk [tilespmem:v30+s25+$0x0], $0xffff;
	v15 =	vimm.f32 $0.0e+00;
	v14 =	vsub.f32 v19, v14;
	v16 =	vsub.f32 v21, v16  }
0x1a3: {  	v17 =	vsub.f32 v25, v24;
	v22 =	vsub.f32 v28, v22;
	v11 =	vmul.f32 v11, v11;
	v62 =	vld.idx.msk [tilespmem:v12+s25+$0x0], $0xffff  }
0x1a4: {  	v28 =	vsub.f32 v31, v59;
	v13 =	vmul.f32 v13, v13;
	v14 =	vmul.f32 v14, v14;
	v12 =	vld.idx.msk [tilespmem:v12+s28+$0x0], $0xffff  }
0x1a5: {  	s17 =	simm.s32 $0x2;
	v30 =	vld.idx.msk [tilespmem:v30+s28+$0x0], $0xffff;
	v20 =	vsub.f32 v23, v20;
	v16 =	vmul.f32 v16, v16;
	v21 =	vmul.f32 v17, v17  }
0x1a6: {  	v26 =	vld.idx.msk [tilespmem:v58+s28+$0x0], $0xffff;
	v24 =	vmul.f32 v22, v22;
	v31 =	vmul.f32 v28, v28;
	v28 =	vadd.s32 s17, v0  }
0x1a7: {  	v23 =	vld.idx.msk [tilespmem:v58+s25+$0x0], $0xffff;
	v33 =	vand.u32 $0xF, v28;
	v11 =	vadd.f32 v11, v15;
	v19 =	vadd.f32 v13, v15  }
0x1a8: {  	v25 =	vld.idx.msk [tilespmem:v60+s28+$0x0], $0xffff;
	v17 =	vadd.f32 v14, v15;
	v13 =	vmul.f32 v20, v20;
	v16 =	vadd.f32 v16, v15  }
0x1a9: {  	v22 =	vld.idx.msk [tilespmem:v60+s25+$0x0], $0xffff;
	v14 =	vadd.f32 v21, v15;
	v21 =	vor.u32 v8, v27;
	v63 =	vsub.f32 v62, v12  }
0x1aa: {  	v28 =	vld.idx.msk [tilespmem:v61+s28+$0x0], $0xffff;
	v20 =	vor.u32 v9, v27;
	v12 =	vadd.f32 v24, v15;
	v24 =	vmov s17  }
0x1ab: {  	s29 =	simm.s32 $0x3;
	s16 =	simm.s32 $0x400;
	v27 =	vld.idx.msk [tilespmem:v61+s25+$0x0], $0xffff;
	v13 =	vadd.f32 v13, v15;
	v32 =	vand.u32 $0x70, v24;
	v24 =	vmul.f32 v63, v63  }
.LBB2_8:
0x1ac: {  	p0 =	sne.s32 s29, $0x7F;
	v32 =	vor.u32 v32, v33;
	v29 =	vsub.f32 v29, v30;
	v30 =	vld.idx.msk [tilespmem:v18+s25+$0x0], $0xffff;
	v15 =	vadd.f32 v31, v15  }
0x1ad: {  	v31 =	vor.u32 v1, v32;
	v33 =	vor.u32 v10, v32;
	v34 =	vld.idx.msk [tilespmem:v18+s28+$0x0], $0xffff;
	v11 =	vadd.f32 v24, v11  }
0x1ae: {  	v24 =	vor.u32 v4, v32;
	v35 =	vor.u32 v5, v32;
	v36 =	vor.u32 v6, v32;
	v37 =	vld.idx.msk [tilespmem:v21+s25+$0x0], $0xffff  }
0x1af: {  	v18 =	vor.u32 v7, v32;
	v38 =	vor.u32 v9, v32;
	v39 =	vld.idx.msk [tilespmem:v21+s28+$0x0], $0xffff;
	v21 =	vor.u32 v8, v32  }
0x1b0: {  	v23 =	vsub.f32 v23, v26;
	v29 =	vmul.f32 v29, v29;
	v22 =	vsub.f32 v22, v25;
	v25 =	vld.idx.msk [tilespmem:v20+s25+$0x0], $0xffff  }
0x1b1: {  	v26 =	vsub.f32 v27, v28;
	v27 =	vld.idx.msk [tilespmem:v20+s28+$0x0], $0xffff;
	v20 =	vmov v38  }
0x1b2: {  	v23 =	vmul.f32 v23, v23;
	v19 =	vadd.f32 v29, v19;
	v22 =	vmul.f32 v22, v22;
	v28 =	vld.idx.msk [tilespmem:v33+s25+$0x0], $0xffff  }
0x1b3: {  	v26 =	vmul.f32 v26, v26;
	v32 =	vld.idx.msk [tilespmem:v33+s28+$0x0], $0xffff;
	v33 =	vsub.f32 v30, v34  }
0x1b4: {  	v17 =	vadd.f32 v23, v17;
	v16 =	vadd.f32 v22, v16;
	v29 =	vld.idx.msk [tilespmem:v31+s25+$0x0], $0xffff  }
0x1b5: {  	v14 =	vadd.f32 v26, v14;
	v30 =	vld.idx.msk [tilespmem:v31+s28+$0x0], $0xffff;
	v22 =	vmul.f32 v33, v33;
	v31 =	vsub.f32 v37, v39  }
0x1b6: {  	v23 =	vld.idx.msk [tilespmem:v24+s25+$0x0], $0xffff  }
.Ltmp3:
0x1b7: {  	v27 =	vsub.f32 v25, v27;
	v26 =	vld.idx.msk [tilespmem:v24+s28+$0x0], $0xffff;
	v13 =	vadd.f32 v22, v13;
	v24 =	vmul.f32 v31, v31;
	(pc) =	sbr.rel @p0 .LBB2_8-.Ltmp3, $4  }
0x1b8: {  	v22 =	vld.idx.msk [tilespmem:v35+s25+$0x0], $0xffff  }
0x1b9: {  	v34 =	vsub.f32 v28, v32;
	v31 =	vmul.f32 v27, v27;
	v25 =	vld.idx.msk [tilespmem:v35+s28+$0x0], $0xffff;
	v12 =	vadd.f32 v24, v12  }
0x1ba: {  	v28 =	vadd.s32 s29, v0;
	v24 =	vmov s29;
	v27 =	vld.idx.msk [tilespmem:v36+s25+$0x0], $0xffff  }
0x1bb: {  	v33 =	vand.u32 $0xF, v28;
	s29 =	sadd.s32 $0x1, s29;
	v32 =	vand.u32 $0x70, v24;
	v24 =	vmul.f32 v34, v34;
	v28 =	vld.idx.msk [tilespmem:v36+s28+$0x0], $0xffff  }
0x1bc: {  	v32 =	vor.u32 v32, v33  }
0x1bd: {  	v33 =	vor.u32 v1, v32;
	_ =	sdelay $0x4  }
0x1be: {  	v34 =	vor.u32 v4, v32;
	v35 =	vld.idx.msk [tilespmem:v33+s25+$0x0], $0xffff  }
0x1bf: {  	v33 =	vld.idx.msk [tilespmem:v33+s28+$0x0], $0xffff;
	_ =	sdelay $0x2  }
0x1c0: {  	v29 =	vsub.f32 v29, v30  }
0x1c1: {  	v36 =	vld.idx.msk [tilespmem:v34+s25+$0x0], $0xffff  }
0x1c2: {  	v29 =	vmul.f32 v29, v29;
	v34 =	vld.idx.msk [tilespmem:v34+s28+$0x0], $0xffff;
	v33 =	vsub.f32 v35, v33  }
0x1c3: {  	v30 =	vld.idx.msk [tilespmem:v18+s25+$0x0], $0xffff  }
0x1c4: {  	v18 =	vld.idx.msk [tilespmem:v18+s28+$0x0], $0xffff;
	v37 =	vor.u32 v5, v32;
	v19 =	vadd.f32 v29, v19;
	v29 =	vmul.f32 v33, v33  }
0x1c5: {  	v38 =	vld.idx.msk [tilespmem:v21+s25+$0x0], $0xffff;
	v23 =	vsub.f32 v23, v26;
	v31 =	vadd.f32 v31, v15  }
0x1c6: {  	v21 =	vld.idx.msk [tilespmem:v21+s28+$0x0], $0xffff;
	v59 =	vor.u32 v10, v32;
	v61 =	vor.u32 v7, v32;
	v19 =	vadd.f32 v29, v19  }
0x1c7: {  	v26 =	vld.idx.msk [tilespmem:v20+s25+$0x0], $0xffff;
	v63 =	vor.u32 v8, v32;
	v23 =	vmul.f32 v23, v23;
	v60 =	vsub.f32 v36, v34  }
0x1c8: {  	v20 =	vld.idx.msk [tilespmem:v20+s28+$0x0], $0xffff;
	v15 =	vsub.f32 v22, v25;
	v39 =	vshrl.u32 v19, $0x1;
	v40 =	vmul.f32 $5.000000000e-01, v19  }
0x1c9: {  	v17 =	vadd.f32 v23, v17;
	v23 =	vld.idx.msk [tilespmem:v37+s25+$0x0], $0xffff;
	v33 =	vmul.f32 v60, v60;
	v39 =	vsub.s32 $0x5F3759DF, v39  }
0x1ca: {  	v15 =	vmul.f32 v15, v15;
	v22 =	vld.idx.msk [tilespmem:v37+s28+$0x0], $0xffff;
	v25 =	vmul.f32 v39, v40  }
0x1cb: {  	v62 =	vld.idx.msk [tilespmem:v59+s25+$0x0], $0xffff;
	v29 =	vor.u32 v6, v32;
	v17 =	vadd.f32 v33, v17  }
0x1cc: {  	v18 =	vsub.f32 v30, v18;
	v15 =	vadd.f32 v15, v16;
	v16 =	vld.idx.msk [tilespmem:v61+s25+$0x0], $0xffff;
	v25 =	vmul.f32 v39, v25  }
0x1cd: {  	v20 =	vsub.f32 v26, v20;
	v41 =	vld.idx.msk [tilespmem:v63+s25+$0x0], $0xffff;
	v30 =	vshrl.u32 v17, $0x1;
	v33 =	vmul.f32 $5.000000000e-01, v17  }
0x1ce: {  	v26 =	vld.idx.msk [tilespmem:v63+s28+$0x0], $0xffff;
	v32 =	vor.u32 v9, v32;
	v30 =	vsub.s32 $0x5F3759DF, v30;
	v25 =	vsub.f32 $1.500000000e+00, v25  }
0x1cf: {  	v35 =	vld.idx.msk [tilespmem:v59+s28+$0x0], $0xffff;
	v22 =	vsub.f32 v23, v22;
	v23 =	vmul.f32 v30, v33  }
0x1d0: {  	v27 =	vsub.f32 v27, v28;
	v28 =	vld.idx.msk [tilespmem:v29+s25+$0x0], $0xffff;
	v25 =	vmul.f32 v39, v25  }
0x1d1: {  	v22 =	vmul.f32 v22, v22;
	v29 =	vld.idx.msk [tilespmem:v29+s28+$0x0], $0xffff;
	v23 =	vmul.f32 v30, v23  }
0x1d2: {  	v21 =	vsub.f32 v38, v21;
	v27 =	vmul.f32 v27, v27;
	v34 =	vld.idx.msk [tilespmem:v61+s28+$0x0], $0xffff;
	v43 =	vmul.f32 v25, v40  }
0x1d3: {  	v18 =	vmul.f32 v18, v18;
	v15 =	vadd.f32 v22, v15;
	v42 =	vld.idx.msk [tilespmem:v32+s25+$0x0], $0xffff;
	v22 =	vsub.f32 $1.500000000e+00, v23  }
0x1d4: {  	v11 =	vadd.f32 v24, v11;
	v21 =	vmul.f32 v21, v21;
	v32 =	vld.idx.msk [tilespmem:v32+s28+$0x0], $0xffff;
	_ =	swait.ge [sflag:s11], $0x80;
	v24 =	vmul.f32 v43, v25  }
0x1d5: {  	v44 =	vmul.f32 $5.000000000e-01, v15;
	[sflag:s11] =	ssyncset.done $0x0;
	v22 =	vmul.f32 v30, v22;
	v30 =	vshrl.u32 v15, $0x1  }
0x1d6: {  	[sflag:s11] =	ssyncadd.s32 $0xFFFFFF80;
	v28 =	vsub.f32 v28, v29;
	v29 =	vsub.s32 $0x5F3759DF, v30;
	v24 =	vsub.f32 $1.500000000e+00, v24  }
0x1d7: {  	v14 =	vadd.f32 v27, v14;
	v27 =	vld [tilespmem:$0x18700];
	v30 =	vmul.f32 v22, v33;
	v45 =	vmul.f32 v29, v44  }
0x1d8: {  	v20 =	vmul.f32 v20, v20;
	v35 =	vsub.f32 v62, v35;
	v24 =	vmul.f32 v24, v25  }
0x1d9: {  	v25 =	vsub.f32 v41, v26;
	v26 =	vmul.f32 v30, v22;
	v30 =	vmul.f32 v29, v45  }
0x1da: {  	v13 =	vadd.f32 v18, v13;
	v28 =	vmul.f32 v28, v28;
	v18 =	vmul.f32 v24, v40  }
0x1db: {  	v23 =	vmul.f32 v35, v35;
	v26 =	vsub.f32 $1.500000000e+00, v26;
	v30 =	vsub.f32 $1.500000000e+00, v30  }
0x1dc: {  	(erf) = vrcp.f32 v27;
	v14 =	vadd.f32 v28, v14;
	v18 =	vmul.f32 v18, v24  }
0x1dd: {  	v12 =	vadd.f32 v21, v12;
	v21 =	vmul.f32 v26, v22;
	v22 =	vmul.f32 v29, v30  }
0x1de: {  	v27 =	vshrl.u32 v14, $0x1;
	v28 =	vmul.f32 $5.000000000e-01, v14;
	v26 =	vld [tilespmem:$0x18710];
	v18 =	vsub.f32 $1.500000000e+00, v18  }
0x1df: {  	v27 =	vsub.s32 $0x5F3759DF, v27;
	v29 =	vmul.f32 v21, v33;
	v30 =	vmul.f32 v22, v44  }
0x1e0: {  	v20 =	vadd.f32 v20, v31;
	v18 =	vmul.f32 v18, v24;
	v24 =	vmul.f32 v27, v28  }
0x1e1: {  	v16 =	vsub.f32 v16, v34;
	v11 =	vadd.f32 v23, v11;
	v23 =	vmul.f32 v29, v21  }
0x1e2: {  	vm0 =	vgt.f32 v19, $0.0e+00;
	v29 =	vmul.f32 v30, v22;
	v24 =	vmul.f32 v27, v24  }
0x1e3: {  	vm9 =	vgt.f32 v17, $0.0e+00;
	v16 =	vmul.f32 v16, v16;
	(erf) = vrcp.f32 v26  }
0x1e4: {  	v18 =	vmul.f32 v18, v19;
	v23 =	vsub.f32 $1.500000000e+00, v23;
	v26 =	vsub.f32 $1.500000000e+00, v29  }
0x1e5: {  	v31 =	vmul.f32 $5.000000000e-01, v11;
	v25 =	vmul.f32 v25, v25;
	v19 =	vsub.f32 $1.500000000e+00, v24  }
0x1e6: {  	v18 =	vnsel vm0, $0x0, v18;
	v21 =	vmul.f32 v23, v21;
	v22 =	vmul.f32 v26, v22;
	v24 =	vpop (erf)  }
0x1e7: {  	v13 =	vadd.f32 v16, v13;
	v16 =	vmul.f32 v24, v18;
	v18 =	vmul.f32 v27, v19  }
0x1e8: {  	v12 =	vadd.f32 v25, v12;
	v19 =	vmul.f32 v21, v17;
	v21 =	vmul.f32 v22, v44  }
0x1e9: {  	v25 =	vmul.f32 $5.000000000e-01, v13;
	v24 =	vshrl.u32 v13, $0x1;
	v23 =	vmul.f32 v18, v28  }
0x1ea: {  	v30 =	vsub.f32 v42, v32;
	v17 =	vmul.f32 v21, v22;
	v21 =	vsub.s32 $0x5F3759DF, v24  }
0x1eb: {  	v26 =	vshrl.u32 v12, $0x1;
	v24 =	vmul.f32 v21, v25;
	v23 =	vmul.f32 v23, v18  }
0x1ec: {  	v29 =	vmul.f32 v30, v30;
	v26 =	vsub.s32 $0x5F3759DF, v26;
	v27 =	vmul.f32 $5.000000000e-01, v12  }
0x1ed: {  	v17 =	vsub.f32 $1.500000000e+00, v17;
	v24 =	vmul.f32 v21, v24;
	v23 =	vsub.f32 $1.500000000e+00, v23  }
0x1ee: {  	v20 =	vadd.f32 v29, v20;
	v19 =	vnsel vm9, $0x0, v19;
	v29 =	vmul.f32 v26, v27  }
0x1ef: {  	v17 =	vmul.f32 v17, v22;
	v22 =	vsub.f32 $1.500000000e+00, v24;
	v18 =	vmul.f32 v23, v18  }
0x1f0: {  	v30 =	vpop (erf);
	v24 =	vshrl.u32 v20, $0x1;
	v23 =	vmul.f32 v26, v29;
	v29 =	vmul.f32 $5.000000000e-01, v20  }
0x1f1: {  	v19 =	vmul.f32 v30, v19;
	v30 =	vshrl.u32 v11, $0x1;
	v24 =	vsub.s32 $0x5F3759DF, v24  }
0x1f2: {  	v30 =	vsub.s32 $0x5F3759DF, v30;
	v21 =	vmul.f32 v21, v22;
	v22 =	vmul.f32 v24, v29  }
0x1f3: {  	v46 =	vld [tilespmem:$0x18720];
	v47 =	vmul.f32 v30, v31;
	v23 =	vsub.f32 $1.500000000e+00, v23  }
0x1f4: {  	v28 =	vmul.f32 v18, v28;
	v22 =	vmul.f32 v24, v22  }
0x1f5: {  	v48 =	vmul.f32 v21, v25;
	v23 =	vmul.f32 v26, v23  }
0x1f6: {  	v26 =	vmul.f32 v30, v47;
	v28 =	vmul.f32 v28, v18;
	v22 =	vsub.f32 $1.500000000e+00, v22  }
0x1f7: {  	v49 =	vmul.f32 v48, v21;
	v50 =	vmul.f32 v23, v27  }
0x1f8: {  	(erf) = vrcp.f32 v46;
	v26 =	vsub.f32 $1.500000000e+00, v26;
	v22 =	vmul.f32 v24, v22  }
0x1f9: {  	v28 =	vsub.f32 $1.500000000e+00, v28;
	v51 =	vsub.f32 $1.500000000e+00, v49;
	v52 =	vmul.f32 v50, v23  }
0x1fa: {  	v24 =	vld [tilespmem:$0x18730];
	v26 =	vmul.f32 v30, v26;
	v30 =	vmul.f32 v22, v29  }
0x1fb: {  	v18 =	vmul.f32 v28, v18;
	v21 =	vmul.f32 v51, v21  }
0x1fc: {  	v28 =	vld [tilespmem:$0x18740];
	v53 =	vsub.f32 $1.500000000e+00, v52;
	v54 =	vmul.f32 v26, v31;
	v30 =	vmul.f32 v30, v22  }
0x1fd: {  	v17 =	vmul.f32 v17, v15;
	v25 =	vmul.f32 v21, v25  }
0x1fe: {  	v55 =	vld [tilespmem:$0x18750];
	v23 =	vmul.f32 v53, v23;
	v56 =	vmul.f32 v54, v26;
	v30 =	vsub.f32 $1.500000000e+00, v30  }
0x1ff: {  	(erf) = vrcp.f32 v24;
	v25 =	vmul.f32 v25, v21  }
0x200: {  	vm10 =	vgt.f32 v15, $0.0e+00;
	v24 =	vld [tilespmem:$0x18760];
	v27 =	vmul.f32 v23, v27;
	v22 =	vmul.f32 v30, v22  }
0x201: {  	v57 =	vld [tilespmem:$0x18770];
	v18 =	vmul.f32 v18, v14;
	v32 =	vsub.f32 $1.500000000e+00, v56;
	(erf) = vrcp.f32 v28  }
0x202: {  	v25 =	vsub.f32 $1.500000000e+00, v25;
	v15 =	vmul.f32 v27, v23;
	v27 =	vmul.f32 v22, v29  }
0x203: {  	(erf) = vrcp.f32 v55;
	v26 =	vmul.f32 v32, v26  }
0x204: {  	vm11 =	vgt.f32 v14, $0.0e+00;
	v21 =	vmul.f32 v25, v21;
	v14 =	vmul.f32 v27, v22  }
0x205: {  	(erf) = vrcp.f32 v24;
	v24 =	vmul.f32 v26, v31  }
0x206: {  	v15 =	vsub.f32 $1.500000000e+00, v15;
	(erf) = vrcp.f32 v57;
	v14 =	vsub.f32 $1.500000000e+00, v14  }
0x207: {  	v24 =	vmul.f32 v24, v26  }
0x208: {  	vm12 =	vgt.f32 v13, $0.0e+00;
	v21 =	vmul.f32 v21, v13;
	v15 =	vmul.f32 v15, v23;
	v27 =	vpop (erf)  }
0x209: {  	v17 =	vnsel vm10, $0x0, v17;
	v23 =	vsub.f32 $1.500000000e+00, v24;
	v25 =	vpop (erf);
	v13 =	vmul.f32 v14, v22  }
0x20a: {  	[tilespmem:$0x18900] =	vst v16;
	v16 =	vnsel vm12, $0x0, v21;
	v15 =	vmul.f32 v15, v12;
	v17 =	vmul.f32 v27, v17;
	v14 =	vpop (erf)  }
0x20b: {  	v18 =	vnsel vm11, $0x0, v18;
	v21 =	vmul.f32 v23, v26;
	v14 =	vmul.f32 v14, v16  }
0x20c: {  	vm13 =	vgt.f32 v12, $0.0e+00;
	[tilespmem:$0x18910] =	vst v19;
	v18 =	vmul.f32 v25, v18;
	v12 =	vmul.f32 v13, v20  }
0x20d: {  	vm14 =	vgt.f32 v20, $0.0e+00;
	v15 =	vnsel vm13, $0x0, v15;
	[tilespmem:$0x18920] =	vst v17;
	v16 =	vmul.f32 v21, v11;
	v13 =	vpop (erf)  }
0x20e: {  	vm15 =	vgt.f32 v11, $0.0e+00;
	[tilespmem:$0x18930] =	vst v18;
	v12 =	vnsel vm14, $0x0, v12;
	v17 =	vpop (erf);
	v13 =	vmul.f32 v13, v15  }
0x20f: {  	[tilespmem:$0x18940] =	vst v14;
	v11 =	vmul.f32 v17, v12;
	v12 =	vnsel vm15, $0x0, v16;
	v14 =	vpop (erf)  }
0x210: {  	[tilespmem:$0x18950] =	vst v13;
	v12 =	vmul.f32 v14, v12  }
0x211: {  	s15 =	simm.s32 $0x0;
	[tilespmem:$0x18960] =	vst v11  }
0x212: {  	s17 =	simm.s32 $0x18900;
	s29 =	rddreg [dreg:$0xf];
	v11 =	vmov s15;
	[tilespmem:$0x18970] =	vst v12;
	v12 =	vadd.s32 s15, v0  }
0x213: {  	v11 =	vand.u32 $0x70, v11;
	[hbm4b:s29+s15] =	stream.linear.scatter [tilespmem:s17], [sflag:$0x5], $0x80, $0x38;
	v12 =	vand.u32 $0xF, v12;
	[tilespmem:$0x1BB70] =	vst v63  }
0x214: {  	_ =	swait.ge [sflag:s5], $0x4000;
	v11 =	vor.u32 v11, v12  }
0x215: {  	[sflag:s5] =	ssyncset.done $0x0;
	v12 =	vor.u32 v10, v11  }
0x216: {  	[sflag:s5] =	ssyncadd.s32 $0xFFFFC000  }
0x217: {  	v13 =	vor.u32 v1, v11;
	_ =	swait.ge [sflag:s6], $0x4000  }
0x218: {  	[sflag:s6] =	ssyncset.done $0x0  }
0x219: {  	v14 =	vor.u32 v4, v11;
	[sflag:s6] =	ssyncadd.s32 $0xFFFFC000  }
0x21a: {  	v15 =	vld.idx.msk [tilespmem:v12+s18+$0x0], $0xffff  }
0x21b: {  	v16 =	vor.u32 v5, v11;
	v12 =	vld.idx.msk [tilespmem:v12+s21+$0x0], $0xffff  }
0x21c: {  	v17 =	vld.idx.msk [tilespmem:v13+s18+$0x0], $0xffff  }
0x21d: {  	v18 =	vor.u32 v6, v11;
	v13 =	vld.idx.msk [tilespmem:v13+s21+$0x0], $0xffff  }
0x21e: {  	v19 =	vld.idx.msk [tilespmem:v14+s18+$0x0], $0xffff  }
0x21f: {  	v20 =	vor.u32 v7, v11;
	v14 =	vld.idx.msk [tilespmem:v14+s21+$0x0], $0xffff  }
0x220: {  	v22 =	vor.u32 v8, v11;
	v21 =	vld.idx.msk [tilespmem:v16+s18+$0x0], $0xffff  }
0x221: {  	s17 =	simm.s32 $0x1;
	v16 =	vld.idx.msk [tilespmem:v16+s21+$0x0], $0xffff  }
0x222: {  	v23 =	vmov s17;
	v24 =	vadd.s32 s17, v0;
	v26 =	vor.u32 v9, v11;
	v25 =	vld.idx.msk [tilespmem:v18+s18+$0x0], $0xffff  }
0x223: {  	v11 =	vand.u32 $0x70, v23;
	v23 =	vand.u32 $0xF, v24;
	v24 =	vld.idx.msk [tilespmem:v18+s21+$0x0], $0xffff  }
0x224: {  	v27 =	vor.u32 v11, v23;
	v23 =	vld.idx.msk [tilespmem:v20+s18+$0x0], $0xffff  }
0x225: {  	v28 =	vld.idx.msk [tilespmem:v22+s18+$0x0], $0xffff  }
0x226: {  	v30 =	vor.u32 v1, v27;
	v22 =	vld.idx.msk [tilespmem:v22+s21+$0x0], $0xffff  }
0x227: {  	v31 =	vld.idx.msk [tilespmem:v26+s18+$0x0], $0xffff;
	v11 =	vsub.f32 v15, v12;
	v12 =	vor.u32 v10, v27  }
0x228: {  	v59 =	vld.idx.msk [tilespmem:v26+s21+$0x0], $0xffff  }
0x229: {  	v58 =	vor.u32 v4, v27;
	v60 =	vor.u32 v5, v27;
	v20 =	vld.idx.msk [tilespmem:v20+s21+$0x0], $0xffff  }
0x22a: {  	v61 =	vor.u32 v6, v27;
	v18 =	vor.u32 v7, v27;
	v13 =	vsub.f32 v17, v13  }
0x22b: {  	v29 =	vld.idx.msk [tilespmem:v30+s18+$0x0], $0xffff;
	v15 =	vimm.f32 $0.0e+00;
	v14 =	vsub.f32 v19, v14;
	v16 =	vsub.f32 v21, v16  }
0x22c: {  	v17 =	vsub.f32 v25, v24;
	v22 =	vsub.f32 v28, v22;
	v11 =	vmul.f32 v11, v11;
	v62 =	vld.idx.msk [tilespmem:v12+s18+$0x0], $0xffff  }
0x22d: {  	v28 =	vsub.f32 v31, v59;
	v13 =	vmul.f32 v13, v13;
	v14 =	vmul.f32 v14, v14;
	v12 =	vld.idx.msk [tilespmem:v12+s21+$0x0], $0xffff  }
0x22e: {  	s17 =	simm.s32 $0x2;
	v30 =	vld.idx.msk [tilespmem:v30+s21+$0x0], $0xffff;
	v20 =	vsub.f32 v23, v20;
	v16 =	vmul.f32 v16, v16;
	v21 =	vmul.f32 v17, v17  }
0x22f: {  	v26 =	vld.idx.msk [tilespmem:v58+s21+$0x0], $0xffff;
	v24 =	vmul.f32 v22, v22;
	v31 =	vmul.f32 v28, v28;
	v28 =	vadd.s32 s17, v0  }
0x230: {  	v23 =	vld.idx.msk [tilespmem:v58+s18+$0x0], $0xffff;
	v33 =	vand.u32 $0xF, v28;
	v11 =	vadd.f32 v11, v15;
	v19 =	vadd.f32 v13, v15  }
0x231: {  	v25 =	vld.idx.msk [tilespmem:v60+s21+$0x0], $0xffff;
	v17 =	vadd.f32 v14, v15;
	v13 =	vmul.f32 v20, v20;
	v16 =	vadd.f32 v16, v15  }
0x232: {  	v22 =	vld.idx.msk [tilespmem:v60+s18+$0x0], $0xffff;
	v14 =	vadd.f32 v21, v15;
	v21 =	vor.u32 v8, v27;
	v63 =	vsub.f32 v62, v12  }
0x233: {  	v28 =	vld.idx.msk [tilespmem:v61+s21+$0x0], $0xffff;
	v20 =	vor.u32 v9, v27;
	v12 =	vadd.f32 v24, v15;
	v24 =	vmov s17  }
0x234: {  	s29 =	simm.s32 $0x3;
	v27 =	vld.idx.msk [tilespmem:v61+s18+$0x0], $0xffff;
	v13 =	vadd.f32 v13, v15;
	v32 =	vand.u32 $0x70, v24;
	v24 =	vmul.f32 v63, v63  }
.LBB2_10:
0x235: {  	p0 =	sne.s32 s29, $0x7F;
	v32 =	vor.u32 v32, v33;
	v29 =	vsub.f32 v29, v30;
	v30 =	vld.idx.msk [tilespmem:v18+s18+$0x0], $0xffff;
	v15 =	vadd.f32 v31, v15  }
0x236: {  	v31 =	vor.u32 v1, v32;
	v33 =	vor.u32 v10, v32;
	v34 =	vld.idx.msk [tilespmem:v18+s21+$0x0], $0xffff;
	v11 =	vadd.f32 v24, v11  }
0x237: {  	v24 =	vor.u32 v4, v32;
	v35 =	vor.u32 v5, v32;
	v36 =	vor.u32 v6, v32;
	v37 =	vld.idx.msk [tilespmem:v21+s18+$0x0], $0xffff  }
0x238: {  	v18 =	vor.u32 v7, v32;
	v38 =	vor.u32 v9, v32;
	v39 =	vld.idx.msk [tilespmem:v21+s21+$0x0], $0xffff;
	v21 =	vor.u32 v8, v32  }
0x239: {  	v23 =	vsub.f32 v23, v26;
	v29 =	vmul.f32 v29, v29;
	v22 =	vsub.f32 v22, v25;
	v25 =	vld.idx.msk [tilespmem:v20+s18+$0x0], $0xffff  }
0x23a: {  	v26 =	vsub.f32 v27, v28;
	v27 =	vld.idx.msk [tilespmem:v20+s21+$0x0], $0xffff;
	v20 =	vmov v38  }
0x23b: {  	v23 =	vmul.f32 v23, v23;
	v19 =	vadd.f32 v29, v19;
	v22 =	vmul.f32 v22, v22;
	v28 =	vld.idx.msk [tilespmem:v33+s18+$0x0], $0xffff  }
0x23c: {  	v26 =	vmul.f32 v26, v26;
	v32 =	vld.idx.msk [tilespmem:v33+s21+$0x0], $0xffff;
	v33 =	vsub.f32 v30, v34  }
0x23d: {  	v17 =	vadd.f32 v23, v17;
	v16 =	vadd.f32 v22, v16;
	v29 =	vld.idx.msk [tilespmem:v31+s18+$0x0], $0xffff  }
0x23e: {  	v14 =	vadd.f32 v26, v14;
	v30 =	vld.idx.msk [tilespmem:v31+s21+$0x0], $0xffff;
	v22 =	vmul.f32 v33, v33;
	v31 =	vsub.f32 v37, v39  }
0x23f: {  	v23 =	vld.idx.msk [tilespmem:v24+s18+$0x0], $0xffff  }
.Ltmp4:
0x240: {  	v27 =	vsub.f32 v25, v27;
	v26 =	vld.idx.msk [tilespmem:v24+s21+$0x0], $0xffff;
	v13 =	vadd.f32 v22, v13;
	v24 =	vmul.f32 v31, v31;
	(pc) =	sbr.rel @p0 .LBB2_10-.Ltmp4, $4  }
0x241: {  	v22 =	vld.idx.msk [tilespmem:v35+s18+$0x0], $0xffff  }
0x242: {  	v34 =	vsub.f32 v28, v32;
	v31 =	vmul.f32 v27, v27;
	v25 =	vld.idx.msk [tilespmem:v35+s21+$0x0], $0xffff;
	v12 =	vadd.f32 v24, v12  }
0x243: {  	v28 =	vadd.s32 s29, v0;
	v24 =	vmov s29;
	v27 =	vld.idx.msk [tilespmem:v36+s18+$0x0], $0xffff  }
0x244: {  	v33 =	vand.u32 $0xF, v28;
	s29 =	sadd.s32 $0x1, s29;
	v32 =	vand.u32 $0x70, v24;
	v24 =	vmul.f32 v34, v34;
	v28 =	vld.idx.msk [tilespmem:v36+s21+$0x0], $0xffff  }
0x245: {  	_ =	sdelay $0x3  }
0x246: {  	v32 =	vor.u32 v32, v33;
	v62 =	vld.idx.msk [tilespmem:v18+s18+$0x0], $0xffff  }
0x247: {  	v44 =	vld.idx.msk [tilespmem:v18+s21+$0x0], $0xffff;
	v33 =	vor.u32 v1, v32  }
0x248: {  	v38 =	vld.idx.msk [tilespmem:v21+s18+$0x0], $0xffff  }
0x249: {  	v46 =	vld.idx.msk [tilespmem:v21+s21+$0x0], $0xffff;
	v34 =	vor.u32 v4, v32  }
0x24a: {  	v47 =	vld.idx.msk [tilespmem:v20+s18+$0x0], $0xffff  }
0x24b: {  	v49 =	vld.idx.msk [tilespmem:v20+s21+$0x0], $0xffff;
	v37 =	vor.u32 v5, v32  }
0x24c: {  	v35 =	vld.idx.msk [tilespmem:v33+s18+$0x0], $0xffff  }
0x24d: {  	v33 =	vld.idx.msk [tilespmem:v33+s21+$0x0], $0xffff  }
0x24e: {  	v29 =	vsub.f32 v29, v30;
	v23 =	vsub.f32 v23, v26;
	v36 =	vld.idx.msk [tilespmem:v34+s18+$0x0], $0xffff  }
0x24f: {  	v31 =	vadd.f32 v31, v15;
	v63 =	vor.u32 v10, v32;
	v34 =	vld.idx.msk [tilespmem:v34+s21+$0x0], $0xffff  }
0x250: {  	v48 =	vor.u32 v6, v32;
	v29 =	vmul.f32 v29, v29;
	v23 =	vmul.f32 v23, v23;
	v53 =	vld.idx.msk [tilespmem:v37+s18+$0x0], $0xffff  }
0x251: {  	v51 =	vor.u32 v7, v32;
	v11 =	vadd.f32 v24, v11;
	v54 =	vsub.f32 v22, v25;
	v55 =	vld.idx.msk [tilespmem:v37+s21+$0x0], $0xffff  }
0x252: {  	v57 =	vor.u32 v8, v32;
	v19 =	vadd.f32 v29, v19;
	v17 =	vadd.f32 v23, v17  }
0x253: {  	v32 =	vor.u32 v9, v32;
	v27 =	vsub.f32 v27, v28;
	v18 =	vsub.f32 v62, v44  }
0x254: {  	v15 =	vmul.f32 v54, v54;
	v21 =	vsub.f32 v38, v46;
	v33 =	vsub.f32 v35, v33  }
0x255: {  	v20 =	vsub.f32 v47, v49;
	v27 =	vmul.f32 v27, v27;
	v50 =	vsub.f32 v36, v34  }
0x256: {  	v58 =	vld.idx.msk [tilespmem:v48+s18+$0x0], $0xffff;
	v18 =	vmul.f32 v18, v18;
	v22 =	vsub.f32 v53, v55;
	v45 =	vmul.f32 v33, v33  }
0x257: {  	v29 =	vld.idx.msk [tilespmem:v48+s21+$0x0], $0xffff;
	v15 =	vadd.f32 v15, v16;
	v21 =	vmul.f32 v21, v21;
	v33 =	vmul.f32 v50, v50  }
0x258: {  	v52 =	vld.idx.msk [tilespmem:v63+s18+$0x0], $0xffff;
	v14 =	vadd.f32 v27, v14;
	v22 =	vmul.f32 v22, v22;
	v19 =	vadd.f32 v45, v19  }
0x259: {  	v60 =	vld.idx.msk [tilespmem:v51+s18+$0x0], $0xffff;
	v20 =	vmul.f32 v20, v20;
	v13 =	vadd.f32 v18, v13;
	v17 =	vadd.f32 v33, v17  }
0x25a: {  	v62 =	vld.idx.msk [tilespmem:v57+s18+$0x0], $0xffff;
	v15 =	vadd.f32 v22, v15;
	v39 =	vshrl.u32 v19, $0x1;
	v40 =	vmul.f32 $5.000000000e-01, v19  }
0x25b: {  	v41 =	vld.idx.msk [tilespmem:v32+s18+$0x0], $0xffff;
	v59 =	vshrl.u32 v17, $0x1;
	v33 =	vmul.f32 $5.000000000e-01, v17;
	v39 =	vsub.s32 $0x5F3759DF, v39  }
0x25c: {  	v35 =	vld.idx.msk [tilespmem:v63+s21+$0x0], $0xffff;
	v28 =	vsub.f32 v58, v29;
	v30 =	vsub.s32 $0x5F3759DF, v59;
	v56 =	vmul.f32 v39, v40  }
0x25d: {  	v34 =	vld.idx.msk [tilespmem:v51+s21+$0x0], $0xffff;
	v46 =	vshrl.u32 v15, $0x1;
	v47 =	vmul.f32 $5.000000000e-01, v15;
	v61 =	vmul.f32 v30, v33  }
0x25e: {  	v32 =	vld.idx.msk [tilespmem:v32+s21+$0x0], $0xffff;
	v28 =	vmul.f32 v28, v28;
	v48 =	vsub.s32 $0x5F3759DF, v46;
	v25 =	vmul.f32 v39, v56  }
0x25f: {  	v12 =	vadd.f32 v21, v12;
	v63 =	vld.idx.msk [tilespmem:v57+s21+$0x0], $0xffff;
	_ =	swait.ge [sflag:s12], $0x80;
	v51 =	vmul.f32 v48, v47;
	v23 =	vmul.f32 v30, v61  }
0x260: {  	v20 =	vadd.f32 v20, v31;
	[sflag:s12] =	ssyncset.done $0x0;
	v25 =	vsub.f32 $1.500000000e+00, v25  }
0x261: {  	[sflag:s12] =	ssyncadd.s32 $0xFFFFFF80;
	v14 =	vadd.f32 v28, v14;
	v54 =	vmul.f32 v48, v51;
	v43 =	vsub.f32 $1.500000000e+00, v23  }
0x262: {  	v49 =	vld [tilespmem:$0x18780];
	v35 =	vsub.f32 v52, v35;
	v16 =	vsub.f32 v60, v34;
	v25 =	vmul.f32 v39, v25  }
0x263: {  	v28 =	vmul.f32 $5.000000000e-01, v14;
	v22 =	vmul.f32 v30, v43;
	v30 =	vsub.f32 $1.500000000e+00, v54  }
0x264: {  	v58 =	vld [tilespmem:$0x18790];
	v52 =	vsub.f32 v62, v63;
	v44 =	vmul.f32 v35, v35;
	v42 =	vmul.f32 v25, v40  }
0x265: {  	vm0 =	vgt.f32 v19, $0.0e+00;
	v16 =	vmul.f32 v16, v16;
	v57 =	vmul.f32 v48, v30  }
0x266: {  	v59 =	vshrl.u32 v14, $0x1;
	v50 =	vmul.f32 v22, v33;
	v45 =	vmul.f32 v42, v25  }
0x267: {  	(erf) = vrcp.f32 v49;
	v27 =	vsub.s32 $0x5F3759DF, v59;
	v30 =	vmul.f32 v57, v47  }
0x268: {  	v11 =	vadd.f32 v44, v11;
	v53 =	vmul.f32 v50, v22;
	v24 =	vsub.f32 $1.500000000e+00, v45  }
0x269: {  	(erf) = vrcp.f32 v58;
	v13 =	vadd.f32 v16, v13;
	v63 =	vmul.f32 v30, v57  }
0x26a: {  	v61 =	vmul.f32 v27, v28;
	v26 =	vsub.f32 $1.500000000e+00, v53;
	v24 =	vmul.f32 v24, v25  }
0x26b: {  	v44 =	vmul.f32 $5.000000000e-01, v13;
	v25 =	vmul.f32 v52, v52;
	v34 =	vsub.f32 $1.500000000e+00, v63  }
0x26c: {  	vm9 =	vgt.f32 v17, $0.0e+00;
	v56 =	vmul.f32 v26, v22;
	v55 =	vmul.f32 v24, v40  }
0x26d: {  	v43 =	vshrl.u32 v13, $0x1;
	v22 =	vmul.f32 v34, v57;
	v12 =	vadd.f32 v25, v12  }
0x26e: {  	v58 =	vld [tilespmem:$0x187A0];
	v60 =	vmul.f32 v56, v33;
	v33 =	vsub.f32 v41, v32;
	v18 =	vmul.f32 v55, v24  }
0x26f: {  	v41 =	vmul.f32 v22, v47;
	v47 =	vshrl.u32 v12, $0x1;
	v48 =	vmul.f32 $5.000000000e-01, v12  }
0x270: {  	v62 =	vmul.f32 v60, v56;
	v26 =	vsub.s32 $0x5F3759DF, v47;
	v18 =	vsub.f32 $1.500000000e+00, v18  }
0x271: {  	v46 =	vsub.s32 $0x5F3759DF, v43;
	v36 =	vmul.f32 v33, v33;
	v50 =	vmul.f32 v26, v48  }
0x272: {  	v23 =	vsub.f32 $1.500000000e+00, v62;
	v18 =	vmul.f32 v18, v24;
	v24 =	vmul.f32 v27, v61  }
0x273: {  	v38 =	vpop (erf);
	(erf) = vrcp.f32 v58;
	v45 =	vmul.f32 v41, v22;
	v20 =	vadd.f32 v36, v20  }
0x274: {  	v21 =	vmul.f32 v23, v56;
	v52 =	vmul.f32 v26, v50;
	v37 =	vsub.f32 $1.500000000e+00, v24  }
0x275: {  	v55 =	vshrl.u32 v11, $0x1;
	v54 =	vmul.f32 $5.000000000e-01, v20;
	v24 =	vmul.f32 v46, v44  }
0x276: {  	v30 =	vsub.s32 $0x5F3759DF, v55;
	v56 =	vmul.f32 $5.000000000e-01, v11;
	v39 =	vmul.f32 v27, v37  }
0x277: {  	v53 =	vshrl.u32 v20, $0x1;
	v18 =	vmul.f32 v18, v19;
	v24 =	vmul.f32 v46, v24  }
0x278: {  	v40 =	vmul.f32 v21, v17;
	v17 =	vsub.f32 $1.500000000e+00, v45;
	v42 =	vmul.f32 v39, v28  }
0x279: {  	v59 =	vmul.f32 v30, v56;
	v18 =	vnsel vm0, $0x0, v18;
	v51 =	vsub.f32 $1.500000000e+00, v24  }
0x27a: {  	v17 =	vmul.f32 v17, v22;
	v24 =	vsub.s32 $0x5F3759DF, v53;
	v23 =	vmul.f32 v42, v39  }
0x27b: {  	v19 =	vnsel vm9, $0x0, v40;
	v37 =	vld [tilespmem:$0x187B0];
	v57 =	vmul.f32 v24, v54;
	v21 =	vmul.f32 v46, v51  }
0x27c: {  	v61 =	vmul.f32 v30, v59;
	v40 =	vld [tilespmem:$0x187C0];
	v16 =	vmul.f32 v38, v18;
	v23 =	vsub.f32 $1.500000000e+00, v23  }
0x27d: {  	v49 =	vpop (erf);
	v22 =	vmul.f32 v24, v57;
	v60 =	vmul.f32 v21, v44  }
0x27e: {  	v19 =	vmul.f32 v49, v19;
	v18 =	vmul.f32 v23, v39;
	v23 =	vsub.f32 $1.500000000e+00, v52  }
0x27f: {  	v17 =	vmul.f32 v17, v15;
	v22 =	vsub.f32 $1.500000000e+00, v22;
	v62 =	vmul.f32 v60, v21  }
0x280: {  	v43 =	vld [tilespmem:$0x187D0];
	(erf) = vrcp.f32 v37;
	v23 =	vmul.f32 v26, v23;
	v26 =	vsub.f32 $1.500000000e+00, v61  }
0x281: {  	(erf) = vrcp.f32 v40;
	v22 =	vmul.f32 v24, v22;
	v36 =	vsub.f32 $1.500000000e+00, v62  }
0x282: {  	v45 =	vld [tilespmem:$0x187E0];
	v63 =	vmul.f32 v23, v48;
	v26 =	vmul.f32 v30, v26  }
0x283: {  	v46 =	vld [tilespmem:$0x187F0];
	v39 =	vmul.f32 v22, v54;
	v21 =	vmul.f32 v36, v21  }
0x284: {  	v38 =	vmul.f32 v63, v23;
	v42 =	vmul.f32 v26, v56  }
0x285: {  	vm10 =	vgt.f32 v15, $0.0e+00;
	(erf) = vrcp.f32 v43;
	v30 =	vmul.f32 v39, v22  }
0x286: {  	v25 =	vmul.f32 v21, v44;
	v41 =	vsub.f32 $1.500000000e+00, v38;
	v44 =	vmul.f32 v42, v26  }
0x287: {  	(erf) = vrcp.f32 v45;
	v28 =	vmul.f32 v18, v28;
	v30 =	vsub.f32 $1.500000000e+00, v30  }
0x288: {  	(erf) = vrcp.f32 v46;
	v23 =	vmul.f32 v41, v23;
	v32 =	vsub.f32 $1.500000000e+00, v44  }
0x289: {  	vm11 =	vgt.f32 v14, $0.0e+00;
	v28 =	vmul.f32 v28, v18;
	v22 =	vmul.f32 v30, v22  }
0x28a: {  	vm12 =	vgt.f32 v13, $0.0e+00;
	v27 =	vmul.f32 v23, v48;
	v26 =	vmul.f32 v32, v26  }
0x28b: {  	v28 =	vsub.f32 $1.500000000e+00, v28;
	v25 =	vmul.f32 v25, v21;
	v48 =	vmul.f32 v22, v54  }
0x28c: {  	vm13 =	vgt.f32 v12, $0.0e+00;
	v47 =	vmul.f32 v27, v23;
	v49 =	vmul.f32 v26, v56  }
0x28d: {  	v18 =	vmul.f32 v28, v18;
	v25 =	vsub.f32 $1.500000000e+00, v25;
	v50 =	vmul.f32 v48, v22  }
0x28e: {  	v17 =	vnsel vm10, $0x0, v17;
	v15 =	vsub.f32 $1.500000000e+00, v47;
	v24 =	vmul.f32 v49, v26  }
0x28f: {  	v51 =	vpop (erf);
	v18 =	vmul.f32 v18, v14;
	v21 =	vmul.f32 v25, v21;
	v14 =	vsub.f32 $1.500000000e+00, v50  }
0x290: {  	v17 =	vmul.f32 v51, v17;
	v15 =	vmul.f32 v15, v23;
	v53 =	vsub.f32 $1.500000000e+00, v24  }
0x291: {  	vm14 =	vgt.f32 v20, $0.0e+00;
	v21 =	vmul.f32 v21, v13;
	v54 =	vmul.f32 v14, v22  }
0x292: {  	[tilespmem:$0x18980] =	vst v16;
	v52 =	vpop (erf);
	v18 =	vnsel vm11, $0x0, v18;
	v15 =	vmul.f32 v15, v12;
	v57 =	vmul.f32 v53, v26  }
0x293: {  	[tilespmem:$0x18990] =	vst v19;
	v55 =	vpop (erf);
	v18 =	vmul.f32 v52, v18;
	v56 =	vnsel vm12, $0x0, v21;
	v58 =	vmul.f32 v54, v20  }
0x294: {  	[tilespmem:$0x189A0] =	vst v17;
	v59 =	vpop (erf);
	v14 =	vmul.f32 v55, v56;
	v15 =	vnsel vm13, $0x0, v15;
	v60 =	vmul.f32 v57, v11  }
0x295: {  	vm15 =	vgt.f32 v11, $0.0e+00;
	v61 =	vpop (erf);
	[tilespmem:$0x189B0] =	vst v18;
	v12 =	vnsel vm14, $0x0, v58;
	v13 =	vmul.f32 v59, v15  }
0x296: {  	v63 =	vpop (erf);
	[tilespmem:$0x189C0] =	vst v14;
	v11 =	vmul.f32 v61, v12;
	v62 =	vnsel vm15, $0x0, v60  }
0x297: {  	[tilespmem:$0x189D0] =	vst v13;
	v12 =	vmul.f32 v63, v62  }
0x298: {  	[tilespmem:$0x189E0] =	vst v11  }
0x299: {  	s17 =	simm.s32 $0x18980;
	s15 =	rddreg [dreg:$0x10];
	[tilespmem:$0x189F0] =	vst v12  }
0x29a: {  	[hbm4b:s15+s4] =	stream.linear.scatter [tilespmem:s17], [sflag:$0x5], $0x80, $0x38;
	[tilespmem:$0x1BB70] =	vst v63  }
0x29b: {  	_ =	swait.ge [sflag:s13], $0x80  }
0x29c: {  	[sflag:s13] =	ssyncset.done $0x0  }
0x29d: {  	[sflag:s13] =	ssyncadd.s32 $0xFFFFFF80  }
0x29e: {  	_ =	swait.ge [sflag:s13], $0x80  }
0x29f: {  	[sflag:s13] =	ssyncset.done $0x0  }
0x2a0: {  	[sflag:s13] =	ssyncadd.s32 $0xFFFFFF80  }
0x2a1: {  	_ =	swait.ge [sflag:s13], $0x80  }
0x2a2: {  	[sflag:s13] =	ssyncset.done $0x0  }
0x2a3: {  	[sflag:s13] =	ssyncadd.s32 $0xFFFFFF80  }
0x2a4: {  	_ =	swait.ge [sflag:s13], $0x80  }
0x2a5: {  	s14 =	sadd.s32 $0x1, s14;
	s29 =	rddreg [dreg:$0x11]  }
0x2a6: {  	p0 =	sne.s32 s14, s29  }
.Ltmp5:
0x2a7: {  	_ = 	snop;
	(pc) =	sbr.rel @p0 .LBB2_1-.Ltmp5, $3  }
0x2a8: {  	_ =	sdelay $0x1  }
0x2a9: {  	[sflag:s13] =	ssyncset.done $0x0  }
0x2aa: {  	[sflag:s13] =	ssyncadd.s32 $0xFFFFFF80  }
0x2ab: {  	_ =	sfence.sel $0x180000  }
0x2ac: {  	[bflag:$0x0] =	sbarrier.arrive $0xFFFF  }
0x2ad: {  	_ =	strace $0x90000047  }
0x2ae: {  	s0 =	stileid.u32;
	[bflag:$0x2] =	sbarrier.arrive $0xFFFF  }
0x2af: {  	p0 =	sne.s32 s0, $0x0;
	s0 =	rddreg [dreg:$0x5]  }
0x2b0: {  	s0 =	sadd.s32 @!p0 $0x100000, s0  }
0x2b1: {  	[sflag:s0] =	ssyncadd.tile.s32 @!p0 $0x1;
	_ =	shalt  }
.Lfunc_end2:
_tile_overlayer_lowered:
.L_overlay_start_2:
0x2b2: {  	(tag) =	ssettag $0x2  }
0x2b3: {  	s0 =	rddreg [dreg:$0x0];
	s2 =	stileid.u32  }
0x2b4: {  	s1 =	rddreg [dreg:$0x1];
	p0 =	sne.s32 s2, $0x0  }
0x2b5: {  	s3 =	rddreg [dreg:$0x2];
	[bflag:$0x3] =	sbarrier.arrive $0xFFFF;
	s2 =	simm.s32 @!p0 $0x1C10  }
0x2b6: {  	[timem:s3], [sflag:s2] =	dma.local @!p0 [hbm:s0], s1  }
0x2b7: {  	s0 =	simm.s32 @!p0 $0x10  }
0x2b8: {  	_ =	swait.ge @!p0 [sflag:s0], s1  }
0x2b9: {  	s1 =	ssub.s32 @!p0 $0x0, s1;
	[sflag:s0] =	ssyncset.done @!p0 $0x0  }
0x2ba: {  	[sflag:s0] =	ssyncadd.s32 @!p0 s1  }
0x2bb: {  	[bflag:$0x3] =	sbarrier.arrive $0xFFFF  }
0x2bc: {  	_ =	shalt  }

</sc_bundles>
